<compile_context>
chip_gen: v7x
topology: tpu7x:2x2x1
jax: 0.10.2.dev20260603
libtpu: 0.0.44.dev20260713+nightly
codegen_flags: <defaults>
</compile_context>

<pallas_src>
import functools

import jax
import jax.numpy as jnp
from jax import lax
from jax.experimental import pallas as pl
from jax.experimental.pallas import tpu as pltpu
from jax.experimental.pallas import tpu_sc as plsc

N_DRUG = 572
D = 64
K = 128
N_REL = 100

NW = 32
CHUNK = 128
HCH = 64
CPW = 36
NBUF = 4
ROWS_PAD = NW * CPW * HCH
ROWS_PER_W = CPW * HCH

BN_DRUGS = 64
GRID = (N_DRUG + BN_DRUGS - 1) // BN_DRUGS

_PREC = jax.lax.Precision.DEFAULT


def _sc_gather_body(idx_hbm, tab_hbm, out_hbm, idx_v, bufs, sems):
    wid = lax.axis_index("s") * 2 + lax.axis_index("c")
    pltpu.sync_copy(idx_hbm.at[wid], idx_v)
    base2 = wid * (ROWS_PER_W // 2)

    def fire(g, par, b):
        c = g * NBUF + b
        pltpu.async_copy(tab_hbm.at[idx_v.at[c]], bufs[par * NBUF + b],
                         sems[par * NBUF + b])

    def drain(g, par, b):
        c = g * NBUF + b
        bi = par * NBUF + b
        pltpu.make_async_copy(tab_hbm.at[idx_v.at[c]], bufs[bi],
                              sems[bi]).wait()
        row0 = base2 + (c // 2) * (CHUNK // 2)
        col0 = (c % 2) * D
        pltpu.sync_copy(bufs[bi], out_hbm.at[pl.ds(row0, CHUNK // 2),
                                             pl.ds(col0, D)])

    for b in range(NBUF):
        fire(0, 0, b)

    def pairbody(gp, _):
        g0 = 2 * gp
        for b in range(NBUF):
            fire(g0 + 1, 1, b)
        for b in range(NBUF):
            drain(g0, 0, b)
        for b in range(NBUF):
            fire(g0 + 2, 0, b)
        for b in range(NBUF):
            drain(g0 + 1, 1, b)
        return ()

    ngroups = CPW // NBUF
    lax.fori_loop(0, (ngroups - 1) // 2, pairbody, ())
    for b in range(NBUF):
        drain(ngroups - 1, 0, b)


def _sc_gather(idx_pad, ent_table):
    mesh = plsc.VectorSubcoreMesh(core_axis_name="c", subcore_axis_name="s")

    def body(idx_hbm, tab_hbm, out_hbm, *scratch):
        _sc_gather_body(idx_hbm, tab_hbm, out_hbm, scratch[0],
                        scratch[1 : 1 + 2 * NBUF], scratch[1 + 2 * NBUF :])

    f = functools.partial(
        pl.kernel,
        mesh=mesh,
        out_type=jax.ShapeDtypeStruct((ROWS_PAD // 2, 2 * D), jnp.float32),
        compiler_params=pltpu.CompilerParams(use_tc_tiling_on_sc=False),
        scratch_types=(
            [pltpu.VMEM((CPW, HCH), jnp.int32)]
            + [pltpu.VMEM((HCH, D), jnp.float32)] * (2 * NBUF)
            + [pltpu.SemaphoreType.DMA] * (2 * NBUF)
        ),
    )(body)
    return f(idx_pad, ent_table)


def _main_body(demb, rel, w1, w2, ent, b1, b2, rtab, lw, lb, out):
    b2s = jnp.sum(b2[:], axis=1, keepdims=True)
    iota2 = lax.broadcasted_iota(jnp.int32, (128, K), 0)
    rt = rtab[:]
    b1v = b1[:]
    scs = []
    for i in range(BN_DRUGS):
        ids = rel[i : i + 1, :]
        ohT = (iota2 == ids).astype(jnp.float32)
        re = lax.dot_general(ohT, rt, (((0,), (0,)), ((), ())),
                             precision=_PREC,
                             preferred_element_type=jnp.float32)
        dr = re * demb[i : i + 1, :]
        h = jnp.maximum(
            jnp.dot(dr, w1[i], precision=_PREC,
                    preferred_element_type=jnp.float32) + b1v, 0.0)
        hw = jnp.dot(h, w2[i], precision=_PREC,
                     preferred_element_type=jnp.float32)
        scs.append(jnp.sum(hw, axis=1, keepdims=True) + b2s)
    sc_all = jnp.concatenate(scs, axis=1)
    m = jnp.max(sc_all, axis=0, keepdims=True)
    e = jnp.exp(sc_all - m)
    p_all = e / jnp.sum(e, axis=0, keepdims=True)
    for i in range(BN_DRUGS):
        p_a = p_all[0 : K // 2, i : i + 1]
        p_b = p_all[K // 2 : K, i : i + 1]
        e2 = ent[pl.ds(i * (K // 2), K // 2), :]
        went = (jnp.sum(p_a * e2[:, 0:D], axis=0, keepdims=True)
                + jnp.sum(p_b * e2[:, D : 2 * D], axis=0,
                          keepdims=True))
        out[i : i + 1, :] = went
    wb = out[:]
    x = (jnp.dot(wb, lw[0:D, :], precision=_PREC,
                 preferred_element_type=jnp.float32)
         + jnp.dot(demb[:], lw[D : 2 * D, :], precision=_PREC,
                   preferred_element_type=jnp.float32)
         + lb[:])
    out[:] = jnp.maximum(x, 0.0)


def _tc_main(drug_emb, rel, W1, W2, ent_rows, b1, b2, rtab_pad, lin_w,
             lin_b2):
    return pl.pallas_call(
        _main_body,
        grid=(GRID,),
        in_specs=[
            pl.BlockSpec((BN_DRUGS, D), lambda i: (i, 0)),
            pl.BlockSpec((BN_DRUGS, K), lambda i: (i, 0)),
            pl.BlockSpec((BN_DRUGS, D, D), lambda i: (i, 0, 0)),
            pl.BlockSpec((BN_DRUGS, D, D), lambda i: (i, 0, 0)),
            pl.BlockSpec((BN_DRUGS * K // 2, 2 * D), lambda i: (i, 0)),
            pl.BlockSpec((K, D), lambda i: (0, 0)),
            pl.BlockSpec((K, D), lambda i: (0, 0)),
            pl.BlockSpec((128, D), lambda i: (0, 0)),
            pl.BlockSpec((2 * D, D), lambda i: (0, 0)),
            pl.BlockSpec((1, D), lambda i: (0, 0)),
        ],
        out_specs=pl.BlockSpec((BN_DRUGS, D), lambda i: (i, 0)),
        out_shape=jax.ShapeDtypeStruct((N_DRUG, D), jnp.float32),
    )(drug_emb, rel, W1, W2, ent_rows, b1, b2, rtab_pad, lin_w, lin_b2)


def _bn_body(x_ref, gamma, beta, out):
    x = x_ref[:]
    mean = jnp.mean(x, axis=0, keepdims=True)
    var = jnp.mean((x - mean) ** 2, axis=0, keepdims=True)
    out[:] = (x - mean) * lax.rsqrt(var + 1e-5) * gamma[:] + beta[:]


def _tc_bn(xr, gamma2, beta2):
    return pl.pallas_call(
        _bn_body,
        in_specs=[
            pl.BlockSpec((N_DRUG, D), lambda: (0, 0)),
            pl.BlockSpec((1, D), lambda: (0, 0)),
            pl.BlockSpec((1, D), lambda: (0, 0)),
        ],
        out_specs=pl.BlockSpec((N_DRUG, D), lambda: (0, 0)),
        out_shape=jax.ShapeDtypeStruct((N_DRUG, D), jnp.float32),
    )(xr, gamma2, beta2)


def kernel(gnn3_embedding, gnn2_embedding, gnn1_embedding, idx, drug_name,
           adj_tail, adj_relation, drug_table, rela_table, ent_table,
           W1, b1, W2, b2, lin_w, lin_b, bn_gamma, bn_beta):
    drug_emb = jnp.take(drug_table, drug_name, axis=0)
    idx_flat = adj_tail.reshape(-1)
    idx_pad = jnp.pad(idx_flat, (0, ROWS_PAD - N_DRUG * K)).reshape(
        NW, CPW, HCH)
    ent_rows = _sc_gather(idx_pad, ent_table)
    rtab_pad = jnp.pad(rela_table, ((0, 128 - N_REL), (0, 0)))
    xr = _tc_main(drug_emb, adj_relation, W1, W2, ent_rows, b1, b2,
                  rtab_pad, lin_w, lin_b.reshape(1, D))
    drug_f = _tc_bn(xr, bn_gamma.reshape(1, D), bn_beta.reshape(1, D))
    return (drug_f, gnn3_embedding, gnn2_embedding, gnn1_embedding, idx)

# --- scband reference (transcript-rebuilt; emitter-appended) ---
"""Pipeline reference for scband-gnn4-71631464562692 (READ-ONLY COPY).

The authoritative reference and input builder live on the scoring server;
editing this copy changes nothing except your own understanding.
"""

import jax, jax.numpy as jnp
import numpy as np

N_DRUG = 572
D = 64
K = 128
N_ENT = 100000
N_REL = 100


def setup_inputs(seed: int = 0) -> dict:
    key = jax.random.key(seed)
    ks = jax.random.split(key, 16)
    inp = {}
    inp['gnn3_embedding'] = jax.random.normal(ks[0], (N_DRUG, D), dtype=jnp.float32)
    inp['gnn2_embedding'] = jax.random.normal(ks[1], (N_DRUG, D), dtype=jnp.float32)
    inp['gnn1_embedding'] = jax.random.normal(ks[2], (N_DRUG, D), dtype=jnp.float32)
    inp['idx'] = jnp.arange(N_DRUG, dtype=jnp.int32)
    # integer index structures (replace data-dependent arrge() sampling)
    inp['drug_name'] = jnp.arange(N_DRUG, dtype=jnp.int32)
    inp['adj_tail'] = jax.random.randint(ks[3], (N_DRUG, K), 0, N_ENT, dtype=jnp.int32)
    inp['adj_relation'] = jax.random.randint(ks[4], (N_DRUG, K), 0, N_REL, dtype=jnp.int32)
    # learned parameters
    inp['drug_table'] = jax.random.normal(ks[5], (N_DRUG, D), dtype=jnp.float32) * 0.1
    inp['rela_table'] = jax.random.normal(ks[6], (N_REL, D), dtype=jnp.float32) * 0.1
    inp['ent_table'] = jax.random.normal(ks[7], (N_ENT, D), dtype=jnp.float32) * 0.1
    inp['W1'] = jax.random.normal(ks[8], (N_DRUG, D, D), dtype=jnp.float32) * 0.05
    inp['b1'] = jax.random.normal(ks[9], (K, D), dtype=jnp.float32) * 0.05
    inp['W2'] = jax.random.normal(ks[10], (N_DRUG, D, D), dtype=jnp.float32) * 0.05
    inp['b2'] = jax.random.normal(ks[11], (K, D), dtype=jnp.float32) * 0.05
    lim = float(np.sqrt(6.0 / (2 * D + D)))
    inp['lin_w'] = jax.random.uniform(ks[12], (2 * D, D), minval=-lim, maxval=lim, dtype=jnp.float32)
    inp['lin_b'] = jnp.zeros((D,), dtype=jnp.float32)
    inp['bn_gamma'] = jnp.ones((D,), dtype=jnp.float32)
    inp['bn_beta'] = jnp.zeros((D,), dtype=jnp.float32)
    return inp


def reference(gnn3_embedding, gnn2_embedding, gnn1_embedding, idx, drug_name,
              adj_tail, adj_relation, drug_table, rela_table, ent_table,
              W1, b1, W2, b2, lin_w, lin_b, bn_gamma, bn_beta):
    # embedding gathers (SparseCore-friendly)
    drug_embedding = jnp.take(drug_table, drug_name, axis=0)          # [572, D]
    rela_embedding = jnp.take(rela_table, adj_relation, axis=0)       # [572, K, D]
    ent_embedding = jnp.take(ent_table, adj_tail, axis=0)             # [572, K, D]
    # drug-relation interaction and per-drug bilinear scoring
    drug_rel = drug_embedding[:, None, :] * rela_embedding            # [572, K, D]
    h = jnp.einsum('nkd,nde->nke', drug_rel, W1) + b1                 # [572, K, D]
    h = jax.nn.relu(h)
    h = jnp.einsum('nkd,nde->nke', h, W2) + b2                        # [572, K, D]
    score = jnp.sum(h, axis=-1, keepdims=True)                        # [572, K, 1]
    score = jax.nn.softmax(score, axis=1)                             # softmax over neighbors
    weighted_ent = jnp.einsum('nk,nkd->nd', score[..., 0], ent_embedding)  # [572, D]
    drug_e = jnp.concatenate([weighted_ent, drug_embedding], axis=1)  # [572, 2D]
    # Linear -> ReLU -> BatchNorm1d (training-mode batch stats)
    x = drug_e @ lin_w + lin_b
    x = jax.nn.relu(x)
    mean = jnp.mean(x, axis=0)
    var = jnp.var(x, axis=0)
    drug_f = (x - mean) / jnp.sqrt(var + 1e-5) * bn_gamma + bn_beta
    return (drug_f, gnn3_embedding, gnn2_embedding, gnn1_embedding, idx)

if __name__ == "__main__":
    import jax
    _d = setup_inputs()
    print(jax.jit(kernel)(*tuple(_d.values())))

</pallas_src>

<mosaic_0001>
#map = affine_map<(d0, d1) -> (0, 0, 0)>
#map1 = affine_map<(d0, d1) -> (0, 0)>
module attributes {stable_mosaic.version = 14 : i64} {
  func.func @body(%arg0: i32, %arg1: i32, %arg2: memref<32x36x64xi32, #tpu.memory_space<hbm>>, %arg3: memref<100000x64xf32, #tpu.memory_space<hbm>>, %arg4: memref<36864x128xf32, #tpu.memory_space<hbm>>, %arg5: memref<36x64xi32, #tpu.memory_space<vmem>>, %arg6: memref<64x64xf32, #tpu.memory_space<vmem>>, %arg7: memref<64x64xf32, #tpu.memory_space<vmem>>, %arg8: memref<64x64xf32, #tpu.memory_space<vmem>>, %arg9: memref<64x64xf32, #tpu.memory_space<vmem>>, %arg10: memref<64x64xf32, #tpu.memory_space<vmem>>, %arg11: memref<64x64xf32, #tpu.memory_space<vmem>>, %arg12: memref<64x64xf32, #tpu.memory_space<vmem>>, %arg13: memref<64x64xf32, #tpu.memory_space<vmem>>, %arg14: memref<!tpu.dma_semaphore, #tpu.memory_space<semaphore_mem>>, %arg15: memref<!tpu.dma_semaphore, #tpu.memory_space<semaphore_mem>>, %arg16: memref<!tpu.dma_semaphore, #tpu.memory_space<semaphore_mem>>, %arg17: memref<!tpu.dma_semaphore, #tpu.memory_space<semaphore_mem>>, %arg18: memref<!tpu.dma_semaphore, #tpu.memory_space<semaphore_mem>>, %arg19: memref<!tpu.dma_semaphore, #tpu.memory_space<semaphore_mem>>, %arg20: memref<!tpu.dma_semaphore, #tpu.memory_space<semaphore_mem>>, %arg21: memref<!tpu.dma_semaphore, #tpu.memory_space<semaphore_mem>>) attributes {dimension_semantics = [#tpu.dimension_semantics<core_parallel>, #tpu.dimension_semantics<subcore_parallel>], iteration_bounds = array<i64: 2, 16>, scalar_prefetch = 0 : i64, scratch_operands = 17 : i64, tpu.core_type = #tpu.core_type<sc_vector_subcore>, window_params = [{transform_indices = #map}, {transform_indices = #map1}, {transform_indices = #map1}]} {
    %mul3A = arith.constant 2 : i32
    %mul3A_0 = arith.muli %arg1, %mul3A : i32
    %add3A = arith.addi %mul3A_0, %arg0 : i32
    "tpu.region"() ({
      %run_scoped3A = tpu.sem_alloc : memref<!tpu.dma_semaphore, #tpu.memory_space<semaphore_mem>>
      %dma_start3A_69 = arith.constant 0 : i32
      %dma_start3A_70 = arith.constant 0 : i32
      %dma_start3A_71 = tpu.memref_slice %arg2[%add3A, %dma_start3A_69, %dma_start3A_70] : memref<32x36x64xi32, #tpu.memory_space<hbm>> -> memref<1x36x64xi32, #tpu.memory_space<hbm>>
      %dma_start3A_72 = tpu.memref_squeeze %dma_start3A_71 : memref<1x36x64xi32, #tpu.memory_space<hbm>> -> memref<36x64xi32, #tpu.memory_space<hbm>>
      %dma_start3A_73 = arith.constant 0 : i32
      %dma_start3A_74 = arith.constant 0 : i32
      %dma_start3A_75 = tpu.memref_slice %arg2[%add3A, %dma_start3A_73, %dma_start3A_74] : memref<32x36x64xi32, #tpu.memory_space<hbm>> -> memref<1x36x64xi32, #tpu.memory_space<hbm>>
      %dma_start3A_76 = tpu.memref_squeeze %dma_start3A_75 : memref<1x36x64xi32, #tpu.memory_space<hbm>> -> memref<36x64xi32, #tpu.memory_space<hbm>>
      tpu.enqueue_dma source(%dma_start3A_76 : memref<36x64xi32, #tpu.memory_space<hbm>>) target(%arg5 : memref<36x64xi32, #tpu.memory_space<vmem>>) target_semaphore(%run_scoped3A : memref<!tpu.dma_semaphore, #tpu.memory_space<semaphore_mem>>)
      %dma_wait3A_77 = arith.constant 0 : i32
      %dma_wait3A_78 = arith.constant 0 : i32
      %dma_wait3A_79 = tpu.memref_slice %arg2[%add3A, %dma_wait3A_77, %dma_wait3A_78] : memref<32x36x64xi32, #tpu.memory_space<hbm>> -> memref<1x36x64xi32, #tpu.memory_space<hbm>>
      %dma_wait3A_80 = tpu.memref_squeeze %dma_wait3A_79 : memref<1x36x64xi32, #tpu.memory_space<hbm>> -> memref<36x64xi32, #tpu.memory_space<hbm>>
      %dma_wait3A_81 = arith.constant 0 : i32
      %dma_wait3A_82 = arith.constant 0 : i32
      %dma_wait3A_83 = tpu.memref_slice %arg2[%add3A, %dma_wait3A_81, %dma_wait3A_82] : memref<32x36x64xi32, #tpu.memory_space<hbm>> -> memref<1x36x64xi32, #tpu.memory_space<hbm>>
      %dma_wait3A_84 = tpu.memref_squeeze %dma_wait3A_83 : memref<1x36x64xi32, #tpu.memory_space<hbm>> -> memref<36x64xi32, #tpu.memory_space<hbm>>
      tpu.wait_dma2 semaphore(%run_scoped3A : memref<!tpu.dma_semaphore, #tpu.memory_space<semaphore_mem>>) src(%dma_wait3A_84 : memref<36x64xi32, #tpu.memory_space<hbm>>) dst(%arg5 : memref<36x64xi32, #tpu.memory_space<vmem>>)
      tpu.yield
    }) : () -> ()
    %mul3A_1 = arith.constant 1152 : i32
    %mul3A_2 = arith.muli %add3A, %mul3A_1 : i32
    %dma_start3A = arith.constant 0 : i32
    %dma_start3A_3 = arith.constant 0 : i32
    %dma_start3A_4 = tpu.memref_slice %arg5[%dma_start3A, %dma_start3A_3] : memref<36x64xi32, #tpu.memory_space<vmem>> -> memref<1x64xi32, #tpu.memory_space<vmem>>
    %dma_start3A_5 = tpu.memref_squeeze %dma_start3A_4 : memref<1x64xi32, #tpu.memory_space<vmem>> -> memref<64xi32, #tpu.memory_space<vmem>>
    %dma_start3A_6 = arith.constant 0 : i32
    %dma_start3A_7 = arith.constant 0 : i32
    %dma_start3A_8 = tpu.memref_slice %arg3[%dma_start3A_6, %dma_start3A_7] : memref<100000x64xf32, #tpu.memory_space<hbm>> -> memref<100000x64xf32, #tpu.memory_space<hbm>>
    tpu.enqueue_indirect_dma source(%dma_start3A_8 : memref<100000x64xf32, #tpu.memory_space<hbm>>) target(%arg6 : memref<64x64xf32, #tpu.memory_space<vmem>>) offsets(%dma_start3A_5 : memref<64xi32, #tpu.memory_space<vmem>>) semaphore(%arg14 : memref<!tpu.dma_semaphore, #tpu.memory_space<semaphore_mem>>)
    %dma_start3A_9 = arith.constant 1 : i32
    %dma_start3A_10 = arith.constant 0 : i32
    %dma_start3A_11 = tpu.memref_slice %arg5[%dma_start3A_9, %dma_start3A_10] : memref<36x64xi32, #tpu.memory_space<vmem>> -> memref<1x64xi32, #tpu.memory_space<vmem>>
    %dma_start3A_12 = tpu.memref_squeeze %dma_start3A_11 : memref<1x64xi32, #tpu.memory_space<vmem>> -> memref<64xi32, #tpu.memory_space<vmem>>
    %dma_start3A_13 = arith.constant 0 : i32
    %dma_start3A_14 = arith.constant 0 : i32
    %dma_start3A_15 = tpu.memref_slice %arg3[%dma_start3A_13, %dma_start3A_14] : memref<100000x64xf32, #tpu.memory_space<hbm>> -> memref<100000x64xf32, #tpu.memory_space<hbm>>
    tpu.enqueue_indirect_dma source(%dma_start3A_15 : memref<100000x64xf32, #tpu.memory_space<hbm>>) target(%arg7 : memref<64x64xf32, #tpu.memory_space<vmem>>) offsets(%dma_start3A_12 : memref<64xi32, #tpu.memory_space<vmem>>) semaphore(%arg15 : memref<!tpu.dma_semaphore, #tpu.memory_space<semaphore_mem>>)
    %dma_start3A_16 = arith.constant 2 : i32
    %dma_start3A_17 = arith.constant 0 : i32
    %dma_start3A_18 = tpu.memref_slice %arg5[%dma_start3A_16, %dma_start3A_17] : memref<36x64xi32, #tpu.memory_space<vmem>> -> memref<1x64xi32, #tpu.memory_space<vmem>>
    %dma_start3A_19 = tpu.memref_squeeze %dma_start3A_18 : memref<1x64xi32, #tpu.memory_space<vmem>> -> memref<64xi32, #tpu.memory_space<vmem>>
    %dma_start3A_20 = arith.constant 0 : i32
    %dma_start3A_21 = arith.constant 0 : i32
    %dma_start3A_22 = tpu.memref_slice %arg3[%dma_start3A_20, %dma_start3A_21] : memref<100000x64xf32, #tpu.memory_space<hbm>> -> memref<100000x64xf32, #tpu.memory_space<hbm>>
    tpu.enqueue_indirect_dma source(%dma_start3A_22 : memref<100000x64xf32, #tpu.memory_space<hbm>>) target(%arg8 : memref<64x64xf32, #tpu.memory_space<vmem>>) offsets(%dma_start3A_19 : memref<64xi32, #tpu.memory_space<vmem>>) semaphore(%arg16 : memref<!tpu.dma_semaphore, #tpu.memory_space<semaphore_mem>>)
    %dma_start3A_23 = arith.constant 3 : i32
    %dma_start3A_24 = arith.constant 0 : i32
    %dma_start3A_25 = tpu.memref_slice %arg5[%dma_start3A_23, %dma_start3A_24] : memref<36x64xi32, #tpu.memory_space<vmem>> -> memref<1x64xi32, #tpu.memory_space<vmem>>
    %dma_start3A_26 = tpu.memref_squeeze %dma_start3A_25 : memref<1x64xi32, #tpu.memory_space<vmem>> -> memref<64xi32, #tpu.memory_space<vmem>>
    %dma_start3A_27 = arith.constant 0 : i32
    %dma_start3A_28 = arith.constant 0 : i32
    %dma_start3A_29 = tpu.memref_slice %arg3[%dma_start3A_27, %dma_start3A_28] : memref<100000x64xf32, #tpu.memory_space<hbm>> -> memref<100000x64xf32, #tpu.memory_space<hbm>>
    tpu.enqueue_indirect_dma source(%dma_start3A_29 : memref<100000x64xf32, #tpu.memory_space<hbm>>) target(%arg9 : memref<64x64xf32, #tpu.memory_space<vmem>>) offsets(%dma_start3A_26 : memref<64xi32, #tpu.memory_space<vmem>>) semaphore(%arg17 : memref<!tpu.dma_semaphore, #tpu.memory_space<semaphore_mem>>)
    %scan3A = arith.constant 0 : i32
    %scan3A_30 = arith.constant 4 : i32
    %scan3A_31 = arith.addi %scan3A, %scan3A_30 : i32
    %scan3A_32 = arith.constant 1 : i32
    scf.for %scan3A_69 = %scan3A to %scan3A_31 step %scan3A_32  : i32 {
      %mul3A_70 = arith.constant 2 : i32
      %mul3A_71 = arith.muli %mul3A_70, %scan3A_69 : i32
      %add3A_72 = arith.constant 1 : i32
      %add3A_73 = arith.addi %mul3A_71, %add3A_72 : i32
      %mul3A_74 = arith.constant 4 : i32
      %mul3A_75 = arith.muli %add3A_73, %mul3A_74 : i32
      %add3A_76 = arith.constant 0 : i32
      %add3A_77 = arith.addi %mul3A_75, %add3A_76 : i32
      %dma_start3A_78 = arith.constant 0 : i32
      %dma_start3A_79 = tpu.memref_slice %arg5[%add3A_77, %dma_start3A_78] : memref<36x64xi32, #tpu.memory_space<vmem>> -> memref<1x64xi32, #tpu.memory_space<vmem>>
      %dma_start3A_80 = tpu.memref_squeeze %dma_start3A_79 : memref<1x64xi32, #tpu.memory_space<vmem>> -> memref<64xi32, #tpu.memory_space<vmem>>
      %dma_start3A_81 = arith.constant 0 : i32
      %dma_start3A_82 = arith.constant 0 : i32
      %dma_start3A_83 = tpu.memref_slice %arg3[%dma_start3A_81, %dma_start3A_82] : memref<100000x64xf32, #tpu.memory_space<hbm>> -> memref<100000x64xf32, #tpu.memory_space<hbm>>
      tpu.enqueue_indirect_dma source(%dma_start3A_83 : memref<100000x64xf32, #tpu.memory_space<hbm>>) target(%arg10 : memref<64x64xf32, #tpu.memory_space<vmem>>) offsets(%dma_start3A_80 : memref<64xi32, #tpu.memory_space<vmem>>) semaphore(%arg18 : memref<!tpu.dma_semaphore, #tpu.memory_space<semaphore_mem>>)
      %add3A_84 = arith.constant 1 : i32
      %add3A_85 = arith.addi %mul3A_71, %add3A_84 : i32
      %mul3A_86 = arith.constant 4 : i32
      %mul3A_87 = arith.muli %add3A_85, %mul3A_86 : i32
      %add3A_88 = arith.constant 1 : i32
      %add3A_89 = arith.addi %mul3A_87, %add3A_88 : i32
      %dma_start3A_90 = arith.constant 0 : i32
      %dma_start3A_91 = tpu.memref_slice %arg5[%add3A_89, %dma_start3A_90] : memref<36x64xi32, #tpu.memory_space<vmem>> -> memref<1x64xi32, #tpu.memory_space<vmem>>
      %dma_start3A_92 = tpu.memref_squeeze %dma_start3A_91 : memref<1x64xi32, #tpu.memory_space<vmem>> -> memref<64xi32, #tpu.memory_space<vmem>>
      %dma_start3A_93 = arith.constant 0 : i32
      %dma_start3A_94 = arith.constant 0 : i32
      %dma_start3A_95 = tpu.memref_slice %arg3[%dma_start3A_93, %dma_start3A_94] : memref<100000x64xf32, #tpu.memory_space<hbm>> -> memref<100000x64xf32, #tpu.memory_space<hbm>>
      tpu.enqueue_indirect_dma source(%dma_start3A_95 : memref<100000x64xf32, #tpu.memory_space<hbm>>) target(%arg11 : memref<64x64xf32, #tpu.memory_space<vmem>>) offsets(%dma_start3A_92 : memref<64xi32, #tpu.memory_space<vmem>>) semaphore(%arg19 : memref<!tpu.dma_semaphore, #tpu.memory_space<semaphore_mem>>)
      %add3A_96 = arith.constant 1 : i32
      %add3A_97 = arith.addi %mul3A_71, %add3A_96 : i32
      %mul3A_98 = arith.constant 4 : i32
      %mul3A_99 = arith.muli %add3A_97, %mul3A_98 : i32
      %add3A_100 = arith.constant 2 : i32
      %add3A_101 = arith.addi %mul3A_99, %add3A_100 : i32
      %dma_start3A_102 = arith.constant 0 : i32
      %dma_start3A_103 = tpu.memref_slice %arg5[%add3A_101, %dma_start3A_102] : memref<36x64xi32, #tpu.memory_space<vmem>> -> memref<1x64xi32, #tpu.memory_space<vmem>>
      %dma_start3A_104 = tpu.memref_squeeze %dma_start3A_103 : memref<1x64xi32, #tpu.memory_space<vmem>> -> memref<64xi32, #tpu.memory_space<vmem>>
      %dma_start3A_105 = arith.constant 0 : i32
      %dma_start3A_106 = arith.constant 0 : i32
      %dma_start3A_107 = tpu.memref_slice %arg3[%dma_start3A_105, %dma_start3A_106] : memref<100000x64xf32, #tpu.memory_space<hbm>> -> memref<100000x64xf32, #tpu.memory_space<hbm>>
      tpu.enqueue_indirect_dma source(%dma_start3A_107 : memref<100000x64xf32, #tpu.memory_space<hbm>>) target(%arg12 : memref<64x64xf32, #tpu.memory_space<vmem>>) offsets(%dma_start3A_104 : memref<64xi32, #tpu.memory_space<vmem>>) semaphore(%arg20 : memref<!tpu.dma_semaphore, #tpu.memory_space<semaphore_mem>>)
      %add3A_108 = arith.constant 1 : i32
      %add3A_109 = arith.addi %mul3A_71, %add3A_108 : i32
      %mul3A_110 = arith.constant 4 : i32
      %mul3A_111 = arith.muli %add3A_109, %mul3A_110 : i32
      %add3A_112 = arith.constant 3 : i32
      %add3A_113 = arith.addi %mul3A_111, %add3A_112 : i32
      %dma_start3A_114 = arith.constant 0 : i32
      %dma_start3A_115 = tpu.memref_slice %arg5[%add3A_113, %dma_start3A_114] : memref<36x64xi32, #tpu.memory_space<vmem>> -> memref<1x64xi32, #tpu.memory_space<vmem>>
      %dma_start3A_116 = tpu.memref_squeeze %dma_start3A_115 : memref<1x64xi32, #tpu.memory_space<vmem>> -> memref<64xi32, #tpu.memory_space<vmem>>
      %dma_start3A_117 = arith.constant 0 : i32
      %dma_start3A_118 = arith.constant 0 : i32
      %dma_start3A_119 = tpu.memref_slice %arg3[%dma_start3A_117, %dma_start3A_118] : memref<100000x64xf32, #tpu.memory_space<hbm>> -> memref<100000x64xf32, #tpu.memory_space<hbm>>
      tpu.enqueue_indirect_dma source(%dma_start3A_119 : memref<100000x64xf32, #tpu.memory_space<hbm>>) target(%arg13 : memref<64x64xf32, #tpu.memory_space<vmem>>) offsets(%dma_start3A_116 : memref<64xi32, #tpu.memory_space<vmem>>) semaphore(%arg21 : memref<!tpu.dma_semaphore, #tpu.memory_space<semaphore_mem>>)
      %mul3A_120 = arith.constant 4 : i32
      %mul3A_121 = arith.muli %mul3A_71, %mul3A_120 : i32
      %add3A_122 = arith.constant 0 : i32
      %add3A_123 = arith.addi %mul3A_121, %add3A_122 : i32
      %dma_wait3A_124 = arith.constant 0 : i32
      %dma_wait3A_125 = tpu.memref_slice %arg5[%add3A_123, %dma_wait3A_124] : memref<36x64xi32, #tpu.memory_space<vmem>> -> memref<1x64xi32, #tpu.memory_space<vmem>>
      %dma_wait3A_126 = tpu.memref_squeeze %dma_wait3A_125 : memref<1x64xi32, #tpu.memory_space<vmem>> -> memref<64xi32, #tpu.memory_space<vmem>>
      %dma_wait3A_127 = arith.constant 0 : i32
      %dma_wait3A_128 = arith.constant 0 : i32
      %dma_wait3A_129 = tpu.memref_slice %arg3[%dma_wait3A_127, %dma_wait3A_128] : memref<100000x64xf32, #tpu.memory_space<hbm>> -> memref<100000x64xf32, #tpu.memory_space<hbm>>
      tpu.wait_indirect_dma semaphore(%arg14 : memref<!tpu.dma_semaphore, #tpu.memory_space<semaphore_mem>>) src(%dma_wait3A_129 : memref<100000x64xf32, #tpu.memory_space<hbm>>) dst(%arg6 : memref<64x64xf32, #tpu.memory_space<vmem>>)
      %jit3A = arith.constant 2 : i32
      %div3A = arith.divsi %add3A_123, %jit3A : i32
      %sign3A = arith.constant 0 : i32
      %sign3A_130 = arith.cmpi sgt, %add3A_123, %sign3A : i32
      %sign3A_131 = arith.extui %sign3A_130 : i1 to i32
      %sign3A_132 = arith.constant 0 : i32
      %sign3A_133 = arith.cmpi slt, %add3A_123, %sign3A_132 : i32
      %sign3A_134 = arith.extui %sign3A_133 : i1 to i32
      %sign3A_135 = arith.subi %sign3A_131, %sign3A_134 : i32
      %sign3A_136 = arith.constant 0 : i32
      %sign3A_137 = arith.cmpi sgt, %jit3A, %sign3A_136 : i32
      %sign3A_138 = arith.extui %sign3A_137 : i1 to i32
      %sign3A_139 = arith.constant 0 : i32
      %sign3A_140 = arith.cmpi slt, %jit3A, %sign3A_139 : i32
      %sign3A_141 = arith.extui %sign3A_140 : i1 to i32
      %sign3A_142 = arith.subi %sign3A_138, %sign3A_141 : i32
      %ne3A = arith.cmpi ne, %sign3A_135, %sign3A_142 : i32
      %rem3A = arith.remsi %add3A_123, %jit3A : i32
      %ne3A_143 = arith.constant 0 : i32
      %ne3A_144 = arith.cmpi ne, %rem3A, %ne3A_143 : i32
      %and3A = arith.andi %ne3A, %ne3A_144 : i1
      %sub3A = arith.constant 1 : i32
      %sub3A_145 = arith.subi %div3A, %sub3A : i32
      %select_n3A = arith.select %and3A, %sub3A_145, %div3A : i32
      %mul3A_146 = arith.constant 64 : i32
      %mul3A_147 = arith.muli %select_n3A, %mul3A_146 : i32
      %add3A_148 = arith.addi %mul3A_2, %mul3A_147 : i32
      %jit3A_149 = arith.constant 2 : i32
      %eq3A = arith.constant 0 : i32
      %eq3A_150 = arith.cmpi eq, %jit3A_149, %eq3A : i32
      %jit3A_151 = arith.constant 1 : i32
      %select_n3A_152 = arith.select %eq3A_150, %jit3A_151, %jit3A_149 : i32
      %rem3A_153 = arith.remsi %add3A_123, %select_n3A_152 : i32
      %ne3A_154 = arith.constant 0 : i32
      %ne3A_155 = arith.cmpi ne, %rem3A_153, %ne3A_154 : i32
      %lt3A = arith.constant 0 : i32
      %lt3A_156 = arith.cmpi slt, %rem3A_153, %lt3A : i32
      %lt3A_157 = arith.constant 0 : i32
      %lt3A_158 = arith.cmpi slt, %select_n3A_152, %lt3A_157 : i32
      %ne3A_159 = arith.xori %lt3A_156, %lt3A_158 : i1
      %and3A_160 = arith.andi %ne3A_159, %ne3A_155 : i1
      %add3A_161 = arith.addi %rem3A_153, %select_n3A_152 : i32
      %select_n3A_162 = arith.select %and3A_160, %add3A_161, %rem3A_153 : i32
      %mul3A_163 = arith.constant 64 : i32
      %mul3A_164 = arith.muli %select_n3A_162, %mul3A_163 : i32
      "tpu.region"() ({
        %run_scoped3A = tpu.sem_alloc : memref<!tpu.dma_semaphore, #tpu.memory_space<semaphore_mem>>
        %dma_start3A_606 = tpu.memref_slice %arg4[%add3A_148, %mul3A_164] : memref<36864x128xf32, #tpu.memory_space<hbm>> -> memref<64x64xf32, #tpu.memory_space<hbm>>
        %dma_start3A_607 = tpu.memref_slice %arg4[%add3A_148, %mul3A_164] : memref<36864x128xf32, #tpu.memory_space<hbm>> -> memref<64x64xf32, #tpu.memory_space<hbm>>
        tpu.enqueue_dma source(%arg6 : memref<64x64xf32, #tpu.memory_space<vmem>>) target(%dma_start3A_607 : memref<64x64xf32, #tpu.memory_space<hbm>>) target_semaphore(%run_scoped3A : memref<!tpu.dma_semaphore, #tpu.memory_space<semaphore_mem>>)
        %dma_wait3A_608 = tpu.memref_slice %arg4[%add3A_148, %mul3A_164] : memref<36864x128xf32, #tpu.memory_space<hbm>> -> memref<64x64xf32, #tpu.memory_space<hbm>>
        %dma_wait3A_609 = tpu.memref_slice %arg4[%add3A_148, %mul3A_164] : memref<36864x128xf32, #tpu.memory_space<hbm>> -> memref<64x64xf32, #tpu.memory_space<hbm>>
        tpu.wait_dma2 semaphore(%run_scoped3A : memref<!tpu.dma_semaphore, #tpu.memory_space<semaphore_mem>>) src(%arg6 : memref<64x64xf32, #tpu.memory_space<vmem>>) dst(%dma_wait3A_609 : memref<64x64xf32, #tpu.memory_space<hbm>>)
        tpu.yield
      }) : () -> ()
      %mul3A_165 = arith.constant 4 : i32
      %mul3A_166 = arith.muli %mul3A_71, %mul3A_165 : i32
      %add3A_167 = arith.constant 1 : i32
      %add3A_168 = arith.addi %mul3A_166, %add3A_167 : i32
      %dma_wait3A_169 = arith.constant 0 : i32
      %dma_wait3A_170 = tpu.memref_slice %arg5[%add3A_168, %dma_wait3A_169] : memref<36x64xi32, #tpu.memory_space<vmem>> -> memref<1x64xi32, #tpu.memory_space<vmem>>
      %dma_wait3A_171 = tpu.memref_squeeze %dma_wait3A_170 : memref<1x64xi32, #tpu.memory_space<vmem>> -> memref<64xi32, #tpu.memory_space<vmem>>
      %dma_wait3A_172 = arith.constant 0 : i32
      %dma_wait3A_173 = arith.constant 0 : i32
      %dma_wait3A_174 = tpu.memref_slice %arg3[%dma_wait3A_172, %dma_wait3A_173] : memref<100000x64xf32, #tpu.memory_space<hbm>> -> memref<100000x64xf32, #tpu.memory_space<hbm>>
      tpu.wait_indirect_dma semaphore(%arg15 : memref<!tpu.dma_semaphore, #tpu.memory_space<semaphore_mem>>) src(%dma_wait3A_174 : memref<100000x64xf32, #tpu.memory_space<hbm>>) dst(%arg7 : memref<64x64xf32, #tpu.memory_space<vmem>>)
      %jit3A_175 = arith.constant 2 : i32
      %div3A_176 = arith.divsi %add3A_168, %jit3A_175 : i32
      %sign3A_177 = arith.constant 0 : i32
      %sign3A_178 = arith.cmpi sgt, %add3A_168, %sign3A_177 : i32
      %sign3A_179 = arith.extui %sign3A_178 : i1 to i32
      %sign3A_180 = arith.constant 0 : i32
      %sign3A_181 = arith.cmpi slt, %add3A_168, %sign3A_180 : i32
      %sign3A_182 = arith.extui %sign3A_181 : i1 to i32
      %sign3A_183 = arith.subi %sign3A_179, %sign3A_182 : i32
      %sign3A_184 = arith.constant 0 : i32
      %sign3A_185 = arith.cmpi sgt, %jit3A_175, %sign3A_184 : i32
      %sign3A_186 = arith.extui %sign3A_185 : i1 to i32
      %sign3A_187 = arith.constant 0 : i32
      %sign3A_188 = arith.cmpi slt, %jit3A_175, %sign3A_187 : i32
      %sign3A_189 = arith.extui %sign3A_188 : i1 to i32
      %sign3A_190 = arith.subi %sign3A_186, %sign3A_189 : i32
      %ne3A_191 = arith.cmpi ne, %sign3A_183, %sign3A_190 : i32
      %rem3A_192 = arith.remsi %add3A_168, %jit3A_175 : i32
      %ne3A_193 = arith.constant 0 : i32
      %ne3A_194 = arith.cmpi ne, %rem3A_192, %ne3A_193 : i32
      %and3A_195 = arith.andi %ne3A_191, %ne3A_194 : i1
      %sub3A_196 = arith.constant 1 : i32
      %sub3A_197 = arith.subi %div3A_176, %sub3A_196 : i32
      %select_n3A_198 = arith.select %and3A_195, %sub3A_197, %div3A_176 : i32
      %mul3A_199 = arith.constant 64 : i32
      %mul3A_200 = arith.muli %select_n3A_198, %mul3A_199 : i32
      %add3A_201 = arith.addi %mul3A_2, %mul3A_200 : i32
      %jit3A_202 = arith.constant 2 : i32
      %eq3A_203 = arith.constant 0 : i32
      %eq3A_204 = arith.cmpi eq, %jit3A_202, %eq3A_203 : i32
      %jit3A_205 = arith.constant 1 : i32
      %select_n3A_206 = arith.select %eq3A_204, %jit3A_205, %jit3A_202 : i32
      %rem3A_207 = arith.remsi %add3A_168, %select_n3A_206 : i32
      %ne3A_208 = arith.constant 0 : i32
      %ne3A_209 = arith.cmpi ne, %rem3A_207, %ne3A_208 : i32
      %lt3A_210 = arith.constant 0 : i32
      %lt3A_211 = arith.cmpi slt, %rem3A_207, %lt3A_210 : i32
      %lt3A_212 = arith.constant 0 : i32
      %lt3A_213 = arith.cmpi slt, %select_n3A_206, %lt3A_212 : i32
      %ne3A_214 = arith.xori %lt3A_211, %lt3A_213 : i1
      %and3A_215 = arith.andi %ne3A_214, %ne3A_209 : i1
      %add3A_216 = arith.addi %rem3A_207, %select_n3A_206 : i32
      %select_n3A_217 = arith.select %and3A_215, %add3A_216, %rem3A_207 : i32
      %mul3A_218 = arith.constant 64 : i32
      %mul3A_219 = arith.muli %select_n3A_217, %mul3A_218 : i32
      "tpu.region"() ({
        %run_scoped3A = tpu.sem_alloc : memref<!tpu.dma_semaphore, #tpu.memory_space<semaphore_mem>>
        %dma_start3A_606 = tpu.memref_slice %arg4[%add3A_201, %mul3A_219] : memref<36864x128xf32, #tpu.memory_space<hbm>> -> memref<64x64xf32, #tpu.memory_space<hbm>>
        %dma_start3A_607 = tpu.memref_slice %arg4[%add3A_201, %mul3A_219] : memref<36864x128xf32, #tpu.memory_space<hbm>> -> memref<64x64xf32, #tpu.memory_space<hbm>>
        tpu.enqueue_dma source(%arg7 : memref<64x64xf32, #tpu.memory_space<vmem>>) target(%dma_start3A_607 : memref<64x64xf32, #tpu.memory_space<hbm>>) target_semaphore(%run_scoped3A : memref<!tpu.dma_semaphore, #tpu.memory_space<semaphore_mem>>)
        %dma_wait3A_608 = tpu.memref_slice %arg4[%add3A_201, %mul3A_219] : memref<36864x128xf32, #tpu.memory_space<hbm>> -> memref<64x64xf32, #tpu.memory_space<hbm>>
        %dma_wait3A_609 = tpu.memref_slice %arg4[%add3A_201, %mul3A_219] : memref<36864x128xf32, #tpu.memory_space<hbm>> -> memref<64x64xf32, #tpu.memory_space<hbm>>
        tpu.wait_dma2 semaphore(%run_scoped3A : memref<!tpu.dma_semaphore, #tpu.memory_space<semaphore_mem>>) src(%arg7 : memref<64x64xf32, #tpu.memory_space<vmem>>) dst(%dma_wait3A_609 : memref<64x64xf32, #tpu.memory_space<hbm>>)
        tpu.yield
      }) : () -> ()
      %mul3A_220 = arith.constant 4 : i32
      %mul3A_221 = arith.muli %mul3A_71, %mul3A_220 : i32
      %add3A_222 = arith.constant 2 : i32
      %add3A_223 = arith.addi %mul3A_221, %add3A_222 : i32
      %dma_wait3A_224 = arith.constant 0 : i32
      %dma_wait3A_225 = tpu.memref_slice %arg5[%add3A_223, %dma_wait3A_224] : memref<36x64xi32, #tpu.memory_space<vmem>> -> memref<1x64xi32, #tpu.memory_space<vmem>>
      %dma_wait3A_226 = tpu.memref_squeeze %dma_wait3A_225 : memref<1x64xi32, #tpu.memory_space<vmem>> -> memref<64xi32, #tpu.memory_space<vmem>>
      %dma_wait3A_227 = arith.constant 0 : i32
      %dma_wait3A_228 = arith.constant 0 : i32
      %dma_wait3A_229 = tpu.memref_slice %arg3[%dma_wait3A_227, %dma_wait3A_228] : memref<100000x64xf32, #tpu.memory_space<hbm>> -> memref<100000x64xf32, #tpu.memory_space<hbm>>
      tpu.wait_indirect_dma semaphore(%arg16 : memref<!tpu.dma_semaphore, #tpu.memory_space<semaphore_mem>>) src(%dma_wait3A_229 : memref<100000x64xf32, #tpu.memory_space<hbm>>) dst(%arg8 : memref<64x64xf32, #tpu.memory_space<vmem>>)
      %jit3A_230 = arith.constant 2 : i32
      %div3A_231 = arith.divsi %add3A_223, %jit3A_230 : i32
      %sign3A_232 = arith.constant 0 : i32
      %sign3A_233 = arith.cmpi sgt, %add3A_223, %sign3A_232 : i32
      %sign3A_234 = arith.extui %sign3A_233 : i1 to i32
      %sign3A_235 = arith.constant 0 : i32
      %sign3A_236 = arith.cmpi slt, %add3A_223, %sign3A_235 : i32
      %sign3A_237 = arith.extui %sign3A_236 : i1 to i32
      %sign3A_238 = arith.subi %sign3A_234, %sign3A_237 : i32
      %sign3A_239 = arith.constant 0 : i32
      %sign3A_240 = arith.cmpi sgt, %jit3A_230, %sign3A_239 : i32
      %sign3A_241 = arith.extui %sign3A_240 : i1 to i32
      %sign3A_242 = arith.constant 0 : i32
      %sign3A_243 = arith.cmpi slt, %jit3A_230, %sign3A_242 : i32
      %sign3A_244 = arith.extui %sign3A_243 : i1 to i32
      %sign3A_245 = arith.subi %sign3A_241, %sign3A_244 : i32
      %ne3A_246 = arith.cmpi ne, %sign3A_238, %sign3A_245 : i32
      %rem3A_247 = arith.remsi %add3A_223, %jit3A_230 : i32
      %ne3A_248 = arith.constant 0 : i32
      %ne3A_249 = arith.cmpi ne, %rem3A_247, %ne3A_248 : i32
      %and3A_250 = arith.andi %ne3A_246, %ne3A_249 : i1
      %sub3A_251 = arith.constant 1 : i32
      %sub3A_252 = arith.subi %div3A_231, %sub3A_251 : i32
      %select_n3A_253 = arith.select %and3A_250, %sub3A_252, %div3A_231 : i32
      %mul3A_254 = arith.constant 64 : i32
      %mul3A_255 = arith.muli %select_n3A_253, %mul3A_254 : i32
      %add3A_256 = arith.addi %mul3A_2, %mul3A_255 : i32
      %jit3A_257 = arith.constant 2 : i32
      %eq3A_258 = arith.constant 0 : i32
      %eq3A_259 = arith.cmpi eq, %jit3A_257, %eq3A_258 : i32
      %jit3A_260 = arith.constant 1 : i32
      %select_n3A_261 = arith.select %eq3A_259, %jit3A_260, %jit3A_257 : i32
      %rem3A_262 = arith.remsi %add3A_223, %select_n3A_261 : i32
      %ne3A_263 = arith.constant 0 : i32
      %ne3A_264 = arith.cmpi ne, %rem3A_262, %ne3A_263 : i32
      %lt3A_265 = arith.constant 0 : i32
      %lt3A_266 = arith.cmpi slt, %rem3A_262, %lt3A_265 : i32
      %lt3A_267 = arith.constant 0 : i32
      %lt3A_268 = arith.cmpi slt, %select_n3A_261, %lt3A_267 : i32
      %ne3A_269 = arith.xori %lt3A_266, %lt3A_268 : i1
      %and3A_270 = arith.andi %ne3A_269, %ne3A_264 : i1
      %add3A_271 = arith.addi %rem3A_262, %select_n3A_261 : i32
      %select_n3A_272 = arith.select %and3A_270, %add3A_271, %rem3A_262 : i32
      %mul3A_273 = arith.constant 64 : i32
      %mul3A_274 = arith.muli %select_n3A_272, %mul3A_273 : i32
      "tpu.region"() ({
        %run_scoped3A = tpu.sem_alloc : memref<!tpu.dma_semaphore, #tpu.memory_space<semaphore_mem>>
        %dma_start3A_606 = tpu.memref_slice %arg4[%add3A_256, %mul3A_274] : memref<36864x128xf32, #tpu.memory_space<hbm>> -> memref<64x64xf32, #tpu.memory_space<hbm>>
        %dma_start3A_607 = tpu.memref_slice %arg4[%add3A_256, %mul3A_274] : memref<36864x128xf32, #tpu.memory_space<hbm>> -> memref<64x64xf32, #tpu.memory_space<hbm>>
        tpu.enqueue_dma source(%arg8 : memref<64x64xf32, #tpu.memory_space<vmem>>) target(%dma_start3A_607 : memref<64x64xf32, #tpu.memory_space<hbm>>) target_semaphore(%run_scoped3A : memref<!tpu.dma_semaphore, #tpu.memory_space<semaphore_mem>>)
        %dma_wait3A_608 = tpu.memref_slice %arg4[%add3A_256, %mul3A_274] : memref<36864x128xf32, #tpu.memory_space<hbm>> -> memref<64x64xf32, #tpu.memory_space<hbm>>
        %dma_wait3A_609 = tpu.memref_slice %arg4[%add3A_256, %mul3A_274] : memref<36864x128xf32, #tpu.memory_space<hbm>> -> memref<64x64xf32, #tpu.memory_space<hbm>>
        tpu.wait_dma2 semaphore(%run_scoped3A : memref<!tpu.dma_semaphore, #tpu.memory_space<semaphore_mem>>) src(%arg8 : memref<64x64xf32, #tpu.memory_space<vmem>>) dst(%dma_wait3A_609 : memref<64x64xf32, #tpu.memory_space<hbm>>)
        tpu.yield
      }) : () -> ()
      %mul3A_275 = arith.constant 4 : i32
      %mul3A_276 = arith.muli %mul3A_71, %mul3A_275 : i32
      %add3A_277 = arith.constant 3 : i32
      %add3A_278 = arith.addi %mul3A_276, %add3A_277 : i32
      %dma_wait3A_279 = arith.constant 0 : i32
      %dma_wait3A_280 = tpu.memref_slice %arg5[%add3A_278, %dma_wait3A_279] : memref<36x64xi32, #tpu.memory_space<vmem>> -> memref<1x64xi32, #tpu.memory_space<vmem>>
      %dma_wait3A_281 = tpu.memref_squeeze %dma_wait3A_280 : memref<1x64xi32, #tpu.memory_space<vmem>> -> memref<64xi32, #tpu.memory_space<vmem>>
      %dma_wait3A_282 = arith.constant 0 : i32
      %dma_wait3A_283 = arith.constant 0 : i32
      %dma_wait3A_284 = tpu.memref_slice %arg3[%dma_wait3A_282, %dma_wait3A_283] : memref<100000x64xf32, #tpu.memory_space<hbm>> -> memref<100000x64xf32, #tpu.memory_space<hbm>>
      tpu.wait_indirect_dma semaphore(%arg17 : memref<!tpu.dma_semaphore, #tpu.memory_space<semaphore_mem>>) src(%dma_wait3A_284 : memref<100000x64xf32, #tpu.memory_space<hbm>>) dst(%arg9 : memref<64x64xf32, #tpu.memory_space<vmem>>)
      %jit3A_285 = arith.constant 2 : i32
      %div3A_286 = arith.divsi %add3A_278, %jit3A_285 : i32
      %sign3A_287 = arith.constant 0 : i32
      %sign3A_288 = arith.cmpi sgt, %add3A_278, %sign3A_287 : i32
      %sign3A_289 = arith.extui %sign3A_288 : i1 to i32
      %sign3A_290 = arith.constant 0 : i32
      %sign3A_291 = arith.cmpi slt, %add3A_278, %sign3A_290 : i32
      %sign3A_292 = arith.extui %sign3A_291 : i1 to i32
      %sign3A_293 = arith.subi %sign3A_289, %sign3A_292 : i32
      %sign3A_294 = arith.constant 0 : i32
      %sign3A_295 = arith.cmpi sgt, %jit3A_285, %sign3A_294 : i32
      %sign3A_296 = arith.extui %sign3A_295 : i1 to i32
      %sign3A_297 = arith.constant 0 : i32
      %sign3A_298 = arith.cmpi slt, %jit3A_285, %sign3A_297 : i32
      %sign3A_299 = arith.extui %sign3A_298 : i1 to i32
      %sign3A_300 = arith.subi %sign3A_296, %sign3A_299 : i32
      %ne3A_301 = arith.cmpi ne, %sign3A_293, %sign3A_300 : i32
      %rem3A_302 = arith.remsi %add3A_278, %jit3A_285 : i32
      %ne3A_303 = arith.constant 0 : i32
      %ne3A_304 = arith.cmpi ne, %rem3A_302, %ne3A_303 : i32
      %and3A_305 = arith.andi %ne3A_301, %ne3A_304 : i1
      %sub3A_306 = arith.constant 1 : i32
      %sub3A_307 = arith.subi %div3A_286, %sub3A_306 : i32
      %select_n3A_308 = arith.select %and3A_305, %sub3A_307, %div3A_286 : i32
      %mul3A_309 = arith.constant 64 : i32
      %mul3A_310 = arith.muli %select_n3A_308, %mul3A_309 : i32
      %add3A_311 = arith.addi %mul3A_2, %mul3A_310 : i32
      %jit3A_312 = arith.constant 2 : i32
      %eq3A_313 = arith.constant 0 : i32
      %eq3A_314 = arith.cmpi eq, %jit3A_312, %eq3A_313 : i32
      %jit3A_315 = arith.constant 1 : i32
      %select_n3A_316 = arith.select %eq3A_314, %jit3A_315, %jit3A_312 : i32
      %rem3A_317 = arith.remsi %add3A_278, %select_n3A_316 : i32
      %ne3A_318 = arith.constant 0 : i32
      %ne3A_319 = arith.cmpi ne, %rem3A_317, %ne3A_318 : i32
      %lt3A_320 = arith.constant 0 : i32
      %lt3A_321 = arith.cmpi slt, %rem3A_317, %lt3A_320 : i32
      %lt3A_322 = arith.constant 0 : i32
      %lt3A_323 = arith.cmpi slt, %select_n3A_316, %lt3A_322 : i32
      %ne3A_324 = arith.xori %lt3A_321, %lt3A_323 : i1
      %and3A_325 = arith.andi %ne3A_324, %ne3A_319 : i1
      %add3A_326 = arith.addi %rem3A_317, %select_n3A_316 : i32
      %select_n3A_327 = arith.select %and3A_325, %add3A_326, %rem3A_317 : i32
      %mul3A_328 = arith.constant 64 : i32
      %mul3A_329 = arith.muli %select_n3A_327, %mul3A_328 : i32
      "tpu.region"() ({
        %run_scoped3A = tpu.sem_alloc : memref<!tpu.dma_semaphore, #tpu.memory_space<semaphore_mem>>
        %dma_start3A_606 = tpu.memref_slice %arg4[%add3A_311, %mul3A_329] : memref<36864x128xf32, #tpu.memory_space<hbm>> -> memref<64x64xf32, #tpu.memory_space<hbm>>
        %dma_start3A_607 = tpu.memref_slice %arg4[%add3A_311, %mul3A_329] : memref<36864x128xf32, #tpu.memory_space<hbm>> -> memref<64x64xf32, #tpu.memory_space<hbm>>
        tpu.enqueue_dma source(%arg9 : memref<64x64xf32, #tpu.memory_space<vmem>>) target(%dma_start3A_607 : memref<64x64xf32, #tpu.memory_space<hbm>>) target_semaphore(%run_scoped3A : memref<!tpu.dma_semaphore, #tpu.memory_space<semaphore_mem>>)
        %dma_wait3A_608 = tpu.memref_slice %arg4[%add3A_311, %mul3A_329] : memref<36864x128xf32, #tpu.memory_space<hbm>> -> memref<64x64xf32, #tpu.memory_space<hbm>>
        %dma_wait3A_609 = tpu.memref_slice %arg4[%add3A_311, %mul3A_329] : memref<36864x128xf32, #tpu.memory_space<hbm>> -> memref<64x64xf32, #tpu.memory_space<hbm>>
        tpu.wait_dma2 semaphore(%run_scoped3A : memref<!tpu.dma_semaphore, #tpu.memory_space<semaphore_mem>>) src(%arg9 : memref<64x64xf32, #tpu.memory_space<vmem>>) dst(%dma_wait3A_609 : memref<64x64xf32, #tpu.memory_space<hbm>>)
        tpu.yield
      }) : () -> ()
      %add3A_330 = arith.constant 2 : i32
      %add3A_331 = arith.addi %mul3A_71, %add3A_330 : i32
      %mul3A_332 = arith.constant 4 : i32
      %mul3A_333 = arith.muli %add3A_331, %mul3A_332 : i32
      %add3A_334 = arith.constant 0 : i32
      %add3A_335 = arith.addi %mul3A_333, %add3A_334 : i32
      %dma_start3A_336 = arith.constant 0 : i32
      %dma_start3A_337 = tpu.memref_slice %arg5[%add3A_335, %dma_start3A_336] : memref<36x64xi32, #tpu.memory_space<vmem>> -> memref<1x64xi32, #tpu.memory_space<vmem>>
      %dma_start3A_338 = tpu.memref_squeeze %dma_start3A_337 : memref<1x64xi32, #tpu.memory_space<vmem>> -> memref<64xi32, #tpu.memory_space<vmem>>
      %dma_start3A_339 = arith.constant 0 : i32
      %dma_start3A_340 = arith.constant 0 : i32
      %dma_start3A_341 = tpu.memref_slice %arg3[%dma_start3A_339, %dma_start3A_340] : memref<100000x64xf32, #tpu.memory_space<hbm>> -> memref<100000x64xf32, #tpu.memory_space<hbm>>
      tpu.enqueue_indirect_dma source(%dma_start3A_341 : memref<100000x64xf32, #tpu.memory_space<hbm>>) target(%arg6 : memref<64x64xf32, #tpu.memory_space<vmem>>) offsets(%dma_start3A_338 : memref<64xi32, #tpu.memory_space<vmem>>) semaphore(%arg14 : memref<!tpu.dma_semaphore, #tpu.memory_space<semaphore_mem>>)
      %add3A_342 = arith.constant 2 : i32
      %add3A_343 = arith.addi %mul3A_71, %add3A_342 : i32
      %mul3A_344 = arith.constant 4 : i32
      %mul3A_345 = arith.muli %add3A_343, %mul3A_344 : i32
      %add3A_346 = arith.constant 1 : i32
      %add3A_347 = arith.addi %mul3A_345, %add3A_346 : i32
      %dma_start3A_348 = arith.constant 0 : i32
      %dma_start3A_349 = tpu.memref_slice %arg5[%add3A_347, %dma_start3A_348] : memref<36x64xi32, #tpu.memory_space<vmem>> -> memref<1x64xi32, #tpu.memory_space<vmem>>
      %dma_start3A_350 = tpu.memref_squeeze %dma_start3A_349 : memref<1x64xi32, #tpu.memory_space<vmem>> -> memref<64xi32, #tpu.memory_space<vmem>>
      %dma_start3A_351 = arith.constant 0 : i32
      %dma_start3A_352 = arith.constant 0 : i32
      %dma_start3A_353 = tpu.memref_slice %arg3[%dma_start3A_351, %dma_start3A_352] : memref<100000x64xf32, #tpu.memory_space<hbm>> -> memref<100000x64xf32, #tpu.memory_space<hbm>>
      tpu.enqueue_indirect_dma source(%dma_start3A_353 : memref<100000x64xf32, #tpu.memory_space<hbm>>) target(%arg7 : memref<64x64xf32, #tpu.memory_space<vmem>>) offsets(%dma_start3A_350 : memref<64xi32, #tpu.memory_space<vmem>>) semaphore(%arg15 : memref<!tpu.dma_semaphore, #tpu.memory_space<semaphore_mem>>)
      %add3A_354 = arith.constant 2 : i32
      %add3A_355 = arith.addi %mul3A_71, %add3A_354 : i32
      %mul3A_356 = arith.constant 4 : i32
      %mul3A_357 = arith.muli %add3A_355, %mul3A_356 : i32
      %add3A_358 = arith.constant 2 : i32
      %add3A_359 = arith.addi %mul3A_357, %add3A_358 : i32
      %dma_start3A_360 = arith.constant 0 : i32
      %dma_start3A_361 = tpu.memref_slice %arg5[%add3A_359, %dma_start3A_360] : memref<36x64xi32, #tpu.memory_space<vmem>> -> memref<1x64xi32, #tpu.memory_space<vmem>>
      %dma_start3A_362 = tpu.memref_squeeze %dma_start3A_361 : memref<1x64xi32, #tpu.memory_space<vmem>> -> memref<64xi32, #tpu.memory_space<vmem>>
      %dma_start3A_363 = arith.constant 0 : i32
      %dma_start3A_364 = arith.constant 0 : i32
      %dma_start3A_365 = tpu.memref_slice %arg3[%dma_start3A_363, %dma_start3A_364] : memref<100000x64xf32, #tpu.memory_space<hbm>> -> memref<100000x64xf32, #tpu.memory_space<hbm>>
      tpu.enqueue_indirect_dma source(%dma_start3A_365 : memref<100000x64xf32, #tpu.memory_space<hbm>>) target(%arg8 : memref<64x64xf32, #tpu.memory_space<vmem>>) offsets(%dma_start3A_362 : memref<64xi32, #tpu.memory_space<vmem>>) semaphore(%arg16 : memref<!tpu.dma_semaphore, #tpu.memory_space<semaphore_mem>>)
      %add3A_366 = arith.constant 2 : i32
      %add3A_367 = arith.addi %mul3A_71, %add3A_366 : i32
      %mul3A_368 = arith.constant 4 : i32
      %mul3A_369 = arith.muli %add3A_367, %mul3A_368 : i32
      %add3A_370 = arith.constant 3 : i32
      %add3A_371 = arith.addi %mul3A_369, %add3A_370 : i32
      %dma_start3A_372 = arith.constant 0 : i32
      %dma_start3A_373 = tpu.memref_slice %arg5[%add3A_371, %dma_start3A_372] : memref<36x64xi32, #tpu.memory_space<vmem>> -> memref<1x64xi32, #tpu.memory_space<vmem>>
      %dma_start3A_374 = tpu.memref_squeeze %dma_start3A_373 : memref<1x64xi32, #tpu.memory_space<vmem>> -> memref<64xi32, #tpu.memory_space<vmem>>
      %dma_start3A_375 = arith.constant 0 : i32
      %dma_start3A_376 = arith.constant 0 : i32
      %dma_start3A_377 = tpu.memref_slice %arg3[%dma_start3A_375, %dma_start3A_376] : memref<100000x64xf32, #tpu.memory_space<hbm>> -> memref<100000x64xf32, #tpu.memory_space<hbm>>
      tpu.enqueue_indirect_dma source(%dma_start3A_377 : memref<100000x64xf32, #tpu.memory_space<hbm>>) target(%arg9 : memref<64x64xf32, #tpu.memory_space<vmem>>) offsets(%dma_start3A_374 : memref<64xi32, #tpu.memory_space<vmem>>) semaphore(%arg17 : memref<!tpu.dma_semaphore, #tpu.memory_space<semaphore_mem>>)
      %add3A_378 = arith.constant 1 : i32
      %add3A_379 = arith.addi %mul3A_71, %add3A_378 : i32
      %mul3A_380 = arith.constant 4 : i32
      %mul3A_381 = arith.muli %add3A_379, %mul3A_380 : i32
      %add3A_382 = arith.constant 0 : i32
      %add3A_383 = arith.addi %mul3A_381, %add3A_382 : i32
      %dma_wait3A_384 = arith.constant 0 : i32
      %dma_wait3A_385 = tpu.memref_slice %arg5[%add3A_383, %dma_wait3A_384] : memref<36x64xi32, #tpu.memory_space<vmem>> -> memref<1x64xi32, #tpu.memory_space<vmem>>
      %dma_wait3A_386 = tpu.memref_squeeze %dma_wait3A_385 : memref<1x64xi32, #tpu.memory_space<vmem>> -> memref<64xi32, #tpu.memory_space<vmem>>
      %dma_wait3A_387 = arith.constant 0 : i32
      %dma_wait3A_388 = arith.constant 0 : i32
      %dma_wait3A_389 = tpu.memref_slice %arg3[%dma_wait3A_387, %dma_wait3A_388] : memref<100000x64xf32, #tpu.memory_space<hbm>> -> memref<100000x64xf32, #tpu.memory_space<hbm>>
      tpu.wait_indirect_dma semaphore(%arg18 : memref<!tpu.dma_semaphore, #tpu.memory_space<semaphore_mem>>) src(%dma_wait3A_389 : memref<100000x64xf32, #tpu.memory_space<hbm>>) dst(%arg10 : memref<64x64xf32, #tpu.memory_space<vmem>>)
      %jit3A_390 = arith.constant 2 : i32
      %div3A_391 = arith.divsi %add3A_383, %jit3A_390 : i32
      %sign3A_392 = arith.constant 0 : i32
      %sign3A_393 = arith.cmpi sgt, %add3A_383, %sign3A_392 : i32
      %sign3A_394 = arith.extui %sign3A_393 : i1 to i32
      %sign3A_395 = arith.constant 0 : i32
      %sign3A_396 = arith.cmpi slt, %add3A_383, %sign3A_395 : i32
      %sign3A_397 = arith.extui %sign3A_396 : i1 to i32
      %sign3A_398 = arith.subi %sign3A_394, %sign3A_397 : i32
      %sign3A_399 = arith.constant 0 : i32
      %sign3A_400 = arith.cmpi sgt, %jit3A_390, %sign3A_399 : i32
      %sign3A_401 = arith.extui %sign3A_400 : i1 to i32
      %sign3A_402 = arith.constant 0 : i32
      %sign3A_403 = arith.cmpi slt, %jit3A_390, %sign3A_402 : i32
      %sign3A_404 = arith.extui %sign3A_403 : i1 to i32
      %sign3A_405 = arith.subi %sign3A_401, %sign3A_404 : i32
      %ne3A_406 = arith.cmpi ne, %sign3A_398, %sign3A_405 : i32
      %rem3A_407 = arith.remsi %add3A_383, %jit3A_390 : i32
      %ne3A_408 = arith.constant 0 : i32
      %ne3A_409 = arith.cmpi ne, %rem3A_407, %ne3A_408 : i32
      %and3A_410 = arith.andi %ne3A_406, %ne3A_409 : i1
      %sub3A_411 = arith.constant 1 : i32
      %sub3A_412 = arith.subi %div3A_391, %sub3A_411 : i32
      %select_n3A_413 = arith.select %and3A_410, %sub3A_412, %div3A_391 : i32
      %mul3A_414 = arith.constant 64 : i32
      %mul3A_415 = arith.muli %select_n3A_413, %mul3A_414 : i32
      %add3A_416 = arith.addi %mul3A_2, %mul3A_415 : i32
      %jit3A_417 = arith.constant 2 : i32
      %eq3A_418 = arith.constant 0 : i32
      %eq3A_419 = arith.cmpi eq, %jit3A_417, %eq3A_418 : i32
      %jit3A_420 = arith.constant 1 : i32
      %select_n3A_421 = arith.select %eq3A_419, %jit3A_420, %jit3A_417 : i32
      %rem3A_422 = arith.remsi %add3A_383, %select_n3A_421 : i32
      %ne3A_423 = arith.constant 0 : i32
      %ne3A_424 = arith.cmpi ne, %rem3A_422, %ne3A_423 : i32
      %lt3A_425 = arith.constant 0 : i32
      %lt3A_426 = arith.cmpi slt, %rem3A_422, %lt3A_425 : i32
      %lt3A_427 = arith.constant 0 : i32
      %lt3A_428 = arith.cmpi slt, %select_n3A_421, %lt3A_427 : i32
      %ne3A_429 = arith.xori %lt3A_426, %lt3A_428 : i1
      %and3A_430 = arith.andi %ne3A_429, %ne3A_424 : i1
      %add3A_431 = arith.addi %rem3A_422, %select_n3A_421 : i32
      %select_n3A_432 = arith.select %and3A_430, %add3A_431, %rem3A_422 : i32
      %mul3A_433 = arith.constant 64 : i32
      %mul3A_434 = arith.muli %select_n3A_432, %mul3A_433 : i32
      "tpu.region"() ({
        %run_scoped3A = tpu.sem_alloc : memref<!tpu.dma_semaphore, #tpu.memory_space<semaphore_mem>>
        %dma_start3A_606 = tpu.memref_slice %arg4[%add3A_416, %mul3A_434] : memref<36864x128xf32, #tpu.memory_space<hbm>> -> memref<64x64xf32, #tpu.memory_space<hbm>>
        %dma_start3A_607 = tpu.memref_slice %arg4[%add3A_416, %mul3A_434] : memref<36864x128xf32, #tpu.memory_space<hbm>> -> memref<64x64xf32, #tpu.memory_space<hbm>>
        tpu.enqueue_dma source(%arg10 : memref<64x64xf32, #tpu.memory_space<vmem>>) target(%dma_start3A_607 : memref<64x64xf32, #tpu.memory_space<hbm>>) target_semaphore(%run_scoped3A : memref<!tpu.dma_semaphore, #tpu.memory_space<semaphore_mem>>)
        %dma_wait3A_608 = tpu.memref_slice %arg4[%add3A_416, %mul3A_434] : memref<36864x128xf32, #tpu.memory_space<hbm>> -> memref<64x64xf32, #tpu.memory_space<hbm>>
        %dma_wait3A_609 = tpu.memref_slice %arg4[%add3A_416, %mul3A_434] : memref<36864x128xf32, #tpu.memory_space<hbm>> -> memref<64x64xf32, #tpu.memory_space<hbm>>
        tpu.wait_dma2 semaphore(%run_scoped3A : memref<!tpu.dma_semaphore, #tpu.memory_space<semaphore_mem>>) src(%arg10 : memref<64x64xf32, #tpu.memory_space<vmem>>) dst(%dma_wait3A_609 : memref<64x64xf32, #tpu.memory_space<hbm>>)
        tpu.yield
      }) : () -> ()
      %add3A_435 = arith.constant 1 : i32
      %add3A_436 = arith.addi %mul3A_71, %add3A_435 : i32
      %mul3A_437 = arith.constant 4 : i32
      %mul3A_438 = arith.muli %add3A_436, %mul3A_437 : i32
      %add3A_439 = arith.constant 1 : i32
      %add3A_440 = arith.addi %mul3A_438, %add3A_439 : i32
      %dma_wait3A_441 = arith.constant 0 : i32
      %dma_wait3A_442 = tpu.memref_slice %arg5[%add3A_440, %dma_wait3A_441] : memref<36x64xi32, #tpu.memory_space<vmem>> -> memref<1x64xi32, #tpu.memory_space<vmem>>
      %dma_wait3A_443 = tpu.memref_squeeze %dma_wait3A_442 : memref<1x64xi32, #tpu.memory_space<vmem>> -> memref<64xi32, #tpu.memory_space<vmem>>
      %dma_wait3A_444 = arith.constant 0 : i32
      %dma_wait3A_445 = arith.constant 0 : i32
      %dma_wait3A_446 = tpu.memref_slice %arg3[%dma_wait3A_444, %dma_wait3A_445] : memref<100000x64xf32, #tpu.memory_space<hbm>> -> memref<100000x64xf32, #tpu.memory_space<hbm>>
      tpu.wait_indirect_dma semaphore(%arg19 : memref<!tpu.dma_semaphore, #tpu.memory_space<semaphore_mem>>) src(%dma_wait3A_446 : memref<100000x64xf32, #tpu.memory_space<hbm>>) dst(%arg11 : memref<64x64xf32, #tpu.memory_space<vmem>>)
      %jit3A_447 = arith.constant 2 : i32
      %div3A_448 = arith.divsi %add3A_440, %jit3A_447 : i32
      %sign3A_449 = arith.constant 0 : i32
      %sign3A_450 = arith.cmpi sgt, %add3A_440, %sign3A_449 : i32
      %sign3A_451 = arith.extui %sign3A_450 : i1 to i32
      %sign3A_452 = arith.constant 0 : i32
      %sign3A_453 = arith.cmpi slt, %add3A_440, %sign3A_452 : i32
      %sign3A_454 = arith.extui %sign3A_453 : i1 to i32
      %sign3A_455 = arith.subi %sign3A_451, %sign3A_454 : i32
      %sign3A_456 = arith.constant 0 : i32
      %sign3A_457 = arith.cmpi sgt, %jit3A_447, %sign3A_456 : i32
      %sign3A_458 = arith.extui %sign3A_457 : i1 to i32
      %sign3A_459 = arith.constant 0 : i32
      %sign3A_460 = arith.cmpi slt, %jit3A_447, %sign3A_459 : i32
      %sign3A_461 = arith.extui %sign3A_460 : i1 to i32
      %sign3A_462 = arith.subi %sign3A_458, %sign3A_461 : i32
      %ne3A_463 = arith.cmpi ne, %sign3A_455, %sign3A_462 : i32
      %rem3A_464 = arith.remsi %add3A_440, %jit3A_447 : i32
      %ne3A_465 = arith.constant 0 : i32
      %ne3A_466 = arith.cmpi ne, %rem3A_464, %ne3A_465 : i32
      %and3A_467 = arith.andi %ne3A_463, %ne3A_466 : i1
      %sub3A_468 = arith.constant 1 : i32
      %sub3A_469 = arith.subi %div3A_448, %sub3A_468 : i32
      %select_n3A_470 = arith.select %and3A_467, %sub3A_469, %div3A_448 : i32
      %mul3A_471 = arith.constant 64 : i32
      %mul3A_472 = arith.muli %select_n3A_470, %mul3A_471 : i32
      %add3A_473 = arith.addi %mul3A_2, %mul3A_472 : i32
      %jit3A_474 = arith.constant 2 : i32
      %eq3A_475 = arith.constant 0 : i32
      %eq3A_476 = arith.cmpi eq, %jit3A_474, %eq3A_475 : i32
      %jit3A_477 = arith.constant 1 : i32
      %select_n3A_478 = arith.select %eq3A_476, %jit3A_477, %jit3A_474 : i32
      %rem3A_479 = arith.remsi %add3A_440, %select_n3A_478 : i32
      %ne3A_480 = arith.constant 0 : i32
      %ne3A_481 = arith.cmpi ne, %rem3A_479, %ne3A_480 : i32
      %lt3A_482 = arith.constant 0 : i32
      %lt3A_483 = arith.cmpi slt, %rem3A_479, %lt3A_482 : i32
      %lt3A_484 = arith.constant 0 : i32
      %lt3A_485 = arith.cmpi slt, %select_n3A_478, %lt3A_484 : i32
      %ne3A_486 = arith.xori %lt3A_483, %lt3A_485 : i1
      %and3A_487 = arith.andi %ne3A_486, %ne3A_481 : i1
      %add3A_488 = arith.addi %rem3A_479, %select_n3A_478 : i32
      %select_n3A_489 = arith.select %and3A_487, %add3A_488, %rem3A_479 : i32
      %mul3A_490 = arith.constant 64 : i32
      %mul3A_491 = arith.muli %select_n3A_489, %mul3A_490 : i32
      "tpu.region"() ({
        %run_scoped3A = tpu.sem_alloc : memref<!tpu.dma_semaphore, #tpu.memory_space<semaphore_mem>>
        %dma_start3A_606 = tpu.memref_slice %arg4[%add3A_473, %mul3A_491] : memref<36864x128xf32, #tpu.memory_space<hbm>> -> memref<64x64xf32, #tpu.memory_space<hbm>>
        %dma_start3A_607 = tpu.memref_slice %arg4[%add3A_473, %mul3A_491] : memref<36864x128xf32, #tpu.memory_space<hbm>> -> memref<64x64xf32, #tpu.memory_space<hbm>>
        tpu.enqueue_dma source(%arg11 : memref<64x64xf32, #tpu.memory_space<vmem>>) target(%dma_start3A_607 : memref<64x64xf32, #tpu.memory_space<hbm>>) target_semaphore(%run_scoped3A : memref<!tpu.dma_semaphore, #tpu.memory_space<semaphore_mem>>)
        %dma_wait3A_608 = tpu.memref_slice %arg4[%add3A_473, %mul3A_491] : memref<36864x128xf32, #tpu.memory_space<hbm>> -> memref<64x64xf32, #tpu.memory_space<hbm>>
        %dma_wait3A_609 = tpu.memref_slice %arg4[%add3A_473, %mul3A_491] : memref<36864x128xf32, #tpu.memory_space<hbm>> -> memref<64x64xf32, #tpu.memory_space<hbm>>
        tpu.wait_dma2 semaphore(%run_scoped3A : memref<!tpu.dma_semaphore, #tpu.memory_space<semaphore_mem>>) src(%arg11 : memref<64x64xf32, #tpu.memory_space<vmem>>) dst(%dma_wait3A_609 : memref<64x64xf32, #tpu.memory_space<hbm>>)
        tpu.yield
      }) : () -> ()
      %add3A_492 = arith.constant 1 : i32
      %add3A_493 = arith.addi %mul3A_71, %add3A_492 : i32
      %mul3A_494 = arith.constant 4 : i32
      %mul3A_495 = arith.muli %add3A_493, %mul3A_494 : i32
      %add3A_496 = arith.constant 2 : i32
      %add3A_497 = arith.addi %mul3A_495, %add3A_496 : i32
      %dma_wait3A_498 = arith.constant 0 : i32
      %dma_wait3A_499 = tpu.memref_slice %arg5[%add3A_497, %dma_wait3A_498] : memref<36x64xi32, #tpu.memory_space<vmem>> -> memref<1x64xi32, #tpu.memory_space<vmem>>
      %dma_wait3A_500 = tpu.memref_squeeze %dma_wait3A_499 : memref<1x64xi32, #tpu.memory_space<vmem>> -> memref<64xi32, #tpu.memory_space<vmem>>
      %dma_wait3A_501 = arith.constant 0 : i32
      %dma_wait3A_502 = arith.constant 0 : i32
      %dma_wait3A_503 = tpu.memref_slice %arg3[%dma_wait3A_501, %dma_wait3A_502] : memref<100000x64xf32, #tpu.memory_space<hbm>> -> memref<100000x64xf32, #tpu.memory_space<hbm>>
      tpu.wait_indirect_dma semaphore(%arg20 : memref<!tpu.dma_semaphore, #tpu.memory_space<semaphore_mem>>) src(%dma_wait3A_503 : memref<100000x64xf32, #tpu.memory_space<hbm>>) dst(%arg12 : memref<64x64xf32, #tpu.memory_space<vmem>>)
      %jit3A_504 = arith.constant 2 : i32
      %div3A_505 = arith.divsi %add3A_497, %jit3A_504 : i32
      %sign3A_506 = arith.constant 0 : i32
      %sign3A_507 = arith.cmpi sgt, %add3A_497, %sign3A_506 : i32
      %sign3A_508 = arith.extui %sign3A_507 : i1 to i32
      %sign3A_509 = arith.constant 0 : i32
      %sign3A_510 = arith.cmpi slt, %add3A_497, %sign3A_509 : i32
      %sign3A_511 = arith.extui %sign3A_510 : i1 to i32
      %sign3A_512 = arith.subi %sign3A_508, %sign3A_511 : i32
      %sign3A_513 = arith.constant 0 : i32
      %sign3A_514 = arith.cmpi sgt, %jit3A_504, %sign3A_513 : i32
      %sign3A_515 = arith.extui %sign3A_514 : i1 to i32
      %sign3A_516 = arith.constant 0 : i32
      %sign3A_517 = arith.cmpi slt, %jit3A_504, %sign3A_516 : i32
      %sign3A_518 = arith.extui %sign3A_517 : i1 to i32
      %sign3A_519 = arith.subi %sign3A_515, %sign3A_518 : i32
      %ne3A_520 = arith.cmpi ne, %sign3A_512, %sign3A_519 : i32
      %rem3A_521 = arith.remsi %add3A_497, %jit3A_504 : i32
      %ne3A_522 = arith.constant 0 : i32
      %ne3A_523 = arith.cmpi ne, %rem3A_521, %ne3A_522 : i32
      %and3A_524 = arith.andi %ne3A_520, %ne3A_523 : i1
      %sub3A_525 = arith.constant 1 : i32
      %sub3A_526 = arith.subi %div3A_505, %sub3A_525 : i32
      %select_n3A_527 = arith.select %and3A_524, %sub3A_526, %div3A_505 : i32
      %mul3A_528 = arith.constant 64 : i32
      %mul3A_529 = arith.muli %select_n3A_527, %mul3A_528 : i32
      %add3A_530 = arith.addi %mul3A_2, %mul3A_529 : i32
      %jit3A_531 = arith.constant 2 : i32
      %eq3A_532 = arith.constant 0 : i32
      %eq3A_533 = arith.cmpi eq, %jit3A_531, %eq3A_532 : i32
      %jit3A_534 = arith.constant 1 : i32
      %select_n3A_535 = arith.select %eq3A_533, %jit3A_534, %jit3A_531 : i32
      %rem3A_536 = arith.remsi %add3A_497, %select_n3A_535 : i32
      %ne3A_537 = arith.constant 0 : i32
      %ne3A_538 = arith.cmpi ne, %rem3A_536, %ne3A_537 : i32
      %lt3A_539 = arith.constant 0 : i32
      %lt3A_540 = arith.cmpi slt, %rem3A_536, %lt3A_539 : i32
      %lt3A_541 = arith.constant 0 : i32
      %lt3A_542 = arith.cmpi slt, %select_n3A_535, %lt3A_541 : i32
      %ne3A_543 = arith.xori %lt3A_540, %lt3A_542 : i1
      %and3A_544 = arith.andi %ne3A_543, %ne3A_538 : i1
      %add3A_545 = arith.addi %rem3A_536, %select_n3A_535 : i32
      %select_n3A_546 = arith.select %and3A_544, %add3A_545, %rem3A_536 : i32
      %mul3A_547 = arith.constant 64 : i32
      %mul3A_548 = arith.muli %select_n3A_546, %mul3A_547 : i32
      "tpu.region"() ({
        %run_scoped3A = tpu.sem_alloc : memref<!tpu.dma_semaphore, #tpu.memory_space<semaphore_mem>>
        %dma_start3A_606 = tpu.memref_slice %arg4[%add3A_530, %mul3A_548] : memref<36864x128xf32, #tpu.memory_space<hbm>> -> memref<64x64xf32, #tpu.memory_space<hbm>>
        %dma_start3A_607 = tpu.memref_slice %arg4[%add3A_530, %mul3A_548] : memref<36864x128xf32, #tpu.memory_space<hbm>> -> memref<64x64xf32, #tpu.memory_space<hbm>>
        tpu.enqueue_dma source(%arg12 : memref<64x64xf32, #tpu.memory_space<vmem>>) target(%dma_start3A_607 : memref<64x64xf32, #tpu.memory_space<hbm>>) target_semaphore(%run_scoped3A : memref<!tpu.dma_semaphore, #tpu.memory_space<semaphore_mem>>)
        %dma_wait3A_608 = tpu.memref_slice %arg4[%add3A_530, %mul3A_548] : memref<36864x128xf32, #tpu.memory_space<hbm>> -> memref<64x64xf32, #tpu.memory_space<hbm>>
        %dma_wait3A_609 = tpu.memref_slice %arg4[%add3A_530, %mul3A_548] : memref<36864x128xf32, #tpu.memory_space<hbm>> -> memref<64x64xf32, #tpu.memory_space<hbm>>
        tpu.wait_dma2 semaphore(%run_scoped3A : memref<!tpu.dma_semaphore, #tpu.memory_space<semaphore_mem>>) src(%arg12 : memref<64x64xf32, #tpu.memory_space<vmem>>) dst(%dma_wait3A_609 : memref<64x64xf32, #tpu.memory_space<hbm>>)
        tpu.yield
      }) : () -> ()
      %add3A_549 = arith.constant 1 : i32
      %add3A_550 = arith.addi %mul3A_71, %add3A_549 : i32
      %mul3A_551 = arith.constant 4 : i32
      %mul3A_552 = arith.muli %add3A_550, %mul3A_551 : i32
      %add3A_553 = arith.constant 3 : i32
      %add3A_554 = arith.addi %mul3A_552, %add3A_553 : i32
      %dma_wait3A_555 = arith.constant 0 : i32
      %dma_wait3A_556 = tpu.memref_slice %arg5[%add3A_554, %dma_wait3A_555] : memref<36x64xi32, #tpu.memory_space<vmem>> -> memref<1x64xi32, #tpu.memory_space<vmem>>
      %dma_wait3A_557 = tpu.memref_squeeze %dma_wait3A_556 : memref<1x64xi32, #tpu.memory_space<vmem>> -> memref<64xi32, #tpu.memory_space<vmem>>
      %dma_wait3A_558 = arith.constant 0 : i32
      %dma_wait3A_559 = arith.constant 0 : i32
      %dma_wait3A_560 = tpu.memref_slice %arg3[%dma_wait3A_558, %dma_wait3A_559] : memref<100000x64xf32, #tpu.memory_space<hbm>> -> memref<100000x64xf32, #tpu.memory_space<hbm>>
      tpu.wait_indirect_dma semaphore(%arg21 : memref<!tpu.dma_semaphore, #tpu.memory_space<semaphore_mem>>) src(%dma_wait3A_560 : memref<100000x64xf32, #tpu.memory_space<hbm>>) dst(%arg13 : memref<64x64xf32, #tpu.memory_space<vmem>>)
      %jit3A_561 = arith.constant 2 : i32
      %div3A_562 = arith.divsi %add3A_554, %jit3A_561 : i32
      %sign3A_563 = arith.constant 0 : i32
      %sign3A_564 = arith.cmpi sgt, %add3A_554, %sign3A_563 : i32
      %sign3A_565 = arith.extui %sign3A_564 : i1 to i32
      %sign3A_566 = arith.constant 0 : i32
      %sign3A_567 = arith.cmpi slt, %add3A_554, %sign3A_566 : i32
      %sign3A_568 = arith.extui %sign3A_567 : i1 to i32
      %sign3A_569 = arith.subi %sign3A_565, %sign3A_568 : i32
      %sign3A_570 = arith.constant 0 : i32
      %sign3A_571 = arith.cmpi sgt, %jit3A_561, %sign3A_570 : i32
      %sign3A_572 = arith.extui %sign3A_571 : i1 to i32
      %sign3A_573 = arith.constant 0 : i32
      %sign3A_574 = arith.cmpi slt, %jit3A_561, %sign3A_573 : i32
      %sign3A_575 = arith.extui %sign3A_574 : i1 to i32
      %sign3A_576 = arith.subi %sign3A_572, %sign3A_575 : i32
      %ne3A_577 = arith.cmpi ne, %sign3A_569, %sign3A_576 : i32
      %rem3A_578 = arith.remsi %add3A_554, %jit3A_561 : i32
      %ne3A_579 = arith.constant 0 : i32
      %ne3A_580 = arith.cmpi ne, %rem3A_578, %ne3A_579 : i32
      %and3A_581 = arith.andi %ne3A_577, %ne3A_580 : i1
      %sub3A_582 = arith.constant 1 : i32
      %sub3A_583 = arith.subi %div3A_562, %sub3A_582 : i32
      %select_n3A_584 = arith.select %and3A_581, %sub3A_583, %div3A_562 : i32
      %mul3A_585 = arith.constant 64 : i32
      %mul3A_586 = arith.muli %select_n3A_584, %mul3A_585 : i32
      %add3A_587 = arith.addi %mul3A_2, %mul3A_586 : i32
      %jit3A_588 = arith.constant 2 : i32
      %eq3A_589 = arith.constant 0 : i32
      %eq3A_590 = arith.cmpi eq, %jit3A_588, %eq3A_589 : i32
      %jit3A_591 = arith.constant 1 : i32
      %select_n3A_592 = arith.select %eq3A_590, %jit3A_591, %jit3A_588 : i32
      %rem3A_593 = arith.remsi %add3A_554, %select_n3A_592 : i32
      %ne3A_594 = arith.constant 0 : i32
      %ne3A_595 = arith.cmpi ne, %rem3A_593, %ne3A_594 : i32
      %lt3A_596 = arith.constant 0 : i32
      %lt3A_597 = arith.cmpi slt, %rem3A_593, %lt3A_596 : i32
      %lt3A_598 = arith.constant 0 : i32
      %lt3A_599 = arith.cmpi slt, %select_n3A_592, %lt3A_598 : i32
      %ne3A_600 = arith.xori %lt3A_597, %lt3A_599 : i1
      %and3A_601 = arith.andi %ne3A_600, %ne3A_595 : i1
      %add3A_602 = arith.addi %rem3A_593, %select_n3A_592 : i32
      %select_n3A_603 = arith.select %and3A_601, %add3A_602, %rem3A_593 : i32
      %mul3A_604 = arith.constant 64 : i32
      %mul3A_605 = arith.muli %select_n3A_603, %mul3A_604 : i32
      "tpu.region"() ({
        %run_scoped3A = tpu.sem_alloc : memref<!tpu.dma_semaphore, #tpu.memory_space<semaphore_mem>>
        %dma_start3A_606 = tpu.memref_slice %arg4[%add3A_587, %mul3A_605] : memref<36864x128xf32, #tpu.memory_space<hbm>> -> memref<64x64xf32, #tpu.memory_space<hbm>>
        %dma_start3A_607 = tpu.memref_slice %arg4[%add3A_587, %mul3A_605] : memref<36864x128xf32, #tpu.memory_space<hbm>> -> memref<64x64xf32, #tpu.memory_space<hbm>>
        tpu.enqueue_dma source(%arg13 : memref<64x64xf32, #tpu.memory_space<vmem>>) target(%dma_start3A_607 : memref<64x64xf32, #tpu.memory_space<hbm>>) target_semaphore(%run_scoped3A : memref<!tpu.dma_semaphore, #tpu.memory_space<semaphore_mem>>)
        %dma_wait3A_608 = tpu.memref_slice %arg4[%add3A_587, %mul3A_605] : memref<36864x128xf32, #tpu.memory_space<hbm>> -> memref<64x64xf32, #tpu.memory_space<hbm>>
        %dma_wait3A_609 = tpu.memref_slice %arg4[%add3A_587, %mul3A_605] : memref<36864x128xf32, #tpu.memory_space<hbm>> -> memref<64x64xf32, #tpu.memory_space<hbm>>
        tpu.wait_dma2 semaphore(%run_scoped3A : memref<!tpu.dma_semaphore, #tpu.memory_space<semaphore_mem>>) src(%arg13 : memref<64x64xf32, #tpu.memory_space<vmem>>) dst(%dma_wait3A_609 : memref<64x64xf32, #tpu.memory_space<hbm>>)
        tpu.yield
      }) : () -> ()
    }
    %scan3A_33 = arith.constant 4 : i32
    %dma_wait3A = arith.constant 32 : i32
    %dma_wait3A_34 = arith.constant 0 : i32
    %dma_wait3A_35 = tpu.memref_slice %arg5[%dma_wait3A, %dma_wait3A_34] : memref<36x64xi32, #tpu.memory_space<vmem>> -> memref<1x64xi32, #tpu.memory_space<vmem>>
    %dma_wait3A_36 = tpu.memref_squeeze %dma_wait3A_35 : memref<1x64xi32, #tpu.memory_space<vmem>> -> memref<64xi32, #tpu.memory_space<vmem>>
    %dma_wait3A_37 = arith.constant 0 : i32
    %dma_wait3A_38 = arith.constant 0 : i32
    %dma_wait3A_39 = tpu.memref_slice %arg3[%dma_wait3A_37, %dma_wait3A_38] : memref<100000x64xf32, #tpu.memory_space<hbm>> -> memref<100000x64xf32, #tpu.memory_space<hbm>>
    tpu.wait_indirect_dma semaphore(%arg14 : memref<!tpu.dma_semaphore, #tpu.memory_space<semaphore_mem>>) src(%dma_wait3A_39 : memref<100000x64xf32, #tpu.memory_space<hbm>>) dst(%arg6 : memref<64x64xf32, #tpu.memory_space<vmem>>)
    %add3A_40 = arith.constant 1024 : i32
    %add3A_41 = arith.addi %mul3A_2, %add3A_40 : i32
    "tpu.region"() ({
      %run_scoped3A = tpu.sem_alloc : memref<!tpu.dma_semaphore, #tpu.memory_space<semaphore_mem>>
      %dma_start3A_69 = arith.constant 0 : i32
      %dma_start3A_70 = tpu.memref_slice %arg4[%add3A_41, %dma_start3A_69] : memref<36864x128xf32, #tpu.memory_space<hbm>> -> memref<64x64xf32, #tpu.memory_space<hbm>>
      %dma_start3A_71 = arith.constant 0 : i32
      %dma_start3A_72 = tpu.memref_slice %arg4[%add3A_41, %dma_start3A_71] : memref<36864x128xf32, #tpu.memory_space<hbm>> -> memref<64x64xf32, #tpu.memory_space<hbm>>
      tpu.enqueue_dma source(%arg6 : memref<64x64xf32, #tpu.memory_space<vmem>>) target(%dma_start3A_72 : memref<64x64xf32, #tpu.memory_space<hbm>>) target_semaphore(%run_scoped3A : memref<!tpu.dma_semaphore, #tpu.memory_space<semaphore_mem>>)
      %dma_wait3A_73 = arith.constant 0 : i32
      %dma_wait3A_74 = tpu.memref_slice %arg4[%add3A_41, %dma_wait3A_73] : memref<36864x128xf32, #tpu.memory_space<hbm>> -> memref<64x64xf32, #tpu.memory_space<hbm>>
      %dma_wait3A_75 = arith.constant 0 : i32
      %dma_wait3A_76 = tpu.memref_slice %arg4[%add3A_41, %dma_wait3A_75] : memref<36864x128xf32, #tpu.memory_space<hbm>> -> memref<64x64xf32, #tpu.memory_space<hbm>>
      tpu.wait_dma2 semaphore(%run_scoped3A : memref<!tpu.dma_semaphore, #tpu.memory_space<semaphore_mem>>) src(%arg6 : memref<64x64xf32, #tpu.memory_space<vmem>>) dst(%dma_wait3A_76 : memref<64x64xf32, #tpu.memory_space<hbm>>)
      tpu.yield
    }) : () -> ()
    %dma_wait3A_42 = arith.constant 33 : i32
    %dma_wait3A_43 = arith.constant 0 : i32
    %dma_wait3A_44 = tpu.memref_slice %arg5[%dma_wait3A_42, %dma_wait3A_43] : memref<36x64xi32, #tpu.memory_space<vmem>> -> memref<1x64xi32, #tpu.memory_space<vmem>>
    %dma_wait3A_45 = tpu.memref_squeeze %dma_wait3A_44 : memref<1x64xi32, #tpu.memory_space<vmem>> -> memref<64xi32, #tpu.memory_space<vmem>>
    %dma_wait3A_46 = arith.constant 0 : i32
    %dma_wait3A_47 = arith.constant 0 : i32
    %dma_wait3A_48 = tpu.memref_slice %arg3[%dma_wait3A_46, %dma_wait3A_47] : memref<100000x64xf32, #tpu.memory_space<hbm>> -> memref<100000x64xf32, #tpu.memory_space<hbm>>
    tpu.wait_indirect_dma semaphore(%arg15 : memref<!tpu.dma_semaphore, #tpu.memory_space<semaphore_mem>>) src(%dma_wait3A_48 : memref<100000x64xf32, #tpu.memory_space<hbm>>) dst(%arg7 : memref<64x64xf32, #tpu.memory_space<vmem>>)
    %add3A_49 = arith.constant 1024 : i32
    %add3A_50 = arith.addi %mul3A_2, %add3A_49 : i32
    "tpu.region"() ({
      %run_scoped3A = tpu.sem_alloc : memref<!tpu.dma_semaphore, #tpu.memory_space<semaphore_mem>>
      %dma_start3A_69 = arith.constant 64 : i32
      %dma_start3A_70 = tpu.memref_slice %arg4[%add3A_50, %dma_start3A_69] : memref<36864x128xf32, #tpu.memory_space<hbm>> -> memref<64x64xf32, #tpu.memory_space<hbm>>
      %dma_start3A_71 = arith.constant 64 : i32
      %dma_start3A_72 = tpu.memref_slice %arg4[%add3A_50, %dma_start3A_71] : memref<36864x128xf32, #tpu.memory_space<hbm>> -> memref<64x64xf32, #tpu.memory_space<hbm>>
      tpu.enqueue_dma source(%arg7 : memref<64x64xf32, #tpu.memory_space<vmem>>) target(%dma_start3A_72 : memref<64x64xf32, #tpu.memory_space<hbm>>) target_semaphore(%run_scoped3A : memref<!tpu.dma_semaphore, #tpu.memory_space<semaphore_mem>>)
      %dma_wait3A_73 = arith.constant 64 : i32
      %dma_wait3A_74 = tpu.memref_slice %arg4[%add3A_50, %dma_wait3A_73] : memref<36864x128xf32, #tpu.memory_space<hbm>> -> memref<64x64xf32, #tpu.memory_space<hbm>>
      %dma_wait3A_75 = arith.constant 64 : i32
      %dma_wait3A_76 = tpu.memref_slice %arg4[%add3A_50, %dma_wait3A_75] : memref<36864x128xf32, #tpu.memory_space<hbm>> -> memref<64x64xf32, #tpu.memory_space<hbm>>
      tpu.wait_dma2 semaphore(%run_scoped3A : memref<!tpu.dma_semaphore, #tpu.memory_space<semaphore_mem>>) src(%arg7 : memref<64x64xf32, #tpu.memory_space<vmem>>) dst(%dma_wait3A_76 : memref<64x64xf32, #tpu.memory_space<hbm>>)
      tpu.yield
    }) : () -> ()
    %dma_wait3A_51 = arith.constant 34 : i32
    %dma_wait3A_52 = arith.constant 0 : i32
    %dma_wait3A_53 = tpu.memref_slice %arg5[%dma_wait3A_51, %dma_wait3A_52] : memref<36x64xi32, #tpu.memory_space<vmem>> -> memref<1x64xi32, #tpu.memory_space<vmem>>
    %dma_wait3A_54 = tpu.memref_squeeze %dma_wait3A_53 : memref<1x64xi32, #tpu.memory_space<vmem>> -> memref<64xi32, #tpu.memory_space<vmem>>
    %dma_wait3A_55 = arith.constant 0 : i32
    %dma_wait3A_56 = arith.constant 0 : i32
    %dma_wait3A_57 = tpu.memref_slice %arg3[%dma_wait3A_55, %dma_wait3A_56] : memref<100000x64xf32, #tpu.memory_space<hbm>> -> memref<100000x64xf32, #tpu.memory_space<hbm>>
    tpu.wait_indirect_dma semaphore(%arg16 : memref<!tpu.dma_semaphore, #tpu.memory_space<semaphore_mem>>) src(%dma_wait3A_57 : memref<100000x64xf32, #tpu.memory_space<hbm>>) dst(%arg8 : memref<64x64xf32, #tpu.memory_space<vmem>>)
    %add3A_58 = arith.constant 1088 : i32
    %add3A_59 = arith.addi %mul3A_2, %add3A_58 : i32
    "tpu.region"() ({
      %run_scoped3A = tpu.sem_alloc : memref<!tpu.dma_semaphore, #tpu.memory_space<semaphore_mem>>
      %dma_start3A_69 = arith.constant 0 : i32
      %dma_start3A_70 = tpu.memref_slice %arg4[%add3A_59, %dma_start3A_69] : memref<36864x128xf32, #tpu.memory_space<hbm>> -> memref<64x64xf32, #tpu.memory_space<hbm>>
      %dma_start3A_71 = arith.constant 0 : i32
      %dma_start3A_72 = tpu.memref_slice %arg4[%add3A_59, %dma_start3A_71] : memref<36864x128xf32, #tpu.memory_space<hbm>> -> memref<64x64xf32, #tpu.memory_space<hbm>>
      tpu.enqueue_dma source(%arg8 : memref<64x64xf32, #tpu.memory_space<vmem>>) target(%dma_start3A_72 : memref<64x64xf32, #tpu.memory_space<hbm>>) target_semaphore(%run_scoped3A : memref<!tpu.dma_semaphore, #tpu.memory_space<semaphore_mem>>)
      %dma_wait3A_73 = arith.constant 0 : i32
      %dma_wait3A_74 = tpu.memref_slice %arg4[%add3A_59, %dma_wait3A_73] : memref<36864x128xf32, #tpu.memory_space<hbm>> -> memref<64x64xf32, #tpu.memory_space<hbm>>
      %dma_wait3A_75 = arith.constant 0 : i32
      %dma_wait3A_76 = tpu.memref_slice %arg4[%add3A_59, %dma_wait3A_75] : memref<36864x128xf32, #tpu.memory_space<hbm>> -> memref<64x64xf32, #tpu.memory_space<hbm>>
      tpu.wait_dma2 semaphore(%run_scoped3A : memref<!tpu.dma_semaphore, #tpu.memory_space<semaphore_mem>>) src(%arg8 : memref<64x64xf32, #tpu.memory_space<vmem>>) dst(%dma_wait3A_76 : memref<64x64xf32, #tpu.memory_space<hbm>>)
      tpu.yield
    }) : () -> ()
    %dma_wait3A_60 = arith.constant 35 : i32
    %dma_wait3A_61 = arith.constant 0 : i32
    %dma_wait3A_62 = tpu.memref_slice %arg5[%dma_wait3A_60, %dma_wait3A_61] : memref<36x64xi32, #tpu.memory_space<vmem>> -> memref<1x64xi32, #tpu.memory_space<vmem>>
    %dma_wait3A_63 = tpu.memref_squeeze %dma_wait3A_62 : memref<1x64xi32, #tpu.memory_space<vmem>> -> memref<64xi32, #tpu.memory_space<vmem>>
    %dma_wait3A_64 = arith.constant 0 : i32
    %dma_wait3A_65 = arith.constant 0 : i32
    %dma_wait3A_66 = tpu.memref_slice %arg3[%dma_wait3A_64, %dma_wait3A_65] : memref<100000x64xf32, #tpu.memory_space<hbm>> -> memref<100000x64xf32, #tpu.memory_space<hbm>>
    tpu.wait_indirect_dma semaphore(%arg17 : memref<!tpu.dma_semaphore, #tpu.memory_space<semaphore_mem>>) src(%dma_wait3A_66 : memref<100000x64xf32, #tpu.memory_space<hbm>>) dst(%arg9 : memref<64x64xf32, #tpu.memory_space<vmem>>)
    %add3A_67 = arith.constant 1088 : i32
    %add3A_68 = arith.addi %mul3A_2, %add3A_67 : i32
    "tpu.region"() ({
      %run_scoped3A = tpu.sem_alloc : memref<!tpu.dma_semaphore, #tpu.memory_space<semaphore_mem>>
      %dma_start3A_69 = arith.constant 64 : i32
      %dma_start3A_70 = tpu.memref_slice %arg4[%add3A_68, %dma_start3A_69] : memref<36864x128xf32, #tpu.memory_space<hbm>> -> memref<64x64xf32, #tpu.memory_space<hbm>>
      %dma_start3A_71 = arith.constant 64 : i32
      %dma_start3A_72 = tpu.memref_slice %arg4[%add3A_68, %dma_start3A_71] : memref<36864x128xf32, #tpu.memory_space<hbm>> -> memref<64x64xf32, #tpu.memory_space<hbm>>
      tpu.enqueue_dma source(%arg9 : memref<64x64xf32, #tpu.memory_space<vmem>>) target(%dma_start3A_72 : memref<64x64xf32, #tpu.memory_space<hbm>>) target_semaphore(%run_scoped3A : memref<!tpu.dma_semaphore, #tpu.memory_space<semaphore_mem>>)
      %dma_wait3A_73 = arith.constant 64 : i32
      %dma_wait3A_74 = tpu.memref_slice %arg4[%add3A_68, %dma_wait3A_73] : memref<36864x128xf32, #tpu.memory_space<hbm>> -> memref<64x64xf32, #tpu.memory_space<hbm>>
      %dma_wait3A_75 = arith.constant 64 : i32
      %dma_wait3A_76 = tpu.memref_slice %arg4[%add3A_68, %dma_wait3A_75] : memref<36864x128xf32, #tpu.memory_space<hbm>> -> memref<64x64xf32, #tpu.memory_space<hbm>>
      tpu.wait_dma2 semaphore(%run_scoped3A : memref<!tpu.dma_semaphore, #tpu.memory_space<semaphore_mem>>) src(%arg9 : memref<64x64xf32, #tpu.memory_space<vmem>>) dst(%dma_wait3A_76 : memref<64x64xf32, #tpu.memory_space<hbm>>)
      tpu.yield
    }) : () -> ()
    return
  }
}

module attributes {stable_mosaic.version = 14 : i64} {
  func.func @_main_body(%arg0: i32, %arg1: memref<64x64xf32, #tpu.memory_space<vmem>>, %arg2: memref<64x128xi32, #tpu.memory_space<vmem>>, %arg3: memref<64x64x64xf32, #tpu.memory_space<vmem>>, %arg4: memref<64x64x64xf32, #tpu.memory_space<vmem>>, %arg5: memref<4096x128xf32, #tpu.memory_space<vmem>>, %arg6: memref<128x64xf32, #tpu.memory_space<vmem>>, %arg7: memref<128x64xf32, #tpu.memory_space<vmem>>, %arg8: memref<128x64xf32, #tpu.memory_space<vmem>>, %arg9: memref<128x64xf32, #tpu.memory_space<vmem>>, %arg10: memref<1x64xf32, #tpu.memory_space<vmem>>, %arg11: memref<64x64xf32, #tpu.memory_space<vmem>>) attributes {dimension_semantics = [#tpu.dimension_semantics<arbitrary>], iteration_bounds = array<i64: 9>, scalar_prefetch = 0 : i64, scratch_operands = 0 : i64, tpu.core_type = #tpu.core_type<tc>, window_params = [{transform_indices = @transform_0, window_bounds = array<i64: 64, 64>}, {transform_indices = @transform_1, window_bounds = array<i64: 64, 128>}, {transform_indices = @transform_2, window_bounds = array<i64: 64, 64, 64>}, {transform_indices = @transform_3, window_bounds = array<i64: 64, 64, 64>}, {transform_indices = @transform_4, window_bounds = array<i64: 4096, 128>}, {pipeline_mode = #tpu.pipeline_mode<synchronous>, transform_indices = @transform_5, window_bounds = array<i64: 128, 64>}, {pipeline_mode = #tpu.pipeline_mode<synchronous>, transform_indices = @transform_6, window_bounds = array<i64: 128, 64>}, {pipeline_mode = #tpu.pipeline_mode<synchronous>, transform_indices = @transform_7, window_bounds = array<i64: 128, 64>}, {pipeline_mode = #tpu.pipeline_mode<synchronous>, transform_indices = @transform_8, window_bounds = array<i64: 128, 64>}, {pipeline_mode = #tpu.pipeline_mode<synchronous>, transform_indices = @transform_9, window_bounds = array<i64: 1, 64>}, {transform_indices = @transform_10, window_bounds = array<i64: 64, 64>}]} {
    %get3A = arith.constant 0 : index
    %get3A_0 = arith.constant 0 : index
    %get3A_1 = vector.load %arg7[%get3A, %get3A_0] : memref<128x64xf32, #tpu.memory_space<vmem>>, vector<128x64xf32>
    %reduce_sum3A = arith.constant dense<0.000000e+00> : vector<128xf32>
    %reduce_sum3A_2 = vector.multi_reduction <add>, %get3A_1, %reduce_sum3A [1] : vector<128x64xf32> to vector<128xf32>
    %broadcast_in_dim3A = vector.shape_cast %reduce_sum3A_2 : vector<128xf32> to vector<128x1xf32>
    %iota3A = tpu.iota {dimensions = array<i32: 0>} : vector<128x128xi32>
    %get3A_3 = arith.constant 0 : index
    %get3A_4 = arith.constant 0 : index
    %get3A_5 = vector.load %arg8[%get3A_3, %get3A_4] : memref<128x64xf32, #tpu.memory_space<vmem>>, vector<128x64xf32>
    %get3A_6 = arith.constant 0 : index
    %get3A_7 = arith.constant 0 : index
    %get3A_8 = vector.load %arg6[%get3A_6, %get3A_7] : memref<128x64xf32, #tpu.memory_space<vmem>>, vector<128x64xf32>
    %get3A_9 = arith.constant 0 : index
    %get3A_10 = arith.constant 0 : index
    %get3A_11 = vector.load %arg2[%get3A_9, %get3A_10] : memref<64x128xi32, #tpu.memory_space<vmem>>, vector<1x128xi32>
    %eq3A = vector.broadcast %get3A_11 : vector<1x128xi32> to vector<128x128xi32>
    %eq3A_12 = arith.cmpi eq, %iota3A, %eq3A : vector<128x128xi32>
    %convert_element_type3A = arith.extui %eq3A_12 : vector<128x128xi1> to vector<128x128xi32>
    %convert_element_type3A_13 = arith.sitofp %convert_element_type3A : vector<128x128xi32> to vector<128x128xf32>
    %dot_general3A = arith.constant dense<0.000000e+00> : vector<128x64xf32>
    %dot_general3A_14 = tpu.matmul %convert_element_type3A_13, %get3A_5, %dot_general3A {dimension_numbers = #tpu.dot_dimension_numbers<[0], [0], [1], [1], [0, 1, 1, 1], [], []>, transpose_lhs_hint = false} : vector<128x128xf32>, vector<128x64xf32>, vector<128x64xf32> -> vector<128x64xf32>
    %get3A_15 = arith.constant 0 : index
    %get3A_16 = arith.constant 0 : index
    %get3A_17 = vector.load %arg1[%get3A_15, %get3A_16] : memref<64x64xf32, #tpu.memory_space<vmem>>, vector<1x64xf32>
    %mul3A = vector.broadcast %get3A_17 : vector<1x64xf32> to vector<128x64xf32>
    %mul3A_18 = arith.mulf %dot_general3A_14, %mul3A : vector<128x64xf32>
    %get3A_19 = arith.constant 0 : index
    %get3A_20 = arith.constant 0 : index
    %get3A_21 = arith.constant 0 : index
    %get3A_22 = vector.load %arg3[%get3A_19, %get3A_20, %get3A_21] : memref<64x64x64xf32, #tpu.memory_space<vmem>>, vector<1x64x64xf32>
    %get3A_23 = vector.shape_cast %get3A_22 : vector<1x64x64xf32> to vector<64x64xf32>
    %dot_general3A_24 = arith.constant dense<0.000000e+00> : vector<128x64xf32>
    %dot_general3A_25 = tpu.matmul %mul3A_18, %get3A_23, %dot_general3A_24 {dimension_numbers = #tpu.dot_dimension_numbers<[1], [0], [0], [1], [0, 0, 1, 1], [], []>, transpose_lhs_hint = false} : vector<128x64xf32>, vector<64x64xf32>, vector<128x64xf32> -> vector<128x64xf32>
    %add3A = arith.addf %dot_general3A_25, %get3A_8 : vector<128x64xf32>
    %max3A = arith.constant 0.000000e+00 : f32
    %max3A_26 = vector.broadcast %max3A : f32 to vector<128x64xf32>
    %max3A_27 = arith.maximumf %add3A, %max3A_26 : vector<128x64xf32>
    %get3A_28 = arith.constant 0 : index
    %get3A_29 = arith.constant 0 : index
    %get3A_30 = arith.constant 0 : index
    %get3A_31 = vector.load %arg4[%get3A_28, %get3A_29, %get3A_30] : memref<64x64x64xf32, #tpu.memory_space<vmem>>, vector<1x64x64xf32>
    %get3A_32 = vector.shape_cast %get3A_31 : vector<1x64x64xf32> to vector<64x64xf32>
    %dot_general3A_33 = arith.constant dense<0.000000e+00> : vector<128x64xf32>
    %dot_general3A_34 = tpu.matmul %max3A_27, %get3A_32, %dot_general3A_33 {dimension_numbers = #tpu.dot_dimension_numbers<[1], [0], [0], [1], [0, 0, 1, 1], [], []>, transpose_lhs_hint = false} : vector<128x64xf32>, vector<64x64xf32>, vector<128x64xf32> -> vector<128x64xf32>
    %reduce_sum3A_35 = arith.constant dense<0.000000e+00> : vector<128xf32>
    %reduce_sum3A_36 = vector.multi_reduction <add>, %dot_general3A_34, %reduce_sum3A_35 [1] : vector<128x64xf32> to vector<128xf32>
    %broadcast_in_dim3A_37 = vector.shape_cast %reduce_sum3A_36 : vector<128xf32> to vector<128x1xf32>
    %add3A_38 = arith.addf %broadcast_in_dim3A_37, %broadcast_in_dim3A : vector<128x1xf32>
    %get3A_39 = arith.constant 1 : index
    %get3A_40 = arith.constant 0 : index
    %get3A_41 = vector.load %arg2[%get3A_39, %get3A_40] : memref<64x128xi32, #tpu.memory_space<vmem>>, vector<1x128xi32>
    %eq3A_42 = vector.broadcast %get3A_41 : vector<1x128xi32> to vector<128x128xi32>
    %eq3A_43 = arith.cmpi eq, %iota3A, %eq3A_42 : vector<128x128xi32>
    %convert_element_type3A_44 = arith.extui %eq3A_43 : vector<128x128xi1> to vector<128x128xi32>
    %convert_element_type3A_45 = arith.sitofp %convert_element_type3A_44 : vector<128x128xi32> to vector<128x128xf32>
    %dot_general3A_46 = arith.constant dense<0.000000e+00> : vector<128x64xf32>
    %dot_general3A_47 = tpu.matmul %convert_element_type3A_45, %get3A_5, %dot_general3A_46 {dimension_numbers = #tpu.dot_dimension_numbers<[0], [0], [1], [1], [0, 1, 1, 1], [], []>, transpose_lhs_hint = false} : vector<128x128xf32>, vector<128x64xf32>, vector<128x64xf32> -> vector<128x64xf32>
    %get3A_48 = arith.constant 1 : index
    %get3A_49 = arith.constant 0 : index
    %get3A_50 = vector.load %arg1[%get3A_48, %get3A_49] : memref<64x64xf32, #tpu.memory_space<vmem>>, vector<1x64xf32>
    %mul3A_51 = vector.broadcast %get3A_50 : vector<1x64xf32> to vector<128x64xf32>
    %mul3A_52 = arith.mulf %dot_general3A_47, %mul3A_51 : vector<128x64xf32>
    %get3A_53 = arith.constant 1 : index
    %get3A_54 = arith.constant 0 : index
    %get3A_55 = arith.constant 0 : index
    %get3A_56 = vector.load %arg3[%get3A_53, %get3A_54, %get3A_55] : memref<64x64x64xf32, #tpu.memory_space<vmem>>, vector<1x64x64xf32>
    %get3A_57 = vector.shape_cast %get3A_56 : vector<1x64x64xf32> to vector<64x64xf32>
    %dot_general3A_58 = arith.constant dense<0.000000e+00> : vector<128x64xf32>
    %dot_general3A_59 = tpu.matmul %mul3A_52, %get3A_57, %dot_general3A_58 {dimension_numbers = #tpu.dot_dimension_numbers<[1], [0], [0], [1], [0, 0, 1, 1], [], []>, transpose_lhs_hint = false} : vector<128x64xf32>, vector<64x64xf32>, vector<128x64xf32> -> vector<128x64xf32>
    %add3A_60 = arith.addf %dot_general3A_59, %get3A_8 : vector<128x64xf32>
    %max3A_61 = arith.constant 0.000000e+00 : f32
    %max3A_62 = vector.broadcast %max3A_61 : f32 to vector<128x64xf32>
    %max3A_63 = arith.maximumf %add3A_60, %max3A_62 : vector<128x64xf32>
    %get3A_64 = arith.constant 1 : index
    %get3A_65 = arith.constant 0 : index
    %get3A_66 = arith.constant 0 : index
    %get3A_67 = vector.load %arg4[%get3A_64, %get3A_65, %get3A_66] : memref<64x64x64xf32, #tpu.memory_space<vmem>>, vector<1x64x64xf32>
    %get3A_68 = vector.shape_cast %get3A_67 : vector<1x64x64xf32> to vector<64x64xf32>
    %dot_general3A_69 = arith.constant dense<0.000000e+00> : vector<128x64xf32>
    %dot_general3A_70 = tpu.matmul %max3A_63, %get3A_68, %dot_general3A_69 {dimension_numbers = #tpu.dot_dimension_numbers<[1], [0], [0], [1], [0, 0, 1, 1], [], []>, transpose_lhs_hint = false} : vector<128x64xf32>, vector<64x64xf32>, vector<128x64xf32> -> vector<128x64xf32>
    %reduce_sum3A_71 = arith.constant dense<0.000000e+00> : vector<128xf32>
    %reduce_sum3A_72 = vector.multi_reduction <add>, %dot_general3A_70, %reduce_sum3A_71 [1] : vector<128x64xf32> to vector<128xf32>
    %broadcast_in_dim3A_73 = vector.shape_cast %reduce_sum3A_72 : vector<128xf32> to vector<128x1xf32>
    %add3A_74 = arith.addf %broadcast_in_dim3A_73, %broadcast_in_dim3A : vector<128x1xf32>
    %get3A_75 = arith.constant 2 : index
    %get3A_76 = arith.constant 0 : index
    %get3A_77 = vector.load %arg2[%get3A_75, %get3A_76] : memref<64x128xi32, #tpu.memory_space<vmem>>, vector<1x128xi32>
    %eq3A_78 = vector.broadcast %get3A_77 : vector<1x128xi32> to vector<128x128xi32>
    %eq3A_79 = arith.cmpi eq, %iota3A, %eq3A_78 : vector<128x128xi32>
    %convert_element_type3A_80 = arith.extui %eq3A_79 : vector<128x128xi1> to vector<128x128xi32>
    %convert_element_type3A_81 = arith.sitofp %convert_element_type3A_80 : vector<128x128xi32> to vector<128x128xf32>
    %dot_general3A_82 = arith.constant dense<0.000000e+00> : vector<128x64xf32>
    %dot_general3A_83 = tpu.matmul %convert_element_type3A_81, %get3A_5, %dot_general3A_82 {dimension_numbers = #tpu.dot_dimension_numbers<[0], [0], [1], [1], [0, 1, 1, 1], [], []>, transpose_lhs_hint = false} : vector<128x128xf32>, vector<128x64xf32>, vector<128x64xf32> -> vector<128x64xf32>
    %get3A_84 = arith.constant 2 : index
    %get3A_85 = arith.constant 0 : index
    %get3A_86 = vector.load %arg1[%get3A_84, %get3A_85] : memref<64x64xf32, #tpu.memory_space<vmem>>, vector<1x64xf32>
    %mul3A_87 = vector.broadcast %get3A_86 : vector<1x64xf32> to vector<128x64xf32>
    %mul3A_88 = arith.mulf %dot_general3A_83, %mul3A_87 : vector<128x64xf32>
    %get3A_89 = arith.constant 2 : index
    %get3A_90 = arith.constant 0 : index
    %get3A_91 = arith.constant 0 : index
    %get3A_92 = vector.load %arg3[%get3A_89, %get3A_90, %get3A_91] : memref<64x64x64xf32, #tpu.memory_space<vmem>>, vector<1x64x64xf32>
    %get3A_93 = vector.shape_cast %get3A_92 : vector<1x64x64xf32> to vector<64x64xf32>
    %dot_general3A_94 = arith.constant dense<0.000000e+00> : vector<128x64xf32>
    %dot_general3A_95 = tpu.matmul %mul3A_88, %get3A_93, %dot_general3A_94 {dimension_numbers = #tpu.dot_dimension_numbers<[1], [0], [0], [1], [0, 0, 1, 1], [], []>, transpose_lhs_hint = false} : vector<128x64xf32>, vector<64x64xf32>, vector<128x64xf32> -> vector<128x64xf32>
    %add3A_96 = arith.addf %dot_general3A_95, %get3A_8 : vector<128x64xf32>
    %max3A_97 = arith.constant 0.000000e+00 : f32
    %max3A_98 = vector.broadcast %max3A_97 : f32 to vector<128x64xf32>
    %max3A_99 = arith.maximumf %add3A_96, %max3A_98 : vector<128x64xf32>
    %get3A_100 = arith.constant 2 : index
    %get3A_101 = arith.constant 0 : index
    %get3A_102 = arith.constant 0 : index
    %get3A_103 = vector.load %arg4[%get3A_100, %get3A_101, %get3A_102] : memref<64x64x64xf32, #tpu.memory_space<vmem>>, vector<1x64x64xf32>
    %get3A_104 = vector.shape_cast %get3A_103 : vector<1x64x64xf32> to vector<64x64xf32>
    %dot_general3A_105 = arith.constant dense<0.000000e+00> : vector<128x64xf32>
    %dot_general3A_106 = tpu.matmul %max3A_99, %get3A_104, %dot_general3A_105 {dimension_numbers = #tpu.dot_dimension_numbers<[1], [0], [0], [1], [0, 0, 1, 1], [], []>, transpose_lhs_hint = false} : vector<128x64xf32>, vector<64x64xf32>, vector<128x64xf32> -> vector<128x64xf32>
    %reduce_sum3A_107 = arith.constant dense<0.000000e+00> : vector<128xf32>
    %reduce_sum3A_108 = vector.multi_reduction <add>, %dot_general3A_106, %reduce_sum3A_107 [1] : vector<128x64xf32> to vector<128xf32>
    %broadcast_in_dim3A_109 = vector.shape_cast %reduce_sum3A_108 : vector<128xf32> to vector<128x1xf32>
    %add3A_110 = arith.addf %broadcast_in_dim3A_109, %broadcast_in_dim3A : vector<128x1xf32>
    %get3A_111 = arith.constant 3 : index
    %get3A_112 = arith.constant 0 : index
    %get3A_113 = vector.load %arg2[%get3A_111, %get3A_112] : memref<64x128xi32, #tpu.memory_space<vmem>>, vector<1x128xi32>
    %eq3A_114 = vector.broadcast %get3A_113 : vector<1x128xi32> to vector<128x128xi32>
    %eq3A_115 = arith.cmpi eq, %iota3A, %eq3A_114 : vector<128x128xi32>
    %convert_element_type3A_116 = arith.extui %eq3A_115 : vector<128x128xi1> to vector<128x128xi32>
    %convert_element_type3A_117 = arith.sitofp %convert_element_type3A_116 : vector<128x128xi32> to vector<128x128xf32>
    %dot_general3A_118 = arith.constant dense<0.000000e+00> : vector<128x64xf32>
    %dot_general3A_119 = tpu.matmul %convert_element_type3A_117, %get3A_5, %dot_general3A_118 {dimension_numbers = #tpu.dot_dimension_numbers<[0], [0], [1], [1], [0, 1, 1, 1], [], []>, transpose_lhs_hint = false} : vector<128x128xf32>, vector<128x64xf32>, vector<128x64xf32> -> vector<128x64xf32>
    %get3A_120 = arith.constant 3 : index
    %get3A_121 = arith.constant 0 : index
    %get3A_122 = vector.load %arg1[%get3A_120, %get3A_121] : memref<64x64xf32, #tpu.memory_space<vmem>>, vector<1x64xf32>
    %mul3A_123 = vector.broadcast %get3A_122 : vector<1x64xf32> to vector<128x64xf32>
    %mul3A_124 = arith.mulf %dot_general3A_119, %mul3A_123 : vector<128x64xf32>
    %get3A_125 = arith.constant 3 : index
    %get3A_126 = arith.constant 0 : index
    %get3A_127 = arith.constant 0 : index
    %get3A_128 = vector.load %arg3[%get3A_125, %get3A_126, %get3A_127] : memref<64x64x64xf32, #tpu.memory_space<vmem>>, vector<1x64x64xf32>
    %get3A_129 = vector.shape_cast %get3A_128 : vector<1x64x64xf32> to vector<64x64xf32>
    %dot_general3A_130 = arith.constant dense<0.000000e+00> : vector<128x64xf32>
    %dot_general3A_131 = tpu.matmul %mul3A_124, %get3A_129, %dot_general3A_130 {dimension_numbers = #tpu.dot_dimension_numbers<[1], [0], [0], [1], [0, 0, 1, 1], [], []>, transpose_lhs_hint = false} : vector<128x64xf32>, vector<64x64xf32>, vector<128x64xf32> -> vector<128x64xf32>
    %add3A_132 = arith.addf %dot_general3A_131, %get3A_8 : vector<128x64xf32>
    %max3A_133 = arith.constant 0.000000e+00 : f32
    %max3A_134 = vector.broadcast %max3A_133 : f32 to vector<128x64xf32>
    %max3A_135 = arith.maximumf %add3A_132, %max3A_134 : vector<128x64xf32>
    %get3A_136 = arith.constant 3 : index
    %get3A_137 = arith.constant 0 : index
    %get3A_138 = arith.constant 0 : index
    %get3A_139 = vector.load %arg4[%get3A_136, %get3A_137, %get3A_138] : memref<64x64x64xf32, #tpu.memory_space<vmem>>, vector<1x64x64xf32>
    %get3A_140 = vector.shape_cast %get3A_139 : vector<1x64x64xf32> to vector<64x64xf32>
    %dot_general3A_141 = arith.constant dense<0.000000e+00> : vector<128x64xf32>
    %dot_general3A_142 = tpu.matmul %max3A_135, %get3A_140, %dot_general3A_141 {dimension_numbers = #tpu.dot_dimension_numbers<[1], [0], [0], [1], [0, 0, 1, 1], [], []>, transpose_lhs_hint = false} : vector<128x64xf32>, vector<64x64xf32>, vector<128x64xf32> -> vector<128x64xf32>
    %reduce_sum3A_143 = arith.constant dense<0.000000e+00> : vector<128xf32>
    %reduce_sum3A_144 = vector.multi_reduction <add>, %dot_general3A_142, %reduce_sum3A_143 [1] : vector<128x64xf32> to vector<128xf32>
    %broadcast_in_dim3A_145 = vector.shape_cast %reduce_sum3A_144 : vector<128xf32> to vector<128x1xf32>
    %add3A_146 = arith.addf %broadcast_in_dim3A_145, %broadcast_in_dim3A : vector<128x1xf32>
    %get3A_147 = arith.constant 4 : index
    %get3A_148 = arith.constant 0 : index
    %get3A_149 = vector.load %arg2[%get3A_147, %get3A_148] : memref<64x128xi32, #tpu.memory_space<vmem>>, vector<1x128xi32>
    %eq3A_150 = vector.broadcast %get3A_149 : vector<1x128xi32> to vector<128x128xi32>
    %eq3A_151 = arith.cmpi eq, %iota3A, %eq3A_150 : vector<128x128xi32>
    %convert_element_type3A_152 = arith.extui %eq3A_151 : vector<128x128xi1> to vector<128x128xi32>
    %convert_element_type3A_153 = arith.sitofp %convert_element_type3A_152 : vector<128x128xi32> to vector<128x128xf32>
    %dot_general3A_154 = arith.constant dense<0.000000e+00> : vector<128x64xf32>
    %dot_general3A_155 = tpu.matmul %convert_element_type3A_153, %get3A_5, %dot_general3A_154 {dimension_numbers = #tpu.dot_dimension_numbers<[0], [0], [1], [1], [0, 1, 1, 1], [], []>, transpose_lhs_hint = false} : vector<128x128xf32>, vector<128x64xf32>, vector<128x64xf32> -> vector<128x64xf32>
    %get3A_156 = arith.constant 4 : index
    %get3A_157 = arith.constant 0 : index
    %get3A_158 = vector.load %arg1[%get3A_156, %get3A_157] : memref<64x64xf32, #tpu.memory_space<vmem>>, vector<1x64xf32>
    %mul3A_159 = vector.broadcast %get3A_158 : vector<1x64xf32> to vector<128x64xf32>
    %mul3A_160 = arith.mulf %dot_general3A_155, %mul3A_159 : vector<128x64xf32>
    %get3A_161 = arith.constant 4 : index
    %get3A_162 = arith.constant 0 : index
    %get3A_163 = arith.constant 0 : index
    %get3A_164 = vector.load %arg3[%get3A_161, %get3A_162, %get3A_163] : memref<64x64x64xf32, #tpu.memory_space<vmem>>, vector<1x64x64xf32>
    %get3A_165 = vector.shape_cast %get3A_164 : vector<1x64x64xf32> to vector<64x64xf32>
    %dot_general3A_166 = arith.constant dense<0.000000e+00> : vector<128x64xf32>
    %dot_general3A_167 = tpu.matmul %mul3A_160, %get3A_165, %dot_general3A_166 {dimension_numbers = #tpu.dot_dimension_numbers<[1], [0], [0], [1], [0, 0, 1, 1], [], []>, transpose_lhs_hint = false} : vector<128x64xf32>, vector<64x64xf32>, vector<128x64xf32> -> vector<128x64xf32>
    %add3A_168 = arith.addf %dot_general3A_167, %get3A_8 : vector<128x64xf32>
    %max3A_169 = arith.constant 0.000000e+00 : f32
    %max3A_170 = vector.broadcast %max3A_169 : f32 to vector<128x64xf32>
    %max3A_171 = arith.maximumf %add3A_168, %max3A_170 : vector<128x64xf32>
    %get3A_172 = arith.constant 4 : index
    %get3A_173 = arith.constant 0 : index
    %get3A_174 = arith.constant 0 : index
    %get3A_175 = vector.load %arg4[%get3A_172, %get3A_173, %get3A_174] : memref<64x64x64xf32, #tpu.memory_space<vmem>>, vector<1x64x64xf32>
    %get3A_176 = vector.shape_cast %get3A_175 : vector<1x64x64xf32> to vector<64x64xf32>
    %dot_general3A_177 = arith.constant dense<0.000000e+00> : vector<128x64xf32>
    %dot_general3A_178 = tpu.matmul %max3A_171, %get3A_176, %dot_general3A_177 {dimension_numbers = #tpu.dot_dimension_numbers<[1], [0], [0], [1], [0, 0, 1, 1], [], []>, transpose_lhs_hint = false} : vector<128x64xf32>, vector<64x64xf32>, vector<128x64xf32> -> vector<128x64xf32>
    %reduce_sum3A_179 = arith.constant dense<0.000000e+00> : vector<128xf32>
    %reduce_sum3A_180 = vector.multi_reduction <add>, %dot_general3A_178, %reduce_sum3A_179 [1] : vector<128x64xf32> to vector<128xf32>
    %broadcast_in_dim3A_181 = vector.shape_cast %reduce_sum3A_180 : vector<128xf32> to vector<128x1xf32>
    %add3A_182 = arith.addf %broadcast_in_dim3A_181, %broadcast_in_dim3A : vector<128x1xf32>
    %get3A_183 = arith.constant 5 : index
    %get3A_184 = arith.constant 0 : index
    %get3A_185 = vector.load %arg2[%get3A_183, %get3A_184] : memref<64x128xi32, #tpu.memory_space<vmem>>, vector<1x128xi32>
    %eq3A_186 = vector.broadcast %get3A_185 : vector<1x128xi32> to vector<128x128xi32>
    %eq3A_187 = arith.cmpi eq, %iota3A, %eq3A_186 : vector<128x128xi32>
    %convert_element_type3A_188 = arith.extui %eq3A_187 : vector<128x128xi1> to vector<128x128xi32>
    %convert_element_type3A_189 = arith.sitofp %convert_element_type3A_188 : vector<128x128xi32> to vector<128x128xf32>
    %dot_general3A_190 = arith.constant dense<0.000000e+00> : vector<128x64xf32>
    %dot_general3A_191 = tpu.matmul %convert_element_type3A_189, %get3A_5, %dot_general3A_190 {dimension_numbers = #tpu.dot_dimension_numbers<[0], [0], [1], [1], [0, 1, 1, 1], [], []>, transpose_lhs_hint = false} : vector<128x128xf32>, vector<128x64xf32>, vector<128x64xf32> -> vector<128x64xf32>
    %get3A_192 = arith.constant 5 : index
    %get3A_193 = arith.constant 0 : index
    %get3A_194 = vector.load %arg1[%get3A_192, %get3A_193] : memref<64x64xf32, #tpu.memory_space<vmem>>, vector<1x64xf32>
    %mul3A_195 = vector.broadcast %get3A_194 : vector<1x64xf32> to vector<128x64xf32>
    %mul3A_196 = arith.mulf %dot_general3A_191, %mul3A_195 : vector<128x64xf32>
    %get3A_197 = arith.constant 5 : index
    %get3A_198 = arith.constant 0 : index
    %get3A_199 = arith.constant 0 : index
    %get3A_200 = vector.load %arg3[%get3A_197, %get3A_198, %get3A_199] : memref<64x64x64xf32, #tpu.memory_space<vmem>>, vector<1x64x64xf32>
    %get3A_201 = vector.shape_cast %get3A_200 : vector<1x64x64xf32> to vector<64x64xf32>
    %dot_general3A_202 = arith.constant dense<0.000000e+00> : vector<128x64xf32>
    %dot_general3A_203 = tpu.matmul %mul3A_196, %get3A_201, %dot_general3A_202 {dimension_numbers = #tpu.dot_dimension_numbers<[1], [0], [0], [1], [0, 0, 1, 1], [], []>, transpose_lhs_hint = false} : vector<128x64xf32>, vector<64x64xf32>, vector<128x64xf32> -> vector<128x64xf32>
    %add3A_204 = arith.addf %dot_general3A_203, %get3A_8 : vector<128x64xf32>
    %max3A_205 = arith.constant 0.000000e+00 : f32
    %max3A_206 = vector.broadcast %max3A_205 : f32 to vector<128x64xf32>
    %max3A_207 = arith.maximumf %add3A_204, %max3A_206 : vector<128x64xf32>
    %get3A_208 = arith.constant 5 : index
    %get3A_209 = arith.constant 0 : index
    %get3A_210 = arith.constant 0 : index
    %get3A_211 = vector.load %arg4[%get3A_208, %get3A_209, %get3A_210] : memref<64x64x64xf32, #tpu.memory_space<vmem>>, vector<1x64x64xf32>
    %get3A_212 = vector.shape_cast %get3A_211 : vector<1x64x64xf32> to vector<64x64xf32>
    %dot_general3A_213 = arith.constant dense<0.000000e+00> : vector<128x64xf32>
    %dot_general3A_214 = tpu.matmul %max3A_207, %get3A_212, %dot_general3A_213 {dimension_numbers = #tpu.dot_dimension_numbers<[1], [0], [0], [1], [0, 0, 1, 1], [], []>, transpose_lhs_hint = false} : vector<128x64xf32>, vector<64x64xf32>, vector<128x64xf32> -> vector<128x64xf32>
    %reduce_sum3A_215 = arith.constant dense<0.000000e+00> : vector<128xf32>
    %reduce_sum3A_216 = vector.multi_reduction <add>, %dot_general3A_214, %reduce_sum3A_215 [1] : vector<128x64xf32> to vector<128xf32>
    %broadcast_in_dim3A_217 = vector.shape_cast %reduce_sum3A_216 : vector<128xf32> to vector<128x1xf32>
    %add3A_218 = arith.addf %broadcast_in_dim3A_217, %broadcast_in_dim3A : vector<128x1xf32>
    %get3A_219 = arith.constant 6 : index
    %get3A_220 = arith.constant 0 : index
    %get3A_221 = vector.load %arg2[%get3A_219, %get3A_220] : memref<64x128xi32, #tpu.memory_space<vmem>>, vector<1x128xi32>
    %eq3A_222 = vector.broadcast %get3A_221 : vector<1x128xi32> to vector<128x128xi32>
    %eq3A_223 = arith.cmpi eq, %iota3A, %eq3A_222 : vector<128x128xi32>
    %convert_element_type3A_224 = arith.extui %eq3A_223 : vector<128x128xi1> to vector<128x128xi32>
    %convert_element_type3A_225 = arith.sitofp %convert_element_type3A_224 : vector<128x128xi32> to vector<128x128xf32>
    %dot_general3A_226 = arith.constant dense<0.000000e+00> : vector<128x64xf32>
    %dot_general3A_227 = tpu.matmul %convert_element_type3A_225, %get3A_5, %dot_general3A_226 {dimension_numbers = #tpu.dot_dimension_numbers<[0], [0], [1], [1], [0, 1, 1, 1], [], []>, transpose_lhs_hint = false} : vector<128x128xf32>, vector<128x64xf32>, vector<128x64xf32> -> vector<128x64xf32>
    %get3A_228 = arith.constant 6 : index
    %get3A_229 = arith.constant 0 : index
    %get3A_230 = vector.load %arg1[%get3A_228, %get3A_229] : memref<64x64xf32, #tpu.memory_space<vmem>>, vector<1x64xf32>
    %mul3A_231 = vector.broadcast %get3A_230 : vector<1x64xf32> to vector<128x64xf32>
    %mul3A_232 = arith.mulf %dot_general3A_227, %mul3A_231 : vector<128x64xf32>
    %get3A_233 = arith.constant 6 : index
    %get3A_234 = arith.constant 0 : index
    %get3A_235 = arith.constant 0 : index
    %get3A_236 = vector.load %arg3[%get3A_233, %get3A_234, %get3A_235] : memref<64x64x64xf32, #tpu.memory_space<vmem>>, vector<1x64x64xf32>
    %get3A_237 = vector.shape_cast %get3A_236 : vector<1x64x64xf32> to vector<64x64xf32>
    %dot_general3A_238 = arith.constant dense<0.000000e+00> : vector<128x64xf32>
    %dot_general3A_239 = tpu.matmul %mul3A_232, %get3A_237, %dot_general3A_238 {dimension_numbers = #tpu.dot_dimension_numbers<[1], [0], [0], [1], [0, 0, 1, 1], [], []>, transpose_lhs_hint = false} : vector<128x64xf32>, vector<64x64xf32>, vector<128x64xf32> -> vector<128x64xf32>
    %add3A_240 = arith.addf %dot_general3A_239, %get3A_8 : vector<128x64xf32>
    %max3A_241 = arith.constant 0.000000e+00 : f32
    %max3A_242 = vector.broadcast %max3A_241 : f32 to vector<128x64xf32>
    %max3A_243 = arith.maximumf %add3A_240, %max3A_242 : vector<128x64xf32>
    %get3A_244 = arith.constant 6 : index
    %get3A_245 = arith.constant 0 : index
    %get3A_246 = arith.constant 0 : index
    %get3A_247 = vector.load %arg4[%get3A_244, %get3A_245, %get3A_246] : memref<64x64x64xf32, #tpu.memory_space<vmem>>, vector<1x64x64xf32>
    %get3A_248 = vector.shape_cast %get3A_247 : vector<1x64x64xf32> to vector<64x64xf32>
    %dot_general3A_249 = arith.constant dense<0.000000e+00> : vector<128x64xf32>
    %dot_general3A_250 = tpu.matmul %max3A_243, %get3A_248, %dot_general3A_249 {dimension_numbers = #tpu.dot_dimension_numbers<[1], [0], [0], [1], [0, 0, 1, 1], [], []>, transpose_lhs_hint = false} : vector<128x64xf32>, vector<64x64xf32>, vector<128x64xf32> -> vector<128x64xf32>
    %reduce_sum3A_251 = arith.constant dense<0.000000e+00> : vector<128xf32>
    %reduce_sum3A_252 = vector.multi_reduction <add>, %dot_general3A_250, %reduce_sum3A_251 [1] : vector<128x64xf32> to vector<128xf32>
    %broadcast_in_dim3A_253 = vector.shape_cast %reduce_sum3A_252 : vector<128xf32> to vector<128x1xf32>
    %add3A_254 = arith.addf %broadcast_in_dim3A_253, %broadcast_in_dim3A : vector<128x1xf32>
    %get3A_255 = arith.constant 7 : index
    %get3A_256 = arith.constant 0 : index
    %get3A_257 = vector.load %arg2[%get3A_255, %get3A_256] : memref<64x128xi32, #tpu.memory_space<vmem>>, vector<1x128xi32>
    %eq3A_258 = vector.broadcast %get3A_257 : vector<1x128xi32> to vector<128x128xi32>
    %eq3A_259 = arith.cmpi eq, %iota3A, %eq3A_258 : vector<128x128xi32>
    %convert_element_type3A_260 = arith.extui %eq3A_259 : vector<128x128xi1> to vector<128x128xi32>
    %convert_element_type3A_261 = arith.sitofp %convert_element_type3A_260 : vector<128x128xi32> to vector<128x128xf32>
    %dot_general3A_262 = arith.constant dense<0.000000e+00> : vector<128x64xf32>
    %dot_general3A_263 = tpu.matmul %convert_element_type3A_261, %get3A_5, %dot_general3A_262 {dimension_numbers = #tpu.dot_dimension_numbers<[0], [0], [1], [1], [0, 1, 1, 1], [], []>, transpose_lhs_hint = false} : vector<128x128xf32>, vector<128x64xf32>, vector<128x64xf32> -> vector<128x64xf32>
    %get3A_264 = arith.constant 7 : index
    %get3A_265 = arith.constant 0 : index
    %get3A_266 = vector.load %arg1[%get3A_264, %get3A_265] : memref<64x64xf32, #tpu.memory_space<vmem>>, vector<1x64xf32>
    %mul3A_267 = vector.broadcast %get3A_266 : vector<1x64xf32> to vector<128x64xf32>
    %mul3A_268 = arith.mulf %dot_general3A_263, %mul3A_267 : vector<128x64xf32>
    %get3A_269 = arith.constant 7 : index
    %get3A_270 = arith.constant 0 : index
    %get3A_271 = arith.constant 0 : index
    %get3A_272 = vector.load %arg3[%get3A_269, %get3A_270, %get3A_271] : memref<64x64x64xf32, #tpu.memory_space<vmem>>, vector<1x64x64xf32>
    %get3A_273 = vector.shape_cast %get3A_272 : vector<1x64x64xf32> to vector<64x64xf32>
    %dot_general3A_274 = arith.constant dense<0.000000e+00> : vector<128x64xf32>
    %dot_general3A_275 = tpu.matmul %mul3A_268, %get3A_273, %dot_general3A_274 {dimension_numbers = #tpu.dot_dimension_numbers<[1], [0], [0], [1], [0, 0, 1, 1], [], []>, transpose_lhs_hint = false} : vector<128x64xf32>, vector<64x64xf32>, vector<128x64xf32> -> vector<128x64xf32>
    %add3A_276 = arith.addf %dot_general3A_275, %get3A_8 : vector<128x64xf32>
    %max3A_277 = arith.constant 0.000000e+00 : f32
    %max3A_278 = vector.broadcast %max3A_277 : f32 to vector<128x64xf32>
    %max3A_279 = arith.maximumf %add3A_276, %max3A_278 : vector<128x64xf32>
    %get3A_280 = arith.constant 7 : index
    %get3A_281 = arith.constant 0 : index
    %get3A_282 = arith.constant 0 : index
    %get3A_283 = vector.load %arg4[%get3A_280, %get3A_281, %get3A_282] : memref<64x64x64xf32, #tpu.memory_space<vmem>>, vector<1x64x64xf32>
    %get3A_284 = vector.shape_cast %get3A_283 : vector<1x64x64xf32> to vector<64x64xf32>
    %dot_general3A_285 = arith.constant dense<0.000000e+00> : vector<128x64xf32>
    %dot_general3A_286 = tpu.matmul %max3A_279, %get3A_284, %dot_general3A_285 {dimension_numbers = #tpu.dot_dimension_numbers<[1], [0], [0], [1], [0, 0, 1, 1], [], []>, transpose_lhs_hint = false} : vector<128x64xf32>, vector<64x64xf32>, vector<128x64xf32> -> vector<128x64xf32>
    %reduce_sum3A_287 = arith.constant dense<0.000000e+00> : vector<128xf32>
    %reduce_sum3A_288 = vector.multi_reduction <add>, %dot_general3A_286, %reduce_sum3A_287 [1] : vector<128x64xf32> to vector<128xf32>
    %broadcast_in_dim3A_289 = vector.shape_cast %reduce_sum3A_288 : vector<128xf32> to vector<128x1xf32>
    %add3A_290 = arith.addf %broadcast_in_dim3A_289, %broadcast_in_dim3A : vector<128x1xf32>
    %get3A_291 = arith.constant 8 : index
    %get3A_292 = arith.constant 0 : index
    %get3A_293 = vector.load %arg2[%get3A_291, %get3A_292] : memref<64x128xi32, #tpu.memory_space<vmem>>, vector<1x128xi32>
    %eq3A_294 = vector.broadcast %get3A_293 : vector<1x128xi32> to vector<128x128xi32>
    %eq3A_295 = arith.cmpi eq, %iota3A, %eq3A_294 : vector<128x128xi32>
    %convert_element_type3A_296 = arith.extui %eq3A_295 : vector<128x128xi1> to vector<128x128xi32>
    %convert_element_type3A_297 = arith.sitofp %convert_element_type3A_296 : vector<128x128xi32> to vector<128x128xf32>
    %dot_general3A_298 = arith.constant dense<0.000000e+00> : vector<128x64xf32>
    %dot_general3A_299 = tpu.matmul %convert_element_type3A_297, %get3A_5, %dot_general3A_298 {dimension_numbers = #tpu.dot_dimension_numbers<[0], [0], [1], [1], [0, 1, 1, 1], [], []>, transpose_lhs_hint = false} : vector<128x128xf32>, vector<128x64xf32>, vector<128x64xf32> -> vector<128x64xf32>
    %get3A_300 = arith.constant 8 : index
    %get3A_301 = arith.constant 0 : index
    %get3A_302 = vector.load %arg1[%get3A_300, %get3A_301] : memref<64x64xf32, #tpu.memory_space<vmem>>, vector<1x64xf32>
    %mul3A_303 = vector.broadcast %get3A_302 : vector<1x64xf32> to vector<128x64xf32>
    %mul3A_304 = arith.mulf %dot_general3A_299, %mul3A_303 : vector<128x64xf32>
    %get3A_305 = arith.constant 8 : index
    %get3A_306 = arith.constant 0 : index
    %get3A_307 = arith.constant 0 : index
    %get3A_308 = vector.load %arg3[%get3A_305, %get3A_306, %get3A_307] : memref<64x64x64xf32, #tpu.memory_space<vmem>>, vector<1x64x64xf32>
    %get3A_309 = vector.shape_cast %get3A_308 : vector<1x64x64xf32> to vector<64x64xf32>
    %dot_general3A_310 = arith.constant dense<0.000000e+00> : vector<128x64xf32>
    %dot_general3A_311 = tpu.matmul %mul3A_304, %get3A_309, %dot_general3A_310 {dimension_numbers = #tpu.dot_dimension_numbers<[1], [0], [0], [1], [0, 0, 1, 1], [], []>, transpose_lhs_hint = false} : vector<128x64xf32>, vector<64x64xf32>, vector<128x64xf32> -> vector<128x64xf32>
    %add3A_312 = arith.addf %dot_general3A_311, %get3A_8 : vector<128x64xf32>
    %max3A_313 = arith.constant 0.000000e+00 : f32
    %max3A_314 = vector.broadcast %max3A_313 : f32 to vector<128x64xf32>
    %max3A_315 = arith.maximumf %add3A_312, %max3A_314 : vector<128x64xf32>
    %get3A_316 = arith.constant 8 : index
    %get3A_317 = arith.constant 0 : index
    %get3A_318 = arith.constant 0 : index
    %get3A_319 = vector.load %arg4[%get3A_316, %get3A_317, %get3A_318] : memref<64x64x64xf32, #tpu.memory_space<vmem>>, vector<1x64x64xf32>
    %get3A_320 = vector.shape_cast %get3A_319 : vector<1x64x64xf32> to vector<64x64xf32>
    %dot_general3A_321 = arith.constant dense<0.000000e+00> : vector<128x64xf32>
    %dot_general3A_322 = tpu.matmul %max3A_315, %get3A_320, %dot_general3A_321 {dimension_numbers = #tpu.dot_dimension_numbers<[1], [0], [0], [1], [0, 0, 1, 1], [], []>, transpose_lhs_hint = false} : vector<128x64xf32>, vector<64x64xf32>, vector<128x64xf32> -> vector<128x64xf32>
    %reduce_sum3A_323 = arith.constant dense<0.000000e+00> : vector<128xf32>
    %reduce_sum3A_324 = vector.multi_reduction <add>, %dot_general3A_322, %reduce_sum3A_323 [1] : vector<128x64xf32> to vector<128xf32>
    %broadcast_in_dim3A_325 = vector.shape_cast %reduce_sum3A_324 : vector<128xf32> to vector<128x1xf32>
    %add3A_326 = arith.addf %broadcast_in_dim3A_325, %broadcast_in_dim3A : vector<128x1xf32>
    %get3A_327 = arith.constant 9 : index
    %get3A_328 = arith.constant 0 : index
    %get3A_329 = vector.load %arg2[%get3A_327, %get3A_328] : memref<64x128xi32, #tpu.memory_space<vmem>>, vector<1x128xi32>
    %eq3A_330 = vector.broadcast %get3A_329 : vector<1x128xi32> to vector<128x128xi32>
    %eq3A_331 = arith.cmpi eq, %iota3A, %eq3A_330 : vector<128x128xi32>
    %convert_element_type3A_332 = arith.extui %eq3A_331 : vector<128x128xi1> to vector<128x128xi32>
    %convert_element_type3A_333 = arith.sitofp %convert_element_type3A_332 : vector<128x128xi32> to vector<128x128xf32>
    %dot_general3A_334 = arith.constant dense<0.000000e+00> : vector<128x64xf32>
    %dot_general3A_335 = tpu.matmul %convert_element_type3A_333, %get3A_5, %dot_general3A_334 {dimension_numbers = #tpu.dot_dimension_numbers<[0], [0], [1], [1], [0, 1, 1, 1], [], []>, transpose_lhs_hint = false} : vector<128x128xf32>, vector<128x64xf32>, vector<128x64xf32> -> vector<128x64xf32>
    %get3A_336 = arith.constant 9 : index
    %get3A_337 = arith.constant 0 : index
    %get3A_338 = vector.load %arg1[%get3A_336, %get3A_337] : memref<64x64xf32, #tpu.memory_space<vmem>>, vector<1x64xf32>
    %mul3A_339 = vector.broadcast %get3A_338 : vector<1x64xf32> to vector<128x64xf32>
    %mul3A_340 = arith.mulf %dot_general3A_335, %mul3A_339 : vector<128x64xf32>
    %get3A_341 = arith.constant 9 : index
    %get3A_342 = arith.constant 0 : index
    %get3A_343 = arith.constant 0 : index
    %get3A_344 = vector.load %arg3[%get3A_341, %get3A_342, %get3A_343] : memref<64x64x64xf32, #tpu.memory_space<vmem>>, vector<1x64x64xf32>
    %get3A_345 = vector.shape_cast %get3A_344 : vector<1x64x64xf32> to vector<64x64xf32>
    %dot_general3A_346 = arith.constant dense<0.000000e+00> : vector<128x64xf32>
    %dot_general3A_347 = tpu.matmul %mul3A_340, %get3A_345, %dot_general3A_346 {dimension_numbers = #tpu.dot_dimension_numbers<[1], [0], [0], [1], [0, 0, 1, 1], [], []>, transpose_lhs_hint = false} : vector<128x64xf32>, vector<64x64xf32>, vector<128x64xf32> -> vector<128x64xf32>
    %add3A_348 = arith.addf %dot_general3A_347, %get3A_8 : vector<128x64xf32>
    %max3A_349 = arith.constant 0.000000e+00 : f32
    %max3A_350 = vector.broadcast %max3A_349 : f32 to vector<128x64xf32>
    %max3A_351 = arith.maximumf %add3A_348, %max3A_350 : vector<128x64xf32>
    %get3A_352 = arith.constant 9 : index
    %get3A_353 = arith.constant 0 : index
    %get3A_354 = arith.constant 0 : index
    %get3A_355 = vector.load %arg4[%get3A_352, %get3A_353, %get3A_354] : memref<64x64x64xf32, #tpu.memory_space<vmem>>, vector<1x64x64xf32>
    %get3A_356 = vector.shape_cast %get3A_355 : vector<1x64x64xf32> to vector<64x64xf32>
    %dot_general3A_357 = arith.constant dense<0.000000e+00> : vector<128x64xf32>
    %dot_general3A_358 = tpu.matmul %max3A_351, %get3A_356, %dot_general3A_357 {dimension_numbers = #tpu.dot_dimension_numbers<[1], [0], [0], [1], [0, 0, 1, 1], [], []>, transpose_lhs_hint = false} : vector<128x64xf32>, vector<64x64xf32>, vector<128x64xf32> -> vector<128x64xf32>
    %reduce_sum3A_359 = arith.constant dense<0.000000e+00> : vector<128xf32>
    %reduce_sum3A_360 = vector.multi_reduction <add>, %dot_general3A_358, %reduce_sum3A_359 [1] : vector<128x64xf32> to vector<128xf32>
    %broadcast_in_dim3A_361 = vector.shape_cast %reduce_sum3A_360 : vector<128xf32> to vector<128x1xf32>
    %add3A_362 = arith.addf %broadcast_in_dim3A_361, %broadcast_in_dim3A : vector<128x1xf32>
    %get3A_363 = arith.constant 10 : index
    %get3A_364 = arith.constant 0 : index
    %get3A_365 = vector.load %arg2[%get3A_363, %get3A_364] : memref<64x128xi32, #tpu.memory_space<vmem>>, vector<1x128xi32>
    %eq3A_366 = vector.broadcast %get3A_365 : vector<1x128xi32> to vector<128x128xi32>
    %eq3A_367 = arith.cmpi eq, %iota3A, %eq3A_366 : vector<128x128xi32>
    %convert_element_type3A_368 = arith.extui %eq3A_367 : vector<128x128xi1> to vector<128x128xi32>
    %convert_element_type3A_369 = arith.sitofp %convert_element_type3A_368 : vector<128x128xi32> to vector<128x128xf32>
    %dot_general3A_370 = arith.constant dense<0.000000e+00> : vector<128x64xf32>
    %dot_general3A_371 = tpu.matmul %convert_element_type3A_369, %get3A_5, %dot_general3A_370 {dimension_numbers = #tpu.dot_dimension_numbers<[0], [0], [1], [1], [0, 1, 1, 1], [], []>, transpose_lhs_hint = false} : vector<128x128xf32>, vector<128x64xf32>, vector<128x64xf32> -> vector<128x64xf32>
    %get3A_372 = arith.constant 10 : index
    %get3A_373 = arith.constant 0 : index
    %get3A_374 = vector.load %arg1[%get3A_372, %get3A_373] : memref<64x64xf32, #tpu.memory_space<vmem>>, vector<1x64xf32>
    %mul3A_375 = vector.broadcast %get3A_374 : vector<1x64xf32> to vector<128x64xf32>
    %mul3A_376 = arith.mulf %dot_general3A_371, %mul3A_375 : vector<128x64xf32>
    %get3A_377 = arith.constant 10 : index
    %get3A_378 = arith.constant 0 : index
    %get3A_379 = arith.constant 0 : index
    %get3A_380 = vector.load %arg3[%get3A_377, %get3A_378, %get3A_379] : memref<64x64x64xf32, #tpu.memory_space<vmem>>, vector<1x64x64xf32>
    %get3A_381 = vector.shape_cast %get3A_380 : vector<1x64x64xf32> to vector<64x64xf32>
    %dot_general3A_382 = arith.constant dense<0.000000e+00> : vector<128x64xf32>
    %dot_general3A_383 = tpu.matmul %mul3A_376, %get3A_381, %dot_general3A_382 {dimension_numbers = #tpu.dot_dimension_numbers<[1], [0], [0], [1], [0, 0, 1, 1], [], []>, transpose_lhs_hint = false} : vector<128x64xf32>, vector<64x64xf32>, vector<128x64xf32> -> vector<128x64xf32>
    %add3A_384 = arith.addf %dot_general3A_383, %get3A_8 : vector<128x64xf32>
    %max3A_385 = arith.constant 0.000000e+00 : f32
    %max3A_386 = vector.broadcast %max3A_385 : f32 to vector<128x64xf32>
    %max3A_387 = arith.maximumf %add3A_384, %max3A_386 : vector<128x64xf32>
    %get3A_388 = arith.constant 10 : index
    %get3A_389 = arith.constant 0 : index
    %get3A_390 = arith.constant 0 : index
    %get3A_391 = vector.load %arg4[%get3A_388, %get3A_389, %get3A_390] : memref<64x64x64xf32, #tpu.memory_space<vmem>>, vector<1x64x64xf32>
    %get3A_392 = vector.shape_cast %get3A_391 : vector<1x64x64xf32> to vector<64x64xf32>
    %dot_general3A_393 = arith.constant dense<0.000000e+00> : vector<128x64xf32>
    %dot_general3A_394 = tpu.matmul %max3A_387, %get3A_392, %dot_general3A_393 {dimension_numbers = #tpu.dot_dimension_numbers<[1], [0], [0], [1], [0, 0, 1, 1], [], []>, transpose_lhs_hint = false} : vector<128x64xf32>, vector<64x64xf32>, vector<128x64xf32> -> vector<128x64xf32>
    %reduce_sum3A_395 = arith.constant dense<0.000000e+00> : vector<128xf32>
    %reduce_sum3A_396 = vector.multi_reduction <add>, %dot_general3A_394, %reduce_sum3A_395 [1] : vector<128x64xf32> to vector<128xf32>
    %broadcast_in_dim3A_397 = vector.shape_cast %reduce_sum3A_396 : vector<128xf32> to vector<128x1xf32>
    %add3A_398 = arith.addf %broadcast_in_dim3A_397, %broadcast_in_dim3A : vector<128x1xf32>
    %get3A_399 = arith.constant 11 : index
    %get3A_400 = arith.constant 0 : index
    %get3A_401 = vector.load %arg2[%get3A_399, %get3A_400] : memref<64x128xi32, #tpu.memory_space<vmem>>, vector<1x128xi32>
    %eq3A_402 = vector.broadcast %get3A_401 : vector<1x128xi32> to vector<128x128xi32>
    %eq3A_403 = arith.cmpi eq, %iota3A, %eq3A_402 : vector<128x128xi32>
    %convert_element_type3A_404 = arith.extui %eq3A_403 : vector<128x128xi1> to vector<128x128xi32>
    %convert_element_type3A_405 = arith.sitofp %convert_element_type3A_404 : vector<128x128xi32> to vector<128x128xf32>
    %dot_general3A_406 = arith.constant dense<0.000000e+00> : vector<128x64xf32>
    %dot_general3A_407 = tpu.matmul %convert_element_type3A_405, %get3A_5, %dot_general3A_406 {dimension_numbers = #tpu.dot_dimension_numbers<[0], [0], [1], [1], [0, 1, 1, 1], [], []>, transpose_lhs_hint = false} : vector<128x128xf32>, vector<128x64xf32>, vector<128x64xf32> -> vector<128x64xf32>
    %get3A_408 = arith.constant 11 : index
    %get3A_409 = arith.constant 0 : index
    %get3A_410 = vector.load %arg1[%get3A_408, %get3A_409] : memref<64x64xf32, #tpu.memory_space<vmem>>, vector<1x64xf32>
    %mul3A_411 = vector.broadcast %get3A_410 : vector<1x64xf32> to vector<128x64xf32>
    %mul3A_412 = arith.mulf %dot_general3A_407, %mul3A_411 : vector<128x64xf32>
    %get3A_413 = arith.constant 11 : index
    %get3A_414 = arith.constant 0 : index
    %get3A_415 = arith.constant 0 : index
    %get3A_416 = vector.load %arg3[%get3A_413, %get3A_414, %get3A_415] : memref<64x64x64xf32, #tpu.memory_space<vmem>>, vector<1x64x64xf32>
    %get3A_417 = vector.shape_cast %get3A_416 : vector<1x64x64xf32> to vector<64x64xf32>
    %dot_general3A_418 = arith.constant dense<0.000000e+00> : vector<128x64xf32>
    %dot_general3A_419 = tpu.matmul %mul3A_412, %get3A_417, %dot_general3A_418 {dimension_numbers = #tpu.dot_dimension_numbers<[1], [0], [0], [1], [0, 0, 1, 1], [], []>, transpose_lhs_hint = false} : vector<128x64xf32>, vector<64x64xf32>, vector<128x64xf32> -> vector<128x64xf32>
    %add3A_420 = arith.addf %dot_general3A_419, %get3A_8 : vector<128x64xf32>
    %max3A_421 = arith.constant 0.000000e+00 : f32
    %max3A_422 = vector.broadcast %max3A_421 : f32 to vector<128x64xf32>
    %max3A_423 = arith.maximumf %add3A_420, %max3A_422 : vector<128x64xf32>
    %get3A_424 = arith.constant 11 : index
    %get3A_425 = arith.constant 0 : index
    %get3A_426 = arith.constant 0 : index
    %get3A_427 = vector.load %arg4[%get3A_424, %get3A_425, %get3A_426] : memref<64x64x64xf32, #tpu.memory_space<vmem>>, vector<1x64x64xf32>
    %get3A_428 = vector.shape_cast %get3A_427 : vector<1x64x64xf32> to vector<64x64xf32>
    %dot_general3A_429 = arith.constant dense<0.000000e+00> : vector<128x64xf32>
    %dot_general3A_430 = tpu.matmul %max3A_423, %get3A_428, %dot_general3A_429 {dimension_numbers = #tpu.dot_dimension_numbers<[1], [0], [0], [1], [0, 0, 1, 1], [], []>, transpose_lhs_hint = false} : vector<128x64xf32>, vector<64x64xf32>, vector<128x64xf32> -> vector<128x64xf32>
    %reduce_sum3A_431 = arith.constant dense<0.000000e+00> : vector<128xf32>
    %reduce_sum3A_432 = vector.multi_reduction <add>, %dot_general3A_430, %reduce_sum3A_431 [1] : vector<128x64xf32> to vector<128xf32>
    %broadcast_in_dim3A_433 = vector.shape_cast %reduce_sum3A_432 : vector<128xf32> to vector<128x1xf32>
    %add3A_434 = arith.addf %broadcast_in_dim3A_433, %broadcast_in_dim3A : vector<128x1xf32>
    %get3A_435 = arith.constant 12 : index
    %get3A_436 = arith.constant 0 : index
    %get3A_437 = vector.load %arg2[%get3A_435, %get3A_436] : memref<64x128xi32, #tpu.memory_space<vmem>>, vector<1x128xi32>
    %eq3A_438 = vector.broadcast %get3A_437 : vector<1x128xi32> to vector<128x128xi32>
    %eq3A_439 = arith.cmpi eq, %iota3A, %eq3A_438 : vector<128x128xi32>
    %convert_element_type3A_440 = arith.extui %eq3A_439 : vector<128x128xi1> to vector<128x128xi32>
    %convert_element_type3A_441 = arith.sitofp %convert_element_type3A_440 : vector<128x128xi32> to vector<128x128xf32>
    %dot_general3A_442 = arith.constant dense<0.000000e+00> : vector<128x64xf32>
    %dot_general3A_443 = tpu.matmul %convert_element_type3A_441, %get3A_5, %dot_general3A_442 {dimension_numbers = #tpu.dot_dimension_numbers<[0], [0], [1], [1], [0, 1, 1, 1], [], []>, transpose_lhs_hint = false} : vector<128x128xf32>, vector<128x64xf32>, vector<128x64xf32> -> vector<128x64xf32>
    %get3A_444 = arith.constant 12 : index
    %get3A_445 = arith.constant 0 : index
    %get3A_446 = vector.load %arg1[%get3A_444, %get3A_445] : memref<64x64xf32, #tpu.memory_space<vmem>>, vector<1x64xf32>
    %mul3A_447 = vector.broadcast %get3A_446 : vector<1x64xf32> to vector<128x64xf32>
    %mul3A_448 = arith.mulf %dot_general3A_443, %mul3A_447 : vector<128x64xf32>
    %get3A_449 = arith.constant 12 : index
    %get3A_450 = arith.constant 0 : index
    %get3A_451 = arith.constant 0 : index
    %get3A_452 = vector.load %arg3[%get3A_449, %get3A_450, %get3A_451] : memref<64x64x64xf32, #tpu.memory_space<vmem>>, vector<1x64x64xf32>
    %get3A_453 = vector.shape_cast %get3A_452 : vector<1x64x64xf32> to vector<64x64xf32>
    %dot_general3A_454 = arith.constant dense<0.000000e+00> : vector<128x64xf32>
    %dot_general3A_455 = tpu.matmul %mul3A_448, %get3A_453, %dot_general3A_454 {dimension_numbers = #tpu.dot_dimension_numbers<[1], [0], [0], [1], [0, 0, 1, 1], [], []>, transpose_lhs_hint = false} : vector<128x64xf32>, vector<64x64xf32>, vector<128x64xf32> -> vector<128x64xf32>
    %add3A_456 = arith.addf %dot_general3A_455, %get3A_8 : vector<128x64xf32>
    %max3A_457 = arith.constant 0.000000e+00 : f32
    %max3A_458 = vector.broadcast %max3A_457 : f32 to vector<128x64xf32>
    %max3A_459 = arith.maximumf %add3A_456, %max3A_458 : vector<128x64xf32>
    %get3A_460 = arith.constant 12 : index
    %get3A_461 = arith.constant 0 : index
    %get3A_462 = arith.constant 0 : index
    %get3A_463 = vector.load %arg4[%get3A_460, %get3A_461, %get3A_462] : memref<64x64x64xf32, #tpu.memory_space<vmem>>, vector<1x64x64xf32>
    %get3A_464 = vector.shape_cast %get3A_463 : vector<1x64x64xf32> to vector<64x64xf32>
    %dot_general3A_465 = arith.constant dense<0.000000e+00> : vector<128x64xf32>
    %dot_general3A_466 = tpu.matmul %max3A_459, %get3A_464, %dot_general3A_465 {dimension_numbers = #tpu.dot_dimension_numbers<[1], [0], [0], [1], [0, 0, 1, 1], [], []>, transpose_lhs_hint = false} : vector<128x64xf32>, vector<64x64xf32>, vector<128x64xf32> -> vector<128x64xf32>
    %reduce_sum3A_467 = arith.constant dense<0.000000e+00> : vector<128xf32>
    %reduce_sum3A_468 = vector.multi_reduction <add>, %dot_general3A_466, %reduce_sum3A_467 [1] : vector<128x64xf32> to vector<128xf32>
    %broadcast_in_dim3A_469 = vector.shape_cast %reduce_sum3A_468 : vector<128xf32> to vector<128x1xf32>
    %add3A_470 = arith.addf %broadcast_in_dim3A_469, %broadcast_in_dim3A : vector<128x1xf32>
    %get3A_471 = arith.constant 13 : index
    %get3A_472 = arith.constant 0 : index
    %get3A_473 = vector.load %arg2[%get3A_471, %get3A_472] : memref<64x128xi32, #tpu.memory_space<vmem>>, vector<1x128xi32>
    %eq3A_474 = vector.broadcast %get3A_473 : vector<1x128xi32> to vector<128x128xi32>
    %eq3A_475 = arith.cmpi eq, %iota3A, %eq3A_474 : vector<128x128xi32>
    %convert_element_type3A_476 = arith.extui %eq3A_475 : vector<128x128xi1> to vector<128x128xi32>
    %convert_element_type3A_477 = arith.sitofp %convert_element_type3A_476 : vector<128x128xi32> to vector<128x128xf32>
    %dot_general3A_478 = arith.constant dense<0.000000e+00> : vector<128x64xf32>
    %dot_general3A_479 = tpu.matmul %convert_element_type3A_477, %get3A_5, %dot_general3A_478 {dimension_numbers = #tpu.dot_dimension_numbers<[0], [0], [1], [1], [0, 1, 1, 1], [], []>, transpose_lhs_hint = false} : vector<128x128xf32>, vector<128x64xf32>, vector<128x64xf32> -> vector<128x64xf32>
    %get3A_480 = arith.constant 13 : index
    %get3A_481 = arith.constant 0 : index
    %get3A_482 = vector.load %arg1[%get3A_480, %get3A_481] : memref<64x64xf32, #tpu.memory_space<vmem>>, vector<1x64xf32>
    %mul3A_483 = vector.broadcast %get3A_482 : vector<1x64xf32> to vector<128x64xf32>
    %mul3A_484 = arith.mulf %dot_general3A_479, %mul3A_483 : vector<128x64xf32>
    %get3A_485 = arith.constant 13 : index
    %get3A_486 = arith.constant 0 : index
    %get3A_487 = arith.constant 0 : index
    %get3A_488 = vector.load %arg3[%get3A_485, %get3A_486, %get3A_487] : memref<64x64x64xf32, #tpu.memory_space<vmem>>, vector<1x64x64xf32>
    %get3A_489 = vector.shape_cast %get3A_488 : vector<1x64x64xf32> to vector<64x64xf32>
    %dot_general3A_490 = arith.constant dense<0.000000e+00> : vector<128x64xf32>
    %dot_general3A_491 = tpu.matmul %mul3A_484, %get3A_489, %dot_general3A_490 {dimension_numbers = #tpu.dot_dimension_numbers<[1], [0], [0], [1], [0, 0, 1, 1], [], []>, transpose_lhs_hint = false} : vector<128x64xf32>, vector<64x64xf32>, vector<128x64xf32> -> vector<128x64xf32>
    %add3A_492 = arith.addf %dot_general3A_491, %get3A_8 : vector<128x64xf32>
    %max3A_493 = arith.constant 0.000000e+00 : f32
    %max3A_494 = vector.broadcast %max3A_493 : f32 to vector<128x64xf32>
    %max3A_495 = arith.maximumf %add3A_492, %max3A_494 : vector<128x64xf32>
    %get3A_496 = arith.constant 13 : index
    %get3A_497 = arith.constant 0 : index
    %get3A_498 = arith.constant 0 : index
    %get3A_499 = vector.load %arg4[%get3A_496, %get3A_497, %get3A_498] : memref<64x64x64xf32, #tpu.memory_space<vmem>>, vector<1x64x64xf32>
    %get3A_500 = vector.shape_cast %get3A_499 : vector<1x64x64xf32> to vector<64x64xf32>
    %dot_general3A_501 = arith.constant dense<0.000000e+00> : vector<128x64xf32>
    %dot_general3A_502 = tpu.matmul %max3A_495, %get3A_500, %dot_general3A_501 {dimension_numbers = #tpu.dot_dimension_numbers<[1], [0], [0], [1], [0, 0, 1, 1], [], []>, transpose_lhs_hint = false} : vector<128x64xf32>, vector<64x64xf32>, vector<128x64xf32> -> vector<128x64xf32>
    %reduce_sum3A_503 = arith.constant dense<0.000000e+00> : vector<128xf32>
    %reduce_sum3A_504 = vector.multi_reduction <add>, %dot_general3A_502, %reduce_sum3A_503 [1] : vector<128x64xf32> to vector<128xf32>
    %broadcast_in_dim3A_505 = vector.shape_cast %reduce_sum3A_504 : vector<128xf32> to vector<128x1xf32>
    %add3A_506 = arith.addf %broadcast_in_dim3A_505, %broadcast_in_dim3A : vector<128x1xf32>
    %get3A_507 = arith.constant 14 : index
    %get3A_508 = arith.constant 0 : index
    %get3A_509 = vector.load %arg2[%get3A_507, %get3A_508] : memref<64x128xi32, #tpu.memory_space<vmem>>, vector<1x128xi32>
    %eq3A_510 = vector.broadcast %get3A_509 : vector<1x128xi32> to vector<128x128xi32>
    %eq3A_511 = arith.cmpi eq, %iota3A, %eq3A_510 : vector<128x128xi32>
    %convert_element_type3A_512 = arith.extui %eq3A_511 : vector<128x128xi1> to vector<128x128xi32>
    %convert_element_type3A_513 = arith.sitofp %convert_element_type3A_512 : vector<128x128xi32> to vector<128x128xf32>
    %dot_general3A_514 = arith.constant dense<0.000000e+00> : vector<128x64xf32>
    %dot_general3A_515 = tpu.matmul %convert_element_type3A_513, %get3A_5, %dot_general3A_514 {dimension_numbers = #tpu.dot_dimension_numbers<[0], [0], [1], [1], [0, 1, 1, 1], [], []>, transpose_lhs_hint = false} : vector<128x128xf32>, vector<128x64xf32>, vector<128x64xf32> -> vector<128x64xf32>
    %get3A_516 = arith.constant 14 : index
    %get3A_517 = arith.constant 0 : index
    %get3A_518 = vector.load %arg1[%get3A_516, %get3A_517] : memref<64x64xf32, #tpu.memory_space<vmem>>, vector<1x64xf32>
    %mul3A_519 = vector.broadcast %get3A_518 : vector<1x64xf32> to vector<128x64xf32>
    %mul3A_520 = arith.mulf %dot_general3A_515, %mul3A_519 : vector<128x64xf32>
    %get3A_521 = arith.constant 14 : index
    %get3A_522 = arith.constant 0 : index
    %get3A_523 = arith.constant 0 : index
    %get3A_524 = vector.load %arg3[%get3A_521, %get3A_522, %get3A_523] : memref<64x64x64xf32, #tpu.memory_space<vmem>>, vector<1x64x64xf32>
    %get3A_525 = vector.shape_cast %get3A_524 : vector<1x64x64xf32> to vector<64x64xf32>
    %dot_general3A_526 = arith.constant dense<0.000000e+00> : vector<128x64xf32>
    %dot_general3A_527 = tpu.matmul %mul3A_520, %get3A_525, %dot_general3A_526 {dimension_numbers = #tpu.dot_dimension_numbers<[1], [0], [0], [1], [0, 0, 1, 1], [], []>, transpose_lhs_hint = false} : vector<128x64xf32>, vector<64x64xf32>, vector<128x64xf32> -> vector<128x64xf32>
    %add3A_528 = arith.addf %dot_general3A_527, %get3A_8 : vector<128x64xf32>
    %max3A_529 = arith.constant 0.000000e+00 : f32
    %max3A_530 = vector.broadcast %max3A_529 : f32 to vector<128x64xf32>
    %max3A_531 = arith.maximumf %add3A_528, %max3A_530 : vector<128x64xf32>
    %get3A_532 = arith.constant 14 : index
    %get3A_533 = arith.constant 0 : index
    %get3A_534 = arith.constant 0 : index
    %get3A_535 = vector.load %arg4[%get3A_532, %get3A_533, %get3A_534] : memref<64x64x64xf32, #tpu.memory_space<vmem>>, vector<1x64x64xf32>
    %get3A_536 = vector.shape_cast %get3A_535 : vector<1x64x64xf32> to vector<64x64xf32>
    %dot_general3A_537 = arith.constant dense<0.000000e+00> : vector<128x64xf32>
    %dot_general3A_538 = tpu.matmul %max3A_531, %get3A_536, %dot_general3A_537 {dimension_numbers = #tpu.dot_dimension_numbers<[1], [0], [0], [1], [0, 0, 1, 1], [], []>, transpose_lhs_hint = false} : vector<128x64xf32>, vector<64x64xf32>, vector<128x64xf32> -> vector<128x64xf32>
    %reduce_sum3A_539 = arith.constant dense<0.000000e+00> : vector<128xf32>
    %reduce_sum3A_540 = vector.multi_reduction <add>, %dot_general3A_538, %reduce_sum3A_539 [1] : vector<128x64xf32> to vector<128xf32>
    %broadcast_in_dim3A_541 = vector.shape_cast %reduce_sum3A_540 : vector<128xf32> to vector<128x1xf32>
    %add3A_542 = arith.addf %broadcast_in_dim3A_541, %broadcast_in_dim3A : vector<128x1xf32>
    %get3A_543 = arith.constant 15 : index
    %get3A_544 = arith.constant 0 : index
    %get3A_545 = vector.load %arg2[%get3A_543, %get3A_544] : memref<64x128xi32, #tpu.memory_space<vmem>>, vector<1x128xi32>
    %eq3A_546 = vector.broadcast %get3A_545 : vector<1x128xi32> to vector<128x128xi32>
    %eq3A_547 = arith.cmpi eq, %iota3A, %eq3A_546 : vector<128x128xi32>
    %convert_element_type3A_548 = arith.extui %eq3A_547 : vector<128x128xi1> to vector<128x128xi32>
    %convert_element_type3A_549 = arith.sitofp %convert_element_type3A_548 : vector<128x128xi32> to vector<128x128xf32>
    %dot_general3A_550 = arith.constant dense<0.000000e+00> : vector<128x64xf32>
    %dot_general3A_551 = tpu.matmul %convert_element_type3A_549, %get3A_5, %dot_general3A_550 {dimension_numbers = #tpu.dot_dimension_numbers<[0], [0], [1], [1], [0, 1, 1, 1], [], []>, transpose_lhs_hint = false} : vector<128x128xf32>, vector<128x64xf32>, vector<128x64xf32> -> vector<128x64xf32>
    %get3A_552 = arith.constant 15 : index
    %get3A_553 = arith.constant 0 : index
    %get3A_554 = vector.load %arg1[%get3A_552, %get3A_553] : memref<64x64xf32, #tpu.memory_space<vmem>>, vector<1x64xf32>
    %mul3A_555 = vector.broadcast %get3A_554 : vector<1x64xf32> to vector<128x64xf32>
    %mul3A_556 = arith.mulf %dot_general3A_551, %mul3A_555 : vector<128x64xf32>
    %get3A_557 = arith.constant 15 : index
    %get3A_558 = arith.constant 0 : index
    %get3A_559 = arith.constant 0 : index
    %get3A_560 = vector.load %arg3[%get3A_557, %get3A_558, %get3A_559] : memref<64x64x64xf32, #tpu.memory_space<vmem>>, vector<1x64x64xf32>
    %get3A_561 = vector.shape_cast %get3A_560 : vector<1x64x64xf32> to vector<64x64xf32>
    %dot_general3A_562 = arith.constant dense<0.000000e+00> : vector<128x64xf32>
    %dot_general3A_563 = tpu.matmul %mul3A_556, %get3A_561, %dot_general3A_562 {dimension_numbers = #tpu.dot_dimension_numbers<[1], [0], [0], [1], [0, 0, 1, 1], [], []>, transpose_lhs_hint = false} : vector<128x64xf32>, vector<64x64xf32>, vector<128x64xf32> -> vector<128x64xf32>
    %add3A_564 = arith.addf %dot_general3A_563, %get3A_8 : vector<128x64xf32>
    %max3A_565 = arith.constant 0.000000e+00 : f32
    %max3A_566 = vector.broadcast %max3A_565 : f32 to vector<128x64xf32>
    %max3A_567 = arith.maximumf %add3A_564, %max3A_566 : vector<128x64xf32>
    %get3A_568 = arith.constant 15 : index
    %get3A_569 = arith.constant 0 : index
    %get3A_570 = arith.constant 0 : index
    %get3A_571 = vector.load %arg4[%get3A_568, %get3A_569, %get3A_570] : memref<64x64x64xf32, #tpu.memory_space<vmem>>, vector<1x64x64xf32>
    %get3A_572 = vector.shape_cast %get3A_571 : vector<1x64x64xf32> to vector<64x64xf32>
    %dot_general3A_573 = arith.constant dense<0.000000e+00> : vector<128x64xf32>
    %dot_general3A_574 = tpu.matmul %max3A_567, %get3A_572, %dot_general3A_573 {dimension_numbers = #tpu.dot_dimension_numbers<[1], [0], [0], [1], [0, 0, 1, 1], [], []>, transpose_lhs_hint = false} : vector<128x64xf32>, vector<64x64xf32>, vector<128x64xf32> -> vector<128x64xf32>
    %reduce_sum3A_575 = arith.constant dense<0.000000e+00> : vector<128xf32>
    %reduce_sum3A_576 = vector.multi_reduction <add>, %dot_general3A_574, %reduce_sum3A_575 [1] : vector<128x64xf32> to vector<128xf32>
    %broadcast_in_dim3A_577 = vector.shape_cast %reduce_sum3A_576 : vector<128xf32> to vector<128x1xf32>
    %add3A_578 = arith.addf %broadcast_in_dim3A_577, %broadcast_in_dim3A : vector<128x1xf32>
    %get3A_579 = arith.constant 16 : index
    %get3A_580 = arith.constant 0 : index
    %get3A_581 = vector.load %arg2[%get3A_579, %get3A_580] : memref<64x128xi32, #tpu.memory_space<vmem>>, vector<1x128xi32>
    %eq3A_582 = vector.broadcast %get3A_581 : vector<1x128xi32> to vector<128x128xi32>
    %eq3A_583 = arith.cmpi eq, %iota3A, %eq3A_582 : vector<128x128xi32>
    %convert_element_type3A_584 = arith.extui %eq3A_583 : vector<128x128xi1> to vector<128x128xi32>
    %convert_element_type3A_585 = arith.sitofp %convert_element_type3A_584 : vector<128x128xi32> to vector<128x128xf32>
    %dot_general3A_586 = arith.constant dense<0.000000e+00> : vector<128x64xf32>
    %dot_general3A_587 = tpu.matmul %convert_element_type3A_585, %get3A_5, %dot_general3A_586 {dimension_numbers = #tpu.dot_dimension_numbers<[0], [0], [1], [1], [0, 1, 1, 1], [], []>, transpose_lhs_hint = false} : vector<128x128xf32>, vector<128x64xf32>, vector<128x64xf32> -> vector<128x64xf32>
    %get3A_588 = arith.constant 16 : index
    %get3A_589 = arith.constant 0 : index
    %get3A_590 = vector.load %arg1[%get3A_588, %get3A_589] : memref<64x64xf32, #tpu.memory_space<vmem>>, vector<1x64xf32>
    %mul3A_591 = vector.broadcast %get3A_590 : vector<1x64xf32> to vector<128x64xf32>
    %mul3A_592 = arith.mulf %dot_general3A_587, %mul3A_591 : vector<128x64xf32>
    %get3A_593 = arith.constant 16 : index
    %get3A_594 = arith.constant 0 : index
    %get3A_595 = arith.constant 0 : index
    %get3A_596 = vector.load %arg3[%get3A_593, %get3A_594, %get3A_595] : memref<64x64x64xf32, #tpu.memory_space<vmem>>, vector<1x64x64xf32>
    %get3A_597 = vector.shape_cast %get3A_596 : vector<1x64x64xf32> to vector<64x64xf32>
    %dot_general3A_598 = arith.constant dense<0.000000e+00> : vector<128x64xf32>
    %dot_general3A_599 = tpu.matmul %mul3A_592, %get3A_597, %dot_general3A_598 {dimension_numbers = #tpu.dot_dimension_numbers<[1], [0], [0], [1], [0, 0, 1, 1], [], []>, transpose_lhs_hint = false} : vector<128x64xf32>, vector<64x64xf32>, vector<128x64xf32> -> vector<128x64xf32>
    %add3A_600 = arith.addf %dot_general3A_599, %get3A_8 : vector<128x64xf32>
    %max3A_601 = arith.constant 0.000000e+00 : f32
    %max3A_602 = vector.broadcast %max3A_601 : f32 to vector<128x64xf32>
    %max3A_603 = arith.maximumf %add3A_600, %max3A_602 : vector<128x64xf32>
    %get3A_604 = arith.constant 16 : index
    %get3A_605 = arith.constant 0 : index
    %get3A_606 = arith.constant 0 : index
    %get3A_607 = vector.load %arg4[%get3A_604, %get3A_605, %get3A_606] : memref<64x64x64xf32, #tpu.memory_space<vmem>>, vector<1x64x64xf32>
    %get3A_608 = vector.shape_cast %get3A_607 : vector<1x64x64xf32> to vector<64x64xf32>
    %dot_general3A_609 = arith.constant dense<0.000000e+00> : vector<128x64xf32>
    %dot_general3A_610 = tpu.matmul %max3A_603, %get3A_608, %dot_general3A_609 {dimension_numbers = #tpu.dot_dimension_numbers<[1], [0], [0], [1], [0, 0, 1, 1], [], []>, transpose_lhs_hint = false} : vector<128x64xf32>, vector<64x64xf32>, vector<128x64xf32> -> vector<128x64xf32>
    %reduce_sum3A_611 = arith.constant dense<0.000000e+00> : vector<128xf32>
    %reduce_sum3A_612 = vector.multi_reduction <add>, %dot_general3A_610, %reduce_sum3A_611 [1] : vector<128x64xf32> to vector<128xf32>
    %broadcast_in_dim3A_613 = vector.shape_cast %reduce_sum3A_612 : vector<128xf32> to vector<128x1xf32>
    %add3A_614 = arith.addf %broadcast_in_dim3A_613, %broadcast_in_dim3A : vector<128x1xf32>
    %get3A_615 = arith.constant 17 : index
    %get3A_616 = arith.constant 0 : index
    %get3A_617 = vector.load %arg2[%get3A_615, %get3A_616] : memref<64x128xi32, #tpu.memory_space<vmem>>, vector<1x128xi32>
    %eq3A_618 = vector.broadcast %get3A_617 : vector<1x128xi32> to vector<128x128xi32>
    %eq3A_619 = arith.cmpi eq, %iota3A, %eq3A_618 : vector<128x128xi32>
    %convert_element_type3A_620 = arith.extui %eq3A_619 : vector<128x128xi1> to vector<128x128xi32>
    %convert_element_type3A_621 = arith.sitofp %convert_element_type3A_620 : vector<128x128xi32> to vector<128x128xf32>
    %dot_general3A_622 = arith.constant dense<0.000000e+00> : vector<128x64xf32>
    %dot_general3A_623 = tpu.matmul %convert_element_type3A_621, %get3A_5, %dot_general3A_622 {dimension_numbers = #tpu.dot_dimension_numbers<[0], [0], [1], [1], [0, 1, 1, 1], [], []>, transpose_lhs_hint = false} : vector<128x128xf32>, vector<128x64xf32>, vector<128x64xf32> -> vector<128x64xf32>
    %get3A_624 = arith.constant 17 : index
    %get3A_625 = arith.constant 0 : index
    %get3A_626 = vector.load %arg1[%get3A_624, %get3A_625] : memref<64x64xf32, #tpu.memory_space<vmem>>, vector<1x64xf32>
    %mul3A_627 = vector.broadcast %get3A_626 : vector<1x64xf32> to vector<128x64xf32>
    %mul3A_628 = arith.mulf %dot_general3A_623, %mul3A_627 : vector<128x64xf32>
    %get3A_629 = arith.constant 17 : index
    %get3A_630 = arith.constant 0 : index
    %get3A_631 = arith.constant 0 : index
    %get3A_632 = vector.load %arg3[%get3A_629, %get3A_630, %get3A_631] : memref<64x64x64xf32, #tpu.memory_space<vmem>>, vector<1x64x64xf32>
    %get3A_633 = vector.shape_cast %get3A_632 : vector<1x64x64xf32> to vector<64x64xf32>
    %dot_general3A_634 = arith.constant dense<0.000000e+00> : vector<128x64xf32>
    %dot_general3A_635 = tpu.matmul %mul3A_628, %get3A_633, %dot_general3A_634 {dimension_numbers = #tpu.dot_dimension_numbers<[1], [0], [0], [1], [0, 0, 1, 1], [], []>, transpose_lhs_hint = false} : vector<128x64xf32>, vector<64x64xf32>, vector<128x64xf32> -> vector<128x64xf32>
    %add3A_636 = arith.addf %dot_general3A_635, %get3A_8 : vector<128x64xf32>
    %max3A_637 = arith.constant 0.000000e+00 : f32
    %max3A_638 = vector.broadcast %max3A_637 : f32 to vector<128x64xf32>
    %max3A_639 = arith.maximumf %add3A_636, %max3A_638 : vector<128x64xf32>
    %get3A_640 = arith.constant 17 : index
    %get3A_641 = arith.constant 0 : index
    %get3A_642 = arith.constant 0 : index
    %get3A_643 = vector.load %arg4[%get3A_640, %get3A_641, %get3A_642] : memref<64x64x64xf32, #tpu.memory_space<vmem>>, vector<1x64x64xf32>
    %get3A_644 = vector.shape_cast %get3A_643 : vector<1x64x64xf32> to vector<64x64xf32>
    %dot_general3A_645 = arith.constant dense<0.000000e+00> : vector<128x64xf32>
    %dot_general3A_646 = tpu.matmul %max3A_639, %get3A_644, %dot_general3A_645 {dimension_numbers = #tpu.dot_dimension_numbers<[1], [0], [0], [1], [0, 0, 1, 1], [], []>, transpose_lhs_hint = false} : vector<128x64xf32>, vector<64x64xf32>, vector<128x64xf32> -> vector<128x64xf32>
    %reduce_sum3A_647 = arith.constant dense<0.000000e+00> : vector<128xf32>
    %reduce_sum3A_648 = vector.multi_reduction <add>, %dot_general3A_646, %reduce_sum3A_647 [1] : vector<128x64xf32> to vector<128xf32>
    %broadcast_in_dim3A_649 = vector.shape_cast %reduce_sum3A_648 : vector<128xf32> to vector<128x1xf32>
    %add3A_650 = arith.addf %broadcast_in_dim3A_649, %broadcast_in_dim3A : vector<128x1xf32>
    %get3A_651 = arith.constant 18 : index
    %get3A_652 = arith.constant 0 : index
    %get3A_653 = vector.load %arg2[%get3A_651, %get3A_652] : memref<64x128xi32, #tpu.memory_space<vmem>>, vector<1x128xi32>
    %eq3A_654 = vector.broadcast %get3A_653 : vector<1x128xi32> to vector<128x128xi32>
    %eq3A_655 = arith.cmpi eq, %iota3A, %eq3A_654 : vector<128x128xi32>
    %convert_element_type3A_656 = arith.extui %eq3A_655 : vector<128x128xi1> to vector<128x128xi32>
    %convert_element_type3A_657 = arith.sitofp %convert_element_type3A_656 : vector<128x128xi32> to vector<128x128xf32>
    %dot_general3A_658 = arith.constant dense<0.000000e+00> : vector<128x64xf32>
    %dot_general3A_659 = tpu.matmul %convert_element_type3A_657, %get3A_5, %dot_general3A_658 {dimension_numbers = #tpu.dot_dimension_numbers<[0], [0], [1], [1], [0, 1, 1, 1], [], []>, transpose_lhs_hint = false} : vector<128x128xf32>, vector<128x64xf32>, vector<128x64xf32> -> vector<128x64xf32>
    %get3A_660 = arith.constant 18 : index
    %get3A_661 = arith.constant 0 : index
    %get3A_662 = vector.load %arg1[%get3A_660, %get3A_661] : memref<64x64xf32, #tpu.memory_space<vmem>>, vector<1x64xf32>
    %mul3A_663 = vector.broadcast %get3A_662 : vector<1x64xf32> to vector<128x64xf32>
    %mul3A_664 = arith.mulf %dot_general3A_659, %mul3A_663 : vector<128x64xf32>
    %get3A_665 = arith.constant 18 : index
    %get3A_666 = arith.constant 0 : index
    %get3A_667 = arith.constant 0 : index
    %get3A_668 = vector.load %arg3[%get3A_665, %get3A_666, %get3A_667] : memref<64x64x64xf32, #tpu.memory_space<vmem>>, vector<1x64x64xf32>
    %get3A_669 = vector.shape_cast %get3A_668 : vector<1x64x64xf32> to vector<64x64xf32>
    %dot_general3A_670 = arith.constant dense<0.000000e+00> : vector<128x64xf32>
    %dot_general3A_671 = tpu.matmul %mul3A_664, %get3A_669, %dot_general3A_670 {dimension_numbers = #tpu.dot_dimension_numbers<[1], [0], [0], [1], [0, 0, 1, 1], [], []>, transpose_lhs_hint = false} : vector<128x64xf32>, vector<64x64xf32>, vector<128x64xf32> -> vector<128x64xf32>
    %add3A_672 = arith.addf %dot_general3A_671, %get3A_8 : vector<128x64xf32>
    %max3A_673 = arith.constant 0.000000e+00 : f32
    %max3A_674 = vector.broadcast %max3A_673 : f32 to vector<128x64xf32>
    %max3A_675 = arith.maximumf %add3A_672, %max3A_674 : vector<128x64xf32>
    %get3A_676 = arith.constant 18 : index
    %get3A_677 = arith.constant 0 : index
    %get3A_678 = arith.constant 0 : index
    %get3A_679 = vector.load %arg4[%get3A_676, %get3A_677, %get3A_678] : memref<64x64x64xf32, #tpu.memory_space<vmem>>, vector<1x64x64xf32>
    %get3A_680 = vector.shape_cast %get3A_679 : vector<1x64x64xf32> to vector<64x64xf32>
    %dot_general3A_681 = arith.constant dense<0.000000e+00> : vector<128x64xf32>
    %dot_general3A_682 = tpu.matmul %max3A_675, %get3A_680, %dot_general3A_681 {dimension_numbers = #tpu.dot_dimension_numbers<[1], [0], [0], [1], [0, 0, 1, 1], [], []>, transpose_lhs_hint = false} : vector<128x64xf32>, vector<64x64xf32>, vector<128x64xf32> -> vector<128x64xf32>
    %reduce_sum3A_683 = arith.constant dense<0.000000e+00> : vector<128xf32>
    %reduce_sum3A_684 = vector.multi_reduction <add>, %dot_general3A_682, %reduce_sum3A_683 [1] : vector<128x64xf32> to vector<128xf32>
    %broadcast_in_dim3A_685 = vector.shape_cast %reduce_sum3A_684 : vector<128xf32> to vector<128x1xf32>
    %add3A_686 = arith.addf %broadcast_in_dim3A_685, %broadcast_in_dim3A : vector<128x1xf32>
    %get3A_687 = arith.constant 19 : index
    %get3A_688 = arith.constant 0 : index
    %get3A_689 = vector.load %arg2[%get3A_687, %get3A_688] : memref<64x128xi32, #tpu.memory_space<vmem>>, vector<1x128xi32>
    %eq3A_690 = vector.broadcast %get3A_689 : vector<1x128xi32> to vector<128x128xi32>
    %eq3A_691 = arith.cmpi eq, %iota3A, %eq3A_690 : vector<128x128xi32>
    %convert_element_type3A_692 = arith.extui %eq3A_691 : vector<128x128xi1> to vector<128x128xi32>
    %convert_element_type3A_693 = arith.sitofp %convert_element_type3A_692 : vector<128x128xi32> to vector<128x128xf32>
    %dot_general3A_694 = arith.constant dense<0.000000e+00> : vector<128x64xf32>
    %dot_general3A_695 = tpu.matmul %convert_element_type3A_693, %get3A_5, %dot_general3A_694 {dimension_numbers = #tpu.dot_dimension_numbers<[0], [0], [1], [1], [0, 1, 1, 1], [], []>, transpose_lhs_hint = false} : vector<128x128xf32>, vector<128x64xf32>, vector<128x64xf32> -> vector<128x64xf32>
    %get3A_696 = arith.constant 19 : index
    %get3A_697 = arith.constant 0 : index
    %get3A_698 = vector.load %arg1[%get3A_696, %get3A_697] : memref<64x64xf32, #tpu.memory_space<vmem>>, vector<1x64xf32>
    %mul3A_699 = vector.broadcast %get3A_698 : vector<1x64xf32> to vector<128x64xf32>
    %mul3A_700 = arith.mulf %dot_general3A_695, %mul3A_699 : vector<128x64xf32>
    %get3A_701 = arith.constant 19 : index
    %get3A_702 = arith.constant 0 : index
    %get3A_703 = arith.constant 0 : index
    %get3A_704 = vector.load %arg3[%get3A_701, %get3A_702, %get3A_703] : memref<64x64x64xf32, #tpu.memory_space<vmem>>, vector<1x64x64xf32>
    %get3A_705 = vector.shape_cast %get3A_704 : vector<1x64x64xf32> to vector<64x64xf32>
    %dot_general3A_706 = arith.constant dense<0.000000e+00> : vector<128x64xf32>
    %dot_general3A_707 = tpu.matmul %mul3A_700, %get3A_705, %dot_general3A_706 {dimension_numbers = #tpu.dot_dimension_numbers<[1], [0], [0], [1], [0, 0, 1, 1], [], []>, transpose_lhs_hint = false} : vector<128x64xf32>, vector<64x64xf32>, vector<128x64xf32> -> vector<128x64xf32>
    %add3A_708 = arith.addf %dot_general3A_707, %get3A_8 : vector<128x64xf32>
    %max3A_709 = arith.constant 0.000000e+00 : f32
    %max3A_710 = vector.broadcast %max3A_709 : f32 to vector<128x64xf32>
    %max3A_711 = arith.maximumf %add3A_708, %max3A_710 : vector<128x64xf32>
    %get3A_712 = arith.constant 19 : index
    %get3A_713 = arith.constant 0 : index
    %get3A_714 = arith.constant 0 : index
    %get3A_715 = vector.load %arg4[%get3A_712, %get3A_713, %get3A_714] : memref<64x64x64xf32, #tpu.memory_space<vmem>>, vector<1x64x64xf32>
    %get3A_716 = vector.shape_cast %get3A_715 : vector<1x64x64xf32> to vector<64x64xf32>
    %dot_general3A_717 = arith.constant dense<0.000000e+00> : vector<128x64xf32>
    %dot_general3A_718 = tpu.matmul %max3A_711, %get3A_716, %dot_general3A_717 {dimension_numbers = #tpu.dot_dimension_numbers<[1], [0], [0], [1], [0, 0, 1, 1], [], []>, transpose_lhs_hint = false} : vector<128x64xf32>, vector<64x64xf32>, vector<128x64xf32> -> vector<128x64xf32>
    %reduce_sum3A_719 = arith.constant dense<0.000000e+00> : vector<128xf32>
    %reduce_sum3A_720 = vector.multi_reduction <add>, %dot_general3A_718, %reduce_sum3A_719 [1] : vector<128x64xf32> to vector<128xf32>
    %broadcast_in_dim3A_721 = vector.shape_cast %reduce_sum3A_720 : vector<128xf32> to vector<128x1xf32>
    %add3A_722 = arith.addf %broadcast_in_dim3A_721, %broadcast_in_dim3A : vector<128x1xf32>
    %get3A_723 = arith.constant 20 : index
    %get3A_724 = arith.constant 0 : index
    %get3A_725 = vector.load %arg2[%get3A_723, %get3A_724] : memref<64x128xi32, #tpu.memory_space<vmem>>, vector<1x128xi32>
    %eq3A_726 = vector.broadcast %get3A_725 : vector<1x128xi32> to vector<128x128xi32>
    %eq3A_727 = arith.cmpi eq, %iota3A, %eq3A_726 : vector<128x128xi32>
    %convert_element_type3A_728 = arith.extui %eq3A_727 : vector<128x128xi1> to vector<128x128xi32>
    %convert_element_type3A_729 = arith.sitofp %convert_element_type3A_728 : vector<128x128xi32> to vector<128x128xf32>
    %dot_general3A_730 = arith.constant dense<0.000000e+00> : vector<128x64xf32>
    %dot_general3A_731 = tpu.matmul %convert_element_type3A_729, %get3A_5, %dot_general3A_730 {dimension_numbers = #tpu.dot_dimension_numbers<[0], [0], [1], [1], [0, 1, 1, 1], [], []>, transpose_lhs_hint = false} : vector<128x128xf32>, vector<128x64xf32>, vector<128x64xf32> -> vector<128x64xf32>
    %get3A_732 = arith.constant 20 : index
    %get3A_733 = arith.constant 0 : index
    %get3A_734 = vector.load %arg1[%get3A_732, %get3A_733] : memref<64x64xf32, #tpu.memory_space<vmem>>, vector<1x64xf32>
    %mul3A_735 = vector.broadcast %get3A_734 : vector<1x64xf32> to vector<128x64xf32>
    %mul3A_736 = arith.mulf %dot_general3A_731, %mul3A_735 : vector<128x64xf32>
    %get3A_737 = arith.constant 20 : index
    %get3A_738 = arith.constant 0 : index
    %get3A_739 = arith.constant 0 : index
    %get3A_740 = vector.load %arg3[%get3A_737, %get3A_738, %get3A_739] : memref<64x64x64xf32, #tpu.memory_space<vmem>>, vector<1x64x64xf32>
    %get3A_741 = vector.shape_cast %get3A_740 : vector<1x64x64xf32> to vector<64x64xf32>
    %dot_general3A_742 = arith.constant dense<0.000000e+00> : vector<128x64xf32>
    %dot_general3A_743 = tpu.matmul %mul3A_736, %get3A_741, %dot_general3A_742 {dimension_numbers = #tpu.dot_dimension_numbers<[1], [0], [0], [1], [0, 0, 1, 1], [], []>, transpose_lhs_hint = false} : vector<128x64xf32>, vector<64x64xf32>, vector<128x64xf32> -> vector<128x64xf32>
    %add3A_744 = arith.addf %dot_general3A_743, %get3A_8 : vector<128x64xf32>
    %max3A_745 = arith.constant 0.000000e+00 : f32
    %max3A_746 = vector.broadcast %max3A_745 : f32 to vector<128x64xf32>
    %max3A_747 = arith.maximumf %add3A_744, %max3A_746 : vector<128x64xf32>
    %get3A_748 = arith.constant 20 : index
    %get3A_749 = arith.constant 0 : index
    %get3A_750 = arith.constant 0 : index
    %get3A_751 = vector.load %arg4[%get3A_748, %get3A_749, %get3A_750] : memref<64x64x64xf32, #tpu.memory_space<vmem>>, vector<1x64x64xf32>
    %get3A_752 = vector.shape_cast %get3A_751 : vector<1x64x64xf32> to vector<64x64xf32>
    %dot_general3A_753 = arith.constant dense<0.000000e+00> : vector<128x64xf32>
    %dot_general3A_754 = tpu.matmul %max3A_747, %get3A_752, %dot_general3A_753 {dimension_numbers = #tpu.dot_dimension_numbers<[1], [0], [0], [1], [0, 0, 1, 1], [], []>, transpose_lhs_hint = false} : vector<128x64xf32>, vector<64x64xf32>, vector<128x64xf32> -> vector<128x64xf32>
    %reduce_sum3A_755 = arith.constant dense<0.000000e+00> : vector<128xf32>
    %reduce_sum3A_756 = vector.multi_reduction <add>, %dot_general3A_754, %reduce_sum3A_755 [1] : vector<128x64xf32> to vector<128xf32>
    %broadcast_in_dim3A_757 = vector.shape_cast %reduce_sum3A_756 : vector<128xf32> to vector<128x1xf32>
    %add3A_758 = arith.addf %broadcast_in_dim3A_757, %broadcast_in_dim3A : vector<128x1xf32>
    %get3A_759 = arith.constant 21 : index
    %get3A_760 = arith.constant 0 : index
    %get3A_761 = vector.load %arg2[%get3A_759, %get3A_760] : memref<64x128xi32, #tpu.memory_space<vmem>>, vector<1x128xi32>
    %eq3A_762 = vector.broadcast %get3A_761 : vector<1x128xi32> to vector<128x128xi32>
    %eq3A_763 = arith.cmpi eq, %iota3A, %eq3A_762 : vector<128x128xi32>
    %convert_element_type3A_764 = arith.extui %eq3A_763 : vector<128x128xi1> to vector<128x128xi32>
    %convert_element_type3A_765 = arith.sitofp %convert_element_type3A_764 : vector<128x128xi32> to vector<128x128xf32>
    %dot_general3A_766 = arith.constant dense<0.000000e+00> : vector<128x64xf32>
    %dot_general3A_767 = tpu.matmul %convert_element_type3A_765, %get3A_5, %dot_general3A_766 {dimension_numbers = #tpu.dot_dimension_numbers<[0], [0], [1], [1], [0, 1, 1, 1], [], []>, transpose_lhs_hint = false} : vector<128x128xf32>, vector<128x64xf32>, vector<128x64xf32> -> vector<128x64xf32>
    %get3A_768 = arith.constant 21 : index
    %get3A_769 = arith.constant 0 : index
    %get3A_770 = vector.load %arg1[%get3A_768, %get3A_769] : memref<64x64xf32, #tpu.memory_space<vmem>>, vector<1x64xf32>
    %mul3A_771 = vector.broadcast %get3A_770 : vector<1x64xf32> to vector<128x64xf32>
    %mul3A_772 = arith.mulf %dot_general3A_767, %mul3A_771 : vector<128x64xf32>
    %get3A_773 = arith.constant 21 : index
    %get3A_774 = arith.constant 0 : index
    %get3A_775 = arith.constant 0 : index
    %get3A_776 = vector.load %arg3[%get3A_773, %get3A_774, %get3A_775] : memref<64x64x64xf32, #tpu.memory_space<vmem>>, vector<1x64x64xf32>
    %get3A_777 = vector.shape_cast %get3A_776 : vector<1x64x64xf32> to vector<64x64xf32>
    %dot_general3A_778 = arith.constant dense<0.000000e+00> : vector<128x64xf32>
    %dot_general3A_779 = tpu.matmul %mul3A_772, %get3A_777, %dot_general3A_778 {dimension_numbers = #tpu.dot_dimension_numbers<[1], [0], [0], [1], [0, 0, 1, 1], [], []>, transpose_lhs_hint = false} : vector<128x64xf32>, vector<64x64xf32>, vector<128x64xf32> -> vector<128x64xf32>
    %add3A_780 = arith.addf %dot_general3A_779, %get3A_8 : vector<128x64xf32>
    %max3A_781 = arith.constant 0.000000e+00 : f32
    %max3A_782 = vector.broadcast %max3A_781 : f32 to vector<128x64xf32>
    %max3A_783 = arith.maximumf %add3A_780, %max3A_782 : vector<128x64xf32>
    %get3A_784 = arith.constant 21 : index
    %get3A_785 = arith.constant 0 : index
    %get3A_786 = arith.constant 0 : index
    %get3A_787 = vector.load %arg4[%get3A_784, %get3A_785, %get3A_786] : memref<64x64x64xf32, #tpu.memory_space<vmem>>, vector<1x64x64xf32>
    %get3A_788 = vector.shape_cast %get3A_787 : vector<1x64x64xf32> to vector<64x64xf32>
    %dot_general3A_789 = arith.constant dense<0.000000e+00> : vector<128x64xf32>
    %dot_general3A_790 = tpu.matmul %max3A_783, %get3A_788, %dot_general3A_789 {dimension_numbers = #tpu.dot_dimension_numbers<[1], [0], [0], [1], [0, 0, 1, 1], [], []>, transpose_lhs_hint = false} : vector<128x64xf32>, vector<64x64xf32>, vector<128x64xf32> -> vector<128x64xf32>
    %reduce_sum3A_791 = arith.constant dense<0.000000e+00> : vector<128xf32>
    %reduce_sum3A_792 = vector.multi_reduction <add>, %dot_general3A_790, %reduce_sum3A_791 [1] : vector<128x64xf32> to vector<128xf32>
    %broadcast_in_dim3A_793 = vector.shape_cast %reduce_sum3A_792 : vector<128xf32> to vector<128x1xf32>
    %add3A_794 = arith.addf %broadcast_in_dim3A_793, %broadcast_in_dim3A : vector<128x1xf32>
    %get3A_795 = arith.constant 22 : index
    %get3A_796 = arith.constant 0 : index
    %get3A_797 = vector.load %arg2[%get3A_795, %get3A_796] : memref<64x128xi32, #tpu.memory_space<vmem>>, vector<1x128xi32>
    %eq3A_798 = vector.broadcast %get3A_797 : vector<1x128xi32> to vector<128x128xi32>
    %eq3A_799 = arith.cmpi eq, %iota3A, %eq3A_798 : vector<128x128xi32>
    %convert_element_type3A_800 = arith.extui %eq3A_799 : vector<128x128xi1> to vector<128x128xi32>
    %convert_element_type3A_801 = arith.sitofp %convert_element_type3A_800 : vector<128x128xi32> to vector<128x128xf32>
    %dot_general3A_802 = arith.constant dense<0.000000e+00> : vector<128x64xf32>
    %dot_general3A_803 = tpu.matmul %convert_element_type3A_801, %get3A_5, %dot_general3A_802 {dimension_numbers = #tpu.dot_dimension_numbers<[0], [0], [1], [1], [0, 1, 1, 1], [], []>, transpose_lhs_hint = false} : vector<128x128xf32>, vector<128x64xf32>, vector<128x64xf32> -> vector<128x64xf32>
    %get3A_804 = arith.constant 22 : index
    %get3A_805 = arith.constant 0 : index
    %get3A_806 = vector.load %arg1[%get3A_804, %get3A_805] : memref<64x64xf32, #tpu.memory_space<vmem>>, vector<1x64xf32>
    %mul3A_807 = vector.broadcast %get3A_806 : vector<1x64xf32> to vector<128x64xf32>
    %mul3A_808 = arith.mulf %dot_general3A_803, %mul3A_807 : vector<128x64xf32>
    %get3A_809 = arith.constant 22 : index
    %get3A_810 = arith.constant 0 : index
    %get3A_811 = arith.constant 0 : index
    %get3A_812 = vector.load %arg3[%get3A_809, %get3A_810, %get3A_811] : memref<64x64x64xf32, #tpu.memory_space<vmem>>, vector<1x64x64xf32>
    %get3A_813 = vector.shape_cast %get3A_812 : vector<1x64x64xf32> to vector<64x64xf32>
    %dot_general3A_814 = arith.constant dense<0.000000e+00> : vector<128x64xf32>
    %dot_general3A_815 = tpu.matmul %mul3A_808, %get3A_813, %dot_general3A_814 {dimension_numbers = #tpu.dot_dimension_numbers<[1], [0], [0], [1], [0, 0, 1, 1], [], []>, transpose_lhs_hint = false} : vector<128x64xf32>, vector<64x64xf32>, vector<128x64xf32> -> vector<128x64xf32>
    %add3A_816 = arith.addf %dot_general3A_815, %get3A_8 : vector<128x64xf32>
    %max3A_817 = arith.constant 0.000000e+00 : f32
    %max3A_818 = vector.broadcast %max3A_817 : f32 to vector<128x64xf32>
    %max3A_819 = arith.maximumf %add3A_816, %max3A_818 : vector<128x64xf32>
    %get3A_820 = arith.constant 22 : index
    %get3A_821 = arith.constant 0 : index
    %get3A_822 = arith.constant 0 : index
    %get3A_823 = vector.load %arg4[%get3A_820, %get3A_821, %get3A_822] : memref<64x64x64xf32, #tpu.memory_space<vmem>>, vector<1x64x64xf32>
    %get3A_824 = vector.shape_cast %get3A_823 : vector<1x64x64xf32> to vector<64x64xf32>
    %dot_general3A_825 = arith.constant dense<0.000000e+00> : vector<128x64xf32>
    %dot_general3A_826 = tpu.matmul %max3A_819, %get3A_824, %dot_general3A_825 {dimension_numbers = #tpu.dot_dimension_numbers<[1], [0], [0], [1], [0, 0, 1, 1], [], []>, transpose_lhs_hint = false} : vector<128x64xf32>, vector<64x64xf32>, vector<128x64xf32> -> vector<128x64xf32>
    %reduce_sum3A_827 = arith.constant dense<0.000000e+00> : vector<128xf32>
    %reduce_sum3A_828 = vector.multi_reduction <add>, %dot_general3A_826, %reduce_sum3A_827 [1] : vector<128x64xf32> to vector<128xf32>
    %broadcast_in_dim3A_829 = vector.shape_cast %reduce_sum3A_828 : vector<128xf32> to vector<128x1xf32>
    %add3A_830 = arith.addf %broadcast_in_dim3A_829, %broadcast_in_dim3A : vector<128x1xf32>
    %get3A_831 = arith.constant 23 : index
    %get3A_832 = arith.constant 0 : index
    %get3A_833 = vector.load %arg2[%get3A_831, %get3A_832] : memref<64x128xi32, #tpu.memory_space<vmem>>, vector<1x128xi32>
    %eq3A_834 = vector.broadcast %get3A_833 : vector<1x128xi32> to vector<128x128xi32>
    %eq3A_835 = arith.cmpi eq, %iota3A, %eq3A_834 : vector<128x128xi32>
    %convert_element_type3A_836 = arith.extui %eq3A_835 : vector<128x128xi1> to vector<128x128xi32>
    %convert_element_type3A_837 = arith.sitofp %convert_element_type3A_836 : vector<128x128xi32> to vector<128x128xf32>
    %dot_general3A_838 = arith.constant dense<0.000000e+00> : vector<128x64xf32>
    %dot_general3A_839 = tpu.matmul %convert_element_type3A_837, %get3A_5, %dot_general3A_838 {dimension_numbers = #tpu.dot_dimension_numbers<[0], [0], [1], [1], [0, 1, 1, 1], [], []>, transpose_lhs_hint = false} : vector<128x128xf32>, vector<128x64xf32>, vector<128x64xf32> -> vector<128x64xf32>
    %get3A_840 = arith.constant 23 : index
    %get3A_841 = arith.constant 0 : index
    %get3A_842 = vector.load %arg1[%get3A_840, %get3A_841] : memref<64x64xf32, #tpu.memory_space<vmem>>, vector<1x64xf32>
    %mul3A_843 = vector.broadcast %get3A_842 : vector<1x64xf32> to vector<128x64xf32>
    %mul3A_844 = arith.mulf %dot_general3A_839, %mul3A_843 : vector<128x64xf32>
    %get3A_845 = arith.constant 23 : index
    %get3A_846 = arith.constant 0 : index
    %get3A_847 = arith.constant 0 : index
    %get3A_848 = vector.load %arg3[%get3A_845, %get3A_846, %get3A_847] : memref<64x64x64xf32, #tpu.memory_space<vmem>>, vector<1x64x64xf32>
    %get3A_849 = vector.shape_cast %get3A_848 : vector<1x64x64xf32> to vector<64x64xf32>
    %dot_general3A_850 = arith.constant dense<0.000000e+00> : vector<128x64xf32>
    %dot_general3A_851 = tpu.matmul %mul3A_844, %get3A_849, %dot_general3A_850 {dimension_numbers = #tpu.dot_dimension_numbers<[1], [0], [0], [1], [0, 0, 1, 1], [], []>, transpose_lhs_hint = false} : vector<128x64xf32>, vector<64x64xf32>, vector<128x64xf32> -> vector<128x64xf32>
    %add3A_852 = arith.addf %dot_general3A_851, %get3A_8 : vector<128x64xf32>
    %max3A_853 = arith.constant 0.000000e+00 : f32
    %max3A_854 = vector.broadcast %max3A_853 : f32 to vector<128x64xf32>
    %max3A_855 = arith.maximumf %add3A_852, %max3A_854 : vector<128x64xf32>
    %get3A_856 = arith.constant 23 : index
    %get3A_857 = arith.constant 0 : index
    %get3A_858 = arith.constant 0 : index
    %get3A_859 = vector.load %arg4[%get3A_856, %get3A_857, %get3A_858] : memref<64x64x64xf32, #tpu.memory_space<vmem>>, vector<1x64x64xf32>
    %get3A_860 = vector.shape_cast %get3A_859 : vector<1x64x64xf32> to vector<64x64xf32>
    %dot_general3A_861 = arith.constant dense<0.000000e+00> : vector<128x64xf32>
    %dot_general3A_862 = tpu.matmul %max3A_855, %get3A_860, %dot_general3A_861 {dimension_numbers = #tpu.dot_dimension_numbers<[1], [0], [0], [1], [0, 0, 1, 1], [], []>, transpose_lhs_hint = false} : vector<128x64xf32>, vector<64x64xf32>, vector<128x64xf32> -> vector<128x64xf32>
    %reduce_sum3A_863 = arith.constant dense<0.000000e+00> : vector<128xf32>
    %reduce_sum3A_864 = vector.multi_reduction <add>, %dot_general3A_862, %reduce_sum3A_863 [1] : vector<128x64xf32> to vector<128xf32>
    %broadcast_in_dim3A_865 = vector.shape_cast %reduce_sum3A_864 : vector<128xf32> to vector<128x1xf32>
    %add3A_866 = arith.addf %broadcast_in_dim3A_865, %broadcast_in_dim3A : vector<128x1xf32>
    %get3A_867 = arith.constant 24 : index
    %get3A_868 = arith.constant 0 : index
    %get3A_869 = vector.load %arg2[%get3A_867, %get3A_868] : memref<64x128xi32, #tpu.memory_space<vmem>>, vector<1x128xi32>
    %eq3A_870 = vector.broadcast %get3A_869 : vector<1x128xi32> to vector<128x128xi32>
    %eq3A_871 = arith.cmpi eq, %iota3A, %eq3A_870 : vector<128x128xi32>
    %convert_element_type3A_872 = arith.extui %eq3A_871 : vector<128x128xi1> to vector<128x128xi32>
    %convert_element_type3A_873 = arith.sitofp %convert_element_type3A_872 : vector<128x128xi32> to vector<128x128xf32>
    %dot_general3A_874 = arith.constant dense<0.000000e+00> : vector<128x64xf32>
    %dot_general3A_875 = tpu.matmul %convert_element_type3A_873, %get3A_5, %dot_general3A_874 {dimension_numbers = #tpu.dot_dimension_numbers<[0], [0], [1], [1], [0, 1, 1, 1], [], []>, transpose_lhs_hint = false} : vector<128x128xf32>, vector<128x64xf32>, vector<128x64xf32> -> vector<128x64xf32>
    %get3A_876 = arith.constant 24 : index
    %get3A_877 = arith.constant 0 : index
    %get3A_878 = vector.load %arg1[%get3A_876, %get3A_877] : memref<64x64xf32, #tpu.memory_space<vmem>>, vector<1x64xf32>
    %mul3A_879 = vector.broadcast %get3A_878 : vector<1x64xf32> to vector<128x64xf32>
    %mul3A_880 = arith.mulf %dot_general3A_875, %mul3A_879 : vector<128x64xf32>
    %get3A_881 = arith.constant 24 : index
    %get3A_882 = arith.constant 0 : index
    %get3A_883 = arith.constant 0 : index
    %get3A_884 = vector.load %arg3[%get3A_881, %get3A_882, %get3A_883] : memref<64x64x64xf32, #tpu.memory_space<vmem>>, vector<1x64x64xf32>
    %get3A_885 = vector.shape_cast %get3A_884 : vector<1x64x64xf32> to vector<64x64xf32>
    %dot_general3A_886 = arith.constant dense<0.000000e+00> : vector<128x64xf32>
    %dot_general3A_887 = tpu.matmul %mul3A_880, %get3A_885, %dot_general3A_886 {dimension_numbers = #tpu.dot_dimension_numbers<[1], [0], [0], [1], [0, 0, 1, 1], [], []>, transpose_lhs_hint = false} : vector<128x64xf32>, vector<64x64xf32>, vector<128x64xf32> -> vector<128x64xf32>
    %add3A_888 = arith.addf %dot_general3A_887, %get3A_8 : vector<128x64xf32>
    %max3A_889 = arith.constant 0.000000e+00 : f32
    %max3A_890 = vector.broadcast %max3A_889 : f32 to vector<128x64xf32>
    %max3A_891 = arith.maximumf %add3A_888, %max3A_890 : vector<128x64xf32>
    %get3A_892 = arith.constant 24 : index
    %get3A_893 = arith.constant 0 : index
    %get3A_894 = arith.constant 0 : index
    %get3A_895 = vector.load %arg4[%get3A_892, %get3A_893, %get3A_894] : memref<64x64x64xf32, #tpu.memory_space<vmem>>, vector<1x64x64xf32>
    %get3A_896 = vector.shape_cast %get3A_895 : vector<1x64x64xf32> to vector<64x64xf32>
    %dot_general3A_897 = arith.constant dense<0.000000e+00> : vector<128x64xf32>
    %dot_general3A_898 = tpu.matmul %max3A_891, %get3A_896, %dot_general3A_897 {dimension_numbers = #tpu.dot_dimension_numbers<[1], [0], [0], [1], [0, 0, 1, 1], [], []>, transpose_lhs_hint = false} : vector<128x64xf32>, vector<64x64xf32>, vector<128x64xf32> -> vector<128x64xf32>
    %reduce_sum3A_899 = arith.constant dense<0.000000e+00> : vector<128xf32>
    %reduce_sum3A_900 = vector.multi_reduction <add>, %dot_general3A_898, %reduce_sum3A_899 [1] : vector<128x64xf32> to vector<128xf32>
    %broadcast_in_dim3A_901 = vector.shape_cast %reduce_sum3A_900 : vector<128xf32> to vector<128x1xf32>
    %add3A_902 = arith.addf %broadcast_in_dim3A_901, %broadcast_in_dim3A : vector<128x1xf32>
    %get3A_903 = arith.constant 25 : index
    %get3A_904 = arith.constant 0 : index
    %get3A_905 = vector.load %arg2[%get3A_903, %get3A_904] : memref<64x128xi32, #tpu.memory_space<vmem>>, vector<1x128xi32>
    %eq3A_906 = vector.broadcast %get3A_905 : vector<1x128xi32> to vector<128x128xi32>
    %eq3A_907 = arith.cmpi eq, %iota3A, %eq3A_906 : vector<128x128xi32>
    %convert_element_type3A_908 = arith.extui %eq3A_907 : vector<128x128xi1> to vector<128x128xi32>
    %convert_element_type3A_909 = arith.sitofp %convert_element_type3A_908 : vector<128x128xi32> to vector<128x128xf32>
    %dot_general3A_910 = arith.constant dense<0.000000e+00> : vector<128x64xf32>
    %dot_general3A_911 = tpu.matmul %convert_element_type3A_909, %get3A_5, %dot_general3A_910 {dimension_numbers = #tpu.dot_dimension_numbers<[0], [0], [1], [1], [0, 1, 1, 1], [], []>, transpose_lhs_hint = false} : vector<128x128xf32>, vector<128x64xf32>, vector<128x64xf32> -> vector<128x64xf32>
    %get3A_912 = arith.constant 25 : index
    %get3A_913 = arith.constant 0 : index
    %get3A_914 = vector.load %arg1[%get3A_912, %get3A_913] : memref<64x64xf32, #tpu.memory_space<vmem>>, vector<1x64xf32>
    %mul3A_915 = vector.broadcast %get3A_914 : vector<1x64xf32> to vector<128x64xf32>
    %mul3A_916 = arith.mulf %dot_general3A_911, %mul3A_915 : vector<128x64xf32>
    %get3A_917 = arith.constant 25 : index
    %get3A_918 = arith.constant 0 : index
    %get3A_919 = arith.constant 0 : index
    %get3A_920 = vector.load %arg3[%get3A_917, %get3A_918, %get3A_919] : memref<64x64x64xf32, #tpu.memory_space<vmem>>, vector<1x64x64xf32>
    %get3A_921 = vector.shape_cast %get3A_920 : vector<1x64x64xf32> to vector<64x64xf32>
    %dot_general3A_922 = arith.constant dense<0.000000e+00> : vector<128x64xf32>
    %dot_general3A_923 = tpu.matmul %mul3A_916, %get3A_921, %dot_general3A_922 {dimension_numbers = #tpu.dot_dimension_numbers<[1], [0], [0], [1], [0, 0, 1, 1], [], []>, transpose_lhs_hint = false} : vector<128x64xf32>, vector<64x64xf32>, vector<128x64xf32> -> vector<128x64xf32>
    %add3A_924 = arith.addf %dot_general3A_923, %get3A_8 : vector<128x64xf32>
    %max3A_925 = arith.constant 0.000000e+00 : f32
    %max3A_926 = vector.broadcast %max3A_925 : f32 to vector<128x64xf32>
    %max3A_927 = arith.maximumf %add3A_924, %max3A_926 : vector<128x64xf32>
    %get3A_928 = arith.constant 25 : index
    %get3A_929 = arith.constant 0 : index
    %get3A_930 = arith.constant 0 : index
    %get3A_931 = vector.load %arg4[%get3A_928, %get3A_929, %get3A_930] : memref<64x64x64xf32, #tpu.memory_space<vmem>>, vector<1x64x64xf32>
    %get3A_932 = vector.shape_cast %get3A_931 : vector<1x64x64xf32> to vector<64x64xf32>
    %dot_general3A_933 = arith.constant dense<0.000000e+00> : vector<128x64xf32>
    %dot_general3A_934 = tpu.matmul %max3A_927, %get3A_932, %dot_general3A_933 {dimension_numbers = #tpu.dot_dimension_numbers<[1], [0], [0], [1], [0, 0, 1, 1], [], []>, transpose_lhs_hint = false} : vector<128x64xf32>, vector<64x64xf32>, vector<128x64xf32> -> vector<128x64xf32>
    %reduce_sum3A_935 = arith.constant dense<0.000000e+00> : vector<128xf32>
    %reduce_sum3A_936 = vector.multi_reduction <add>, %dot_general3A_934, %reduce_sum3A_935 [1] : vector<128x64xf32> to vector<128xf32>
    %broadcast_in_dim3A_937 = vector.shape_cast %reduce_sum3A_936 : vector<128xf32> to vector<128x1xf32>
    %add3A_938 = arith.addf %broadcast_in_dim3A_937, %broadcast_in_dim3A : vector<128x1xf32>
    %get3A_939 = arith.constant 26 : index
    %get3A_940 = arith.constant 0 : index
    %get3A_941 = vector.load %arg2[%get3A_939, %get3A_940] : memref<64x128xi32, #tpu.memory_space<vmem>>, vector<1x128xi32>
    %eq3A_942 = vector.broadcast %get3A_941 : vector<1x128xi32> to vector<128x128xi32>
    %eq3A_943 = arith.cmpi eq, %iota3A, %eq3A_942 : vector<128x128xi32>
    %convert_element_type3A_944 = arith.extui %eq3A_943 : vector<128x128xi1> to vector<128x128xi32>
    %convert_element_type3A_945 = arith.sitofp %convert_element_type3A_944 : vector<128x128xi32> to vector<128x128xf32>
    %dot_general3A_946 = arith.constant dense<0.000000e+00> : vector<128x64xf32>
    %dot_general3A_947 = tpu.matmul %convert_element_type3A_945, %get3A_5, %dot_general3A_946 {dimension_numbers = #tpu.dot_dimension_numbers<[0], [0], [1], [1], [0, 1, 1, 1], [], []>, transpose_lhs_hint = false} : vector<128x128xf32>, vector<128x64xf32>, vector<128x64xf32> -> vector<128x64xf32>
    %get3A_948 = arith.constant 26 : index
    %get3A_949 = arith.constant 0 : index
    %get3A_950 = vector.load %arg1[%get3A_948, %get3A_949] : memref<64x64xf32, #tpu.memory_space<vmem>>, vector<1x64xf32>
    %mul3A_951 = vector.broadcast %get3A_950 : vector<1x64xf32> to vector<128x64xf32>
    %mul3A_952 = arith.mulf %dot_general3A_947, %mul3A_951 : vector<128x64xf32>
    %get3A_953 = arith.constant 26 : index
    %get3A_954 = arith.constant 0 : index
    %get3A_955 = arith.constant 0 : index
    %get3A_956 = vector.load %arg3[%get3A_953, %get3A_954, %get3A_955] : memref<64x64x64xf32, #tpu.memory_space<vmem>>, vector<1x64x64xf32>
    %get3A_957 = vector.shape_cast %get3A_956 : vector<1x64x64xf32> to vector<64x64xf32>
    %dot_general3A_958 = arith.constant dense<0.000000e+00> : vector<128x64xf32>
    %dot_general3A_959 = tpu.matmul %mul3A_952, %get3A_957, %dot_general3A_958 {dimension_numbers = #tpu.dot_dimension_numbers<[1], [0], [0], [1], [0, 0, 1, 1], [], []>, transpose_lhs_hint = false} : vector<128x64xf32>, vector<64x64xf32>, vector<128x64xf32> -> vector<128x64xf32>
    %add3A_960 = arith.addf %dot_general3A_959, %get3A_8 : vector<128x64xf32>
    %max3A_961 = arith.constant 0.000000e+00 : f32
    %max3A_962 = vector.broadcast %max3A_961 : f32 to vector<128x64xf32>
    %max3A_963 = arith.maximumf %add3A_960, %max3A_962 : vector<128x64xf32>
    %get3A_964 = arith.constant 26 : index
    %get3A_965 = arith.constant 0 : index
    %get3A_966 = arith.constant 0 : index
    %get3A_967 = vector.load %arg4[%get3A_964, %get3A_965, %get3A_966] : memref<64x64x64xf32, #tpu.memory_space<vmem>>, vector<1x64x64xf32>
    %get3A_968 = vector.shape_cast %get3A_967 : vector<1x64x64xf32> to vector<64x64xf32>
    %dot_general3A_969 = arith.constant dense<0.000000e+00> : vector<128x64xf32>
    %dot_general3A_970 = tpu.matmul %max3A_963, %get3A_968, %dot_general3A_969 {dimension_numbers = #tpu.dot_dimension_numbers<[1], [0], [0], [1], [0, 0, 1, 1], [], []>, transpose_lhs_hint = false} : vector<128x64xf32>, vector<64x64xf32>, vector<128x64xf32> -> vector<128x64xf32>
    %reduce_sum3A_971 = arith.constant dense<0.000000e+00> : vector<128xf32>
    %reduce_sum3A_972 = vector.multi_reduction <add>, %dot_general3A_970, %reduce_sum3A_971 [1] : vector<128x64xf32> to vector<128xf32>
    %broadcast_in_dim3A_973 = vector.shape_cast %reduce_sum3A_972 : vector<128xf32> to vector<128x1xf32>
    %add3A_974 = arith.addf %broadcast_in_dim3A_973, %broadcast_in_dim3A : vector<128x1xf32>
    %get3A_975 = arith.constant 27 : index
    %get3A_976 = arith.constant 0 : index
    %get3A_977 = vector.load %arg2[%get3A_975, %get3A_976] : memref<64x128xi32, #tpu.memory_space<vmem>>, vector<1x128xi32>
    %eq3A_978 = vector.broadcast %get3A_977 : vector<1x128xi32> to vector<128x128xi32>
    %eq3A_979 = arith.cmpi eq, %iota3A, %eq3A_978 : vector<128x128xi32>
    %convert_element_type3A_980 = arith.extui %eq3A_979 : vector<128x128xi1> to vector<128x128xi32>
    %convert_element_type3A_981 = arith.sitofp %convert_element_type3A_980 : vector<128x128xi32> to vector<128x128xf32>
    %dot_general3A_982 = arith.constant dense<0.000000e+00> : vector<128x64xf32>
    %dot_general3A_983 = tpu.matmul %convert_element_type3A_981, %get3A_5, %dot_general3A_982 {dimension_numbers = #tpu.dot_dimension_numbers<[0], [0], [1], [1], [0, 1, 1, 1], [], []>, transpose_lhs_hint = false} : vector<128x128xf32>, vector<128x64xf32>, vector<128x64xf32> -> vector<128x64xf32>
    %get3A_984 = arith.constant 27 : index
    %get3A_985 = arith.constant 0 : index
    %get3A_986 = vector.load %arg1[%get3A_984, %get3A_985] : memref<64x64xf32, #tpu.memory_space<vmem>>, vector<1x64xf32>
    %mul3A_987 = vector.broadcast %get3A_986 : vector<1x64xf32> to vector<128x64xf32>
    %mul3A_988 = arith.mulf %dot_general3A_983, %mul3A_987 : vector<128x64xf32>
    %get3A_989 = arith.constant 27 : index
    %get3A_990 = arith.constant 0 : index
    %get3A_991 = arith.constant 0 : index
    %get3A_992 = vector.load %arg3[%get3A_989, %get3A_990, %get3A_991] : memref<64x64x64xf32, #tpu.memory_space<vmem>>, vector<1x64x64xf32>
    %get3A_993 = vector.shape_cast %get3A_992 : vector<1x64x64xf32> to vector<64x64xf32>
    %dot_general3A_994 = arith.constant dense<0.000000e+00> : vector<128x64xf32>
    %dot_general3A_995 = tpu.matmul %mul3A_988, %get3A_993, %dot_general3A_994 {dimension_numbers = #tpu.dot_dimension_numbers<[1], [0], [0], [1], [0, 0, 1, 1], [], []>, transpose_lhs_hint = false} : vector<128x64xf32>, vector<64x64xf32>, vector<128x64xf32> -> vector<128x64xf32>
    %add3A_996 = arith.addf %dot_general3A_995, %get3A_8 : vector<128x64xf32>
    %max3A_997 = arith.constant 0.000000e+00 : f32
    %max3A_998 = vector.broadcast %max3A_997 : f32 to vector<128x64xf32>
    %max3A_999 = arith.maximumf %add3A_996, %max3A_998 : vector<128x64xf32>
    %get3A_1000 = arith.constant 27 : index
    %get3A_1001 = arith.constant 0 : index
    %get3A_1002 = arith.constant 0 : index
    %get3A_1003 = vector.load %arg4[%get3A_1000, %get3A_1001, %get3A_1002] : memref<64x64x64xf32, #tpu.memory_space<vmem>>, vector<1x64x64xf32>
    %get3A_1004 = vector.shape_cast %get3A_1003 : vector<1x64x64xf32> to vector<64x64xf32>
    %dot_general3A_1005 = arith.constant dense<0.000000e+00> : vector<128x64xf32>
    %dot_general3A_1006 = tpu.matmul %max3A_999, %get3A_1004, %dot_general3A_1005 {dimension_numbers = #tpu.dot_dimension_numbers<[1], [0], [0], [1], [0, 0, 1, 1], [], []>, transpose_lhs_hint = false} : vector<128x64xf32>, vector<64x64xf32>, vector<128x64xf32> -> vector<128x64xf32>
    %reduce_sum3A_1007 = arith.constant dense<0.000000e+00> : vector<128xf32>
    %reduce_sum3A_1008 = vector.multi_reduction <add>, %dot_general3A_1006, %reduce_sum3A_1007 [1] : vector<128x64xf32> to vector<128xf32>
    %broadcast_in_dim3A_1009 = vector.shape_cast %reduce_sum3A_1008 : vector<128xf32> to vector<128x1xf32>
    %add3A_1010 = arith.addf %broadcast_in_dim3A_1009, %broadcast_in_dim3A : vector<128x1xf32>
    %get3A_1011 = arith.constant 28 : index
    %get3A_1012 = arith.constant 0 : index
    %get3A_1013 = vector.load %arg2[%get3A_1011, %get3A_1012] : memref<64x128xi32, #tpu.memory_space<vmem>>, vector<1x128xi32>
    %eq3A_1014 = vector.broadcast %get3A_1013 : vector<1x128xi32> to vector<128x128xi32>
    %eq3A_1015 = arith.cmpi eq, %iota3A, %eq3A_1014 : vector<128x128xi32>
    %convert_element_type3A_1016 = arith.extui %eq3A_1015 : vector<128x128xi1> to vector<128x128xi32>
    %convert_element_type3A_1017 = arith.sitofp %convert_element_type3A_1016 : vector<128x128xi32> to vector<128x128xf32>
    %dot_general3A_1018 = arith.constant dense<0.000000e+00> : vector<128x64xf32>
    %dot_general3A_1019 = tpu.matmul %convert_element_type3A_1017, %get3A_5, %dot_general3A_1018 {dimension_numbers = #tpu.dot_dimension_numbers<[0], [0], [1], [1], [0, 1, 1, 1], [], []>, transpose_lhs_hint = false} : vector<128x128xf32>, vector<128x64xf32>, vector<128x64xf32> -> vector<128x64xf32>
    %get3A_1020 = arith.constant 28 : index
    %get3A_1021 = arith.constant 0 : index
    %get3A_1022 = vector.load %arg1[%get3A_1020, %get3A_1021] : memref<64x64xf32, #tpu.memory_space<vmem>>, vector<1x64xf32>
    %mul3A_1023 = vector.broadcast %get3A_1022 : vector<1x64xf32> to vector<128x64xf32>
    %mul3A_1024 = arith.mulf %dot_general3A_1019, %mul3A_1023 : vector<128x64xf32>
    %get3A_1025 = arith.constant 28 : index
    %get3A_1026 = arith.constant 0 : index
    %get3A_1027 = arith.constant 0 : index
    %get3A_1028 = vector.load %arg3[%get3A_1025, %get3A_1026, %get3A_1027] : memref<64x64x64xf32, #tpu.memory_space<vmem>>, vector<1x64x64xf32>
    %get3A_1029 = vector.shape_cast %get3A_1028 : vector<1x64x64xf32> to vector<64x64xf32>
    %dot_general3A_1030 = arith.constant dense<0.000000e+00> : vector<128x64xf32>
    %dot_general3A_1031 = tpu.matmul %mul3A_1024, %get3A_1029, %dot_general3A_1030 {dimension_numbers = #tpu.dot_dimension_numbers<[1], [0], [0], [1], [0, 0, 1, 1], [], []>, transpose_lhs_hint = false} : vector<128x64xf32>, vector<64x64xf32>, vector<128x64xf32> -> vector<128x64xf32>
    %add3A_1032 = arith.addf %dot_general3A_1031, %get3A_8 : vector<128x64xf32>
    %max3A_1033 = arith.constant 0.000000e+00 : f32
    %max3A_1034 = vector.broadcast %max3A_1033 : f32 to vector<128x64xf32>
    %max3A_1035 = arith.maximumf %add3A_1032, %max3A_1034 : vector<128x64xf32>
    %get3A_1036 = arith.constant 28 : index
    %get3A_1037 = arith.constant 0 : index
    %get3A_1038 = arith.constant 0 : index
    %get3A_1039 = vector.load %arg4[%get3A_1036, %get3A_1037, %get3A_1038] : memref<64x64x64xf32, #tpu.memory_space<vmem>>, vector<1x64x64xf32>
    %get3A_1040 = vector.shape_cast %get3A_1039 : vector<1x64x64xf32> to vector<64x64xf32>
    %dot_general3A_1041 = arith.constant dense<0.000000e+00> : vector<128x64xf32>
    %dot_general3A_1042 = tpu.matmul %max3A_1035, %get3A_1040, %dot_general3A_1041 {dimension_numbers = #tpu.dot_dimension_numbers<[1], [0], [0], [1], [0, 0, 1, 1], [], []>, transpose_lhs_hint = false} : vector<128x64xf32>, vector<64x64xf32>, vector<128x64xf32> -> vector<128x64xf32>
    %reduce_sum3A_1043 = arith.constant dense<0.000000e+00> : vector<128xf32>
    %reduce_sum3A_1044 = vector.multi_reduction <add>, %dot_general3A_1042, %reduce_sum3A_1043 [1] : vector<128x64xf32> to vector<128xf32>
    %broadcast_in_dim3A_1045 = vector.shape_cast %reduce_sum3A_1044 : vector<128xf32> to vector<128x1xf32>
    %add3A_1046 = arith.addf %broadcast_in_dim3A_1045, %broadcast_in_dim3A : vector<128x1xf32>
    %get3A_1047 = arith.constant 29 : index
    %get3A_1048 = arith.constant 0 : index
    %get3A_1049 = vector.load %arg2[%get3A_1047, %get3A_1048] : memref<64x128xi32, #tpu.memory_space<vmem>>, vector<1x128xi32>
    %eq3A_1050 = vector.broadcast %get3A_1049 : vector<1x128xi32> to vector<128x128xi32>
    %eq3A_1051 = arith.cmpi eq, %iota3A, %eq3A_1050 : vector<128x128xi32>
    %convert_element_type3A_1052 = arith.extui %eq3A_1051 : vector<128x128xi1> to vector<128x128xi32>
    %convert_element_type3A_1053 = arith.sitofp %convert_element_type3A_1052 : vector<128x128xi32> to vector<128x128xf32>
    %dot_general3A_1054 = arith.constant dense<0.000000e+00> : vector<128x64xf32>
    %dot_general3A_1055 = tpu.matmul %convert_element_type3A_1053, %get3A_5, %dot_general3A_1054 {dimension_numbers = #tpu.dot_dimension_numbers<[0], [0], [1], [1], [0, 1, 1, 1], [], []>, transpose_lhs_hint = false} : vector<128x128xf32>, vector<128x64xf32>, vector<128x64xf32> -> vector<128x64xf32>
    %get3A_1056 = arith.constant 29 : index
    %get3A_1057 = arith.constant 0 : index
    %get3A_1058 = vector.load %arg1[%get3A_1056, %get3A_1057] : memref<64x64xf32, #tpu.memory_space<vmem>>, vector<1x64xf32>
    %mul3A_1059 = vector.broadcast %get3A_1058 : vector<1x64xf32> to vector<128x64xf32>
    %mul3A_1060 = arith.mulf %dot_general3A_1055, %mul3A_1059 : vector<128x64xf32>
    %get3A_1061 = arith.constant 29 : index
    %get3A_1062 = arith.constant 0 : index
    %get3A_1063 = arith.constant 0 : index
    %get3A_1064 = vector.load %arg3[%get3A_1061, %get3A_1062, %get3A_1063] : memref<64x64x64xf32, #tpu.memory_space<vmem>>, vector<1x64x64xf32>
    %get3A_1065 = vector.shape_cast %get3A_1064 : vector<1x64x64xf32> to vector<64x64xf32>
    %dot_general3A_1066 = arith.constant dense<0.000000e+00> : vector<128x64xf32>
    %dot_general3A_1067 = tpu.matmul %mul3A_1060, %get3A_1065, %dot_general3A_1066 {dimension_numbers = #tpu.dot_dimension_numbers<[1], [0], [0], [1], [0, 0, 1, 1], [], []>, transpose_lhs_hint = false} : vector<128x64xf32>, vector<64x64xf32>, vector<128x64xf32> -> vector<128x64xf32>
    %add3A_1068 = arith.addf %dot_general3A_1067, %get3A_8 : vector<128x64xf32>
    %max3A_1069 = arith.constant 0.000000e+00 : f32
    %max3A_1070 = vector.broadcast %max3A_1069 : f32 to vector<128x64xf32>
    %max3A_1071 = arith.maximumf %add3A_1068, %max3A_1070 : vector<128x64xf32>
    %get3A_1072 = arith.constant 29 : index
    %get3A_1073 = arith.constant 0 : index
    %get3A_1074 = arith.constant 0 : index
    %get3A_1075 = vector.load %arg4[%get3A_1072, %get3A_1073, %get3A_1074] : memref<64x64x64xf32, #tpu.memory_space<vmem>>, vector<1x64x64xf32>
    %get3A_1076 = vector.shape_cast %get3A_1075 : vector<1x64x64xf32> to vector<64x64xf32>
    %dot_general3A_1077 = arith.constant dense<0.000000e+00> : vector<128x64xf32>
    %dot_general3A_1078 = tpu.matmul %max3A_1071, %get3A_1076, %dot_general3A_1077 {dimension_numbers = #tpu.dot_dimension_numbers<[1], [0], [0], [1], [0, 0, 1, 1], [], []>, transpose_lhs_hint = false} : vector<128x64xf32>, vector<64x64xf32>, vector<128x64xf32> -> vector<128x64xf32>
    %reduce_sum3A_1079 = arith.constant dense<0.000000e+00> : vector<128xf32>
    %reduce_sum3A_1080 = vector.multi_reduction <add>, %dot_general3A_1078, %reduce_sum3A_1079 [1] : vector<128x64xf32> to vector<128xf32>
    %broadcast_in_dim3A_1081 = vector.shape_cast %reduce_sum3A_1080 : vector<128xf32> to vector<128x1xf32>
    %add3A_1082 = arith.addf %broadcast_in_dim3A_1081, %broadcast_in_dim3A : vector<128x1xf32>
    %get3A_1083 = arith.constant 30 : index
    %get3A_1084 = arith.constant 0 : index
    %get3A_1085 = vector.load %arg2[%get3A_1083, %get3A_1084] : memref<64x128xi32, #tpu.memory_space<vmem>>, vector<1x128xi32>
    %eq3A_1086 = vector.broadcast %get3A_1085 : vector<1x128xi32> to vector<128x128xi32>
    %eq3A_1087 = arith.cmpi eq, %iota3A, %eq3A_1086 : vector<128x128xi32>
    %convert_element_type3A_1088 = arith.extui %eq3A_1087 : vector<128x128xi1> to vector<128x128xi32>
    %convert_element_type3A_1089 = arith.sitofp %convert_element_type3A_1088 : vector<128x128xi32> to vector<128x128xf32>
    %dot_general3A_1090 = arith.constant dense<0.000000e+00> : vector<128x64xf32>
    %dot_general3A_1091 = tpu.matmul %convert_element_type3A_1089, %get3A_5, %dot_general3A_1090 {dimension_numbers = #tpu.dot_dimension_numbers<[0], [0], [1], [1], [0, 1, 1, 1], [], []>, transpose_lhs_hint = false} : vector<128x128xf32>, vector<128x64xf32>, vector<128x64xf32> -> vector<128x64xf32>
    %get3A_1092 = arith.constant 30 : index
    %get3A_1093 = arith.constant 0 : index
    %get3A_1094 = vector.load %arg1[%get3A_1092, %get3A_1093] : memref<64x64xf32, #tpu.memory_space<vmem>>, vector<1x64xf32>
    %mul3A_1095 = vector.broadcast %get3A_1094 : vector<1x64xf32> to vector<128x64xf32>
    %mul3A_1096 = arith.mulf %dot_general3A_1091, %mul3A_1095 : vector<128x64xf32>
    %get3A_1097 = arith.constant 30 : index
    %get3A_1098 = arith.constant 0 : index
    %get3A_1099 = arith.constant 0 : index
    %get3A_1100 = vector.load %arg3[%get3A_1097, %get3A_1098, %get3A_1099] : memref<64x64x64xf32, #tpu.memory_space<vmem>>, vector<1x64x64xf32>
    %get3A_1101 = vector.shape_cast %get3A_1100 : vector<1x64x64xf32> to vector<64x64xf32>
    %dot_general3A_1102 = arith.constant dense<0.000000e+00> : vector<128x64xf32>
    %dot_general3A_1103 = tpu.matmul %mul3A_1096, %get3A_1101, %dot_general3A_1102 {dimension_numbers = #tpu.dot_dimension_numbers<[1], [0], [0], [1], [0, 0, 1, 1], [], []>, transpose_lhs_hint = false} : vector<128x64xf32>, vector<64x64xf32>, vector<128x64xf32> -> vector<128x64xf32>
    %add3A_1104 = arith.addf %dot_general3A_1103, %get3A_8 : vector<128x64xf32>
    %max3A_1105 = arith.constant 0.000000e+00 : f32
    %max3A_1106 = vector.broadcast %max3A_1105 : f32 to vector<128x64xf32>
    %max3A_1107 = arith.maximumf %add3A_1104, %max3A_1106 : vector<128x64xf32>
    %get3A_1108 = arith.constant 30 : index
    %get3A_1109 = arith.constant 0 : index
    %get3A_1110 = arith.constant 0 : index
    %get3A_1111 = vector.load %arg4[%get3A_1108, %get3A_1109, %get3A_1110] : memref<64x64x64xf32, #tpu.memory_space<vmem>>, vector<1x64x64xf32>
    %get3A_1112 = vector.shape_cast %get3A_1111 : vector<1x64x64xf32> to vector<64x64xf32>
    %dot_general3A_1113 = arith.constant dense<0.000000e+00> : vector<128x64xf32>
    %dot_general3A_1114 = tpu.matmul %max3A_1107, %get3A_1112, %dot_general3A_1113 {dimension_numbers = #tpu.dot_dimension_numbers<[1], [0], [0], [1], [0, 0, 1, 1], [], []>, transpose_lhs_hint = false} : vector<128x64xf32>, vector<64x64xf32>, vector<128x64xf32> -> vector<128x64xf32>
    %reduce_sum3A_1115 = arith.constant dense<0.000000e+00> : vector<128xf32>
    %reduce_sum3A_1116 = vector.multi_reduction <add>, %dot_general3A_1114, %reduce_sum3A_1115 [1] : vector<128x64xf32> to vector<128xf32>
    %broadcast_in_dim3A_1117 = vector.shape_cast %reduce_sum3A_1116 : vector<128xf32> to vector<128x1xf32>
    %add3A_1118 = arith.addf %broadcast_in_dim3A_1117, %broadcast_in_dim3A : vector<128x1xf32>
    %get3A_1119 = arith.constant 31 : index
    %get3A_1120 = arith.constant 0 : index
    %get3A_1121 = vector.load %arg2[%get3A_1119, %get3A_1120] : memref<64x128xi32, #tpu.memory_space<vmem>>, vector<1x128xi32>
    %eq3A_1122 = vector.broadcast %get3A_1121 : vector<1x128xi32> to vector<128x128xi32>
    %eq3A_1123 = arith.cmpi eq, %iota3A, %eq3A_1122 : vector<128x128xi32>
    %convert_element_type3A_1124 = arith.extui %eq3A_1123 : vector<128x128xi1> to vector<128x128xi32>
    %convert_element_type3A_1125 = arith.sitofp %convert_element_type3A_1124 : vector<128x128xi32> to vector<128x128xf32>
    %dot_general3A_1126 = arith.constant dense<0.000000e+00> : vector<128x64xf32>
    %dot_general3A_1127 = tpu.matmul %convert_element_type3A_1125, %get3A_5, %dot_general3A_1126 {dimension_numbers = #tpu.dot_dimension_numbers<[0], [0], [1], [1], [0, 1, 1, 1], [], []>, transpose_lhs_hint = false} : vector<128x128xf32>, vector<128x64xf32>, vector<128x64xf32> -> vector<128x64xf32>
    %get3A_1128 = arith.constant 31 : index
    %get3A_1129 = arith.constant 0 : index
    %get3A_1130 = vector.load %arg1[%get3A_1128, %get3A_1129] : memref<64x64xf32, #tpu.memory_space<vmem>>, vector<1x64xf32>
    %mul3A_1131 = vector.broadcast %get3A_1130 : vector<1x64xf32> to vector<128x64xf32>
    %mul3A_1132 = arith.mulf %dot_general3A_1127, %mul3A_1131 : vector<128x64xf32>
    %get3A_1133 = arith.constant 31 : index
    %get3A_1134 = arith.constant 0 : index
    %get3A_1135 = arith.constant 0 : index
    %get3A_1136 = vector.load %arg3[%get3A_1133, %get3A_1134, %get3A_1135] : memref<64x64x64xf32, #tpu.memory_space<vmem>>, vector<1x64x64xf32>
    %get3A_1137 = vector.shape_cast %get3A_1136 : vector<1x64x64xf32> to vector<64x64xf32>
    %dot_general3A_1138 = arith.constant dense<0.000000e+00> : vector<128x64xf32>
    %dot_general3A_1139 = tpu.matmul %mul3A_1132, %get3A_1137, %dot_general3A_1138 {dimension_numbers = #tpu.dot_dimension_numbers<[1], [0], [0], [1], [0, 0, 1, 1], [], []>, transpose_lhs_hint = false} : vector<128x64xf32>, vector<64x64xf32>, vector<128x64xf32> -> vector<128x64xf32>
    %add3A_1140 = arith.addf %dot_general3A_1139, %get3A_8 : vector<128x64xf32>
    %max3A_1141 = arith.constant 0.000000e+00 : f32
    %max3A_1142 = vector.broadcast %max3A_1141 : f32 to vector<128x64xf32>
    %max3A_1143 = arith.maximumf %add3A_1140, %max3A_1142 : vector<128x64xf32>
    %get3A_1144 = arith.constant 31 : index
    %get3A_1145 = arith.constant 0 : index
    %get3A_1146 = arith.constant 0 : index
    %get3A_1147 = vector.load %arg4[%get3A_1144, %get3A_1145, %get3A_1146] : memref<64x64x64xf32, #tpu.memory_space<vmem>>, vector<1x64x64xf32>
    %get3A_1148 = vector.shape_cast %get3A_1147 : vector<1x64x64xf32> to vector<64x64xf32>
    %dot_general3A_1149 = arith.constant dense<0.000000e+00> : vector<128x64xf32>
    %dot_general3A_1150 = tpu.matmul %max3A_1143, %get3A_1148, %dot_general3A_1149 {dimension_numbers = #tpu.dot_dimension_numbers<[1], [0], [0], [1], [0, 0, 1, 1], [], []>, transpose_lhs_hint = false} : vector<128x64xf32>, vector<64x64xf32>, vector<128x64xf32> -> vector<128x64xf32>
    %reduce_sum3A_1151 = arith.constant dense<0.000000e+00> : vector<128xf32>
    %reduce_sum3A_1152 = vector.multi_reduction <add>, %dot_general3A_1150, %reduce_sum3A_1151 [1] : vector<128x64xf32> to vector<128xf32>
    %broadcast_in_dim3A_1153 = vector.shape_cast %reduce_sum3A_1152 : vector<128xf32> to vector<128x1xf32>
    %add3A_1154 = arith.addf %broadcast_in_dim3A_1153, %broadcast_in_dim3A : vector<128x1xf32>
    %get3A_1155 = arith.constant 32 : index
    %get3A_1156 = arith.constant 0 : index
    %get3A_1157 = vector.load %arg2[%get3A_1155, %get3A_1156] : memref<64x128xi32, #tpu.memory_space<vmem>>, vector<1x128xi32>
    %eq3A_1158 = vector.broadcast %get3A_1157 : vector<1x128xi32> to vector<128x128xi32>
    %eq3A_1159 = arith.cmpi eq, %iota3A, %eq3A_1158 : vector<128x128xi32>
    %convert_element_type3A_1160 = arith.extui %eq3A_1159 : vector<128x128xi1> to vector<128x128xi32>
    %convert_element_type3A_1161 = arith.sitofp %convert_element_type3A_1160 : vector<128x128xi32> to vector<128x128xf32>
    %dot_general3A_1162 = arith.constant dense<0.000000e+00> : vector<128x64xf32>
    %dot_general3A_1163 = tpu.matmul %convert_element_type3A_1161, %get3A_5, %dot_general3A_1162 {dimension_numbers = #tpu.dot_dimension_numbers<[0], [0], [1], [1], [0, 1, 1, 1], [], []>, transpose_lhs_hint = false} : vector<128x128xf32>, vector<128x64xf32>, vector<128x64xf32> -> vector<128x64xf32>
    %get3A_1164 = arith.constant 32 : index
    %get3A_1165 = arith.constant 0 : index
    %get3A_1166 = vector.load %arg1[%get3A_1164, %get3A_1165] : memref<64x64xf32, #tpu.memory_space<vmem>>, vector<1x64xf32>
    %mul3A_1167 = vector.broadcast %get3A_1166 : vector<1x64xf32> to vector<128x64xf32>
    %mul3A_1168 = arith.mulf %dot_general3A_1163, %mul3A_1167 : vector<128x64xf32>
    %get3A_1169 = arith.constant 32 : index
    %get3A_1170 = arith.constant 0 : index
    %get3A_1171 = arith.constant 0 : index
    %get3A_1172 = vector.load %arg3[%get3A_1169, %get3A_1170, %get3A_1171] : memref<64x64x64xf32, #tpu.memory_space<vmem>>, vector<1x64x64xf32>
    %get3A_1173 = vector.shape_cast %get3A_1172 : vector<1x64x64xf32> to vector<64x64xf32>
    %dot_general3A_1174 = arith.constant dense<0.000000e+00> : vector<128x64xf32>
    %dot_general3A_1175 = tpu.matmul %mul3A_1168, %get3A_1173, %dot_general3A_1174 {dimension_numbers = #tpu.dot_dimension_numbers<[1], [0], [0], [1], [0, 0, 1, 1], [], []>, transpose_lhs_hint = false} : vector<128x64xf32>, vector<64x64xf32>, vector<128x64xf32> -> vector<128x64xf32>
    %add3A_1176 = arith.addf %dot_general3A_1175, %get3A_8 : vector<128x64xf32>
    %max3A_1177 = arith.constant 0.000000e+00 : f32
    %max3A_1178 = vector.broadcast %max3A_1177 : f32 to vector<128x64xf32>
    %max3A_1179 = arith.maximumf %add3A_1176, %max3A_1178 : vector<128x64xf32>
    %get3A_1180 = arith.constant 32 : index
    %get3A_1181 = arith.constant 0 : index
    %get3A_1182 = arith.constant 0 : index
    %get3A_1183 = vector.load %arg4[%get3A_1180, %get3A_1181, %get3A_1182] : memref<64x64x64xf32, #tpu.memory_space<vmem>>, vector<1x64x64xf32>
    %get3A_1184 = vector.shape_cast %get3A_1183 : vector<1x64x64xf32> to vector<64x64xf32>
    %dot_general3A_1185 = arith.constant dense<0.000000e+00> : vector<128x64xf32>
    %dot_general3A_1186 = tpu.matmul %max3A_1179, %get3A_1184, %dot_general3A_1185 {dimension_numbers = #tpu.dot_dimension_numbers<[1], [0], [0], [1], [0, 0, 1, 1], [], []>, transpose_lhs_hint = false} : vector<128x64xf32>, vector<64x64xf32>, vector<128x64xf32> -> vector<128x64xf32>
    %reduce_sum3A_1187 = arith.constant dense<0.000000e+00> : vector<128xf32>
    %reduce_sum3A_1188 = vector.multi_reduction <add>, %dot_general3A_1186, %reduce_sum3A_1187 [1] : vector<128x64xf32> to vector<128xf32>
    %broadcast_in_dim3A_1189 = vector.shape_cast %reduce_sum3A_1188 : vector<128xf32> to vector<128x1xf32>
    %add3A_1190 = arith.addf %broadcast_in_dim3A_1189, %broadcast_in_dim3A : vector<128x1xf32>
    %get3A_1191 = arith.constant 33 : index
    %get3A_1192 = arith.constant 0 : index
    %get3A_1193 = vector.load %arg2[%get3A_1191, %get3A_1192] : memref<64x128xi32, #tpu.memory_space<vmem>>, vector<1x128xi32>
    %eq3A_1194 = vector.broadcast %get3A_1193 : vector<1x128xi32> to vector<128x128xi32>
    %eq3A_1195 = arith.cmpi eq, %iota3A, %eq3A_1194 : vector<128x128xi32>
    %convert_element_type3A_1196 = arith.extui %eq3A_1195 : vector<128x128xi1> to vector<128x128xi32>
    %convert_element_type3A_1197 = arith.sitofp %convert_element_type3A_1196 : vector<128x128xi32> to vector<128x128xf32>
    %dot_general3A_1198 = arith.constant dense<0.000000e+00> : vector<128x64xf32>
    %dot_general3A_1199 = tpu.matmul %convert_element_type3A_1197, %get3A_5, %dot_general3A_1198 {dimension_numbers = #tpu.dot_dimension_numbers<[0], [0], [1], [1], [0, 1, 1, 1], [], []>, transpose_lhs_hint = false} : vector<128x128xf32>, vector<128x64xf32>, vector<128x64xf32> -> vector<128x64xf32>
    %get3A_1200 = arith.constant 33 : index
    %get3A_1201 = arith.constant 0 : index
    %get3A_1202 = vector.load %arg1[%get3A_1200, %get3A_1201] : memref<64x64xf32, #tpu.memory_space<vmem>>, vector<1x64xf32>
    %mul3A_1203 = vector.broadcast %get3A_1202 : vector<1x64xf32> to vector<128x64xf32>
    %mul3A_1204 = arith.mulf %dot_general3A_1199, %mul3A_1203 : vector<128x64xf32>
    %get3A_1205 = arith.constant 33 : index
    %get3A_1206 = arith.constant 0 : index
    %get3A_1207 = arith.constant 0 : index
    %get3A_1208 = vector.load %arg3[%get3A_1205, %get3A_1206, %get3A_1207] : memref<64x64x64xf32, #tpu.memory_space<vmem>>, vector<1x64x64xf32>
    %get3A_1209 = vector.shape_cast %get3A_1208 : vector<1x64x64xf32> to vector<64x64xf32>
    %dot_general3A_1210 = arith.constant dense<0.000000e+00> : vector<128x64xf32>
    %dot_general3A_1211 = tpu.matmul %mul3A_1204, %get3A_1209, %dot_general3A_1210 {dimension_numbers = #tpu.dot_dimension_numbers<[1], [0], [0], [1], [0, 0, 1, 1], [], []>, transpose_lhs_hint = false} : vector<128x64xf32>, vector<64x64xf32>, vector<128x64xf32> -> vector<128x64xf32>
    %add3A_1212 = arith.addf %dot_general3A_1211, %get3A_8 : vector<128x64xf32>
    %max3A_1213 = arith.constant 0.000000e+00 : f32
    %max3A_1214 = vector.broadcast %max3A_1213 : f32 to vector<128x64xf32>
    %max3A_1215 = arith.maximumf %add3A_1212, %max3A_1214 : vector<128x64xf32>
    %get3A_1216 = arith.constant 33 : index
    %get3A_1217 = arith.constant 0 : index
    %get3A_1218 = arith.constant 0 : index
    %get3A_1219 = vector.load %arg4[%get3A_1216, %get3A_1217, %get3A_1218] : memref<64x64x64xf32, #tpu.memory_space<vmem>>, vector<1x64x64xf32>
    %get3A_1220 = vector.shape_cast %get3A_1219 : vector<1x64x64xf32> to vector<64x64xf32>
    %dot_general3A_1221 = arith.constant dense<0.000000e+00> : vector<128x64xf32>
    %dot_general3A_1222 = tpu.matmul %max3A_1215, %get3A_1220, %dot_general3A_1221 {dimension_numbers = #tpu.dot_dimension_numbers<[1], [0], [0], [1], [0, 0, 1, 1], [], []>, transpose_lhs_hint = false} : vector<128x64xf32>, vector<64x64xf32>, vector<128x64xf32> -> vector<128x64xf32>
    %reduce_sum3A_1223 = arith.constant dense<0.000000e+00> : vector<128xf32>
    %reduce_sum3A_1224 = vector.multi_reduction <add>, %dot_general3A_1222, %reduce_sum3A_1223 [1] : vector<128x64xf32> to vector<128xf32>
    %broadcast_in_dim3A_1225 = vector.shape_cast %reduce_sum3A_1224 : vector<128xf32> to vector<128x1xf32>
    %add3A_1226 = arith.addf %broadcast_in_dim3A_1225, %broadcast_in_dim3A : vector<128x1xf32>
    %get3A_1227 = arith.constant 34 : index
    %get3A_1228 = arith.constant 0 : index
    %get3A_1229 = vector.load %arg2[%get3A_1227, %get3A_1228] : memref<64x128xi32, #tpu.memory_space<vmem>>, vector<1x128xi32>
    %eq3A_1230 = vector.broadcast %get3A_1229 : vector<1x128xi32> to vector<128x128xi32>
    %eq3A_1231 = arith.cmpi eq, %iota3A, %eq3A_1230 : vector<128x128xi32>
    %convert_element_type3A_1232 = arith.extui %eq3A_1231 : vector<128x128xi1> to vector<128x128xi32>
    %convert_element_type3A_1233 = arith.sitofp %convert_element_type3A_1232 : vector<128x128xi32> to vector<128x128xf32>
    %dot_general3A_1234 = arith.constant dense<0.000000e+00> : vector<128x64xf32>
    %dot_general3A_1235 = tpu.matmul %convert_element_type3A_1233, %get3A_5, %dot_general3A_1234 {dimension_numbers = #tpu.dot_dimension_numbers<[0], [0], [1], [1], [0, 1, 1, 1], [], []>, transpose_lhs_hint = false} : vector<128x128xf32>, vector<128x64xf32>, vector<128x64xf32> -> vector<128x64xf32>
    %get3A_1236 = arith.constant 34 : index
    %get3A_1237 = arith.constant 0 : index
    %get3A_1238 = vector.load %arg1[%get3A_1236, %get3A_1237] : memref<64x64xf32, #tpu.memory_space<vmem>>, vector<1x64xf32>
    %mul3A_1239 = vector.broadcast %get3A_1238 : vector<1x64xf32> to vector<128x64xf32>
    %mul3A_1240 = arith.mulf %dot_general3A_1235, %mul3A_1239 : vector<128x64xf32>
    %get3A_1241 = arith.constant 34 : index
    %get3A_1242 = arith.constant 0 : index
    %get3A_1243 = arith.constant 0 : index
    %get3A_1244 = vector.load %arg3[%get3A_1241, %get3A_1242, %get3A_1243] : memref<64x64x64xf32, #tpu.memory_space<vmem>>, vector<1x64x64xf32>
    %get3A_1245 = vector.shape_cast %get3A_1244 : vector<1x64x64xf32> to vector<64x64xf32>
    %dot_general3A_1246 = arith.constant dense<0.000000e+00> : vector<128x64xf32>
    %dot_general3A_1247 = tpu.matmul %mul3A_1240, %get3A_1245, %dot_general3A_1246 {dimension_numbers = #tpu.dot_dimension_numbers<[1], [0], [0], [1], [0, 0, 1, 1], [], []>, transpose_lhs_hint = false} : vector<128x64xf32>, vector<64x64xf32>, vector<128x64xf32> -> vector<128x64xf32>
    %add3A_1248 = arith.addf %dot_general3A_1247, %get3A_8 : vector<128x64xf32>
    %max3A_1249 = arith.constant 0.000000e+00 : f32
    %max3A_1250 = vector.broadcast %max3A_1249 : f32 to vector<128x64xf32>
    %max3A_1251 = arith.maximumf %add3A_1248, %max3A_1250 : vector<128x64xf32>
    %get3A_1252 = arith.constant 34 : index
    %get3A_1253 = arith.constant 0 : index
    %get3A_1254 = arith.constant 0 : index
    %get3A_1255 = vector.load %arg4[%get3A_1252, %get3A_1253, %get3A_1254] : memref<64x64x64xf32, #tpu.memory_space<vmem>>, vector<1x64x64xf32>
    %get3A_1256 = vector.shape_cast %get3A_1255 : vector<1x64x64xf32> to vector<64x64xf32>
    %dot_general3A_1257 = arith.constant dense<0.000000e+00> : vector<128x64xf32>
    %dot_general3A_1258 = tpu.matmul %max3A_1251, %get3A_1256, %dot_general3A_1257 {dimension_numbers = #tpu.dot_dimension_numbers<[1], [0], [0], [1], [0, 0, 1, 1], [], []>, transpose_lhs_hint = false} : vector<128x64xf32>, vector<64x64xf32>, vector<128x64xf32> -> vector<128x64xf32>
    %reduce_sum3A_1259 = arith.constant dense<0.000000e+00> : vector<128xf32>
    %reduce_sum3A_1260 = vector.multi_reduction <add>, %dot_general3A_1258, %reduce_sum3A_1259 [1] : vector<128x64xf32> to vector<128xf32>
    %broadcast_in_dim3A_1261 = vector.shape_cast %reduce_sum3A_1260 : vector<128xf32> to vector<128x1xf32>
    %add3A_1262 = arith.addf %broadcast_in_dim3A_1261, %broadcast_in_dim3A : vector<128x1xf32>
    %get3A_1263 = arith.constant 35 : index
    %get3A_1264 = arith.constant 0 : index
    %get3A_1265 = vector.load %arg2[%get3A_1263, %get3A_1264] : memref<64x128xi32, #tpu.memory_space<vmem>>, vector<1x128xi32>
    %eq3A_1266 = vector.broadcast %get3A_1265 : vector<1x128xi32> to vector<128x128xi32>
    %eq3A_1267 = arith.cmpi eq, %iota3A, %eq3A_1266 : vector<128x128xi32>
    %convert_element_type3A_1268 = arith.extui %eq3A_1267 : vector<128x128xi1> to vector<128x128xi32>
    %convert_element_type3A_1269 = arith.sitofp %convert_element_type3A_1268 : vector<128x128xi32> to vector<128x128xf32>
    %dot_general3A_1270 = arith.constant dense<0.000000e+00> : vector<128x64xf32>
    %dot_general3A_1271 = tpu.matmul %convert_element_type3A_1269, %get3A_5, %dot_general3A_1270 {dimension_numbers = #tpu.dot_dimension_numbers<[0], [0], [1], [1], [0, 1, 1, 1], [], []>, transpose_lhs_hint = false} : vector<128x128xf32>, vector<128x64xf32>, vector<128x64xf32> -> vector<128x64xf32>
    %get3A_1272 = arith.constant 35 : index
    %get3A_1273 = arith.constant 0 : index
    %get3A_1274 = vector.load %arg1[%get3A_1272, %get3A_1273] : memref<64x64xf32, #tpu.memory_space<vmem>>, vector<1x64xf32>
    %mul3A_1275 = vector.broadcast %get3A_1274 : vector<1x64xf32> to vector<128x64xf32>
    %mul3A_1276 = arith.mulf %dot_general3A_1271, %mul3A_1275 : vector<128x64xf32>
    %get3A_1277 = arith.constant 35 : index
    %get3A_1278 = arith.constant 0 : index
    %get3A_1279 = arith.constant 0 : index
    %get3A_1280 = vector.load %arg3[%get3A_1277, %get3A_1278, %get3A_1279] : memref<64x64x64xf32, #tpu.memory_space<vmem>>, vector<1x64x64xf32>
    %get3A_1281 = vector.shape_cast %get3A_1280 : vector<1x64x64xf32> to vector<64x64xf32>
    %dot_general3A_1282 = arith.constant dense<0.000000e+00> : vector<128x64xf32>
    %dot_general3A_1283 = tpu.matmul %mul3A_1276, %get3A_1281, %dot_general3A_1282 {dimension_numbers = #tpu.dot_dimension_numbers<[1], [0], [0], [1], [0, 0, 1, 1], [], []>, transpose_lhs_hint = false} : vector<128x64xf32>, vector<64x64xf32>, vector<128x64xf32> -> vector<128x64xf32>
    %add3A_1284 = arith.addf %dot_general3A_1283, %get3A_8 : vector<128x64xf32>
    %max3A_1285 = arith.constant 0.000000e+00 : f32
    %max3A_1286 = vector.broadcast %max3A_1285 : f32 to vector<128x64xf32>
    %max3A_1287 = arith.maximumf %add3A_1284, %max3A_1286 : vector<128x64xf32>
    %get3A_1288 = arith.constant 35 : index
    %get3A_1289 = arith.constant 0 : index
    %get3A_1290 = arith.constant 0 : index
    %get3A_1291 = vector.load %arg4[%get3A_1288, %get3A_1289, %get3A_1290] : memref<64x64x64xf32, #tpu.memory_space<vmem>>, vector<1x64x64xf32>
    %get3A_1292 = vector.shape_cast %get3A_1291 : vector<1x64x64xf32> to vector<64x64xf32>
    %dot_general3A_1293 = arith.constant dense<0.000000e+00> : vector<128x64xf32>
    %dot_general3A_1294 = tpu.matmul %max3A_1287, %get3A_1292, %dot_general3A_1293 {dimension_numbers = #tpu.dot_dimension_numbers<[1], [0], [0], [1], [0, 0, 1, 1], [], []>, transpose_lhs_hint = false} : vector<128x64xf32>, vector<64x64xf32>, vector<128x64xf32> -> vector<128x64xf32>
    %reduce_sum3A_1295 = arith.constant dense<0.000000e+00> : vector<128xf32>
    %reduce_sum3A_1296 = vector.multi_reduction <add>, %dot_general3A_1294, %reduce_sum3A_1295 [1] : vector<128x64xf32> to vector<128xf32>
    %broadcast_in_dim3A_1297 = vector.shape_cast %reduce_sum3A_1296 : vector<128xf32> to vector<128x1xf32>
    %add3A_1298 = arith.addf %broadcast_in_dim3A_1297, %broadcast_in_dim3A : vector<128x1xf32>
    %get3A_1299 = arith.constant 36 : index
    %get3A_1300 = arith.constant 0 : index
    %get3A_1301 = vector.load %arg2[%get3A_1299, %get3A_1300] : memref<64x128xi32, #tpu.memory_space<vmem>>, vector<1x128xi32>
    %eq3A_1302 = vector.broadcast %get3A_1301 : vector<1x128xi32> to vector<128x128xi32>
    %eq3A_1303 = arith.cmpi eq, %iota3A, %eq3A_1302 : vector<128x128xi32>
    %convert_element_type3A_1304 = arith.extui %eq3A_1303 : vector<128x128xi1> to vector<128x128xi32>
    %convert_element_type3A_1305 = arith.sitofp %convert_element_type3A_1304 : vector<128x128xi32> to vector<128x128xf32>
    %dot_general3A_1306 = arith.constant dense<0.000000e+00> : vector<128x64xf32>
    %dot_general3A_1307 = tpu.matmul %convert_element_type3A_1305, %get3A_5, %dot_general3A_1306 {dimension_numbers = #tpu.dot_dimension_numbers<[0], [0], [1], [1], [0, 1, 1, 1], [], []>, transpose_lhs_hint = false} : vector<128x128xf32>, vector<128x64xf32>, vector<128x64xf32> -> vector<128x64xf32>
    %get3A_1308 = arith.constant 36 : index
    %get3A_1309 = arith.constant 0 : index
    %get3A_1310 = vector.load %arg1[%get3A_1308, %get3A_1309] : memref<64x64xf32, #tpu.memory_space<vmem>>, vector<1x64xf32>
    %mul3A_1311 = vector.broadcast %get3A_1310 : vector<1x64xf32> to vector<128x64xf32>
    %mul3A_1312 = arith.mulf %dot_general3A_1307, %mul3A_1311 : vector<128x64xf32>
    %get3A_1313 = arith.constant 36 : index
    %get3A_1314 = arith.constant 0 : index
    %get3A_1315 = arith.constant 0 : index
    %get3A_1316 = vector.load %arg3[%get3A_1313, %get3A_1314, %get3A_1315] : memref<64x64x64xf32, #tpu.memory_space<vmem>>, vector<1x64x64xf32>
    %get3A_1317 = vector.shape_cast %get3A_1316 : vector<1x64x64xf32> to vector<64x64xf32>
    %dot_general3A_1318 = arith.constant dense<0.000000e+00> : vector<128x64xf32>
    %dot_general3A_1319 = tpu.matmul %mul3A_1312, %get3A_1317, %dot_general3A_1318 {dimension_numbers = #tpu.dot_dimension_numbers<[1], [0], [0], [1], [0, 0, 1, 1], [], []>, transpose_lhs_hint = false} : vector<128x64xf32>, vector<64x64xf32>, vector<128x64xf32> -> vector<128x64xf32>
    %add3A_1320 = arith.addf %dot_general3A_1319, %get3A_8 : vector<128x64xf32>
    %max3A_1321 = arith.constant 0.000000e+00 : f32
    %max3A_1322 = vector.broadcast %max3A_1321 : f32 to vector<128x64xf32>
    %max3A_1323 = arith.maximumf %add3A_1320, %max3A_1322 : vector<128x64xf32>
    %get3A_1324 = arith.constant 36 : index
    %get3A_1325 = arith.constant 0 : index
    %get3A_1326 = arith.constant 0 : index
    %get3A_1327 = vector.load %arg4[%get3A_1324, %get3A_1325, %get3A_1326] : memref<64x64x64xf32, #tpu.memory_space<vmem>>, vector<1x64x64xf32>
    %get3A_1328 = vector.shape_cast %get3A_1327 : vector<1x64x64xf32> to vector<64x64xf32>
    %dot_general3A_1329 = arith.constant dense<0.000000e+00> : vector<128x64xf32>
    %dot_general3A_1330 = tpu.matmul %max3A_1323, %get3A_1328, %dot_general3A_1329 {dimension_numbers = #tpu.dot_dimension_numbers<[1], [0], [0], [1], [0, 0, 1, 1], [], []>, transpose_lhs_hint = false} : vector<128x64xf32>, vector<64x64xf32>, vector<128x64xf32> -> vector<128x64xf32>
    %reduce_sum3A_1331 = arith.constant dense<0.000000e+00> : vector<128xf32>
    %reduce_sum3A_1332 = vector.multi_reduction <add>, %dot_general3A_1330, %reduce_sum3A_1331 [1] : vector<128x64xf32> to vector<128xf32>
    %broadcast_in_dim3A_1333 = vector.shape_cast %reduce_sum3A_1332 : vector<128xf32> to vector<128x1xf32>
    %add3A_1334 = arith.addf %broadcast_in_dim3A_1333, %broadcast_in_dim3A : vector<128x1xf32>
    %get3A_1335 = arith.constant 37 : index
    %get3A_1336 = arith.constant 0 : index
    %get3A_1337 = vector.load %arg2[%get3A_1335, %get3A_1336] : memref<64x128xi32, #tpu.memory_space<vmem>>, vector<1x128xi32>
    %eq3A_1338 = vector.broadcast %get3A_1337 : vector<1x128xi32> to vector<128x128xi32>
    %eq3A_1339 = arith.cmpi eq, %iota3A, %eq3A_1338 : vector<128x128xi32>
    %convert_element_type3A_1340 = arith.extui %eq3A_1339 : vector<128x128xi1> to vector<128x128xi32>
    %convert_element_type3A_1341 = arith.sitofp %convert_element_type3A_1340 : vector<128x128xi32> to vector<128x128xf32>
    %dot_general3A_1342 = arith.constant dense<0.000000e+00> : vector<128x64xf32>
    %dot_general3A_1343 = tpu.matmul %convert_element_type3A_1341, %get3A_5, %dot_general3A_1342 {dimension_numbers = #tpu.dot_dimension_numbers<[0], [0], [1], [1], [0, 1, 1, 1], [], []>, transpose_lhs_hint = false} : vector<128x128xf32>, vector<128x64xf32>, vector<128x64xf32> -> vector<128x64xf32>
    %get3A_1344 = arith.constant 37 : index
    %get3A_1345 = arith.constant 0 : index
    %get3A_1346 = vector.load %arg1[%get3A_1344, %get3A_1345] : memref<64x64xf32, #tpu.memory_space<vmem>>, vector<1x64xf32>
    %mul3A_1347 = vector.broadcast %get3A_1346 : vector<1x64xf32> to vector<128x64xf32>
    %mul3A_1348 = arith.mulf %dot_general3A_1343, %mul3A_1347 : vector<128x64xf32>
    %get3A_1349 = arith.constant 37 : index
    %get3A_1350 = arith.constant 0 : index
    %get3A_1351 = arith.constant 0 : index
    %get3A_1352 = vector.load %arg3[%get3A_1349, %get3A_1350, %get3A_1351] : memref<64x64x64xf32, #tpu.memory_space<vmem>>, vector<1x64x64xf32>
    %get3A_1353 = vector.shape_cast %get3A_1352 : vector<1x64x64xf32> to vector<64x64xf32>
    %dot_general3A_1354 = arith.constant dense<0.000000e+00> : vector<128x64xf32>
    %dot_general3A_1355 = tpu.matmul %mul3A_1348, %get3A_1353, %dot_general3A_1354 {dimension_numbers = #tpu.dot_dimension_numbers<[1], [0], [0], [1], [0, 0, 1, 1], [], []>, transpose_lhs_hint = false} : vector<128x64xf32>, vector<64x64xf32>, vector<128x64xf32> -> vector<128x64xf32>
    %add3A_1356 = arith.addf %dot_general3A_1355, %get3A_8 : vector<128x64xf32>
    %max3A_1357 = arith.constant 0.000000e+00 : f32
    %max3A_1358 = vector.broadcast %max3A_1357 : f32 to vector<128x64xf32>
    %max3A_1359 = arith.maximumf %add3A_1356, %max3A_1358 : vector<128x64xf32>
    %get3A_1360 = arith.constant 37 : index
    %get3A_1361 = arith.constant 0 : index
    %get3A_1362 = arith.constant 0 : index
    %get3A_1363 = vector.load %arg4[%get3A_1360, %get3A_1361, %get3A_1362] : memref<64x64x64xf32, #tpu.memory_space<vmem>>, vector<1x64x64xf32>
    %get3A_1364 = vector.shape_cast %get3A_1363 : vector<1x64x64xf32> to vector<64x64xf32>
    %dot_general3A_1365 = arith.constant dense<0.000000e+00> : vector<128x64xf32>
    %dot_general3A_1366 = tpu.matmul %max3A_1359, %get3A_1364, %dot_general3A_1365 {dimension_numbers = #tpu.dot_dimension_numbers<[1], [0], [0], [1], [0, 0, 1, 1], [], []>, transpose_lhs_hint = false} : vector<128x64xf32>, vector<64x64xf32>, vector<128x64xf32> -> vector<128x64xf32>
    %reduce_sum3A_1367 = arith.constant dense<0.000000e+00> : vector<128xf32>
    %reduce_sum3A_1368 = vector.multi_reduction <add>, %dot_general3A_1366, %reduce_sum3A_1367 [1] : vector<128x64xf32> to vector<128xf32>
    %broadcast_in_dim3A_1369 = vector.shape_cast %reduce_sum3A_1368 : vector<128xf32> to vector<128x1xf32>
    %add3A_1370 = arith.addf %broadcast_in_dim3A_1369, %broadcast_in_dim3A : vector<128x1xf32>
    %get3A_1371 = arith.constant 38 : index
    %get3A_1372 = arith.constant 0 : index
    %get3A_1373 = vector.load %arg2[%get3A_1371, %get3A_1372] : memref<64x128xi32, #tpu.memory_space<vmem>>, vector<1x128xi32>
    %eq3A_1374 = vector.broadcast %get3A_1373 : vector<1x128xi32> to vector<128x128xi32>
    %eq3A_1375 = arith.cmpi eq, %iota3A, %eq3A_1374 : vector<128x128xi32>
    %convert_element_type3A_1376 = arith.extui %eq3A_1375 : vector<128x128xi1> to vector<128x128xi32>
    %convert_element_type3A_1377 = arith.sitofp %convert_element_type3A_1376 : vector<128x128xi32> to vector<128x128xf32>
    %dot_general3A_1378 = arith.constant dense<0.000000e+00> : vector<128x64xf32>
    %dot_general3A_1379 = tpu.matmul %convert_element_type3A_1377, %get3A_5, %dot_general3A_1378 {dimension_numbers = #tpu.dot_dimension_numbers<[0], [0], [1], [1], [0, 1, 1, 1], [], []>, transpose_lhs_hint = false} : vector<128x128xf32>, vector<128x64xf32>, vector<128x64xf32> -> vector<128x64xf32>
    %get3A_1380 = arith.constant 38 : index
    %get3A_1381 = arith.constant 0 : index
    %get3A_1382 = vector.load %arg1[%get3A_1380, %get3A_1381] : memref<64x64xf32, #tpu.memory_space<vmem>>, vector<1x64xf32>
    %mul3A_1383 = vector.broadcast %get3A_1382 : vector<1x64xf32> to vector<128x64xf32>
    %mul3A_1384 = arith.mulf %dot_general3A_1379, %mul3A_1383 : vector<128x64xf32>
    %get3A_1385 = arith.constant 38 : index
    %get3A_1386 = arith.constant 0 : index
    %get3A_1387 = arith.constant 0 : index
    %get3A_1388 = vector.load %arg3[%get3A_1385, %get3A_1386, %get3A_1387] : memref<64x64x64xf32, #tpu.memory_space<vmem>>, vector<1x64x64xf32>
    %get3A_1389 = vector.shape_cast %get3A_1388 : vector<1x64x64xf32> to vector<64x64xf32>
    %dot_general3A_1390 = arith.constant dense<0.000000e+00> : vector<128x64xf32>
    %dot_general3A_1391 = tpu.matmul %mul3A_1384, %get3A_1389, %dot_general3A_1390 {dimension_numbers = #tpu.dot_dimension_numbers<[1], [0], [0], [1], [0, 0, 1, 1], [], []>, transpose_lhs_hint = false} : vector<128x64xf32>, vector<64x64xf32>, vector<128x64xf32> -> vector<128x64xf32>
    %add3A_1392 = arith.addf %dot_general3A_1391, %get3A_8 : vector<128x64xf32>
    %max3A_1393 = arith.constant 0.000000e+00 : f32
    %max3A_1394 = vector.broadcast %max3A_1393 : f32 to vector<128x64xf32>
    %max3A_1395 = arith.maximumf %add3A_1392, %max3A_1394 : vector<128x64xf32>
    %get3A_1396 = arith.constant 38 : index
    %get3A_1397 = arith.constant 0 : index
    %get3A_1398 = arith.constant 0 : index
    %get3A_1399 = vector.load %arg4[%get3A_1396, %get3A_1397, %get3A_1398] : memref<64x64x64xf32, #tpu.memory_space<vmem>>, vector<1x64x64xf32>
    %get3A_1400 = vector.shape_cast %get3A_1399 : vector<1x64x64xf32> to vector<64x64xf32>
    %dot_general3A_1401 = arith.constant dense<0.000000e+00> : vector<128x64xf32>
    %dot_general3A_1402 = tpu.matmul %max3A_1395, %get3A_1400, %dot_general3A_1401 {dimension_numbers = #tpu.dot_dimension_numbers<[1], [0], [0], [1], [0, 0, 1, 1], [], []>, transpose_lhs_hint = false} : vector<128x64xf32>, vector<64x64xf32>, vector<128x64xf32> -> vector<128x64xf32>
    %reduce_sum3A_1403 = arith.constant dense<0.000000e+00> : vector<128xf32>
    %reduce_sum3A_1404 = vector.multi_reduction <add>, %dot_general3A_1402, %reduce_sum3A_1403 [1] : vector<128x64xf32> to vector<128xf32>
    %broadcast_in_dim3A_1405 = vector.shape_cast %reduce_sum3A_1404 : vector<128xf32> to vector<128x1xf32>
    %add3A_1406 = arith.addf %broadcast_in_dim3A_1405, %broadcast_in_dim3A : vector<128x1xf32>
    %get3A_1407 = arith.constant 39 : index
    %get3A_1408 = arith.constant 0 : index
    %get3A_1409 = vector.load %arg2[%get3A_1407, %get3A_1408] : memref<64x128xi32, #tpu.memory_space<vmem>>, vector<1x128xi32>
    %eq3A_1410 = vector.broadcast %get3A_1409 : vector<1x128xi32> to vector<128x128xi32>
    %eq3A_1411 = arith.cmpi eq, %iota3A, %eq3A_1410 : vector<128x128xi32>
    %convert_element_type3A_1412 = arith.extui %eq3A_1411 : vector<128x128xi1> to vector<128x128xi32>
    %convert_element_type3A_1413 = arith.sitofp %convert_element_type3A_1412 : vector<128x128xi32> to vector<128x128xf32>
    %dot_general3A_1414 = arith.constant dense<0.000000e+00> : vector<128x64xf32>
    %dot_general3A_1415 = tpu.matmul %convert_element_type3A_1413, %get3A_5, %dot_general3A_1414 {dimension_numbers = #tpu.dot_dimension_numbers<[0], [0], [1], [1], [0, 1, 1, 1], [], []>, transpose_lhs_hint = false} : vector<128x128xf32>, vector<128x64xf32>, vector<128x64xf32> -> vector<128x64xf32>
    %get3A_1416 = arith.constant 39 : index
    %get3A_1417 = arith.constant 0 : index
    %get3A_1418 = vector.load %arg1[%get3A_1416, %get3A_1417] : memref<64x64xf32, #tpu.memory_space<vmem>>, vector<1x64xf32>
    %mul3A_1419 = vector.broadcast %get3A_1418 : vector<1x64xf32> to vector<128x64xf32>
    %mul3A_1420 = arith.mulf %dot_general3A_1415, %mul3A_1419 : vector<128x64xf32>
    %get3A_1421 = arith.constant 39 : index
    %get3A_1422 = arith.constant 0 : index
    %get3A_1423 = arith.constant 0 : index
    %get3A_1424 = vector.load %arg3[%get3A_1421, %get3A_1422, %get3A_1423] : memref<64x64x64xf32, #tpu.memory_space<vmem>>, vector<1x64x64xf32>
    %get3A_1425 = vector.shape_cast %get3A_1424 : vector<1x64x64xf32> to vector<64x64xf32>
    %dot_general3A_1426 = arith.constant dense<0.000000e+00> : vector<128x64xf32>
    %dot_general3A_1427 = tpu.matmul %mul3A_1420, %get3A_1425, %dot_general3A_1426 {dimension_numbers = #tpu.dot_dimension_numbers<[1], [0], [0], [1], [0, 0, 1, 1], [], []>, transpose_lhs_hint = false} : vector<128x64xf32>, vector<64x64xf32>, vector<128x64xf32> -> vector<128x64xf32>
    %add3A_1428 = arith.addf %dot_general3A_1427, %get3A_8 : vector<128x64xf32>
    %max3A_1429 = arith.constant 0.000000e+00 : f32
    %max3A_1430 = vector.broadcast %max3A_1429 : f32 to vector<128x64xf32>
    %max3A_1431 = arith.maximumf %add3A_1428, %max3A_1430 : vector<128x64xf32>
    %get3A_1432 = arith.constant 39 : index
    %get3A_1433 = arith.constant 0 : index
    %get3A_1434 = arith.constant 0 : index
    %get3A_1435 = vector.load %arg4[%get3A_1432, %get3A_1433, %get3A_1434] : memref<64x64x64xf32, #tpu.memory_space<vmem>>, vector<1x64x64xf32>
    %get3A_1436 = vector.shape_cast %get3A_1435 : vector<1x64x64xf32> to vector<64x64xf32>
    %dot_general3A_1437 = arith.constant dense<0.000000e+00> : vector<128x64xf32>
    %dot_general3A_1438 = tpu.matmul %max3A_1431, %get3A_1436, %dot_general3A_1437 {dimension_numbers = #tpu.dot_dimension_numbers<[1], [0], [0], [1], [0, 0, 1, 1], [], []>, transpose_lhs_hint = false} : vector<128x64xf32>, vector<64x64xf32>, vector<128x64xf32> -> vector<128x64xf32>
    %reduce_sum3A_1439 = arith.constant dense<0.000000e+00> : vector<128xf32>
    %reduce_sum3A_1440 = vector.multi_reduction <add>, %dot_general3A_1438, %reduce_sum3A_1439 [1] : vector<128x64xf32> to vector<128xf32>
    %broadcast_in_dim3A_1441 = vector.shape_cast %reduce_sum3A_1440 : vector<128xf32> to vector<128x1xf32>
    %add3A_1442 = arith.addf %broadcast_in_dim3A_1441, %broadcast_in_dim3A : vector<128x1xf32>
    %get3A_1443 = arith.constant 40 : index
    %get3A_1444 = arith.constant 0 : index
    %get3A_1445 = vector.load %arg2[%get3A_1443, %get3A_1444] : memref<64x128xi32, #tpu.memory_space<vmem>>, vector<1x128xi32>
    %eq3A_1446 = vector.broadcast %get3A_1445 : vector<1x128xi32> to vector<128x128xi32>
    %eq3A_1447 = arith.cmpi eq, %iota3A, %eq3A_1446 : vector<128x128xi32>
    %convert_element_type3A_1448 = arith.extui %eq3A_1447 : vector<128x128xi1> to vector<128x128xi32>
    %convert_element_type3A_1449 = arith.sitofp %convert_element_type3A_1448 : vector<128x128xi32> to vector<128x128xf32>
    %dot_general3A_1450 = arith.constant dense<0.000000e+00> : vector<128x64xf32>
    %dot_general3A_1451 = tpu.matmul %convert_element_type3A_1449, %get3A_5, %dot_general3A_1450 {dimension_numbers = #tpu.dot_dimension_numbers<[0], [0], [1], [1], [0, 1, 1, 1], [], []>, transpose_lhs_hint = false} : vector<128x128xf32>, vector<128x64xf32>, vector<128x64xf32> -> vector<128x64xf32>
    %get3A_1452 = arith.constant 40 : index
    %get3A_1453 = arith.constant 0 : index
    %get3A_1454 = vector.load %arg1[%get3A_1452, %get3A_1453] : memref<64x64xf32, #tpu.memory_space<vmem>>, vector<1x64xf32>
    %mul3A_1455 = vector.broadcast %get3A_1454 : vector<1x64xf32> to vector<128x64xf32>
    %mul3A_1456 = arith.mulf %dot_general3A_1451, %mul3A_1455 : vector<128x64xf32>
    %get3A_1457 = arith.constant 40 : index
    %get3A_1458 = arith.constant 0 : index
    %get3A_1459 = arith.constant 0 : index
    %get3A_1460 = vector.load %arg3[%get3A_1457, %get3A_1458, %get3A_1459] : memref<64x64x64xf32, #tpu.memory_space<vmem>>, vector<1x64x64xf32>
    %get3A_1461 = vector.shape_cast %get3A_1460 : vector<1x64x64xf32> to vector<64x64xf32>
    %dot_general3A_1462 = arith.constant dense<0.000000e+00> : vector<128x64xf32>
    %dot_general3A_1463 = tpu.matmul %mul3A_1456, %get3A_1461, %dot_general3A_1462 {dimension_numbers = #tpu.dot_dimension_numbers<[1], [0], [0], [1], [0, 0, 1, 1], [], []>, transpose_lhs_hint = false} : vector<128x64xf32>, vector<64x64xf32>, vector<128x64xf32> -> vector<128x64xf32>
    %add3A_1464 = arith.addf %dot_general3A_1463, %get3A_8 : vector<128x64xf32>
    %max3A_1465 = arith.constant 0.000000e+00 : f32
    %max3A_1466 = vector.broadcast %max3A_1465 : f32 to vector<128x64xf32>
    %max3A_1467 = arith.maximumf %add3A_1464, %max3A_1466 : vector<128x64xf32>
    %get3A_1468 = arith.constant 40 : index
    %get3A_1469 = arith.constant 0 : index
    %get3A_1470 = arith.constant 0 : index
    %get3A_1471 = vector.load %arg4[%get3A_1468, %get3A_1469, %get3A_1470] : memref<64x64x64xf32, #tpu.memory_space<vmem>>, vector<1x64x64xf32>
    %get3A_1472 = vector.shape_cast %get3A_1471 : vector<1x64x64xf32> to vector<64x64xf32>
    %dot_general3A_1473 = arith.constant dense<0.000000e+00> : vector<128x64xf32>
    %dot_general3A_1474 = tpu.matmul %max3A_1467, %get3A_1472, %dot_general3A_1473 {dimension_numbers = #tpu.dot_dimension_numbers<[1], [0], [0], [1], [0, 0, 1, 1], [], []>, transpose_lhs_hint = false} : vector<128x64xf32>, vector<64x64xf32>, vector<128x64xf32> -> vector<128x64xf32>
    %reduce_sum3A_1475 = arith.constant dense<0.000000e+00> : vector<128xf32>
    %reduce_sum3A_1476 = vector.multi_reduction <add>, %dot_general3A_1474, %reduce_sum3A_1475 [1] : vector<128x64xf32> to vector<128xf32>
    %broadcast_in_dim3A_1477 = vector.shape_cast %reduce_sum3A_1476 : vector<128xf32> to vector<128x1xf32>
    %add3A_1478 = arith.addf %broadcast_in_dim3A_1477, %broadcast_in_dim3A : vector<128x1xf32>
    %get3A_1479 = arith.constant 41 : index
    %get3A_1480 = arith.constant 0 : index
    %get3A_1481 = vector.load %arg2[%get3A_1479, %get3A_1480] : memref<64x128xi32, #tpu.memory_space<vmem>>, vector<1x128xi32>
    %eq3A_1482 = vector.broadcast %get3A_1481 : vector<1x128xi32> to vector<128x128xi32>
    %eq3A_1483 = arith.cmpi eq, %iota3A, %eq3A_1482 : vector<128x128xi32>
    %convert_element_type3A_1484 = arith.extui %eq3A_1483 : vector<128x128xi1> to vector<128x128xi32>
    %convert_element_type3A_1485 = arith.sitofp %convert_element_type3A_1484 : vector<128x128xi32> to vector<128x128xf32>
    %dot_general3A_1486 = arith.constant dense<0.000000e+00> : vector<128x64xf32>
    %dot_general3A_1487 = tpu.matmul %convert_element_type3A_1485, %get3A_5, %dot_general3A_1486 {dimension_numbers = #tpu.dot_dimension_numbers<[0], [0], [1], [1], [0, 1, 1, 1], [], []>, transpose_lhs_hint = false} : vector<128x128xf32>, vector<128x64xf32>, vector<128x64xf32> -> vector<128x64xf32>
    %get3A_1488 = arith.constant 41 : index
    %get3A_1489 = arith.constant 0 : index
    %get3A_1490 = vector.load %arg1[%get3A_1488, %get3A_1489] : memref<64x64xf32, #tpu.memory_space<vmem>>, vector<1x64xf32>
    %mul3A_1491 = vector.broadcast %get3A_1490 : vector<1x64xf32> to vector<128x64xf32>
    %mul3A_1492 = arith.mulf %dot_general3A_1487, %mul3A_1491 : vector<128x64xf32>
    %get3A_1493 = arith.constant 41 : index
    %get3A_1494 = arith.constant 0 : index
    %get3A_1495 = arith.constant 0 : index
    %get3A_1496 = vector.load %arg3[%get3A_1493, %get3A_1494, %get3A_1495] : memref<64x64x64xf32, #tpu.memory_space<vmem>>, vector<1x64x64xf32>
    %get3A_1497 = vector.shape_cast %get3A_1496 : vector<1x64x64xf32> to vector<64x64xf32>
    %dot_general3A_1498 = arith.constant dense<0.000000e+00> : vector<128x64xf32>
    %dot_general3A_1499 = tpu.matmul %mul3A_1492, %get3A_1497, %dot_general3A_1498 {dimension_numbers = #tpu.dot_dimension_numbers<[1], [0], [0], [1], [0, 0, 1, 1], [], []>, transpose_lhs_hint = false} : vector<128x64xf32>, vector<64x64xf32>, vector<128x64xf32> -> vector<128x64xf32>
    %add3A_1500 = arith.addf %dot_general3A_1499, %get3A_8 : vector<128x64xf32>
    %max3A_1501 = arith.constant 0.000000e+00 : f32
    %max3A_1502 = vector.broadcast %max3A_1501 : f32 to vector<128x64xf32>
    %max3A_1503 = arith.maximumf %add3A_1500, %max3A_1502 : vector<128x64xf32>
    %get3A_1504 = arith.constant 41 : index
    %get3A_1505 = arith.constant 0 : index
    %get3A_1506 = arith.constant 0 : index
    %get3A_1507 = vector.load %arg4[%get3A_1504, %get3A_1505, %get3A_1506] : memref<64x64x64xf32, #tpu.memory_space<vmem>>, vector<1x64x64xf32>
    %get3A_1508 = vector.shape_cast %get3A_1507 : vector<1x64x64xf32> to vector<64x64xf32>
    %dot_general3A_1509 = arith.constant dense<0.000000e+00> : vector<128x64xf32>
    %dot_general3A_1510 = tpu.matmul %max3A_1503, %get3A_1508, %dot_general3A_1509 {dimension_numbers = #tpu.dot_dimension_numbers<[1], [0], [0], [1], [0, 0, 1, 1], [], []>, transpose_lhs_hint = false} : vector<128x64xf32>, vector<64x64xf32>, vector<128x64xf32> -> vector<128x64xf32>
    %reduce_sum3A_1511 = arith.constant dense<0.000000e+00> : vector<128xf32>
    %reduce_sum3A_1512 = vector.multi_reduction <add>, %dot_general3A_1510, %reduce_sum3A_1511 [1] : vector<128x64xf32> to vector<128xf32>
    %broadcast_in_dim3A_1513 = vector.shape_cast %reduce_sum3A_1512 : vector<128xf32> to vector<128x1xf32>
    %add3A_1514 = arith.addf %broadcast_in_dim3A_1513, %broadcast_in_dim3A : vector<128x1xf32>
    %get3A_1515 = arith.constant 42 : index
    %get3A_1516 = arith.constant 0 : index
    %get3A_1517 = vector.load %arg2[%get3A_1515, %get3A_1516] : memref<64x128xi32, #tpu.memory_space<vmem>>, vector<1x128xi32>
    %eq3A_1518 = vector.broadcast %get3A_1517 : vector<1x128xi32> to vector<128x128xi32>
    %eq3A_1519 = arith.cmpi eq, %iota3A, %eq3A_1518 : vector<128x128xi32>
    %convert_element_type3A_1520 = arith.extui %eq3A_1519 : vector<128x128xi1> to vector<128x128xi32>
    %convert_element_type3A_1521 = arith.sitofp %convert_element_type3A_1520 : vector<128x128xi32> to vector<128x128xf32>
    %dot_general3A_1522 = arith.constant dense<0.000000e+00> : vector<128x64xf32>
    %dot_general3A_1523 = tpu.matmul %convert_element_type3A_1521, %get3A_5, %dot_general3A_1522 {dimension_numbers = #tpu.dot_dimension_numbers<[0], [0], [1], [1], [0, 1, 1, 1], [], []>, transpose_lhs_hint = false} : vector<128x128xf32>, vector<128x64xf32>, vector<128x64xf32> -> vector<128x64xf32>
    %get3A_1524 = arith.constant 42 : index
    %get3A_1525 = arith.constant 0 : index
    %get3A_1526 = vector.load %arg1[%get3A_1524, %get3A_1525] : memref<64x64xf32, #tpu.memory_space<vmem>>, vector<1x64xf32>
    %mul3A_1527 = vector.broadcast %get3A_1526 : vector<1x64xf32> to vector<128x64xf32>
    %mul3A_1528 = arith.mulf %dot_general3A_1523, %mul3A_1527 : vector<128x64xf32>
    %get3A_1529 = arith.constant 42 : index
    %get3A_1530 = arith.constant 0 : index
    %get3A_1531 = arith.constant 0 : index
    %get3A_1532 = vector.load %arg3[%get3A_1529, %get3A_1530, %get3A_1531] : memref<64x64x64xf32, #tpu.memory_space<vmem>>, vector<1x64x64xf32>
    %get3A_1533 = vector.shape_cast %get3A_1532 : vector<1x64x64xf32> to vector<64x64xf32>
    %dot_general3A_1534 = arith.constant dense<0.000000e+00> : vector<128x64xf32>
    %dot_general3A_1535 = tpu.matmul %mul3A_1528, %get3A_1533, %dot_general3A_1534 {dimension_numbers = #tpu.dot_dimension_numbers<[1], [0], [0], [1], [0, 0, 1, 1], [], []>, transpose_lhs_hint = false} : vector<128x64xf32>, vector<64x64xf32>, vector<128x64xf32> -> vector<128x64xf32>
    %add3A_1536 = arith.addf %dot_general3A_1535, %get3A_8 : vector<128x64xf32>
    %max3A_1537 = arith.constant 0.000000e+00 : f32
    %max3A_1538 = vector.broadcast %max3A_1537 : f32 to vector<128x64xf32>
    %max3A_1539 = arith.maximumf %add3A_1536, %max3A_1538 : vector<128x64xf32>
    %get3A_1540 = arith.constant 42 : index
    %get3A_1541 = arith.constant 0 : index
    %get3A_1542 = arith.constant 0 : index
    %get3A_1543 = vector.load %arg4[%get3A_1540, %get3A_1541, %get3A_1542] : memref<64x64x64xf32, #tpu.memory_space<vmem>>, vector<1x64x64xf32>
    %get3A_1544 = vector.shape_cast %get3A_1543 : vector<1x64x64xf32> to vector<64x64xf32>
    %dot_general3A_1545 = arith.constant dense<0.000000e+00> : vector<128x64xf32>
    %dot_general3A_1546 = tpu.matmul %max3A_1539, %get3A_1544, %dot_general3A_1545 {dimension_numbers = #tpu.dot_dimension_numbers<[1], [0], [0], [1], [0, 0, 1, 1], [], []>, transpose_lhs_hint = false} : vector<128x64xf32>, vector<64x64xf32>, vector<128x64xf32> -> vector<128x64xf32>
    %reduce_sum3A_1547 = arith.constant dense<0.000000e+00> : vector<128xf32>
    %reduce_sum3A_1548 = vector.multi_reduction <add>, %dot_general3A_1546, %reduce_sum3A_1547 [1] : vector<128x64xf32> to vector<128xf32>
    %broadcast_in_dim3A_1549 = vector.shape_cast %reduce_sum3A_1548 : vector<128xf32> to vector<128x1xf32>
    %add3A_1550 = arith.addf %broadcast_in_dim3A_1549, %broadcast_in_dim3A : vector<128x1xf32>
    %get3A_1551 = arith.constant 43 : index
    %get3A_1552 = arith.constant 0 : index
    %get3A_1553 = vector.load %arg2[%get3A_1551, %get3A_1552] : memref<64x128xi32, #tpu.memory_space<vmem>>, vector<1x128xi32>
    %eq3A_1554 = vector.broadcast %get3A_1553 : vector<1x128xi32> to vector<128x128xi32>
    %eq3A_1555 = arith.cmpi eq, %iota3A, %eq3A_1554 : vector<128x128xi32>
    %convert_element_type3A_1556 = arith.extui %eq3A_1555 : vector<128x128xi1> to vector<128x128xi32>
    %convert_element_type3A_1557 = arith.sitofp %convert_element_type3A_1556 : vector<128x128xi32> to vector<128x128xf32>
    %dot_general3A_1558 = arith.constant dense<0.000000e+00> : vector<128x64xf32>
    %dot_general3A_1559 = tpu.matmul %convert_element_type3A_1557, %get3A_5, %dot_general3A_1558 {dimension_numbers = #tpu.dot_dimension_numbers<[0], [0], [1], [1], [0, 1, 1, 1], [], []>, transpose_lhs_hint = false} : vector<128x128xf32>, vector<128x64xf32>, vector<128x64xf32> -> vector<128x64xf32>
    %get3A_1560 = arith.constant 43 : index
    %get3A_1561 = arith.constant 0 : index
    %get3A_1562 = vector.load %arg1[%get3A_1560, %get3A_1561] : memref<64x64xf32, #tpu.memory_space<vmem>>, vector<1x64xf32>
    %mul3A_1563 = vector.broadcast %get3A_1562 : vector<1x64xf32> to vector<128x64xf32>
    %mul3A_1564 = arith.mulf %dot_general3A_1559, %mul3A_1563 : vector<128x64xf32>
    %get3A_1565 = arith.constant 43 : index
    %get3A_1566 = arith.constant 0 : index
    %get3A_1567 = arith.constant 0 : index
    %get3A_1568 = vector.load %arg3[%get3A_1565, %get3A_1566, %get3A_1567] : memref<64x64x64xf32, #tpu.memory_space<vmem>>, vector<1x64x64xf32>
    %get3A_1569 = vector.shape_cast %get3A_1568 : vector<1x64x64xf32> to vector<64x64xf32>
    %dot_general3A_1570 = arith.constant dense<0.000000e+00> : vector<128x64xf32>
    %dot_general3A_1571 = tpu.matmul %mul3A_1564, %get3A_1569, %dot_general3A_1570 {dimension_numbers = #tpu.dot_dimension_numbers<[1], [0], [0], [1], [0, 0, 1, 1], [], []>, transpose_lhs_hint = false} : vector<128x64xf32>, vector<64x64xf32>, vector<128x64xf32> -> vector<128x64xf32>
    %add3A_1572 = arith.addf %dot_general3A_1571, %get3A_8 : vector<128x64xf32>
    %max3A_1573 = arith.constant 0.000000e+00 : f32
    %max3A_1574 = vector.broadcast %max3A_1573 : f32 to vector<128x64xf32>
    %max3A_1575 = arith.maximumf %add3A_1572, %max3A_1574 : vector<128x64xf32>
    %get3A_1576 = arith.constant 43 : index
    %get3A_1577 = arith.constant 0 : index
    %get3A_1578 = arith.constant 0 : index
    %get3A_1579 = vector.load %arg4[%get3A_1576, %get3A_1577, %get3A_1578] : memref<64x64x64xf32, #tpu.memory_space<vmem>>, vector<1x64x64xf32>
    %get3A_1580 = vector.shape_cast %get3A_1579 : vector<1x64x64xf32> to vector<64x64xf32>
    %dot_general3A_1581 = arith.constant dense<0.000000e+00> : vector<128x64xf32>
    %dot_general3A_1582 = tpu.matmul %max3A_1575, %get3A_1580, %dot_general3A_1581 {dimension_numbers = #tpu.dot_dimension_numbers<[1], [0], [0], [1], [0, 0, 1, 1], [], []>, transpose_lhs_hint = false} : vector<128x64xf32>, vector<64x64xf32>, vector<128x64xf32> -> vector<128x64xf32>
    %reduce_sum3A_1583 = arith.constant dense<0.000000e+00> : vector<128xf32>
    %reduce_sum3A_1584 = vector.multi_reduction <add>, %dot_general3A_1582, %reduce_sum3A_1583 [1] : vector<128x64xf32> to vector<128xf32>
    %broadcast_in_dim3A_1585 = vector.shape_cast %reduce_sum3A_1584 : vector<128xf32> to vector<128x1xf32>
    %add3A_1586 = arith.addf %broadcast_in_dim3A_1585, %broadcast_in_dim3A : vector<128x1xf32>
    %get3A_1587 = arith.constant 44 : index
    %get3A_1588 = arith.constant 0 : index
    %get3A_1589 = vector.load %arg2[%get3A_1587, %get3A_1588] : memref<64x128xi32, #tpu.memory_space<vmem>>, vector<1x128xi32>
    %eq3A_1590 = vector.broadcast %get3A_1589 : vector<1x128xi32> to vector<128x128xi32>
    %eq3A_1591 = arith.cmpi eq, %iota3A, %eq3A_1590 : vector<128x128xi32>
    %convert_element_type3A_1592 = arith.extui %eq3A_1591 : vector<128x128xi1> to vector<128x128xi32>
    %convert_element_type3A_1593 = arith.sitofp %convert_element_type3A_1592 : vector<128x128xi32> to vector<128x128xf32>
    %dot_general3A_1594 = arith.constant dense<0.000000e+00> : vector<128x64xf32>
    %dot_general3A_1595 = tpu.matmul %convert_element_type3A_1593, %get3A_5, %dot_general3A_1594 {dimension_numbers = #tpu.dot_dimension_numbers<[0], [0], [1], [1], [0, 1, 1, 1], [], []>, transpose_lhs_hint = false} : vector<128x128xf32>, vector<128x64xf32>, vector<128x64xf32> -> vector<128x64xf32>
    %get3A_1596 = arith.constant 44 : index
    %get3A_1597 = arith.constant 0 : index
    %get3A_1598 = vector.load %arg1[%get3A_1596, %get3A_1597] : memref<64x64xf32, #tpu.memory_space<vmem>>, vector<1x64xf32>
    %mul3A_1599 = vector.broadcast %get3A_1598 : vector<1x64xf32> to vector<128x64xf32>
    %mul3A_1600 = arith.mulf %dot_general3A_1595, %mul3A_1599 : vector<128x64xf32>
    %get3A_1601 = arith.constant 44 : index
    %get3A_1602 = arith.constant 0 : index
    %get3A_1603 = arith.constant 0 : index
    %get3A_1604 = vector.load %arg3[%get3A_1601, %get3A_1602, %get3A_1603] : memref<64x64x64xf32, #tpu.memory_space<vmem>>, vector<1x64x64xf32>
    %get3A_1605 = vector.shape_cast %get3A_1604 : vector<1x64x64xf32> to vector<64x64xf32>
    %dot_general3A_1606 = arith.constant dense<0.000000e+00> : vector<128x64xf32>
    %dot_general3A_1607 = tpu.matmul %mul3A_1600, %get3A_1605, %dot_general3A_1606 {dimension_numbers = #tpu.dot_dimension_numbers<[1], [0], [0], [1], [0, 0, 1, 1], [], []>, transpose_lhs_hint = false} : vector<128x64xf32>, vector<64x64xf32>, vector<128x64xf32> -> vector<128x64xf32>
    %add3A_1608 = arith.addf %dot_general3A_1607, %get3A_8 : vector<128x64xf32>
    %max3A_1609 = arith.constant 0.000000e+00 : f32
    %max3A_1610 = vector.broadcast %max3A_1609 : f32 to vector<128x64xf32>
    %max3A_1611 = arith.maximumf %add3A_1608, %max3A_1610 : vector<128x64xf32>
    %get3A_1612 = arith.constant 44 : index
    %get3A_1613 = arith.constant 0 : index
    %get3A_1614 = arith.constant 0 : index
    %get3A_1615 = vector.load %arg4[%get3A_1612, %get3A_1613, %get3A_1614] : memref<64x64x64xf32, #tpu.memory_space<vmem>>, vector<1x64x64xf32>
    %get3A_1616 = vector.shape_cast %get3A_1615 : vector<1x64x64xf32> to vector<64x64xf32>
    %dot_general3A_1617 = arith.constant dense<0.000000e+00> : vector<128x64xf32>
    %dot_general3A_1618 = tpu.matmul %max3A_1611, %get3A_1616, %dot_general3A_1617 {dimension_numbers = #tpu.dot_dimension_numbers<[1], [0], [0], [1], [0, 0, 1, 1], [], []>, transpose_lhs_hint = false} : vector<128x64xf32>, vector<64x64xf32>, vector<128x64xf32> -> vector<128x64xf32>
    %reduce_sum3A_1619 = arith.constant dense<0.000000e+00> : vector<128xf32>
    %reduce_sum3A_1620 = vector.multi_reduction <add>, %dot_general3A_1618, %reduce_sum3A_1619 [1] : vector<128x64xf32> to vector<128xf32>
    %broadcast_in_dim3A_1621 = vector.shape_cast %reduce_sum3A_1620 : vector<128xf32> to vector<128x1xf32>
    %add3A_1622 = arith.addf %broadcast_in_dim3A_1621, %broadcast_in_dim3A : vector<128x1xf32>
    %get3A_1623 = arith.constant 45 : index
    %get3A_1624 = arith.constant 0 : index
    %get3A_1625 = vector.load %arg2[%get3A_1623, %get3A_1624] : memref<64x128xi32, #tpu.memory_space<vmem>>, vector<1x128xi32>
    %eq3A_1626 = vector.broadcast %get3A_1625 : vector<1x128xi32> to vector<128x128xi32>
    %eq3A_1627 = arith.cmpi eq, %iota3A, %eq3A_1626 : vector<128x128xi32>
    %convert_element_type3A_1628 = arith.extui %eq3A_1627 : vector<128x128xi1> to vector<128x128xi32>
    %convert_element_type3A_1629 = arith.sitofp %convert_element_type3A_1628 : vector<128x128xi32> to vector<128x128xf32>
    %dot_general3A_1630 = arith.constant dense<0.000000e+00> : vector<128x64xf32>
    %dot_general3A_1631 = tpu.matmul %convert_element_type3A_1629, %get3A_5, %dot_general3A_1630 {dimension_numbers = #tpu.dot_dimension_numbers<[0], [0], [1], [1], [0, 1, 1, 1], [], []>, transpose_lhs_hint = false} : vector<128x128xf32>, vector<128x64xf32>, vector<128x64xf32> -> vector<128x64xf32>
    %get3A_1632 = arith.constant 45 : index
    %get3A_1633 = arith.constant 0 : index
    %get3A_1634 = vector.load %arg1[%get3A_1632, %get3A_1633] : memref<64x64xf32, #tpu.memory_space<vmem>>, vector<1x64xf32>
    %mul3A_1635 = vector.broadcast %get3A_1634 : vector<1x64xf32> to vector<128x64xf32>
    %mul3A_1636 = arith.mulf %dot_general3A_1631, %mul3A_1635 : vector<128x64xf32>
    %get3A_1637 = arith.constant 45 : index
    %get3A_1638 = arith.constant 0 : index
    %get3A_1639 = arith.constant 0 : index
    %get3A_1640 = vector.load %arg3[%get3A_1637, %get3A_1638, %get3A_1639] : memref<64x64x64xf32, #tpu.memory_space<vmem>>, vector<1x64x64xf32>
    %get3A_1641 = vector.shape_cast %get3A_1640 : vector<1x64x64xf32> to vector<64x64xf32>
    %dot_general3A_1642 = arith.constant dense<0.000000e+00> : vector<128x64xf32>
    %dot_general3A_1643 = tpu.matmul %mul3A_1636, %get3A_1641, %dot_general3A_1642 {dimension_numbers = #tpu.dot_dimension_numbers<[1], [0], [0], [1], [0, 0, 1, 1], [], []>, transpose_lhs_hint = false} : vector<128x64xf32>, vector<64x64xf32>, vector<128x64xf32> -> vector<128x64xf32>
    %add3A_1644 = arith.addf %dot_general3A_1643, %get3A_8 : vector<128x64xf32>
    %max3A_1645 = arith.constant 0.000000e+00 : f32
    %max3A_1646 = vector.broadcast %max3A_1645 : f32 to vector<128x64xf32>
    %max3A_1647 = arith.maximumf %add3A_1644, %max3A_1646 : vector<128x64xf32>
    %get3A_1648 = arith.constant 45 : index
    %get3A_1649 = arith.constant 0 : index
    %get3A_1650 = arith.constant 0 : index
    %get3A_1651 = vector.load %arg4[%get3A_1648, %get3A_1649, %get3A_1650] : memref<64x64x64xf32, #tpu.memory_space<vmem>>, vector<1x64x64xf32>
    %get3A_1652 = vector.shape_cast %get3A_1651 : vector<1x64x64xf32> to vector<64x64xf32>
    %dot_general3A_1653 = arith.constant dense<0.000000e+00> : vector<128x64xf32>
    %dot_general3A_1654 = tpu.matmul %max3A_1647, %get3A_1652, %dot_general3A_1653 {dimension_numbers = #tpu.dot_dimension_numbers<[1], [0], [0], [1], [0, 0, 1, 1], [], []>, transpose_lhs_hint = false} : vector<128x64xf32>, vector<64x64xf32>, vector<128x64xf32> -> vector<128x64xf32>
    %reduce_sum3A_1655 = arith.constant dense<0.000000e+00> : vector<128xf32>
    %reduce_sum3A_1656 = vector.multi_reduction <add>, %dot_general3A_1654, %reduce_sum3A_1655 [1] : vector<128x64xf32> to vector<128xf32>
    %broadcast_in_dim3A_1657 = vector.shape_cast %reduce_sum3A_1656 : vector<128xf32> to vector<128x1xf32>
    %add3A_1658 = arith.addf %broadcast_in_dim3A_1657, %broadcast_in_dim3A : vector<128x1xf32>
    %get3A_1659 = arith.constant 46 : index
    %get3A_1660 = arith.constant 0 : index
    %get3A_1661 = vector.load %arg2[%get3A_1659, %get3A_1660] : memref<64x128xi32, #tpu.memory_space<vmem>>, vector<1x128xi32>
    %eq3A_1662 = vector.broadcast %get3A_1661 : vector<1x128xi32> to vector<128x128xi32>
    %eq3A_1663 = arith.cmpi eq, %iota3A, %eq3A_1662 : vector<128x128xi32>
    %convert_element_type3A_1664 = arith.extui %eq3A_1663 : vector<128x128xi1> to vector<128x128xi32>
    %convert_element_type3A_1665 = arith.sitofp %convert_element_type3A_1664 : vector<128x128xi32> to vector<128x128xf32>
    %dot_general3A_1666 = arith.constant dense<0.000000e+00> : vector<128x64xf32>
    %dot_general3A_1667 = tpu.matmul %convert_element_type3A_1665, %get3A_5, %dot_general3A_1666 {dimension_numbers = #tpu.dot_dimension_numbers<[0], [0], [1], [1], [0, 1, 1, 1], [], []>, transpose_lhs_hint = false} : vector<128x128xf32>, vector<128x64xf32>, vector<128x64xf32> -> vector<128x64xf32>
    %get3A_1668 = arith.constant 46 : index
    %get3A_1669 = arith.constant 0 : index
    %get3A_1670 = vector.load %arg1[%get3A_1668, %get3A_1669] : memref<64x64xf32, #tpu.memory_space<vmem>>, vector<1x64xf32>
    %mul3A_1671 = vector.broadcast %get3A_1670 : vector<1x64xf32> to vector<128x64xf32>
    %mul3A_1672 = arith.mulf %dot_general3A_1667, %mul3A_1671 : vector<128x64xf32>
    %get3A_1673 = arith.constant 46 : index
    %get3A_1674 = arith.constant 0 : index
    %get3A_1675 = arith.constant 0 : index
    %get3A_1676 = vector.load %arg3[%get3A_1673, %get3A_1674, %get3A_1675] : memref<64x64x64xf32, #tpu.memory_space<vmem>>, vector<1x64x64xf32>
    %get3A_1677 = vector.shape_cast %get3A_1676 : vector<1x64x64xf32> to vector<64x64xf32>
    %dot_general3A_1678 = arith.constant dense<0.000000e+00> : vector<128x64xf32>
    %dot_general3A_1679 = tpu.matmul %mul3A_1672, %get3A_1677, %dot_general3A_1678 {dimension_numbers = #tpu.dot_dimension_numbers<[1], [0], [0], [1], [0, 0, 1, 1], [], []>, transpose_lhs_hint = false} : vector<128x64xf32>, vector<64x64xf32>, vector<128x64xf32> -> vector<128x64xf32>
    %add3A_1680 = arith.addf %dot_general3A_1679, %get3A_8 : vector<128x64xf32>
    %max3A_1681 = arith.constant 0.000000e+00 : f32
    %max3A_1682 = vector.broadcast %max3A_1681 : f32 to vector<128x64xf32>
    %max3A_1683 = arith.maximumf %add3A_1680, %max3A_1682 : vector<128x64xf32>
    %get3A_1684 = arith.constant 46 : index
    %get3A_1685 = arith.constant 0 : index
    %get3A_1686 = arith.constant 0 : index
    %get3A_1687 = vector.load %arg4[%get3A_1684, %get3A_1685, %get3A_1686] : memref<64x64x64xf32, #tpu.memory_space<vmem>>, vector<1x64x64xf32>
    %get3A_1688 = vector.shape_cast %get3A_1687 : vector<1x64x64xf32> to vector<64x64xf32>
    %dot_general3A_1689 = arith.constant dense<0.000000e+00> : vector<128x64xf32>
    %dot_general3A_1690 = tpu.matmul %max3A_1683, %get3A_1688, %dot_general3A_1689 {dimension_numbers = #tpu.dot_dimension_numbers<[1], [0], [0], [1], [0, 0, 1, 1], [], []>, transpose_lhs_hint = false} : vector<128x64xf32>, vector<64x64xf32>, vector<128x64xf32> -> vector<128x64xf32>
    %reduce_sum3A_1691 = arith.constant dense<0.000000e+00> : vector<128xf32>
    %reduce_sum3A_1692 = vector.multi_reduction <add>, %dot_general3A_1690, %reduce_sum3A_1691 [1] : vector<128x64xf32> to vector<128xf32>
    %broadcast_in_dim3A_1693 = vector.shape_cast %reduce_sum3A_1692 : vector<128xf32> to vector<128x1xf32>
    %add3A_1694 = arith.addf %broadcast_in_dim3A_1693, %broadcast_in_dim3A : vector<128x1xf32>
    %get3A_1695 = arith.constant 47 : index
    %get3A_1696 = arith.constant 0 : index
    %get3A_1697 = vector.load %arg2[%get3A_1695, %get3A_1696] : memref<64x128xi32, #tpu.memory_space<vmem>>, vector<1x128xi32>
    %eq3A_1698 = vector.broadcast %get3A_1697 : vector<1x128xi32> to vector<128x128xi32>
    %eq3A_1699 = arith.cmpi eq, %iota3A, %eq3A_1698 : vector<128x128xi32>
    %convert_element_type3A_1700 = arith.extui %eq3A_1699 : vector<128x128xi1> to vector<128x128xi32>
    %convert_element_type3A_1701 = arith.sitofp %convert_element_type3A_1700 : vector<128x128xi32> to vector<128x128xf32>
    %dot_general3A_1702 = arith.constant dense<0.000000e+00> : vector<128x64xf32>
    %dot_general3A_1703 = tpu.matmul %convert_element_type3A_1701, %get3A_5, %dot_general3A_1702 {dimension_numbers = #tpu.dot_dimension_numbers<[0], [0], [1], [1], [0, 1, 1, 1], [], []>, transpose_lhs_hint = false} : vector<128x128xf32>, vector<128x64xf32>, vector<128x64xf32> -> vector<128x64xf32>
    %get3A_1704 = arith.constant 47 : index
    %get3A_1705 = arith.constant 0 : index
    %get3A_1706 = vector.load %arg1[%get3A_1704, %get3A_1705] : memref<64x64xf32, #tpu.memory_space<vmem>>, vector<1x64xf32>
    %mul3A_1707 = vector.broadcast %get3A_1706 : vector<1x64xf32> to vector<128x64xf32>
    %mul3A_1708 = arith.mulf %dot_general3A_1703, %mul3A_1707 : vector<128x64xf32>
    %get3A_1709 = arith.constant 47 : index
    %get3A_1710 = arith.constant 0 : index
    %get3A_1711 = arith.constant 0 : index
    %get3A_1712 = vector.load %arg3[%get3A_1709, %get3A_1710, %get3A_1711] : memref<64x64x64xf32, #tpu.memory_space<vmem>>, vector<1x64x64xf32>
    %get3A_1713 = vector.shape_cast %get3A_1712 : vector<1x64x64xf32> to vector<64x64xf32>
    %dot_general3A_1714 = arith.constant dense<0.000000e+00> : vector<128x64xf32>
    %dot_general3A_1715 = tpu.matmul %mul3A_1708, %get3A_1713, %dot_general3A_1714 {dimension_numbers = #tpu.dot_dimension_numbers<[1], [0], [0], [1], [0, 0, 1, 1], [], []>, transpose_lhs_hint = false} : vector<128x64xf32>, vector<64x64xf32>, vector<128x64xf32> -> vector<128x64xf32>
    %add3A_1716 = arith.addf %dot_general3A_1715, %get3A_8 : vector<128x64xf32>
    %max3A_1717 = arith.constant 0.000000e+00 : f32
    %max3A_1718 = vector.broadcast %max3A_1717 : f32 to vector<128x64xf32>
    %max3A_1719 = arith.maximumf %add3A_1716, %max3A_1718 : vector<128x64xf32>
    %get3A_1720 = arith.constant 47 : index
    %get3A_1721 = arith.constant 0 : index
    %get3A_1722 = arith.constant 0 : index
    %get3A_1723 = vector.load %arg4[%get3A_1720, %get3A_1721, %get3A_1722] : memref<64x64x64xf32, #tpu.memory_space<vmem>>, vector<1x64x64xf32>
    %get3A_1724 = vector.shape_cast %get3A_1723 : vector<1x64x64xf32> to vector<64x64xf32>
    %dot_general3A_1725 = arith.constant dense<0.000000e+00> : vector<128x64xf32>
    %dot_general3A_1726 = tpu.matmul %max3A_1719, %get3A_1724, %dot_general3A_1725 {dimension_numbers = #tpu.dot_dimension_numbers<[1], [0], [0], [1], [0, 0, 1, 1], [], []>, transpose_lhs_hint = false} : vector<128x64xf32>, vector<64x64xf32>, vector<128x64xf32> -> vector<128x64xf32>
    %reduce_sum3A_1727 = arith.constant dense<0.000000e+00> : vector<128xf32>
    %reduce_sum3A_1728 = vector.multi_reduction <add>, %dot_general3A_1726, %reduce_sum3A_1727 [1] : vector<128x64xf32> to vector<128xf32>
    %broadcast_in_dim3A_1729 = vector.shape_cast %reduce_sum3A_1728 : vector<128xf32> to vector<128x1xf32>
    %add3A_1730 = arith.addf %broadcast_in_dim3A_1729, %broadcast_in_dim3A : vector<128x1xf32>
    %get3A_1731 = arith.constant 48 : index
    %get3A_1732 = arith.constant 0 : index
    %get3A_1733 = vector.load %arg2[%get3A_1731, %get3A_1732] : memref<64x128xi32, #tpu.memory_space<vmem>>, vector<1x128xi32>
    %eq3A_1734 = vector.broadcast %get3A_1733 : vector<1x128xi32> to vector<128x128xi32>
    %eq3A_1735 = arith.cmpi eq, %iota3A, %eq3A_1734 : vector<128x128xi32>
    %convert_element_type3A_1736 = arith.extui %eq3A_1735 : vector<128x128xi1> to vector<128x128xi32>
    %convert_element_type3A_1737 = arith.sitofp %convert_element_type3A_1736 : vector<128x128xi32> to vector<128x128xf32>
    %dot_general3A_1738 = arith.constant dense<0.000000e+00> : vector<128x64xf32>
    %dot_general3A_1739 = tpu.matmul %convert_element_type3A_1737, %get3A_5, %dot_general3A_1738 {dimension_numbers = #tpu.dot_dimension_numbers<[0], [0], [1], [1], [0, 1, 1, 1], [], []>, transpose_lhs_hint = false} : vector<128x128xf32>, vector<128x64xf32>, vector<128x64xf32> -> vector<128x64xf32>
    %get3A_1740 = arith.constant 48 : index
    %get3A_1741 = arith.constant 0 : index
    %get3A_1742 = vector.load %arg1[%get3A_1740, %get3A_1741] : memref<64x64xf32, #tpu.memory_space<vmem>>, vector<1x64xf32>
    %mul3A_1743 = vector.broadcast %get3A_1742 : vector<1x64xf32> to vector<128x64xf32>
    %mul3A_1744 = arith.mulf %dot_general3A_1739, %mul3A_1743 : vector<128x64xf32>
    %get3A_1745 = arith.constant 48 : index
    %get3A_1746 = arith.constant 0 : index
    %get3A_1747 = arith.constant 0 : index
    %get3A_1748 = vector.load %arg3[%get3A_1745, %get3A_1746, %get3A_1747] : memref<64x64x64xf32, #tpu.memory_space<vmem>>, vector<1x64x64xf32>
    %get3A_1749 = vector.shape_cast %get3A_1748 : vector<1x64x64xf32> to vector<64x64xf32>
    %dot_general3A_1750 = arith.constant dense<0.000000e+00> : vector<128x64xf32>
    %dot_general3A_1751 = tpu.matmul %mul3A_1744, %get3A_1749, %dot_general3A_1750 {dimension_numbers = #tpu.dot_dimension_numbers<[1], [0], [0], [1], [0, 0, 1, 1], [], []>, transpose_lhs_hint = false} : vector<128x64xf32>, vector<64x64xf32>, vector<128x64xf32> -> vector<128x64xf32>
    %add3A_1752 = arith.addf %dot_general3A_1751, %get3A_8 : vector<128x64xf32>
    %max3A_1753 = arith.constant 0.000000e+00 : f32
    %max3A_1754 = vector.broadcast %max3A_1753 : f32 to vector<128x64xf32>
    %max3A_1755 = arith.maximumf %add3A_1752, %max3A_1754 : vector<128x64xf32>
    %get3A_1756 = arith.constant 48 : index
    %get3A_1757 = arith.constant 0 : index
    %get3A_1758 = arith.constant 0 : index
    %get3A_1759 = vector.load %arg4[%get3A_1756, %get3A_1757, %get3A_1758] : memref<64x64x64xf32, #tpu.memory_space<vmem>>, vector<1x64x64xf32>
    %get3A_1760 = vector.shape_cast %get3A_1759 : vector<1x64x64xf32> to vector<64x64xf32>
    %dot_general3A_1761 = arith.constant dense<0.000000e+00> : vector<128x64xf32>
    %dot_general3A_1762 = tpu.matmul %max3A_1755, %get3A_1760, %dot_general3A_1761 {dimension_numbers = #tpu.dot_dimension_numbers<[1], [0], [0], [1], [0, 0, 1, 1], [], []>, transpose_lhs_hint = false} : vector<128x64xf32>, vector<64x64xf32>, vector<128x64xf32> -> vector<128x64xf32>
    %reduce_sum3A_1763 = arith.constant dense<0.000000e+00> : vector<128xf32>
    %reduce_sum3A_1764 = vector.multi_reduction <add>, %dot_general3A_1762, %reduce_sum3A_1763 [1] : vector<128x64xf32> to vector<128xf32>
    %broadcast_in_dim3A_1765 = vector.shape_cast %reduce_sum3A_1764 : vector<128xf32> to vector<128x1xf32>
    %add3A_1766 = arith.addf %broadcast_in_dim3A_1765, %broadcast_in_dim3A : vector<128x1xf32>
    %get3A_1767 = arith.constant 49 : index
    %get3A_1768 = arith.constant 0 : index
    %get3A_1769 = vector.load %arg2[%get3A_1767, %get3A_1768] : memref<64x128xi32, #tpu.memory_space<vmem>>, vector<1x128xi32>
    %eq3A_1770 = vector.broadcast %get3A_1769 : vector<1x128xi32> to vector<128x128xi32>
    %eq3A_1771 = arith.cmpi eq, %iota3A, %eq3A_1770 : vector<128x128xi32>
    %convert_element_type3A_1772 = arith.extui %eq3A_1771 : vector<128x128xi1> to vector<128x128xi32>
    %convert_element_type3A_1773 = arith.sitofp %convert_element_type3A_1772 : vector<128x128xi32> to vector<128x128xf32>
    %dot_general3A_1774 = arith.constant dense<0.000000e+00> : vector<128x64xf32>
    %dot_general3A_1775 = tpu.matmul %convert_element_type3A_1773, %get3A_5, %dot_general3A_1774 {dimension_numbers = #tpu.dot_dimension_numbers<[0], [0], [1], [1], [0, 1, 1, 1], [], []>, transpose_lhs_hint = false} : vector<128x128xf32>, vector<128x64xf32>, vector<128x64xf32> -> vector<128x64xf32>
    %get3A_1776 = arith.constant 49 : index
    %get3A_1777 = arith.constant 0 : index
    %get3A_1778 = vector.load %arg1[%get3A_1776, %get3A_1777] : memref<64x64xf32, #tpu.memory_space<vmem>>, vector<1x64xf32>
    %mul3A_1779 = vector.broadcast %get3A_1778 : vector<1x64xf32> to vector<128x64xf32>
    %mul3A_1780 = arith.mulf %dot_general3A_1775, %mul3A_1779 : vector<128x64xf32>
    %get3A_1781 = arith.constant 49 : index
    %get3A_1782 = arith.constant 0 : index
    %get3A_1783 = arith.constant 0 : index
    %get3A_1784 = vector.load %arg3[%get3A_1781, %get3A_1782, %get3A_1783] : memref<64x64x64xf32, #tpu.memory_space<vmem>>, vector<1x64x64xf32>
    %get3A_1785 = vector.shape_cast %get3A_1784 : vector<1x64x64xf32> to vector<64x64xf32>
    %dot_general3A_1786 = arith.constant dense<0.000000e+00> : vector<128x64xf32>
    %dot_general3A_1787 = tpu.matmul %mul3A_1780, %get3A_1785, %dot_general3A_1786 {dimension_numbers = #tpu.dot_dimension_numbers<[1], [0], [0], [1], [0, 0, 1, 1], [], []>, transpose_lhs_hint = false} : vector<128x64xf32>, vector<64x64xf32>, vector<128x64xf32> -> vector<128x64xf32>
    %add3A_1788 = arith.addf %dot_general3A_1787, %get3A_8 : vector<128x64xf32>
    %max3A_1789 = arith.constant 0.000000e+00 : f32
    %max3A_1790 = vector.broadcast %max3A_1789 : f32 to vector<128x64xf32>
    %max3A_1791 = arith.maximumf %add3A_1788, %max3A_1790 : vector<128x64xf32>
    %get3A_1792 = arith.constant 49 : index
    %get3A_1793 = arith.constant 0 : index
    %get3A_1794 = arith.constant 0 : index
    %get3A_1795 = vector.load %arg4[%get3A_1792, %get3A_1793, %get3A_1794] : memref<64x64x64xf32, #tpu.memory_space<vmem>>, vector<1x64x64xf32>
    %get3A_1796 = vector.shape_cast %get3A_1795 : vector<1x64x64xf32> to vector<64x64xf32>
    %dot_general3A_1797 = arith.constant dense<0.000000e+00> : vector<128x64xf32>
    %dot_general3A_1798 = tpu.matmul %max3A_1791, %get3A_1796, %dot_general3A_1797 {dimension_numbers = #tpu.dot_dimension_numbers<[1], [0], [0], [1], [0, 0, 1, 1], [], []>, transpose_lhs_hint = false} : vector<128x64xf32>, vector<64x64xf32>, vector<128x64xf32> -> vector<128x64xf32>
    %reduce_sum3A_1799 = arith.constant dense<0.000000e+00> : vector<128xf32>
    %reduce_sum3A_1800 = vector.multi_reduction <add>, %dot_general3A_1798, %reduce_sum3A_1799 [1] : vector<128x64xf32> to vector<128xf32>
    %broadcast_in_dim3A_1801 = vector.shape_cast %reduce_sum3A_1800 : vector<128xf32> to vector<128x1xf32>
    %add3A_1802 = arith.addf %broadcast_in_dim3A_1801, %broadcast_in_dim3A : vector<128x1xf32>
    %get3A_1803 = arith.constant 50 : index
    %get3A_1804 = arith.constant 0 : index
    %get3A_1805 = vector.load %arg2[%get3A_1803, %get3A_1804] : memref<64x128xi32, #tpu.memory_space<vmem>>, vector<1x128xi32>
    %eq3A_1806 = vector.broadcast %get3A_1805 : vector<1x128xi32> to vector<128x128xi32>
    %eq3A_1807 = arith.cmpi eq, %iota3A, %eq3A_1806 : vector<128x128xi32>
    %convert_element_type3A_1808 = arith.extui %eq3A_1807 : vector<128x128xi1> to vector<128x128xi32>
    %convert_element_type3A_1809 = arith.sitofp %convert_element_type3A_1808 : vector<128x128xi32> to vector<128x128xf32>
    %dot_general3A_1810 = arith.constant dense<0.000000e+00> : vector<128x64xf32>
    %dot_general3A_1811 = tpu.matmul %convert_element_type3A_1809, %get3A_5, %dot_general3A_1810 {dimension_numbers = #tpu.dot_dimension_numbers<[0], [0], [1], [1], [0, 1, 1, 1], [], []>, transpose_lhs_hint = false} : vector<128x128xf32>, vector<128x64xf32>, vector<128x64xf32> -> vector<128x64xf32>
    %get3A_1812 = arith.constant 50 : index
    %get3A_1813 = arith.constant 0 : index
    %get3A_1814 = vector.load %arg1[%get3A_1812, %get3A_1813] : memref<64x64xf32, #tpu.memory_space<vmem>>, vector<1x64xf32>
    %mul3A_1815 = vector.broadcast %get3A_1814 : vector<1x64xf32> to vector<128x64xf32>
    %mul3A_1816 = arith.mulf %dot_general3A_1811, %mul3A_1815 : vector<128x64xf32>
    %get3A_1817 = arith.constant 50 : index
    %get3A_1818 = arith.constant 0 : index
    %get3A_1819 = arith.constant 0 : index
    %get3A_1820 = vector.load %arg3[%get3A_1817, %get3A_1818, %get3A_1819] : memref<64x64x64xf32, #tpu.memory_space<vmem>>, vector<1x64x64xf32>
    %get3A_1821 = vector.shape_cast %get3A_1820 : vector<1x64x64xf32> to vector<64x64xf32>
    %dot_general3A_1822 = arith.constant dense<0.000000e+00> : vector<128x64xf32>
    %dot_general3A_1823 = tpu.matmul %mul3A_1816, %get3A_1821, %dot_general3A_1822 {dimension_numbers = #tpu.dot_dimension_numbers<[1], [0], [0], [1], [0, 0, 1, 1], [], []>, transpose_lhs_hint = false} : vector<128x64xf32>, vector<64x64xf32>, vector<128x64xf32> -> vector<128x64xf32>
    %add3A_1824 = arith.addf %dot_general3A_1823, %get3A_8 : vector<128x64xf32>
    %max3A_1825 = arith.constant 0.000000e+00 : f32
    %max3A_1826 = vector.broadcast %max3A_1825 : f32 to vector<128x64xf32>
    %max3A_1827 = arith.maximumf %add3A_1824, %max3A_1826 : vector<128x64xf32>
    %get3A_1828 = arith.constant 50 : index
    %get3A_1829 = arith.constant 0 : index
    %get3A_1830 = arith.constant 0 : index
    %get3A_1831 = vector.load %arg4[%get3A_1828, %get3A_1829, %get3A_1830] : memref<64x64x64xf32, #tpu.memory_space<vmem>>, vector<1x64x64xf32>
    %get3A_1832 = vector.shape_cast %get3A_1831 : vector<1x64x64xf32> to vector<64x64xf32>
    %dot_general3A_1833 = arith.constant dense<0.000000e+00> : vector<128x64xf32>
    %dot_general3A_1834 = tpu.matmul %max3A_1827, %get3A_1832, %dot_general3A_1833 {dimension_numbers = #tpu.dot_dimension_numbers<[1], [0], [0], [1], [0, 0, 1, 1], [], []>, transpose_lhs_hint = false} : vector<128x64xf32>, vector<64x64xf32>, vector<128x64xf32> -> vector<128x64xf32>
    %reduce_sum3A_1835 = arith.constant dense<0.000000e+00> : vector<128xf32>
    %reduce_sum3A_1836 = vector.multi_reduction <add>, %dot_general3A_1834, %reduce_sum3A_1835 [1] : vector<128x64xf32> to vector<128xf32>
    %broadcast_in_dim3A_1837 = vector.shape_cast %reduce_sum3A_1836 : vector<128xf32> to vector<128x1xf32>
    %add3A_1838 = arith.addf %broadcast_in_dim3A_1837, %broadcast_in_dim3A : vector<128x1xf32>
    %get3A_1839 = arith.constant 51 : index
    %get3A_1840 = arith.constant 0 : index
    %get3A_1841 = vector.load %arg2[%get3A_1839, %get3A_1840] : memref<64x128xi32, #tpu.memory_space<vmem>>, vector<1x128xi32>
    %eq3A_1842 = vector.broadcast %get3A_1841 : vector<1x128xi32> to vector<128x128xi32>
    %eq3A_1843 = arith.cmpi eq, %iota3A, %eq3A_1842 : vector<128x128xi32>
    %convert_element_type3A_1844 = arith.extui %eq3A_1843 : vector<128x128xi1> to vector<128x128xi32>
    %convert_element_type3A_1845 = arith.sitofp %convert_element_type3A_1844 : vector<128x128xi32> to vector<128x128xf32>
    %dot_general3A_1846 = arith.constant dense<0.000000e+00> : vector<128x64xf32>
    %dot_general3A_1847 = tpu.matmul %convert_element_type3A_1845, %get3A_5, %dot_general3A_1846 {dimension_numbers = #tpu.dot_dimension_numbers<[0], [0], [1], [1], [0, 1, 1, 1], [], []>, transpose_lhs_hint = false} : vector<128x128xf32>, vector<128x64xf32>, vector<128x64xf32> -> vector<128x64xf32>
    %get3A_1848 = arith.constant 51 : index
    %get3A_1849 = arith.constant 0 : index
    %get3A_1850 = vector.load %arg1[%get3A_1848, %get3A_1849] : memref<64x64xf32, #tpu.memory_space<vmem>>, vector<1x64xf32>
    %mul3A_1851 = vector.broadcast %get3A_1850 : vector<1x64xf32> to vector<128x64xf32>
    %mul3A_1852 = arith.mulf %dot_general3A_1847, %mul3A_1851 : vector<128x64xf32>
    %get3A_1853 = arith.constant 51 : index
    %get3A_1854 = arith.constant 0 : index
    %get3A_1855 = arith.constant 0 : index
    %get3A_1856 = vector.load %arg3[%get3A_1853, %get3A_1854, %get3A_1855] : memref<64x64x64xf32, #tpu.memory_space<vmem>>, vector<1x64x64xf32>
    %get3A_1857 = vector.shape_cast %get3A_1856 : vector<1x64x64xf32> to vector<64x64xf32>
    %dot_general3A_1858 = arith.constant dense<0.000000e+00> : vector<128x64xf32>
    %dot_general3A_1859 = tpu.matmul %mul3A_1852, %get3A_1857, %dot_general3A_1858 {dimension_numbers = #tpu.dot_dimension_numbers<[1], [0], [0], [1], [0, 0, 1, 1], [], []>, transpose_lhs_hint = false} : vector<128x64xf32>, vector<64x64xf32>, vector<128x64xf32> -> vector<128x64xf32>
    %add3A_1860 = arith.addf %dot_general3A_1859, %get3A_8 : vector<128x64xf32>
    %max3A_1861 = arith.constant 0.000000e+00 : f32
    %max3A_1862 = vector.broadcast %max3A_1861 : f32 to vector<128x64xf32>
    %max3A_1863 = arith.maximumf %add3A_1860, %max3A_1862 : vector<128x64xf32>
    %get3A_1864 = arith.constant 51 : index
    %get3A_1865 = arith.constant 0 : index
    %get3A_1866 = arith.constant 0 : index
    %get3A_1867 = vector.load %arg4[%get3A_1864, %get3A_1865, %get3A_1866] : memref<64x64x64xf32, #tpu.memory_space<vmem>>, vector<1x64x64xf32>
    %get3A_1868 = vector.shape_cast %get3A_1867 : vector<1x64x64xf32> to vector<64x64xf32>
    %dot_general3A_1869 = arith.constant dense<0.000000e+00> : vector<128x64xf32>
    %dot_general3A_1870 = tpu.matmul %max3A_1863, %get3A_1868, %dot_general3A_1869 {dimension_numbers = #tpu.dot_dimension_numbers<[1], [0], [0], [1], [0, 0, 1, 1], [], []>, transpose_lhs_hint = false} : vector<128x64xf32>, vector<64x64xf32>, vector<128x64xf32> -> vector<128x64xf32>
    %reduce_sum3A_1871 = arith.constant dense<0.000000e+00> : vector<128xf32>
    %reduce_sum3A_1872 = vector.multi_reduction <add>, %dot_general3A_1870, %reduce_sum3A_1871 [1] : vector<128x64xf32> to vector<128xf32>
    %broadcast_in_dim3A_1873 = vector.shape_cast %reduce_sum3A_1872 : vector<128xf32> to vector<128x1xf32>
    %add3A_1874 = arith.addf %broadcast_in_dim3A_1873, %broadcast_in_dim3A : vector<128x1xf32>
    %get3A_1875 = arith.constant 52 : index
    %get3A_1876 = arith.constant 0 : index
    %get3A_1877 = vector.load %arg2[%get3A_1875, %get3A_1876] : memref<64x128xi32, #tpu.memory_space<vmem>>, vector<1x128xi32>
    %eq3A_1878 = vector.broadcast %get3A_1877 : vector<1x128xi32> to vector<128x128xi32>
    %eq3A_1879 = arith.cmpi eq, %iota3A, %eq3A_1878 : vector<128x128xi32>
    %convert_element_type3A_1880 = arith.extui %eq3A_1879 : vector<128x128xi1> to vector<128x128xi32>
    %convert_element_type3A_1881 = arith.sitofp %convert_element_type3A_1880 : vector<128x128xi32> to vector<128x128xf32>
    %dot_general3A_1882 = arith.constant dense<0.000000e+00> : vector<128x64xf32>
    %dot_general3A_1883 = tpu.matmul %convert_element_type3A_1881, %get3A_5, %dot_general3A_1882 {dimension_numbers = #tpu.dot_dimension_numbers<[0], [0], [1], [1], [0, 1, 1, 1], [], []>, transpose_lhs_hint = false} : vector<128x128xf32>, vector<128x64xf32>, vector<128x64xf32> -> vector<128x64xf32>
    %get3A_1884 = arith.constant 52 : index
    %get3A_1885 = arith.constant 0 : index
    %get3A_1886 = vector.load %arg1[%get3A_1884, %get3A_1885] : memref<64x64xf32, #tpu.memory_space<vmem>>, vector<1x64xf32>
    %mul3A_1887 = vector.broadcast %get3A_1886 : vector<1x64xf32> to vector<128x64xf32>
    %mul3A_1888 = arith.mulf %dot_general3A_1883, %mul3A_1887 : vector<128x64xf32>
    %get3A_1889 = arith.constant 52 : index
    %get3A_1890 = arith.constant 0 : index
    %get3A_1891 = arith.constant 0 : index
    %get3A_1892 = vector.load %arg3[%get3A_1889, %get3A_1890, %get3A_1891] : memref<64x64x64xf32, #tpu.memory_space<vmem>>, vector<1x64x64xf32>
    %get3A_1893 = vector.shape_cast %get3A_1892 : vector<1x64x64xf32> to vector<64x64xf32>
    %dot_general3A_1894 = arith.constant dense<0.000000e+00> : vector<128x64xf32>
    %dot_general3A_1895 = tpu.matmul %mul3A_1888, %get3A_1893, %dot_general3A_1894 {dimension_numbers = #tpu.dot_dimension_numbers<[1], [0], [0], [1], [0, 0, 1, 1], [], []>, transpose_lhs_hint = false} : vector<128x64xf32>, vector<64x64xf32>, vector<128x64xf32> -> vector<128x64xf32>
    %add3A_1896 = arith.addf %dot_general3A_1895, %get3A_8 : vector<128x64xf32>
    %max3A_1897 = arith.constant 0.000000e+00 : f32
    %max3A_1898 = vector.broadcast %max3A_1897 : f32 to vector<128x64xf32>
    %max3A_1899 = arith.maximumf %add3A_1896, %max3A_1898 : vector<128x64xf32>
    %get3A_1900 = arith.constant 52 : index
    %get3A_1901 = arith.constant 0 : index
    %get3A_1902 = arith.constant 0 : index
    %get3A_1903 = vector.load %arg4[%get3A_1900, %get3A_1901, %get3A_1902] : memref<64x64x64xf32, #tpu.memory_space<vmem>>, vector<1x64x64xf32>
    %get3A_1904 = vector.shape_cast %get3A_1903 : vector<1x64x64xf32> to vector<64x64xf32>
    %dot_general3A_1905 = arith.constant dense<0.000000e+00> : vector<128x64xf32>
    %dot_general3A_1906 = tpu.matmul %max3A_1899, %get3A_1904, %dot_general3A_1905 {dimension_numbers = #tpu.dot_dimension_numbers<[1], [0], [0], [1], [0, 0, 1, 1], [], []>, transpose_lhs_hint = false} : vector<128x64xf32>, vector<64x64xf32>, vector<128x64xf32> -> vector<128x64xf32>
    %reduce_sum3A_1907 = arith.constant dense<0.000000e+00> : vector<128xf32>
    %reduce_sum3A_1908 = vector.multi_reduction <add>, %dot_general3A_1906, %reduce_sum3A_1907 [1] : vector<128x64xf32> to vector<128xf32>
    %broadcast_in_dim3A_1909 = vector.shape_cast %reduce_sum3A_1908 : vector<128xf32> to vector<128x1xf32>
    %add3A_1910 = arith.addf %broadcast_in_dim3A_1909, %broadcast_in_dim3A : vector<128x1xf32>
    %get3A_1911 = arith.constant 53 : index
    %get3A_1912 = arith.constant 0 : index
    %get3A_1913 = vector.load %arg2[%get3A_1911, %get3A_1912] : memref<64x128xi32, #tpu.memory_space<vmem>>, vector<1x128xi32>
    %eq3A_1914 = vector.broadcast %get3A_1913 : vector<1x128xi32> to vector<128x128xi32>
    %eq3A_1915 = arith.cmpi eq, %iota3A, %eq3A_1914 : vector<128x128xi32>
    %convert_element_type3A_1916 = arith.extui %eq3A_1915 : vector<128x128xi1> to vector<128x128xi32>
    %convert_element_type3A_1917 = arith.sitofp %convert_element_type3A_1916 : vector<128x128xi32> to vector<128x128xf32>
    %dot_general3A_1918 = arith.constant dense<0.000000e+00> : vector<128x64xf32>
    %dot_general3A_1919 = tpu.matmul %convert_element_type3A_1917, %get3A_5, %dot_general3A_1918 {dimension_numbers = #tpu.dot_dimension_numbers<[0], [0], [1], [1], [0, 1, 1, 1], [], []>, transpose_lhs_hint = false} : vector<128x128xf32>, vector<128x64xf32>, vector<128x64xf32> -> vector<128x64xf32>
    %get3A_1920 = arith.constant 53 : index
    %get3A_1921 = arith.constant 0 : index
    %get3A_1922 = vector.load %arg1[%get3A_1920, %get3A_1921] : memref<64x64xf32, #tpu.memory_space<vmem>>, vector<1x64xf32>
    %mul3A_1923 = vector.broadcast %get3A_1922 : vector<1x64xf32> to vector<128x64xf32>
    %mul3A_1924 = arith.mulf %dot_general3A_1919, %mul3A_1923 : vector<128x64xf32>
    %get3A_1925 = arith.constant 53 : index
    %get3A_1926 = arith.constant 0 : index
    %get3A_1927 = arith.constant 0 : index
    %get3A_1928 = vector.load %arg3[%get3A_1925, %get3A_1926, %get3A_1927] : memref<64x64x64xf32, #tpu.memory_space<vmem>>, vector<1x64x64xf32>
    %get3A_1929 = vector.shape_cast %get3A_1928 : vector<1x64x64xf32> to vector<64x64xf32>
    %dot_general3A_1930 = arith.constant dense<0.000000e+00> : vector<128x64xf32>
    %dot_general3A_1931 = tpu.matmul %mul3A_1924, %get3A_1929, %dot_general3A_1930 {dimension_numbers = #tpu.dot_dimension_numbers<[1], [0], [0], [1], [0, 0, 1, 1], [], []>, transpose_lhs_hint = false} : vector<128x64xf32>, vector<64x64xf32>, vector<128x64xf32> -> vector<128x64xf32>
    %add3A_1932 = arith.addf %dot_general3A_1931, %get3A_8 : vector<128x64xf32>
    %max3A_1933 = arith.constant 0.000000e+00 : f32
    %max3A_1934 = vector.broadcast %max3A_1933 : f32 to vector<128x64xf32>
    %max3A_1935 = arith.maximumf %add3A_1932, %max3A_1934 : vector<128x64xf32>
    %get3A_1936 = arith.constant 53 : index
    %get3A_1937 = arith.constant 0 : index
    %get3A_1938 = arith.constant 0 : index
    %get3A_1939 = vector.load %arg4[%get3A_1936, %get3A_1937, %get3A_1938] : memref<64x64x64xf32, #tpu.memory_space<vmem>>, vector<1x64x64xf32>
    %get3A_1940 = vector.shape_cast %get3A_1939 : vector<1x64x64xf32> to vector<64x64xf32>
    %dot_general3A_1941 = arith.constant dense<0.000000e+00> : vector<128x64xf32>
    %dot_general3A_1942 = tpu.matmul %max3A_1935, %get3A_1940, %dot_general3A_1941 {dimension_numbers = #tpu.dot_dimension_numbers<[1], [0], [0], [1], [0, 0, 1, 1], [], []>, transpose_lhs_hint = false} : vector<128x64xf32>, vector<64x64xf32>, vector<128x64xf32> -> vector<128x64xf32>
    %reduce_sum3A_1943 = arith.constant dense<0.000000e+00> : vector<128xf32>
    %reduce_sum3A_1944 = vector.multi_reduction <add>, %dot_general3A_1942, %reduce_sum3A_1943 [1] : vector<128x64xf32> to vector<128xf32>
    %broadcast_in_dim3A_1945 = vector.shape_cast %reduce_sum3A_1944 : vector<128xf32> to vector<128x1xf32>
    %add3A_1946 = arith.addf %broadcast_in_dim3A_1945, %broadcast_in_dim3A : vector<128x1xf32>
    %get3A_1947 = arith.constant 54 : index
    %get3A_1948 = arith.constant 0 : index
    %get3A_1949 = vector.load %arg2[%get3A_1947, %get3A_1948] : memref<64x128xi32, #tpu.memory_space<vmem>>, vector<1x128xi32>
    %eq3A_1950 = vector.broadcast %get3A_1949 : vector<1x128xi32> to vector<128x128xi32>
    %eq3A_1951 = arith.cmpi eq, %iota3A, %eq3A_1950 : vector<128x128xi32>
    %convert_element_type3A_1952 = arith.extui %eq3A_1951 : vector<128x128xi1> to vector<128x128xi32>
    %convert_element_type3A_1953 = arith.sitofp %convert_element_type3A_1952 : vector<128x128xi32> to vector<128x128xf32>
    %dot_general3A_1954 = arith.constant dense<0.000000e+00> : vector<128x64xf32>
    %dot_general3A_1955 = tpu.matmul %convert_element_type3A_1953, %get3A_5, %dot_general3A_1954 {dimension_numbers = #tpu.dot_dimension_numbers<[0], [0], [1], [1], [0, 1, 1, 1], [], []>, transpose_lhs_hint = false} : vector<128x128xf32>, vector<128x64xf32>, vector<128x64xf32> -> vector<128x64xf32>
    %get3A_1956 = arith.constant 54 : index
    %get3A_1957 = arith.constant 0 : index
    %get3A_1958 = vector.load %arg1[%get3A_1956, %get3A_1957] : memref<64x64xf32, #tpu.memory_space<vmem>>, vector<1x64xf32>
    %mul3A_1959 = vector.broadcast %get3A_1958 : vector<1x64xf32> to vector<128x64xf32>
    %mul3A_1960 = arith.mulf %dot_general3A_1955, %mul3A_1959 : vector<128x64xf32>
    %get3A_1961 = arith.constant 54 : index
    %get3A_1962 = arith.constant 0 : index
    %get3A_1963 = arith.constant 0 : index
    %get3A_1964 = vector.load %arg3[%get3A_1961, %get3A_1962, %get3A_1963] : memref<64x64x64xf32, #tpu.memory_space<vmem>>, vector<1x64x64xf32>
    %get3A_1965 = vector.shape_cast %get3A_1964 : vector<1x64x64xf32> to vector<64x64xf32>
    %dot_general3A_1966 = arith.constant dense<0.000000e+00> : vector<128x64xf32>
    %dot_general3A_1967 = tpu.matmul %mul3A_1960, %get3A_1965, %dot_general3A_1966 {dimension_numbers = #tpu.dot_dimension_numbers<[1], [0], [0], [1], [0, 0, 1, 1], [], []>, transpose_lhs_hint = false} : vector<128x64xf32>, vector<64x64xf32>, vector<128x64xf32> -> vector<128x64xf32>
    %add3A_1968 = arith.addf %dot_general3A_1967, %get3A_8 : vector<128x64xf32>
    %max3A_1969 = arith.constant 0.000000e+00 : f32
    %max3A_1970 = vector.broadcast %max3A_1969 : f32 to vector<128x64xf32>
    %max3A_1971 = arith.maximumf %add3A_1968, %max3A_1970 : vector<128x64xf32>
    %get3A_1972 = arith.constant 54 : index
    %get3A_1973 = arith.constant 0 : index
    %get3A_1974 = arith.constant 0 : index
    %get3A_1975 = vector.load %arg4[%get3A_1972, %get3A_1973, %get3A_1974] : memref<64x64x64xf32, #tpu.memory_space<vmem>>, vector<1x64x64xf32>
    %get3A_1976 = vector.shape_cast %get3A_1975 : vector<1x64x64xf32> to vector<64x64xf32>
    %dot_general3A_1977 = arith.constant dense<0.000000e+00> : vector<128x64xf32>
    %dot_general3A_1978 = tpu.matmul %max3A_1971, %get3A_1976, %dot_general3A_1977 {dimension_numbers = #tpu.dot_dimension_numbers<[1], [0], [0], [1], [0, 0, 1, 1], [], []>, transpose_lhs_hint = false} : vector<128x64xf32>, vector<64x64xf32>, vector<128x64xf32> -> vector<128x64xf32>
    %reduce_sum3A_1979 = arith.constant dense<0.000000e+00> : vector<128xf32>
    %reduce_sum3A_1980 = vector.multi_reduction <add>, %dot_general3A_1978, %reduce_sum3A_1979 [1] : vector<128x64xf32> to vector<128xf32>
    %broadcast_in_dim3A_1981 = vector.shape_cast %reduce_sum3A_1980 : vector<128xf32> to vector<128x1xf32>
    %add3A_1982 = arith.addf %broadcast_in_dim3A_1981, %broadcast_in_dim3A : vector<128x1xf32>
    %get3A_1983 = arith.constant 55 : index
    %get3A_1984 = arith.constant 0 : index
    %get3A_1985 = vector.load %arg2[%get3A_1983, %get3A_1984] : memref<64x128xi32, #tpu.memory_space<vmem>>, vector<1x128xi32>
    %eq3A_1986 = vector.broadcast %get3A_1985 : vector<1x128xi32> to vector<128x128xi32>
    %eq3A_1987 = arith.cmpi eq, %iota3A, %eq3A_1986 : vector<128x128xi32>
    %convert_element_type3A_1988 = arith.extui %eq3A_1987 : vector<128x128xi1> to vector<128x128xi32>
    %convert_element_type3A_1989 = arith.sitofp %convert_element_type3A_1988 : vector<128x128xi32> to vector<128x128xf32>
    %dot_general3A_1990 = arith.constant dense<0.000000e+00> : vector<128x64xf32>
    %dot_general3A_1991 = tpu.matmul %convert_element_type3A_1989, %get3A_5, %dot_general3A_1990 {dimension_numbers = #tpu.dot_dimension_numbers<[0], [0], [1], [1], [0, 1, 1, 1], [], []>, transpose_lhs_hint = false} : vector<128x128xf32>, vector<128x64xf32>, vector<128x64xf32> -> vector<128x64xf32>
    %get3A_1992 = arith.constant 55 : index
    %get3A_1993 = arith.constant 0 : index
    %get3A_1994 = vector.load %arg1[%get3A_1992, %get3A_1993] : memref<64x64xf32, #tpu.memory_space<vmem>>, vector<1x64xf32>
    %mul3A_1995 = vector.broadcast %get3A_1994 : vector<1x64xf32> to vector<128x64xf32>
    %mul3A_1996 = arith.mulf %dot_general3A_1991, %mul3A_1995 : vector<128x64xf32>
    %get3A_1997 = arith.constant 55 : index
    %get3A_1998 = arith.constant 0 : index
    %get3A_1999 = arith.constant 0 : index
    %get3A_2000 = vector.load %arg3[%get3A_1997, %get3A_1998, %get3A_1999] : memref<64x64x64xf32, #tpu.memory_space<vmem>>, vector<1x64x64xf32>
    %get3A_2001 = vector.shape_cast %get3A_2000 : vector<1x64x64xf32> to vector<64x64xf32>
    %dot_general3A_2002 = arith.constant dense<0.000000e+00> : vector<128x64xf32>
    %dot_general3A_2003 = tpu.matmul %mul3A_1996, %get3A_2001, %dot_general3A_2002 {dimension_numbers = #tpu.dot_dimension_numbers<[1], [0], [0], [1], [0, 0, 1, 1], [], []>, transpose_lhs_hint = false} : vector<128x64xf32>, vector<64x64xf32>, vector<128x64xf32> -> vector<128x64xf32>
    %add3A_2004 = arith.addf %dot_general3A_2003, %get3A_8 : vector<128x64xf32>
    %max3A_2005 = arith.constant 0.000000e+00 : f32
    %max3A_2006 = vector.broadcast %max3A_2005 : f32 to vector<128x64xf32>
    %max3A_2007 = arith.maximumf %add3A_2004, %max3A_2006 : vector<128x64xf32>
    %get3A_2008 = arith.constant 55 : index
    %get3A_2009 = arith.constant 0 : index
    %get3A_2010 = arith.constant 0 : index
    %get3A_2011 = vector.load %arg4[%get3A_2008, %get3A_2009, %get3A_2010] : memref<64x64x64xf32, #tpu.memory_space<vmem>>, vector<1x64x64xf32>
    %get3A_2012 = vector.shape_cast %get3A_2011 : vector<1x64x64xf32> to vector<64x64xf32>
    %dot_general3A_2013 = arith.constant dense<0.000000e+00> : vector<128x64xf32>
    %dot_general3A_2014 = tpu.matmul %max3A_2007, %get3A_2012, %dot_general3A_2013 {dimension_numbers = #tpu.dot_dimension_numbers<[1], [0], [0], [1], [0, 0, 1, 1], [], []>, transpose_lhs_hint = false} : vector<128x64xf32>, vector<64x64xf32>, vector<128x64xf32> -> vector<128x64xf32>
    %reduce_sum3A_2015 = arith.constant dense<0.000000e+00> : vector<128xf32>
    %reduce_sum3A_2016 = vector.multi_reduction <add>, %dot_general3A_2014, %reduce_sum3A_2015 [1] : vector<128x64xf32> to vector<128xf32>
    %broadcast_in_dim3A_2017 = vector.shape_cast %reduce_sum3A_2016 : vector<128xf32> to vector<128x1xf32>
    %add3A_2018 = arith.addf %broadcast_in_dim3A_2017, %broadcast_in_dim3A : vector<128x1xf32>
    %get3A_2019 = arith.constant 56 : index
    %get3A_2020 = arith.constant 0 : index
    %get3A_2021 = vector.load %arg2[%get3A_2019, %get3A_2020] : memref<64x128xi32, #tpu.memory_space<vmem>>, vector<1x128xi32>
    %eq3A_2022 = vector.broadcast %get3A_2021 : vector<1x128xi32> to vector<128x128xi32>
    %eq3A_2023 = arith.cmpi eq, %iota3A, %eq3A_2022 : vector<128x128xi32>
    %convert_element_type3A_2024 = arith.extui %eq3A_2023 : vector<128x128xi1> to vector<128x128xi32>
    %convert_element_type3A_2025 = arith.sitofp %convert_element_type3A_2024 : vector<128x128xi32> to vector<128x128xf32>
    %dot_general3A_2026 = arith.constant dense<0.000000e+00> : vector<128x64xf32>
    %dot_general3A_2027 = tpu.matmul %convert_element_type3A_2025, %get3A_5, %dot_general3A_2026 {dimension_numbers = #tpu.dot_dimension_numbers<[0], [0], [1], [1], [0, 1, 1, 1], [], []>, transpose_lhs_hint = false} : vector<128x128xf32>, vector<128x64xf32>, vector<128x64xf32> -> vector<128x64xf32>
    %get3A_2028 = arith.constant 56 : index
    %get3A_2029 = arith.constant 0 : index
    %get3A_2030 = vector.load %arg1[%get3A_2028, %get3A_2029] : memref<64x64xf32, #tpu.memory_space<vmem>>, vector<1x64xf32>
    %mul3A_2031 = vector.broadcast %get3A_2030 : vector<1x64xf32> to vector<128x64xf32>
    %mul3A_2032 = arith.mulf %dot_general3A_2027, %mul3A_2031 : vector<128x64xf32>
    %get3A_2033 = arith.constant 56 : index
    %get3A_2034 = arith.constant 0 : index
    %get3A_2035 = arith.constant 0 : index
    %get3A_2036 = vector.load %arg3[%get3A_2033, %get3A_2034, %get3A_2035] : memref<64x64x64xf32, #tpu.memory_space<vmem>>, vector<1x64x64xf32>
    %get3A_2037 = vector.shape_cast %get3A_2036 : vector<1x64x64xf32> to vector<64x64xf32>
    %dot_general3A_2038 = arith.constant dense<0.000000e+00> : vector<128x64xf32>
    %dot_general3A_2039 = tpu.matmul %mul3A_2032, %get3A_2037, %dot_general3A_2038 {dimension_numbers = #tpu.dot_dimension_numbers<[1], [0], [0], [1], [0, 0, 1, 1], [], []>, transpose_lhs_hint = false} : vector<128x64xf32>, vector<64x64xf32>, vector<128x64xf32> -> vector<128x64xf32>
    %add3A_2040 = arith.addf %dot_general3A_2039, %get3A_8 : vector<128x64xf32>
    %max3A_2041 = arith.constant 0.000000e+00 : f32
    %max3A_2042 = vector.broadcast %max3A_2041 : f32 to vector<128x64xf32>
    %max3A_2043 = arith.maximumf %add3A_2040, %max3A_2042 : vector<128x64xf32>
    %get3A_2044 = arith.constant 56 : index
    %get3A_2045 = arith.constant 0 : index
    %get3A_2046 = arith.constant 0 : index
    %get3A_2047 = vector.load %arg4[%get3A_2044, %get3A_2045, %get3A_2046] : memref<64x64x64xf32, #tpu.memory_space<vmem>>, vector<1x64x64xf32>
    %get3A_2048 = vector.shape_cast %get3A_2047 : vector<1x64x64xf32> to vector<64x64xf32>
    %dot_general3A_2049 = arith.constant dense<0.000000e+00> : vector<128x64xf32>
    %dot_general3A_2050 = tpu.matmul %max3A_2043, %get3A_2048, %dot_general3A_2049 {dimension_numbers = #tpu.dot_dimension_numbers<[1], [0], [0], [1], [0, 0, 1, 1], [], []>, transpose_lhs_hint = false} : vector<128x64xf32>, vector<64x64xf32>, vector<128x64xf32> -> vector<128x64xf32>
    %reduce_sum3A_2051 = arith.constant dense<0.000000e+00> : vector<128xf32>
    %reduce_sum3A_2052 = vector.multi_reduction <add>, %dot_general3A_2050, %reduce_sum3A_2051 [1] : vector<128x64xf32> to vector<128xf32>
    %broadcast_in_dim3A_2053 = vector.shape_cast %reduce_sum3A_2052 : vector<128xf32> to vector<128x1xf32>
    %add3A_2054 = arith.addf %broadcast_in_dim3A_2053, %broadcast_in_dim3A : vector<128x1xf32>
    %get3A_2055 = arith.constant 57 : index
    %get3A_2056 = arith.constant 0 : index
    %get3A_2057 = vector.load %arg2[%get3A_2055, %get3A_2056] : memref<64x128xi32, #tpu.memory_space<vmem>>, vector<1x128xi32>
    %eq3A_2058 = vector.broadcast %get3A_2057 : vector<1x128xi32> to vector<128x128xi32>
    %eq3A_2059 = arith.cmpi eq, %iota3A, %eq3A_2058 : vector<128x128xi32>
    %convert_element_type3A_2060 = arith.extui %eq3A_2059 : vector<128x128xi1> to vector<128x128xi32>
    %convert_element_type3A_2061 = arith.sitofp %convert_element_type3A_2060 : vector<128x128xi32> to vector<128x128xf32>
    %dot_general3A_2062 = arith.constant dense<0.000000e+00> : vector<128x64xf32>
    %dot_general3A_2063 = tpu.matmul %convert_element_type3A_2061, %get3A_5, %dot_general3A_2062 {dimension_numbers = #tpu.dot_dimension_numbers<[0], [0], [1], [1], [0, 1, 1, 1], [], []>, transpose_lhs_hint = false} : vector<128x128xf32>, vector<128x64xf32>, vector<128x64xf32> -> vector<128x64xf32>
    %get3A_2064 = arith.constant 57 : index
    %get3A_2065 = arith.constant 0 : index
    %get3A_2066 = vector.load %arg1[%get3A_2064, %get3A_2065] : memref<64x64xf32, #tpu.memory_space<vmem>>, vector<1x64xf32>
    %mul3A_2067 = vector.broadcast %get3A_2066 : vector<1x64xf32> to vector<128x64xf32>
    %mul3A_2068 = arith.mulf %dot_general3A_2063, %mul3A_2067 : vector<128x64xf32>
    %get3A_2069 = arith.constant 57 : index
    %get3A_2070 = arith.constant 0 : index
    %get3A_2071 = arith.constant 0 : index
    %get3A_2072 = vector.load %arg3[%get3A_2069, %get3A_2070, %get3A_2071] : memref<64x64x64xf32, #tpu.memory_space<vmem>>, vector<1x64x64xf32>
    %get3A_2073 = vector.shape_cast %get3A_2072 : vector<1x64x64xf32> to vector<64x64xf32>
    %dot_general3A_2074 = arith.constant dense<0.000000e+00> : vector<128x64xf32>
    %dot_general3A_2075 = tpu.matmul %mul3A_2068, %get3A_2073, %dot_general3A_2074 {dimension_numbers = #tpu.dot_dimension_numbers<[1], [0], [0], [1], [0, 0, 1, 1], [], []>, transpose_lhs_hint = false} : vector<128x64xf32>, vector<64x64xf32>, vector<128x64xf32> -> vector<128x64xf32>
    %add3A_2076 = arith.addf %dot_general3A_2075, %get3A_8 : vector<128x64xf32>
    %max3A_2077 = arith.constant 0.000000e+00 : f32
    %max3A_2078 = vector.broadcast %max3A_2077 : f32 to vector<128x64xf32>
    %max3A_2079 = arith.maximumf %add3A_2076, %max3A_2078 : vector<128x64xf32>
    %get3A_2080 = arith.constant 57 : index
    %get3A_2081 = arith.constant 0 : index
    %get3A_2082 = arith.constant 0 : index
    %get3A_2083 = vector.load %arg4[%get3A_2080, %get3A_2081, %get3A_2082] : memref<64x64x64xf32, #tpu.memory_space<vmem>>, vector<1x64x64xf32>
    %get3A_2084 = vector.shape_cast %get3A_2083 : vector<1x64x64xf32> to vector<64x64xf32>
    %dot_general3A_2085 = arith.constant dense<0.000000e+00> : vector<128x64xf32>
    %dot_general3A_2086 = tpu.matmul %max3A_2079, %get3A_2084, %dot_general3A_2085 {dimension_numbers = #tpu.dot_dimension_numbers<[1], [0], [0], [1], [0, 0, 1, 1], [], []>, transpose_lhs_hint = false} : vector<128x64xf32>, vector<64x64xf32>, vector<128x64xf32> -> vector<128x64xf32>
    %reduce_sum3A_2087 = arith.constant dense<0.000000e+00> : vector<128xf32>
    %reduce_sum3A_2088 = vector.multi_reduction <add>, %dot_general3A_2086, %reduce_sum3A_2087 [1] : vector<128x64xf32> to vector<128xf32>
    %broadcast_in_dim3A_2089 = vector.shape_cast %reduce_sum3A_2088 : vector<128xf32> to vector<128x1xf32>
    %add3A_2090 = arith.addf %broadcast_in_dim3A_2089, %broadcast_in_dim3A : vector<128x1xf32>
    %get3A_2091 = arith.constant 58 : index
    %get3A_2092 = arith.constant 0 : index
    %get3A_2093 = vector.load %arg2[%get3A_2091, %get3A_2092] : memref<64x128xi32, #tpu.memory_space<vmem>>, vector<1x128xi32>
    %eq3A_2094 = vector.broadcast %get3A_2093 : vector<1x128xi32> to vector<128x128xi32>
    %eq3A_2095 = arith.cmpi eq, %iota3A, %eq3A_2094 : vector<128x128xi32>
    %convert_element_type3A_2096 = arith.extui %eq3A_2095 : vector<128x128xi1> to vector<128x128xi32>
    %convert_element_type3A_2097 = arith.sitofp %convert_element_type3A_2096 : vector<128x128xi32> to vector<128x128xf32>
    %dot_general3A_2098 = arith.constant dense<0.000000e+00> : vector<128x64xf32>
    %dot_general3A_2099 = tpu.matmul %convert_element_type3A_2097, %get3A_5, %dot_general3A_2098 {dimension_numbers = #tpu.dot_dimension_numbers<[0], [0], [1], [1], [0, 1, 1, 1], [], []>, transpose_lhs_hint = false} : vector<128x128xf32>, vector<128x64xf32>, vector<128x64xf32> -> vector<128x64xf32>
    %get3A_2100 = arith.constant 58 : index
    %get3A_2101 = arith.constant 0 : index
    %get3A_2102 = vector.load %arg1[%get3A_2100, %get3A_2101] : memref<64x64xf32, #tpu.memory_space<vmem>>, vector<1x64xf32>
    %mul3A_2103 = vector.broadcast %get3A_2102 : vector<1x64xf32> to vector<128x64xf32>
    %mul3A_2104 = arith.mulf %dot_general3A_2099, %mul3A_2103 : vector<128x64xf32>
    %get3A_2105 = arith.constant 58 : index
    %get3A_2106 = arith.constant 0 : index
    %get3A_2107 = arith.constant 0 : index
    %get3A_2108 = vector.load %arg3[%get3A_2105, %get3A_2106, %get3A_2107] : memref<64x64x64xf32, #tpu.memory_space<vmem>>, vector<1x64x64xf32>
    %get3A_2109 = vector.shape_cast %get3A_2108 : vector<1x64x64xf32> to vector<64x64xf32>
    %dot_general3A_2110 = arith.constant dense<0.000000e+00> : vector<128x64xf32>
    %dot_general3A_2111 = tpu.matmul %mul3A_2104, %get3A_2109, %dot_general3A_2110 {dimension_numbers = #tpu.dot_dimension_numbers<[1], [0], [0], [1], [0, 0, 1, 1], [], []>, transpose_lhs_hint = false} : vector<128x64xf32>, vector<64x64xf32>, vector<128x64xf32> -> vector<128x64xf32>
    %add3A_2112 = arith.addf %dot_general3A_2111, %get3A_8 : vector<128x64xf32>
    %max3A_2113 = arith.constant 0.000000e+00 : f32
    %max3A_2114 = vector.broadcast %max3A_2113 : f32 to vector<128x64xf32>
    %max3A_2115 = arith.maximumf %add3A_2112, %max3A_2114 : vector<128x64xf32>
    %get3A_2116 = arith.constant 58 : index
    %get3A_2117 = arith.constant 0 : index
    %get3A_2118 = arith.constant 0 : index
    %get3A_2119 = vector.load %arg4[%get3A_2116, %get3A_2117, %get3A_2118] : memref<64x64x64xf32, #tpu.memory_space<vmem>>, vector<1x64x64xf32>
    %get3A_2120 = vector.shape_cast %get3A_2119 : vector<1x64x64xf32> to vector<64x64xf32>
    %dot_general3A_2121 = arith.constant dense<0.000000e+00> : vector<128x64xf32>
    %dot_general3A_2122 = tpu.matmul %max3A_2115, %get3A_2120, %dot_general3A_2121 {dimension_numbers = #tpu.dot_dimension_numbers<[1], [0], [0], [1], [0, 0, 1, 1], [], []>, transpose_lhs_hint = false} : vector<128x64xf32>, vector<64x64xf32>, vector<128x64xf32> -> vector<128x64xf32>
    %reduce_sum3A_2123 = arith.constant dense<0.000000e+00> : vector<128xf32>
    %reduce_sum3A_2124 = vector.multi_reduction <add>, %dot_general3A_2122, %reduce_sum3A_2123 [1] : vector<128x64xf32> to vector<128xf32>
    %broadcast_in_dim3A_2125 = vector.shape_cast %reduce_sum3A_2124 : vector<128xf32> to vector<128x1xf32>
    %add3A_2126 = arith.addf %broadcast_in_dim3A_2125, %broadcast_in_dim3A : vector<128x1xf32>
    %get3A_2127 = arith.constant 59 : index
    %get3A_2128 = arith.constant 0 : index
    %get3A_2129 = vector.load %arg2[%get3A_2127, %get3A_2128] : memref<64x128xi32, #tpu.memory_space<vmem>>, vector<1x128xi32>
    %eq3A_2130 = vector.broadcast %get3A_2129 : vector<1x128xi32> to vector<128x128xi32>
    %eq3A_2131 = arith.cmpi eq, %iota3A, %eq3A_2130 : vector<128x128xi32>
    %convert_element_type3A_2132 = arith.extui %eq3A_2131 : vector<128x128xi1> to vector<128x128xi32>
    %convert_element_type3A_2133 = arith.sitofp %convert_element_type3A_2132 : vector<128x128xi32> to vector<128x128xf32>
    %dot_general3A_2134 = arith.constant dense<0.000000e+00> : vector<128x64xf32>
    %dot_general3A_2135 = tpu.matmul %convert_element_type3A_2133, %get3A_5, %dot_general3A_2134 {dimension_numbers = #tpu.dot_dimension_numbers<[0], [0], [1], [1], [0, 1, 1, 1], [], []>, transpose_lhs_hint = false} : vector<128x128xf32>, vector<128x64xf32>, vector<128x64xf32> -> vector<128x64xf32>
    %get3A_2136 = arith.constant 59 : index
    %get3A_2137 = arith.constant 0 : index
    %get3A_2138 = vector.load %arg1[%get3A_2136, %get3A_2137] : memref<64x64xf32, #tpu.memory_space<vmem>>, vector<1x64xf32>
    %mul3A_2139 = vector.broadcast %get3A_2138 : vector<1x64xf32> to vector<128x64xf32>
    %mul3A_2140 = arith.mulf %dot_general3A_2135, %mul3A_2139 : vector<128x64xf32>
    %get3A_2141 = arith.constant 59 : index
    %get3A_2142 = arith.constant 0 : index
    %get3A_2143 = arith.constant 0 : index
    %get3A_2144 = vector.load %arg3[%get3A_2141, %get3A_2142, %get3A_2143] : memref<64x64x64xf32, #tpu.memory_space<vmem>>, vector<1x64x64xf32>
    %get3A_2145 = vector.shape_cast %get3A_2144 : vector<1x64x64xf32> to vector<64x64xf32>
    %dot_general3A_2146 = arith.constant dense<0.000000e+00> : vector<128x64xf32>
    %dot_general3A_2147 = tpu.matmul %mul3A_2140, %get3A_2145, %dot_general3A_2146 {dimension_numbers = #tpu.dot_dimension_numbers<[1], [0], [0], [1], [0, 0, 1, 1], [], []>, transpose_lhs_hint = false} : vector<128x64xf32>, vector<64x64xf32>, vector<128x64xf32> -> vector<128x64xf32>
    %add3A_2148 = arith.addf %dot_general3A_2147, %get3A_8 : vector<128x64xf32>
    %max3A_2149 = arith.constant 0.000000e+00 : f32
    %max3A_2150 = vector.broadcast %max3A_2149 : f32 to vector<128x64xf32>
    %max3A_2151 = arith.maximumf %add3A_2148, %max3A_2150 : vector<128x64xf32>
    %get3A_2152 = arith.constant 59 : index
    %get3A_2153 = arith.constant 0 : index
    %get3A_2154 = arith.constant 0 : index
    %get3A_2155 = vector.load %arg4[%get3A_2152, %get3A_2153, %get3A_2154] : memref<64x64x64xf32, #tpu.memory_space<vmem>>, vector<1x64x64xf32>
    %get3A_2156 = vector.shape_cast %get3A_2155 : vector<1x64x64xf32> to vector<64x64xf32>
    %dot_general3A_2157 = arith.constant dense<0.000000e+00> : vector<128x64xf32>
    %dot_general3A_2158 = tpu.matmul %max3A_2151, %get3A_2156, %dot_general3A_2157 {dimension_numbers = #tpu.dot_dimension_numbers<[1], [0], [0], [1], [0, 0, 1, 1], [], []>, transpose_lhs_hint = false} : vector<128x64xf32>, vector<64x64xf32>, vector<128x64xf32> -> vector<128x64xf32>
    %reduce_sum3A_2159 = arith.constant dense<0.000000e+00> : vector<128xf32>
    %reduce_sum3A_2160 = vector.multi_reduction <add>, %dot_general3A_2158, %reduce_sum3A_2159 [1] : vector<128x64xf32> to vector<128xf32>
    %broadcast_in_dim3A_2161 = vector.shape_cast %reduce_sum3A_2160 : vector<128xf32> to vector<128x1xf32>
    %add3A_2162 = arith.addf %broadcast_in_dim3A_2161, %broadcast_in_dim3A : vector<128x1xf32>
    %get3A_2163 = arith.constant 60 : index
    %get3A_2164 = arith.constant 0 : index
    %get3A_2165 = vector.load %arg2[%get3A_2163, %get3A_2164] : memref<64x128xi32, #tpu.memory_space<vmem>>, vector<1x128xi32>
    %eq3A_2166 = vector.broadcast %get3A_2165 : vector<1x128xi32> to vector<128x128xi32>
    %eq3A_2167 = arith.cmpi eq, %iota3A, %eq3A_2166 : vector<128x128xi32>
    %convert_element_type3A_2168 = arith.extui %eq3A_2167 : vector<128x128xi1> to vector<128x128xi32>
    %convert_element_type3A_2169 = arith.sitofp %convert_element_type3A_2168 : vector<128x128xi32> to vector<128x128xf32>
    %dot_general3A_2170 = arith.constant dense<0.000000e+00> : vector<128x64xf32>
    %dot_general3A_2171 = tpu.matmul %convert_element_type3A_2169, %get3A_5, %dot_general3A_2170 {dimension_numbers = #tpu.dot_dimension_numbers<[0], [0], [1], [1], [0, 1, 1, 1], [], []>, transpose_lhs_hint = false} : vector<128x128xf32>, vector<128x64xf32>, vector<128x64xf32> -> vector<128x64xf32>
    %get3A_2172 = arith.constant 60 : index
    %get3A_2173 = arith.constant 0 : index
    %get3A_2174 = vector.load %arg1[%get3A_2172, %get3A_2173] : memref<64x64xf32, #tpu.memory_space<vmem>>, vector<1x64xf32>
    %mul3A_2175 = vector.broadcast %get3A_2174 : vector<1x64xf32> to vector<128x64xf32>
    %mul3A_2176 = arith.mulf %dot_general3A_2171, %mul3A_2175 : vector<128x64xf32>
    %get3A_2177 = arith.constant 60 : index
    %get3A_2178 = arith.constant 0 : index
    %get3A_2179 = arith.constant 0 : index
    %get3A_2180 = vector.load %arg3[%get3A_2177, %get3A_2178, %get3A_2179] : memref<64x64x64xf32, #tpu.memory_space<vmem>>, vector<1x64x64xf32>
    %get3A_2181 = vector.shape_cast %get3A_2180 : vector<1x64x64xf32> to vector<64x64xf32>
    %dot_general3A_2182 = arith.constant dense<0.000000e+00> : vector<128x64xf32>
    %dot_general3A_2183 = tpu.matmul %mul3A_2176, %get3A_2181, %dot_general3A_2182 {dimension_numbers = #tpu.dot_dimension_numbers<[1], [0], [0], [1], [0, 0, 1, 1], [], []>, transpose_lhs_hint = false} : vector<128x64xf32>, vector<64x64xf32>, vector<128x64xf32> -> vector<128x64xf32>
    %add3A_2184 = arith.addf %dot_general3A_2183, %get3A_8 : vector<128x64xf32>
    %max3A_2185 = arith.constant 0.000000e+00 : f32
    %max3A_2186 = vector.broadcast %max3A_2185 : f32 to vector<128x64xf32>
    %max3A_2187 = arith.maximumf %add3A_2184, %max3A_2186 : vector<128x64xf32>
    %get3A_2188 = arith.constant 60 : index
    %get3A_2189 = arith.constant 0 : index
    %get3A_2190 = arith.constant 0 : index
    %get3A_2191 = vector.load %arg4[%get3A_2188, %get3A_2189, %get3A_2190] : memref<64x64x64xf32, #tpu.memory_space<vmem>>, vector<1x64x64xf32>
    %get3A_2192 = vector.shape_cast %get3A_2191 : vector<1x64x64xf32> to vector<64x64xf32>
    %dot_general3A_2193 = arith.constant dense<0.000000e+00> : vector<128x64xf32>
    %dot_general3A_2194 = tpu.matmul %max3A_2187, %get3A_2192, %dot_general3A_2193 {dimension_numbers = #tpu.dot_dimension_numbers<[1], [0], [0], [1], [0, 0, 1, 1], [], []>, transpose_lhs_hint = false} : vector<128x64xf32>, vector<64x64xf32>, vector<128x64xf32> -> vector<128x64xf32>
    %reduce_sum3A_2195 = arith.constant dense<0.000000e+00> : vector<128xf32>
    %reduce_sum3A_2196 = vector.multi_reduction <add>, %dot_general3A_2194, %reduce_sum3A_2195 [1] : vector<128x64xf32> to vector<128xf32>
    %broadcast_in_dim3A_2197 = vector.shape_cast %reduce_sum3A_2196 : vector<128xf32> to vector<128x1xf32>
    %add3A_2198 = arith.addf %broadcast_in_dim3A_2197, %broadcast_in_dim3A : vector<128x1xf32>
    %get3A_2199 = arith.constant 61 : index
    %get3A_2200 = arith.constant 0 : index
    %get3A_2201 = vector.load %arg2[%get3A_2199, %get3A_2200] : memref<64x128xi32, #tpu.memory_space<vmem>>, vector<1x128xi32>
    %eq3A_2202 = vector.broadcast %get3A_2201 : vector<1x128xi32> to vector<128x128xi32>
    %eq3A_2203 = arith.cmpi eq, %iota3A, %eq3A_2202 : vector<128x128xi32>
    %convert_element_type3A_2204 = arith.extui %eq3A_2203 : vector<128x128xi1> to vector<128x128xi32>
    %convert_element_type3A_2205 = arith.sitofp %convert_element_type3A_2204 : vector<128x128xi32> to vector<128x128xf32>
    %dot_general3A_2206 = arith.constant dense<0.000000e+00> : vector<128x64xf32>
    %dot_general3A_2207 = tpu.matmul %convert_element_type3A_2205, %get3A_5, %dot_general3A_2206 {dimension_numbers = #tpu.dot_dimension_numbers<[0], [0], [1], [1], [0, 1, 1, 1], [], []>, transpose_lhs_hint = false} : vector<128x128xf32>, vector<128x64xf32>, vector<128x64xf32> -> vector<128x64xf32>
    %get3A_2208 = arith.constant 61 : index
    %get3A_2209 = arith.constant 0 : index
    %get3A_2210 = vector.load %arg1[%get3A_2208, %get3A_2209] : memref<64x64xf32, #tpu.memory_space<vmem>>, vector<1x64xf32>
    %mul3A_2211 = vector.broadcast %get3A_2210 : vector<1x64xf32> to vector<128x64xf32>
    %mul3A_2212 = arith.mulf %dot_general3A_2207, %mul3A_2211 : vector<128x64xf32>
    %get3A_2213 = arith.constant 61 : index
    %get3A_2214 = arith.constant 0 : index
    %get3A_2215 = arith.constant 0 : index
    %get3A_2216 = vector.load %arg3[%get3A_2213, %get3A_2214, %get3A_2215] : memref<64x64x64xf32, #tpu.memory_space<vmem>>, vector<1x64x64xf32>
    %get3A_2217 = vector.shape_cast %get3A_2216 : vector<1x64x64xf32> to vector<64x64xf32>
    %dot_general3A_2218 = arith.constant dense<0.000000e+00> : vector<128x64xf32>
    %dot_general3A_2219 = tpu.matmul %mul3A_2212, %get3A_2217, %dot_general3A_2218 {dimension_numbers = #tpu.dot_dimension_numbers<[1], [0], [0], [1], [0, 0, 1, 1], [], []>, transpose_lhs_hint = false} : vector<128x64xf32>, vector<64x64xf32>, vector<128x64xf32> -> vector<128x64xf32>
    %add3A_2220 = arith.addf %dot_general3A_2219, %get3A_8 : vector<128x64xf32>
    %max3A_2221 = arith.constant 0.000000e+00 : f32
    %max3A_2222 = vector.broadcast %max3A_2221 : f32 to vector<128x64xf32>
    %max3A_2223 = arith.maximumf %add3A_2220, %max3A_2222 : vector<128x64xf32>
    %get3A_2224 = arith.constant 61 : index
    %get3A_2225 = arith.constant 0 : index
    %get3A_2226 = arith.constant 0 : index
    %get3A_2227 = vector.load %arg4[%get3A_2224, %get3A_2225, %get3A_2226] : memref<64x64x64xf32, #tpu.memory_space<vmem>>, vector<1x64x64xf32>
    %get3A_2228 = vector.shape_cast %get3A_2227 : vector<1x64x64xf32> to vector<64x64xf32>
    %dot_general3A_2229 = arith.constant dense<0.000000e+00> : vector<128x64xf32>
    %dot_general3A_2230 = tpu.matmul %max3A_2223, %get3A_2228, %dot_general3A_2229 {dimension_numbers = #tpu.dot_dimension_numbers<[1], [0], [0], [1], [0, 0, 1, 1], [], []>, transpose_lhs_hint = false} : vector<128x64xf32>, vector<64x64xf32>, vector<128x64xf32> -> vector<128x64xf32>
    %reduce_sum3A_2231 = arith.constant dense<0.000000e+00> : vector<128xf32>
    %reduce_sum3A_2232 = vector.multi_reduction <add>, %dot_general3A_2230, %reduce_sum3A_2231 [1] : vector<128x64xf32> to vector<128xf32>
    %broadcast_in_dim3A_2233 = vector.shape_cast %reduce_sum3A_2232 : vector<128xf32> to vector<128x1xf32>
    %add3A_2234 = arith.addf %broadcast_in_dim3A_2233, %broadcast_in_dim3A : vector<128x1xf32>
    %get3A_2235 = arith.constant 62 : index
    %get3A_2236 = arith.constant 0 : index
    %get3A_2237 = vector.load %arg2[%get3A_2235, %get3A_2236] : memref<64x128xi32, #tpu.memory_space<vmem>>, vector<1x128xi32>
    %eq3A_2238 = vector.broadcast %get3A_2237 : vector<1x128xi32> to vector<128x128xi32>
    %eq3A_2239 = arith.cmpi eq, %iota3A, %eq3A_2238 : vector<128x128xi32>
    %convert_element_type3A_2240 = arith.extui %eq3A_2239 : vector<128x128xi1> to vector<128x128xi32>
    %convert_element_type3A_2241 = arith.sitofp %convert_element_type3A_2240 : vector<128x128xi32> to vector<128x128xf32>
    %dot_general3A_2242 = arith.constant dense<0.000000e+00> : vector<128x64xf32>
    %dot_general3A_2243 = tpu.matmul %convert_element_type3A_2241, %get3A_5, %dot_general3A_2242 {dimension_numbers = #tpu.dot_dimension_numbers<[0], [0], [1], [1], [0, 1, 1, 1], [], []>, transpose_lhs_hint = false} : vector<128x128xf32>, vector<128x64xf32>, vector<128x64xf32> -> vector<128x64xf32>
    %get3A_2244 = arith.constant 62 : index
    %get3A_2245 = arith.constant 0 : index
    %get3A_2246 = vector.load %arg1[%get3A_2244, %get3A_2245] : memref<64x64xf32, #tpu.memory_space<vmem>>, vector<1x64xf32>
    %mul3A_2247 = vector.broadcast %get3A_2246 : vector<1x64xf32> to vector<128x64xf32>
    %mul3A_2248 = arith.mulf %dot_general3A_2243, %mul3A_2247 : vector<128x64xf32>
    %get3A_2249 = arith.constant 62 : index
    %get3A_2250 = arith.constant 0 : index
    %get3A_2251 = arith.constant 0 : index
    %get3A_2252 = vector.load %arg3[%get3A_2249, %get3A_2250, %get3A_2251] : memref<64x64x64xf32, #tpu.memory_space<vmem>>, vector<1x64x64xf32>
    %get3A_2253 = vector.shape_cast %get3A_2252 : vector<1x64x64xf32> to vector<64x64xf32>
    %dot_general3A_2254 = arith.constant dense<0.000000e+00> : vector<128x64xf32>
    %dot_general3A_2255 = tpu.matmul %mul3A_2248, %get3A_2253, %dot_general3A_2254 {dimension_numbers = #tpu.dot_dimension_numbers<[1], [0], [0], [1], [0, 0, 1, 1], [], []>, transpose_lhs_hint = false} : vector<128x64xf32>, vector<64x64xf32>, vector<128x64xf32> -> vector<128x64xf32>
    %add3A_2256 = arith.addf %dot_general3A_2255, %get3A_8 : vector<128x64xf32>
    %max3A_2257 = arith.constant 0.000000e+00 : f32
    %max3A_2258 = vector.broadcast %max3A_2257 : f32 to vector<128x64xf32>
    %max3A_2259 = arith.maximumf %add3A_2256, %max3A_2258 : vector<128x64xf32>
    %get3A_2260 = arith.constant 62 : index
    %get3A_2261 = arith.constant 0 : index
    %get3A_2262 = arith.constant 0 : index
    %get3A_2263 = vector.load %arg4[%get3A_2260, %get3A_2261, %get3A_2262] : memref<64x64x64xf32, #tpu.memory_space<vmem>>, vector<1x64x64xf32>
    %get3A_2264 = vector.shape_cast %get3A_2263 : vector<1x64x64xf32> to vector<64x64xf32>
    %dot_general3A_2265 = arith.constant dense<0.000000e+00> : vector<128x64xf32>
    %dot_general3A_2266 = tpu.matmul %max3A_2259, %get3A_2264, %dot_general3A_2265 {dimension_numbers = #tpu.dot_dimension_numbers<[1], [0], [0], [1], [0, 0, 1, 1], [], []>, transpose_lhs_hint = false} : vector<128x64xf32>, vector<64x64xf32>, vector<128x64xf32> -> vector<128x64xf32>
    %reduce_sum3A_2267 = arith.constant dense<0.000000e+00> : vector<128xf32>
    %reduce_sum3A_2268 = vector.multi_reduction <add>, %dot_general3A_2266, %reduce_sum3A_2267 [1] : vector<128x64xf32> to vector<128xf32>
    %broadcast_in_dim3A_2269 = vector.shape_cast %reduce_sum3A_2268 : vector<128xf32> to vector<128x1xf32>
    %add3A_2270 = arith.addf %broadcast_in_dim3A_2269, %broadcast_in_dim3A : vector<128x1xf32>
    %get3A_2271 = arith.constant 63 : index
    %get3A_2272 = arith.constant 0 : index
    %get3A_2273 = vector.load %arg2[%get3A_2271, %get3A_2272] : memref<64x128xi32, #tpu.memory_space<vmem>>, vector<1x128xi32>
    %eq3A_2274 = vector.broadcast %get3A_2273 : vector<1x128xi32> to vector<128x128xi32>
    %eq3A_2275 = arith.cmpi eq, %iota3A, %eq3A_2274 : vector<128x128xi32>
    %convert_element_type3A_2276 = arith.extui %eq3A_2275 : vector<128x128xi1> to vector<128x128xi32>
    %convert_element_type3A_2277 = arith.sitofp %convert_element_type3A_2276 : vector<128x128xi32> to vector<128x128xf32>
    %dot_general3A_2278 = arith.constant dense<0.000000e+00> : vector<128x64xf32>
    %dot_general3A_2279 = tpu.matmul %convert_element_type3A_2277, %get3A_5, %dot_general3A_2278 {dimension_numbers = #tpu.dot_dimension_numbers<[0], [0], [1], [1], [0, 1, 1, 1], [], []>, transpose_lhs_hint = false} : vector<128x128xf32>, vector<128x64xf32>, vector<128x64xf32> -> vector<128x64xf32>
    %get3A_2280 = arith.constant 63 : index
    %get3A_2281 = arith.constant 0 : index
    %get3A_2282 = vector.load %arg1[%get3A_2280, %get3A_2281] : memref<64x64xf32, #tpu.memory_space<vmem>>, vector<1x64xf32>
    %mul3A_2283 = vector.broadcast %get3A_2282 : vector<1x64xf32> to vector<128x64xf32>
    %mul3A_2284 = arith.mulf %dot_general3A_2279, %mul3A_2283 : vector<128x64xf32>
    %get3A_2285 = arith.constant 63 : index
    %get3A_2286 = arith.constant 0 : index
    %get3A_2287 = arith.constant 0 : index
    %get3A_2288 = vector.load %arg3[%get3A_2285, %get3A_2286, %get3A_2287] : memref<64x64x64xf32, #tpu.memory_space<vmem>>, vector<1x64x64xf32>
    %get3A_2289 = vector.shape_cast %get3A_2288 : vector<1x64x64xf32> to vector<64x64xf32>
    %dot_general3A_2290 = arith.constant dense<0.000000e+00> : vector<128x64xf32>
    %dot_general3A_2291 = tpu.matmul %mul3A_2284, %get3A_2289, %dot_general3A_2290 {dimension_numbers = #tpu.dot_dimension_numbers<[1], [0], [0], [1], [0, 0, 1, 1], [], []>, transpose_lhs_hint = false} : vector<128x64xf32>, vector<64x64xf32>, vector<128x64xf32> -> vector<128x64xf32>
    %add3A_2292 = arith.addf %dot_general3A_2291, %get3A_8 : vector<128x64xf32>
    %max3A_2293 = arith.constant 0.000000e+00 : f32
    %max3A_2294 = vector.broadcast %max3A_2293 : f32 to vector<128x64xf32>
    %max3A_2295 = arith.maximumf %add3A_2292, %max3A_2294 : vector<128x64xf32>
    %get3A_2296 = arith.constant 63 : index
    %get3A_2297 = arith.constant 0 : index
    %get3A_2298 = arith.constant 0 : index
    %get3A_2299 = vector.load %arg4[%get3A_2296, %get3A_2297, %get3A_2298] : memref<64x64x64xf32, #tpu.memory_space<vmem>>, vector<1x64x64xf32>
    %get3A_2300 = vector.shape_cast %get3A_2299 : vector<1x64x64xf32> to vector<64x64xf32>
    %dot_general3A_2301 = arith.constant dense<0.000000e+00> : vector<128x64xf32>
    %dot_general3A_2302 = tpu.matmul %max3A_2295, %get3A_2300, %dot_general3A_2301 {dimension_numbers = #tpu.dot_dimension_numbers<[1], [0], [0], [1], [0, 0, 1, 1], [], []>, transpose_lhs_hint = false} : vector<128x64xf32>, vector<64x64xf32>, vector<128x64xf32> -> vector<128x64xf32>
    %reduce_sum3A_2303 = arith.constant dense<0.000000e+00> : vector<128xf32>
    %reduce_sum3A_2304 = vector.multi_reduction <add>, %dot_general3A_2302, %reduce_sum3A_2303 [1] : vector<128x64xf32> to vector<128xf32>
    %broadcast_in_dim3A_2305 = vector.shape_cast %reduce_sum3A_2304 : vector<128xf32> to vector<128x1xf32>
    %add3A_2306 = arith.addf %broadcast_in_dim3A_2305, %broadcast_in_dim3A : vector<128x1xf32>
    %concatenate3A = tpu.concatenate %add3A_38, %add3A_74, %add3A_110, %add3A_146, %add3A_182, %add3A_218, %add3A_254, %add3A_290, %add3A_326, %add3A_362, %add3A_398, %add3A_434, %add3A_470, %add3A_506, %add3A_542, %add3A_578, %add3A_614, %add3A_650, %add3A_686, %add3A_722, %add3A_758, %add3A_794, %add3A_830, %add3A_866, %add3A_902, %add3A_938, %add3A_974, %add3A_1010, %add3A_1046, %add3A_1082, %add3A_1118, %add3A_1154, %add3A_1190, %add3A_1226, %add3A_1262, %add3A_1298, %add3A_1334, %add3A_1370, %add3A_1406, %add3A_1442, %add3A_1478, %add3A_1514, %add3A_1550, %add3A_1586, %add3A_1622, %add3A_1658, %add3A_1694, %add3A_1730, %add3A_1766, %add3A_1802, %add3A_1838, %add3A_1874, %add3A_1910, %add3A_1946, %add3A_1982, %add3A_2018, %add3A_2054, %add3A_2090, %add3A_2126, %add3A_2162, %add3A_2198, %add3A_2234, %add3A_2270, %add3A_2306 in 1 : vector<128x1xf32>, vector<128x1xf32>, vector<128x1xf32>, vector<128x1xf32>, vector<128x1xf32>, vector<128x1xf32>, vector<128x1xf32>, vector<128x1xf32>, vector<128x1xf32>, vector<128x1xf32>, vector<128x1xf32>, vector<128x1xf32>, vector<128x1xf32>, vector<128x1xf32>, vector<128x1xf32>, vector<128x1xf32>, vector<128x1xf32>, vector<128x1xf32>, vector<128x1xf32>, vector<128x1xf32>, vector<128x1xf32>, vector<128x1xf32>, vector<128x1xf32>, vector<128x1xf32>, vector<128x1xf32>, vector<128x1xf32>, vector<128x1xf32>, vector<128x1xf32>, vector<128x1xf32>, vector<128x1xf32>, vector<128x1xf32>, vector<128x1xf32>, vector<128x1xf32>, vector<128x1xf32>, vector<128x1xf32>, vector<128x1xf32>, vector<128x1xf32>, vector<128x1xf32>, vector<128x1xf32>, vector<128x1xf32>, vector<128x1xf32>, vector<128x1xf32>, vector<128x1xf32>, vector<128x1xf32>, vector<128x1xf32>, vector<128x1xf32>, vector<128x1xf32>, vector<128x1xf32>, vector<128x1xf32>, vector<128x1xf32>, vector<128x1xf32>, vector<128x1xf32>, vector<128x1xf32>, vector<128x1xf32>, vector<128x1xf32>, vector<128x1xf32>, vector<128x1xf32>, vector<128x1xf32>, vector<128x1xf32>, vector<128x1xf32>, vector<128x1xf32>, vector<128x1xf32>, vector<128x1xf32>, vector<128x1xf32> -> vector<128x64xf32>
    %reduce_max3A = arith.constant dense<0xFF800000> : vector<64xf32>
    %reduce_max3A_2307 = vector.multi_reduction <maximumf>, %concatenate3A, %reduce_max3A [0] : vector<128x64xf32> to vector<64xf32>
    %broadcast_in_dim3A_2308 = vector.shape_cast %reduce_max3A_2307 : vector<64xf32> to vector<1x64xf32>
    %sub3A = vector.broadcast %broadcast_in_dim3A_2308 : vector<1x64xf32> to vector<128x64xf32>
    %sub3A_2309 = arith.subf %concatenate3A, %sub3A : vector<128x64xf32>
    %exp3A = math.exp %sub3A_2309 : vector<128x64xf32>
    %reduce_sum3A_2310 = arith.constant dense<0.000000e+00> : vector<64xf32>
    %reduce_sum3A_2311 = vector.multi_reduction <add>, %exp3A, %reduce_sum3A_2310 [0] : vector<128x64xf32> to vector<64xf32>
    %broadcast_in_dim3A_2312 = vector.shape_cast %reduce_sum3A_2311 : vector<64xf32> to vector<1x64xf32>
    %div3A = vector.broadcast %broadcast_in_dim3A_2312 : vector<1x64xf32> to vector<128x64xf32>
    %div3A_2313 = arith.divf %exp3A, %div3A : vector<128x64xf32>
    %slice3A = vector.extract_strided_slice %div3A_2313 {offsets = [0, 0], sizes = [64, 1], strides = [1, 1]} : vector<128x64xf32> to vector<64x1xf32>
    %slice3A_2314 = vector.extract_strided_slice %div3A_2313 {offsets = [64, 0], sizes = [64, 1], strides = [1, 1]} : vector<128x64xf32> to vector<64x1xf32>
    %get3A_2315 = arith.constant 0 : index
    %get3A_2316 = arith.constant 0 : index
    %get3A_2317 = vector.load %arg5[%get3A_2315, %get3A_2316] : memref<4096x128xf32, #tpu.memory_space<vmem>>, vector<64x128xf32>
    %slice3A_2318 = vector.extract_strided_slice %get3A_2317 {offsets = [0, 0], sizes = [64, 64], strides = [1, 1]} : vector<64x128xf32> to vector<64x64xf32>
    %mul3A_2319 = vector.broadcast %slice3A : vector<64x1xf32> to vector<64x64xf32>
    %mul3A_2320 = arith.mulf %mul3A_2319, %slice3A_2318 : vector<64x64xf32>
    %reduce_sum3A_2321 = arith.constant dense<0.000000e+00> : vector<64xf32>
    %reduce_sum3A_2322 = vector.multi_reduction <add>, %mul3A_2320, %reduce_sum3A_2321 [0] : vector<64x64xf32> to vector<64xf32>
    %broadcast_in_dim3A_2323 = vector.shape_cast %reduce_sum3A_2322 : vector<64xf32> to vector<1x64xf32>
    %slice3A_2324 = vector.extract_strided_slice %get3A_2317 {offsets = [0, 64], sizes = [64, 64], strides = [1, 1]} : vector<64x128xf32> to vector<64x64xf32>
    %mul3A_2325 = vector.broadcast %slice3A_2314 : vector<64x1xf32> to vector<64x64xf32>
    %mul3A_2326 = arith.mulf %mul3A_2325, %slice3A_2324 : vector<64x64xf32>
    %reduce_sum3A_2327 = arith.constant dense<0.000000e+00> : vector<64xf32>
    %reduce_sum3A_2328 = vector.multi_reduction <add>, %mul3A_2326, %reduce_sum3A_2327 [0] : vector<64x64xf32> to vector<64xf32>
    %broadcast_in_dim3A_2329 = vector.shape_cast %reduce_sum3A_2328 : vector<64xf32> to vector<1x64xf32>
    %add3A_2330 = arith.addf %broadcast_in_dim3A_2323, %broadcast_in_dim3A_2329 : vector<1x64xf32>
    %swap3A = arith.constant 0 : index
    %swap3A_2331 = arith.constant 0 : index
    %swap3A_2332 = vector.load %arg11[%swap3A, %swap3A_2331] : memref<64x64xf32, #tpu.memory_space<vmem>>, vector<1x64xf32>
    tpu.vector_store %arg11[%swap3A, %swap3A_2331], %add3A_2330 {strides = array<i32>} : memref<64x64xf32, #tpu.memory_space<vmem>>, vector<1x64xf32>,
    %slice3A_2333 = vector.extract_strided_slice %div3A_2313 {offsets = [0, 1], sizes = [64, 1], strides = [1, 1]} : vector<128x64xf32> to vector<64x1xf32>
    %slice3A_2334 = vector.extract_strided_slice %div3A_2313 {offsets = [64, 1], sizes = [64, 1], strides = [1, 1]} : vector<128x64xf32> to vector<64x1xf32>
    %get3A_2335 = arith.constant 64 : index
    %get3A_2336 = arith.constant 0 : index
    %get3A_2337 = vector.load %arg5[%get3A_2335, %get3A_2336] : memref<4096x128xf32, #tpu.memory_space<vmem>>, vector<64x128xf32>
    %slice3A_2338 = vector.extract_strided_slice %get3A_2337 {offsets = [0, 0], sizes = [64, 64], strides = [1, 1]} : vector<64x128xf32> to vector<64x64xf32>
    %mul3A_2339 = vector.broadcast %slice3A_2333 : vector<64x1xf32> to vector<64x64xf32>
    %mul3A_2340 = arith.mulf %mul3A_2339, %slice3A_2338 : vector<64x64xf32>
    %reduce_sum3A_2341 = arith.constant dense<0.000000e+00> : vector<64xf32>
    %reduce_sum3A_2342 = vector.multi_reduction <add>, %mul3A_2340, %reduce_sum3A_2341 [0] : vector<64x64xf32> to vector<64xf32>
    %broadcast_in_dim3A_2343 = vector.shape_cast %reduce_sum3A_2342 : vector<64xf32> to vector<1x64xf32>
    %slice3A_2344 = vector.extract_strided_slice %get3A_2337 {offsets = [0, 64], sizes = [64, 64], strides = [1, 1]} : vector<64x128xf32> to vector<64x64xf32>
    %mul3A_2345 = vector.broadcast %slice3A_2334 : vector<64x1xf32> to vector<64x64xf32>
    %mul3A_2346 = arith.mulf %mul3A_2345, %slice3A_2344 : vector<64x64xf32>
    %reduce_sum3A_2347 = arith.constant dense<0.000000e+00> : vector<64xf32>
    %reduce_sum3A_2348 = vector.multi_reduction <add>, %mul3A_2346, %reduce_sum3A_2347 [0] : vector<64x64xf32> to vector<64xf32>
    %broadcast_in_dim3A_2349 = vector.shape_cast %reduce_sum3A_2348 : vector<64xf32> to vector<1x64xf32>
    %add3A_2350 = arith.addf %broadcast_in_dim3A_2343, %broadcast_in_dim3A_2349 : vector<1x64xf32>
    %swap3A_2351 = arith.constant 1 : index
    %swap3A_2352 = arith.constant 0 : index
    %swap3A_2353 = vector.load %arg11[%swap3A_2351, %swap3A_2352] : memref<64x64xf32, #tpu.memory_space<vmem>>, vector<1x64xf32>
    tpu.vector_store %arg11[%swap3A_2351, %swap3A_2352], %add3A_2350 {strides = array<i32>} : memref<64x64xf32, #tpu.memory_space<vmem>>, vector<1x64xf32>,
    %slice3A_2354 = vector.extract_strided_slice %div3A_2313 {offsets = [0, 2], sizes = [64, 1], strides = [1, 1]} : vector<128x64xf32> to vector<64x1xf32>
    %slice3A_2355 = vector.extract_strided_slice %div3A_2313 {offsets = [64, 2], sizes = [64, 1], strides = [1, 1]} : vector<128x64xf32> to vector<64x1xf32>
    %get3A_2356 = arith.constant 128 : index
    %get3A_2357 = arith.constant 0 : index
    %get3A_2358 = vector.load %arg5[%get3A_2356, %get3A_2357] : memref<4096x128xf32, #tpu.memory_space<vmem>>, vector<64x128xf32>
    %slice3A_2359 = vector.extract_strided_slice %get3A_2358 {offsets = [0, 0], sizes = [64, 64], strides = [1, 1]} : vector<64x128xf32> to vector<64x64xf32>
    %mul3A_2360 = vector.broadcast %slice3A_2354 : vector<64x1xf32> to vector<64x64xf32>
    %mul3A_2361 = arith.mulf %mul3A_2360, %slice3A_2359 : vector<64x64xf32>
    %reduce_sum3A_2362 = arith.constant dense<0.000000e+00> : vector<64xf32>
    %reduce_sum3A_2363 = vector.multi_reduction <add>, %mul3A_2361, %reduce_sum3A_2362 [0] : vector<64x64xf32> to vector<64xf32>
    %broadcast_in_dim3A_2364 = vector.shape_cast %reduce_sum3A_2363 : vector<64xf32> to vector<1x64xf32>
    %slice3A_2365 = vector.extract_strided_slice %get3A_2358 {offsets = [0, 64], sizes = [64, 64], strides = [1, 1]} : vector<64x128xf32> to vector<64x64xf32>
    %mul3A_2366 = vector.broadcast %slice3A_2355 : vector<64x1xf32> to vector<64x64xf32>
    %mul3A_2367 = arith.mulf %mul3A_2366, %slice3A_2365 : vector<64x64xf32>
    %reduce_sum3A_2368 = arith.constant dense<0.000000e+00> : vector<64xf32>
    %reduce_sum3A_2369 = vector.multi_reduction <add>, %mul3A_2367, %reduce_sum3A_2368 [0] : vector<64x64xf32> to vector<64xf32>
    %broadcast_in_dim3A_2370 = vector.shape_cast %reduce_sum3A_2369 : vector<64xf32> to vector<1x64xf32>
    %add3A_2371 = arith.addf %broadcast_in_dim3A_2364, %broadcast_in_dim3A_2370 : vector<1x64xf32>
    %swap3A_2372 = arith.constant 2 : index
    %swap3A_2373 = arith.constant 0 : index
    %swap3A_2374 = vector.load %arg11[%swap3A_2372, %swap3A_2373] : memref<64x64xf32, #tpu.memory_space<vmem>>, vector<1x64xf32>
    tpu.vector_store %arg11[%swap3A_2372, %swap3A_2373], %add3A_2371 {strides = array<i32>} : memref<64x64xf32, #tpu.memory_space<vmem>>, vector<1x64xf32>,
    %slice3A_2375 = vector.extract_strided_slice %div3A_2313 {offsets = [0, 3], sizes = [64, 1], strides = [1, 1]} : vector<128x64xf32> to vector<64x1xf32>
    %slice3A_2376 = vector.extract_strided_slice %div3A_2313 {offsets = [64, 3], sizes = [64, 1], strides = [1, 1]} : vector<128x64xf32> to vector<64x1xf32>
    %get3A_2377 = arith.constant 192 : index
    %get3A_2378 = arith.constant 0 : index
    %get3A_2379 = vector.load %arg5[%get3A_2377, %get3A_2378] : memref<4096x128xf32, #tpu.memory_space<vmem>>, vector<64x128xf32>
    %slice3A_2380 = vector.extract_strided_slice %get3A_2379 {offsets = [0, 0], sizes = [64, 64], strides = [1, 1]} : vector<64x128xf32> to vector<64x64xf32>
    %mul3A_2381 = vector.broadcast %slice3A_2375 : vector<64x1xf32> to vector<64x64xf32>
    %mul3A_2382 = arith.mulf %mul3A_2381, %slice3A_2380 : vector<64x64xf32>
    %reduce_sum3A_2383 = arith.constant dense<0.000000e+00> : vector<64xf32>
    %reduce_sum3A_2384 = vector.multi_reduction <add>, %mul3A_2382, %reduce_sum3A_2383 [0] : vector<64x64xf32> to vector<64xf32>
    %broadcast_in_dim3A_2385 = vector.shape_cast %reduce_sum3A_2384 : vector<64xf32> to vector<1x64xf32>
    %slice3A_2386 = vector.extract_strided_slice %get3A_2379 {offsets = [0, 64], sizes = [64, 64], strides = [1, 1]} : vector<64x128xf32> to vector<64x64xf32>
    %mul3A_2387 = vector.broadcast %slice3A_2376 : vector<64x1xf32> to vector<64x64xf32>
    %mul3A_2388 = arith.mulf %mul3A_2387, %slice3A_2386 : vector<64x64xf32>
    %reduce_sum3A_2389 = arith.constant dense<0.000000e+00> : vector<64xf32>
    %reduce_sum3A_2390 = vector.multi_reduction <add>, %mul3A_2388, %reduce_sum3A_2389 [0] : vector<64x64xf32> to vector<64xf32>
    %broadcast_in_dim3A_2391 = vector.shape_cast %reduce_sum3A_2390 : vector<64xf32> to vector<1x64xf32>
    %add3A_2392 = arith.addf %broadcast_in_dim3A_2385, %broadcast_in_dim3A_2391 : vector<1x64xf32>
    %swap3A_2393 = arith.constant 3 : index
    %swap3A_2394 = arith.constant 0 : index
    %swap3A_2395 = vector.load %arg11[%swap3A_2393, %swap3A_2394] : memref<64x64xf32, #tpu.memory_space<vmem>>, vector<1x64xf32>
    tpu.vector_store %arg11[%swap3A_2393, %swap3A_2394], %add3A_2392 {strides = array<i32>} : memref<64x64xf32, #tpu.memory_space<vmem>>, vector<1x64xf32>,
    %slice3A_2396 = vector.extract_strided_slice %div3A_2313 {offsets = [0, 4], sizes = [64, 1], strides = [1, 1]} : vector<128x64xf32> to vector<64x1xf32>
    %slice3A_2397 = vector.extract_strided_slice %div3A_2313 {offsets = [64, 4], sizes = [64, 1], strides = [1, 1]} : vector<128x64xf32> to vector<64x1xf32>
    %get3A_2398 = arith.constant 256 : index
    %get3A_2399 = arith.constant 0 : index
    %get3A_2400 = vector.load %arg5[%get3A_2398, %get3A_2399] : memref<4096x128xf32, #tpu.memory_space<vmem>>, vector<64x128xf32>
    %slice3A_2401 = vector.extract_strided_slice %get3A_2400 {offsets = [0, 0], sizes = [64, 64], strides = [1, 1]} : vector<64x128xf32> to vector<64x64xf32>
    %mul3A_2402 = vector.broadcast %slice3A_2396 : vector<64x1xf32> to vector<64x64xf32>
    %mul3A_2403 = arith.mulf %mul3A_2402, %slice3A_2401 : vector<64x64xf32>
    %reduce_sum3A_2404 = arith.constant dense<0.000000e+00> : vector<64xf32>
    %reduce_sum3A_2405 = vector.multi_reduction <add>, %mul3A_2403, %reduce_sum3A_2404 [0] : vector<64x64xf32> to vector<64xf32>
    %broadcast_in_dim3A_2406 = vector.shape_cast %reduce_sum3A_2405 : vector<64xf32> to vector<1x64xf32>
    %slice3A_2407 = vector.extract_strided_slice %get3A_2400 {offsets = [0, 64], sizes = [64, 64], strides = [1, 1]} : vector<64x128xf32> to vector<64x64xf32>
    %mul3A_2408 = vector.broadcast %slice3A_2397 : vector<64x1xf32> to vector<64x64xf32>
    %mul3A_2409 = arith.mulf %mul3A_2408, %slice3A_2407 : vector<64x64xf32>
    %reduce_sum3A_2410 = arith.constant dense<0.000000e+00> : vector<64xf32>
    %reduce_sum3A_2411 = vector.multi_reduction <add>, %mul3A_2409, %reduce_sum3A_2410 [0] : vector<64x64xf32> to vector<64xf32>
    %broadcast_in_dim3A_2412 = vector.shape_cast %reduce_sum3A_2411 : vector<64xf32> to vector<1x64xf32>
    %add3A_2413 = arith.addf %broadcast_in_dim3A_2406, %broadcast_in_dim3A_2412 : vector<1x64xf32>
    %swap3A_2414 = arith.constant 4 : index
    %swap3A_2415 = arith.constant 0 : index
    %swap3A_2416 = vector.load %arg11[%swap3A_2414, %swap3A_2415] : memref<64x64xf32, #tpu.memory_space<vmem>>, vector<1x64xf32>
    tpu.vector_store %arg11[%swap3A_2414, %swap3A_2415], %add3A_2413 {strides = array<i32>} : memref<64x64xf32, #tpu.memory_space<vmem>>, vector<1x64xf32>,
    %slice3A_2417 = vector.extract_strided_slice %div3A_2313 {offsets = [0, 5], sizes = [64, 1], strides = [1, 1]} : vector<128x64xf32> to vector<64x1xf32>
    %slice3A_2418 = vector.extract_strided_slice %div3A_2313 {offsets = [64, 5], sizes = [64, 1], strides = [1, 1]} : vector<128x64xf32> to vector<64x1xf32>
    %get3A_2419 = arith.constant 320 : index
    %get3A_2420 = arith.constant 0 : index
    %get3A_2421 = vector.load %arg5[%get3A_2419, %get3A_2420] : memref<4096x128xf32, #tpu.memory_space<vmem>>, vector<64x128xf32>
    %slice3A_2422 = vector.extract_strided_slice %get3A_2421 {offsets = [0, 0], sizes = [64, 64], strides = [1, 1]} : vector<64x128xf32> to vector<64x64xf32>
    %mul3A_2423 = vector.broadcast %slice3A_2417 : vector<64x1xf32> to vector<64x64xf32>
    %mul3A_2424 = arith.mulf %mul3A_2423, %slice3A_2422 : vector<64x64xf32>
    %reduce_sum3A_2425 = arith.constant dense<0.000000e+00> : vector<64xf32>
    %reduce_sum3A_2426 = vector.multi_reduction <add>, %mul3A_2424, %reduce_sum3A_2425 [0] : vector<64x64xf32> to vector<64xf32>
    %broadcast_in_dim3A_2427 = vector.shape_cast %reduce_sum3A_2426 : vector<64xf32> to vector<1x64xf32>
    %slice3A_2428 = vector.extract_strided_slice %get3A_2421 {offsets = [0, 64], sizes = [64, 64], strides = [1, 1]} : vector<64x128xf32> to vector<64x64xf32>
    %mul3A_2429 = vector.broadcast %slice3A_2418 : vector<64x1xf32> to vector<64x64xf32>
    %mul3A_2430 = arith.mulf %mul3A_2429, %slice3A_2428 : vector<64x64xf32>
    %reduce_sum3A_2431 = arith.constant dense<0.000000e+00> : vector<64xf32>
    %reduce_sum3A_2432 = vector.multi_reduction <add>, %mul3A_2430, %reduce_sum3A_2431 [0] : vector<64x64xf32> to vector<64xf32>
    %broadcast_in_dim3A_2433 = vector.shape_cast %reduce_sum3A_2432 : vector<64xf32> to vector<1x64xf32>
    %add3A_2434 = arith.addf %broadcast_in_dim3A_2427, %broadcast_in_dim3A_2433 : vector<1x64xf32>
    %swap3A_2435 = arith.constant 5 : index
    %swap3A_2436 = arith.constant 0 : index
    %swap3A_2437 = vector.load %arg11[%swap3A_2435, %swap3A_2436] : memref<64x64xf32, #tpu.memory_space<vmem>>, vector<1x64xf32>
    tpu.vector_store %arg11[%swap3A_2435, %swap3A_2436], %add3A_2434 {strides = array<i32>} : memref<64x64xf32, #tpu.memory_space<vmem>>, vector<1x64xf32>,
    %slice3A_2438 = vector.extract_strided_slice %div3A_2313 {offsets = [0, 6], sizes = [64, 1], strides = [1, 1]} : vector<128x64xf32> to vector<64x1xf32>
    %slice3A_2439 = vector.extract_strided_slice %div3A_2313 {offsets = [64, 6], sizes = [64, 1], strides = [1, 1]} : vector<128x64xf32> to vector<64x1xf32>
    %get3A_2440 = arith.constant 384 : index
    %get3A_2441 = arith.constant 0 : index
    %get3A_2442 = vector.load %arg5[%get3A_2440, %get3A_2441] : memref<4096x128xf32, #tpu.memory_space<vmem>>, vector<64x128xf32>
    %slice3A_2443 = vector.extract_strided_slice %get3A_2442 {offsets = [0, 0], sizes = [64, 64], strides = [1, 1]} : vector<64x128xf32> to vector<64x64xf32>
    %mul3A_2444 = vector.broadcast %slice3A_2438 : vector<64x1xf32> to vector<64x64xf32>
    %mul3A_2445 = arith.mulf %mul3A_2444, %slice3A_2443 : vector<64x64xf32>
    %reduce_sum3A_2446 = arith.constant dense<0.000000e+00> : vector<64xf32>
    %reduce_sum3A_2447 = vector.multi_reduction <add>, %mul3A_2445, %reduce_sum3A_2446 [0] : vector<64x64xf32> to vector<64xf32>
    %broadcast_in_dim3A_2448 = vector.shape_cast %reduce_sum3A_2447 : vector<64xf32> to vector<1x64xf32>
    %slice3A_2449 = vector.extract_strided_slice %get3A_2442 {offsets = [0, 64], sizes = [64, 64], strides = [1, 1]} : vector<64x128xf32> to vector<64x64xf32>
    %mul3A_2450 = vector.broadcast %slice3A_2439 : vector<64x1xf32> to vector<64x64xf32>
    %mul3A_2451 = arith.mulf %mul3A_2450, %slice3A_2449 : vector<64x64xf32>
    %reduce_sum3A_2452 = arith.constant dense<0.000000e+00> : vector<64xf32>
    %reduce_sum3A_2453 = vector.multi_reduction <add>, %mul3A_2451, %reduce_sum3A_2452 [0] : vector<64x64xf32> to vector<64xf32>
    %broadcast_in_dim3A_2454 = vector.shape_cast %reduce_sum3A_2453 : vector<64xf32> to vector<1x64xf32>
    %add3A_2455 = arith.addf %broadcast_in_dim3A_2448, %broadcast_in_dim3A_2454 : vector<1x64xf32>
    %swap3A_2456 = arith.constant 6 : index
    %swap3A_2457 = arith.constant 0 : index
    %swap3A_2458 = vector.load %arg11[%swap3A_2456, %swap3A_2457] : memref<64x64xf32, #tpu.memory_space<vmem>>, vector<1x64xf32>
    tpu.vector_store %arg11[%swap3A_2456, %swap3A_2457], %add3A_2455 {strides = array<i32>} : memref<64x64xf32, #tpu.memory_space<vmem>>, vector<1x64xf32>,
    %slice3A_2459 = vector.extract_strided_slice %div3A_2313 {offsets = [0, 7], sizes = [64, 1], strides = [1, 1]} : vector<128x64xf32> to vector<64x1xf32>
    %slice3A_2460 = vector.extract_strided_slice %div3A_2313 {offsets = [64, 7], sizes = [64, 1], strides = [1, 1]} : vector<128x64xf32> to vector<64x1xf32>
    %get3A_2461 = arith.constant 448 : index
    %get3A_2462 = arith.constant 0 : index
    %get3A_2463 = vector.load %arg5[%get3A_2461, %get3A_2462] : memref<4096x128xf32, #tpu.memory_space<vmem>>, vector<64x128xf32>
    %slice3A_2464 = vector.extract_strided_slice %get3A_2463 {offsets = [0, 0], sizes = [64, 64], strides = [1, 1]} : vector<64x128xf32> to vector<64x64xf32>
    %mul3A_2465 = vector.broadcast %slice3A_2459 : vector<64x1xf32> to vector<64x64xf32>
    %mul3A_2466 = arith.mulf %mul3A_2465, %slice3A_2464 : vector<64x64xf32>
    %reduce_sum3A_2467 = arith.constant dense<0.000000e+00> : vector<64xf32>
    %reduce_sum3A_2468 = vector.multi_reduction <add>, %mul3A_2466, %reduce_sum3A_2467 [0] : vector<64x64xf32> to vector<64xf32>
    %broadcast_in_dim3A_2469 = vector.shape_cast %reduce_sum3A_2468 : vector<64xf32> to vector<1x64xf32>
    %slice3A_2470 = vector.extract_strided_slice %get3A_2463 {offsets = [0, 64], sizes = [64, 64], strides = [1, 1]} : vector<64x128xf32> to vector<64x64xf32>
    %mul3A_2471 = vector.broadcast %slice3A_2460 : vector<64x1xf32> to vector<64x64xf32>
    %mul3A_2472 = arith.mulf %mul3A_2471, %slice3A_2470 : vector<64x64xf32>
    %reduce_sum3A_2473 = arith.constant dense<0.000000e+00> : vector<64xf32>
    %reduce_sum3A_2474 = vector.multi_reduction <add>, %mul3A_2472, %reduce_sum3A_2473 [0] : vector<64x64xf32> to vector<64xf32>
    %broadcast_in_dim3A_2475 = vector.shape_cast %reduce_sum3A_2474 : vector<64xf32> to vector<1x64xf32>
    %add3A_2476 = arith.addf %broadcast_in_dim3A_2469, %broadcast_in_dim3A_2475 : vector<1x64xf32>
    %swap3A_2477 = arith.constant 7 : index
    %swap3A_2478 = arith.constant 0 : index
    %swap3A_2479 = vector.load %arg11[%swap3A_2477, %swap3A_2478] : memref<64x64xf32, #tpu.memory_space<vmem>>, vector<1x64xf32>
    tpu.vector_store %arg11[%swap3A_2477, %swap3A_2478], %add3A_2476 {strides = array<i32>} : memref<64x64xf32, #tpu.memory_space<vmem>>, vector<1x64xf32>,
    %slice3A_2480 = vector.extract_strided_slice %div3A_2313 {offsets = [0, 8], sizes = [64, 1], strides = [1, 1]} : vector<128x64xf32> to vector<64x1xf32>
    %slice3A_2481 = vector.extract_strided_slice %div3A_2313 {offsets = [64, 8], sizes = [64, 1], strides = [1, 1]} : vector<128x64xf32> to vector<64x1xf32>
    %get3A_2482 = arith.constant 512 : index
    %get3A_2483 = arith.constant 0 : index
    %get3A_2484 = vector.load %arg5[%get3A_2482, %get3A_2483] : memref<4096x128xf32, #tpu.memory_space<vmem>>, vector<64x128xf32>
    %slice3A_2485 = vector.extract_strided_slice %get3A_2484 {offsets = [0, 0], sizes = [64, 64], strides = [1, 1]} : vector<64x128xf32> to vector<64x64xf32>
    %mul3A_2486 = vector.broadcast %slice3A_2480 : vector<64x1xf32> to vector<64x64xf32>
    %mul3A_2487 = arith.mulf %mul3A_2486, %slice3A_2485 : vector<64x64xf32>
    %reduce_sum3A_2488 = arith.constant dense<0.000000e+00> : vector<64xf32>
    %reduce_sum3A_2489 = vector.multi_reduction <add>, %mul3A_2487, %reduce_sum3A_2488 [0] : vector<64x64xf32> to vector<64xf32>
    %broadcast_in_dim3A_2490 = vector.shape_cast %reduce_sum3A_2489 : vector<64xf32> to vector<1x64xf32>
    %slice3A_2491 = vector.extract_strided_slice %get3A_2484 {offsets = [0, 64], sizes = [64, 64], strides = [1, 1]} : vector<64x128xf32> to vector<64x64xf32>
    %mul3A_2492 = vector.broadcast %slice3A_2481 : vector<64x1xf32> to vector<64x64xf32>
    %mul3A_2493 = arith.mulf %mul3A_2492, %slice3A_2491 : vector<64x64xf32>
    %reduce_sum3A_2494 = arith.constant dense<0.000000e+00> : vector<64xf32>
    %reduce_sum3A_2495 = vector.multi_reduction <add>, %mul3A_2493, %reduce_sum3A_2494 [0] : vector<64x64xf32> to vector<64xf32>
    %broadcast_in_dim3A_2496 = vector.shape_cast %reduce_sum3A_2495 : vector<64xf32> to vector<1x64xf32>
    %add3A_2497 = arith.addf %broadcast_in_dim3A_2490, %broadcast_in_dim3A_2496 : vector<1x64xf32>
    %swap3A_2498 = arith.constant 8 : index
    %swap3A_2499 = arith.constant 0 : index
    %swap3A_2500 = vector.load %arg11[%swap3A_2498, %swap3A_2499] : memref<64x64xf32, #tpu.memory_space<vmem>>, vector<1x64xf32>
    tpu.vector_store %arg11[%swap3A_2498, %swap3A_2499], %add3A_2497 {strides = array<i32>} : memref<64x64xf32, #tpu.memory_space<vmem>>, vector<1x64xf32>,
    %slice3A_2501 = vector.extract_strided_slice %div3A_2313 {offsets = [0, 9], sizes = [64, 1], strides = [1, 1]} : vector<128x64xf32> to vector<64x1xf32>
    %slice3A_2502 = vector.extract_strided_slice %div3A_2313 {offsets = [64, 9], sizes = [64, 1], strides = [1, 1]} : vector<128x64xf32> to vector<64x1xf32>
    %get3A_2503 = arith.constant 576 : index
    %get3A_2504 = arith.constant 0 : index
    %get3A_2505 = vector.load %arg5[%get3A_2503, %get3A_2504] : memref<4096x128xf32, #tpu.memory_space<vmem>>, vector<64x128xf32>
    %slice3A_2506 = vector.extract_strided_slice %get3A_2505 {offsets = [0, 0], sizes = [64, 64], strides = [1, 1]} : vector<64x128xf32> to vector<64x64xf32>
    %mul3A_2507 = vector.broadcast %slice3A_2501 : vector<64x1xf32> to vector<64x64xf32>
    %mul3A_2508 = arith.mulf %mul3A_2507, %slice3A_2506 : vector<64x64xf32>
    %reduce_sum3A_2509 = arith.constant dense<0.000000e+00> : vector<64xf32>
    %reduce_sum3A_2510 = vector.multi_reduction <add>, %mul3A_2508, %reduce_sum3A_2509 [0] : vector<64x64xf32> to vector<64xf32>
    %broadcast_in_dim3A_2511 = vector.shape_cast %reduce_sum3A_2510 : vector<64xf32> to vector<1x64xf32>
    %slice3A_2512 = vector.extract_strided_slice %get3A_2505 {offsets = [0, 64], sizes = [64, 64], strides = [1, 1]} : vector<64x128xf32> to vector<64x64xf32>
    %mul3A_2513 = vector.broadcast %slice3A_2502 : vector<64x1xf32> to vector<64x64xf32>
    %mul3A_2514 = arith.mulf %mul3A_2513, %slice3A_2512 : vector<64x64xf32>
    %reduce_sum3A_2515 = arith.constant dense<0.000000e+00> : vector<64xf32>
    %reduce_sum3A_2516 = vector.multi_reduction <add>, %mul3A_2514, %reduce_sum3A_2515 [0] : vector<64x64xf32> to vector<64xf32>
    %broadcast_in_dim3A_2517 = vector.shape_cast %reduce_sum3A_2516 : vector<64xf32> to vector<1x64xf32>
    %add3A_2518 = arith.addf %broadcast_in_dim3A_2511, %broadcast_in_dim3A_2517 : vector<1x64xf32>
    %swap3A_2519 = arith.constant 9 : index
    %swap3A_2520 = arith.constant 0 : index
    %swap3A_2521 = vector.load %arg11[%swap3A_2519, %swap3A_2520] : memref<64x64xf32, #tpu.memory_space<vmem>>, vector<1x64xf32>
    tpu.vector_store %arg11[%swap3A_2519, %swap3A_2520], %add3A_2518 {strides = array<i32>} : memref<64x64xf32, #tpu.memory_space<vmem>>, vector<1x64xf32>,
    %slice3A_2522 = vector.extract_strided_slice %div3A_2313 {offsets = [0, 10], sizes = [64, 1], strides = [1, 1]} : vector<128x64xf32> to vector<64x1xf32>
    %slice3A_2523 = vector.extract_strided_slice %div3A_2313 {offsets = [64, 10], sizes = [64, 1], strides = [1, 1]} : vector<128x64xf32> to vector<64x1xf32>
    %get3A_2524 = arith.constant 640 : index
    %get3A_2525 = arith.constant 0 : index
    %get3A_2526 = vector.load %arg5[%get3A_2524, %get3A_2525] : memref<4096x128xf32, #tpu.memory_space<vmem>>, vector<64x128xf32>
    %slice3A_2527 = vector.extract_strided_slice %get3A_2526 {offsets = [0, 0], sizes = [64, 64], strides = [1, 1]} : vector<64x128xf32> to vector<64x64xf32>
    %mul3A_2528 = vector.broadcast %slice3A_2522 : vector<64x1xf32> to vector<64x64xf32>
    %mul3A_2529 = arith.mulf %mul3A_2528, %slice3A_2527 : vector<64x64xf32>
    %reduce_sum3A_2530 = arith.constant dense<0.000000e+00> : vector<64xf32>
    %reduce_sum3A_2531 = vector.multi_reduction <add>, %mul3A_2529, %reduce_sum3A_2530 [0] : vector<64x64xf32> to vector<64xf32>
    %broadcast_in_dim3A_2532 = vector.shape_cast %reduce_sum3A_2531 : vector<64xf32> to vector<1x64xf32>
    %slice3A_2533 = vector.extract_strided_slice %get3A_2526 {offsets = [0, 64], sizes = [64, 64], strides = [1, 1]} : vector<64x128xf32> to vector<64x64xf32>
    %mul3A_2534 = vector.broadcast %slice3A_2523 : vector<64x1xf32> to vector<64x64xf32>
    %mul3A_2535 = arith.mulf %mul3A_2534, %slice3A_2533 : vector<64x64xf32>
    %reduce_sum3A_2536 = arith.constant dense<0.000000e+00> : vector<64xf32>
    %reduce_sum3A_2537 = vector.multi_reduction <add>, %mul3A_2535, %reduce_sum3A_2536 [0] : vector<64x64xf32> to vector<64xf32>
    %broadcast_in_dim3A_2538 = vector.shape_cast %reduce_sum3A_2537 : vector<64xf32> to vector<1x64xf32>
    %add3A_2539 = arith.addf %broadcast_in_dim3A_2532, %broadcast_in_dim3A_2538 : vector<1x64xf32>
    %swap3A_2540 = arith.constant 10 : index
    %swap3A_2541 = arith.constant 0 : index
    %swap3A_2542 = vector.load %arg11[%swap3A_2540, %swap3A_2541] : memref<64x64xf32, #tpu.memory_space<vmem>>, vector<1x64xf32>
    tpu.vector_store %arg11[%swap3A_2540, %swap3A_2541], %add3A_2539 {strides = array<i32>} : memref<64x64xf32, #tpu.memory_space<vmem>>, vector<1x64xf32>,
    %slice3A_2543 = vector.extract_strided_slice %div3A_2313 {offsets = [0, 11], sizes = [64, 1], strides = [1, 1]} : vector<128x64xf32> to vector<64x1xf32>
    %slice3A_2544 = vector.extract_strided_slice %div3A_2313 {offsets = [64, 11], sizes = [64, 1], strides = [1, 1]} : vector<128x64xf32> to vector<64x1xf32>
    %get3A_2545 = arith.constant 704 : index
    %get3A_2546 = arith.constant 0 : index
    %get3A_2547 = vector.load %arg5[%get3A_2545, %get3A_2546] : memref<4096x128xf32, #tpu.memory_space<vmem>>, vector<64x128xf32>
    %slice3A_2548 = vector.extract_strided_slice %get3A_2547 {offsets = [0, 0], sizes = [64, 64], strides = [1, 1]} : vector<64x128xf32> to vector<64x64xf32>
    %mul3A_2549 = vector.broadcast %slice3A_2543 : vector<64x1xf32> to vector<64x64xf32>
    %mul3A_2550 = arith.mulf %mul3A_2549, %slice3A_2548 : vector<64x64xf32>
    %reduce_sum3A_2551 = arith.constant dense<0.000000e+00> : vector<64xf32>
    %reduce_sum3A_2552 = vector.multi_reduction <add>, %mul3A_2550, %reduce_sum3A_2551 [0] : vector<64x64xf32> to vector<64xf32>
    %broadcast_in_dim3A_2553 = vector.shape_cast %reduce_sum3A_2552 : vector<64xf32> to vector<1x64xf32>
    %slice3A_2554 = vector.extract_strided_slice %get3A_2547 {offsets = [0, 64], sizes = [64, 64], strides = [1, 1]} : vector<64x128xf32> to vector<64x64xf32>
    %mul3A_2555 = vector.broadcast %slice3A_2544 : vector<64x1xf32> to vector<64x64xf32>
    %mul3A_2556 = arith.mulf %mul3A_2555, %slice3A_2554 : vector<64x64xf32>
    %reduce_sum3A_2557 = arith.constant dense<0.000000e+00> : vector<64xf32>
    %reduce_sum3A_2558 = vector.multi_reduction <add>, %mul3A_2556, %reduce_sum3A_2557 [0] : vector<64x64xf32> to vector<64xf32>
    %broadcast_in_dim3A_2559 = vector.shape_cast %reduce_sum3A_2558 : vector<64xf32> to vector<1x64xf32>
    %add3A_2560 = arith.addf %broadcast_in_dim3A_2553, %broadcast_in_dim3A_2559 : vector<1x64xf32>
    %swap3A_2561 = arith.constant 11 : index
    %swap3A_2562 = arith.constant 0 : index
    %swap3A_2563 = vector.load %arg11[%swap3A_2561, %swap3A_2562] : memref<64x64xf32, #tpu.memory_space<vmem>>, vector<1x64xf32>
    tpu.vector_store %arg11[%swap3A_2561, %swap3A_2562], %add3A_2560 {strides = array<i32>} : memref<64x64xf32, #tpu.memory_space<vmem>>, vector<1x64xf32>,
    %slice3A_2564 = vector.extract_strided_slice %div3A_2313 {offsets = [0, 12], sizes = [64, 1], strides = [1, 1]} : vector<128x64xf32> to vector<64x1xf32>
    %slice3A_2565 = vector.extract_strided_slice %div3A_2313 {offsets = [64, 12], sizes = [64, 1], strides = [1, 1]} : vector<128x64xf32> to vector<64x1xf32>
    %get3A_2566 = arith.constant 768 : index
    %get3A_2567 = arith.constant 0 : index
    %get3A_2568 = vector.load %arg5[%get3A_2566, %get3A_2567] : memref<4096x128xf32, #tpu.memory_space<vmem>>, vector<64x128xf32>
    %slice3A_2569 = vector.extract_strided_slice %get3A_2568 {offsets = [0, 0], sizes = [64, 64], strides = [1, 1]} : vector<64x128xf32> to vector<64x64xf32>
    %mul3A_2570 = vector.broadcast %slice3A_2564 : vector<64x1xf32> to vector<64x64xf32>
    %mul3A_2571 = arith.mulf %mul3A_2570, %slice3A_2569 : vector<64x64xf32>
    %reduce_sum3A_2572 = arith.constant dense<0.000000e+00> : vector<64xf32>
    %reduce_sum3A_2573 = vector.multi_reduction <add>, %mul3A_2571, %reduce_sum3A_2572 [0] : vector<64x64xf32> to vector<64xf32>
    %broadcast_in_dim3A_2574 = vector.shape_cast %reduce_sum3A_2573 : vector<64xf32> to vector<1x64xf32>
    %slice3A_2575 = vector.extract_strided_slice %get3A_2568 {offsets = [0, 64], sizes = [64, 64], strides = [1, 1]} : vector<64x128xf32> to vector<64x64xf32>
    %mul3A_2576 = vector.broadcast %slice3A_2565 : vector<64x1xf32> to vector<64x64xf32>
    %mul3A_2577 = arith.mulf %mul3A_2576, %slice3A_2575 : vector<64x64xf32>
    %reduce_sum3A_2578 = arith.constant dense<0.000000e+00> : vector<64xf32>
    %reduce_sum3A_2579 = vector.multi_reduction <add>, %mul3A_2577, %reduce_sum3A_2578 [0] : vector<64x64xf32> to vector<64xf32>
    %broadcast_in_dim3A_2580 = vector.shape_cast %reduce_sum3A_2579 : vector<64xf32> to vector<1x64xf32>
    %add3A_2581 = arith.addf %broadcast_in_dim3A_2574, %broadcast_in_dim3A_2580 : vector<1x64xf32>
    %swap3A_2582 = arith.constant 12 : index
    %swap3A_2583 = arith.constant 0 : index
    %swap3A_2584 = vector.load %arg11[%swap3A_2582, %swap3A_2583] : memref<64x64xf32, #tpu.memory_space<vmem>>, vector<1x64xf32>
    tpu.vector_store %arg11[%swap3A_2582, %swap3A_2583], %add3A_2581 {strides = array<i32>} : memref<64x64xf32, #tpu.memory_space<vmem>>, vector<1x64xf32>,
    %slice3A_2585 = vector.extract_strided_slice %div3A_2313 {offsets = [0, 13], sizes = [64, 1], strides = [1, 1]} : vector<128x64xf32> to vector<64x1xf32>
    %slice3A_2586 = vector.extract_strided_slice %div3A_2313 {offsets = [64, 13], sizes = [64, 1], strides = [1, 1]} : vector<128x64xf32> to vector<64x1xf32>
    %get3A_2587 = arith.constant 832 : index
    %get3A_2588 = arith.constant 0 : index
    %get3A_2589 = vector.load %arg5[%get3A_2587, %get3A_2588] : memref<4096x128xf32, #tpu.memory_space<vmem>>, vector<64x128xf32>
    %slice3A_2590 = vector.extract_strided_slice %get3A_2589 {offsets = [0, 0], sizes = [64, 64], strides = [1, 1]} : vector<64x128xf32> to vector<64x64xf32>
    %mul3A_2591 = vector.broadcast %slice3A_2585 : vector<64x1xf32> to vector<64x64xf32>
    %mul3A_2592 = arith.mulf %mul3A_2591, %slice3A_2590 : vector<64x64xf32>
    %reduce_sum3A_2593 = arith.constant dense<0.000000e+00> : vector<64xf32>
    %reduce_sum3A_2594 = vector.multi_reduction <add>, %mul3A_2592, %reduce_sum3A_2593 [0] : vector<64x64xf32> to vector<64xf32>
    %broadcast_in_dim3A_2595 = vector.shape_cast %reduce_sum3A_2594 : vector<64xf32> to vector<1x64xf32>
    %slice3A_2596 = vector.extract_strided_slice %get3A_2589 {offsets = [0, 64], sizes = [64, 64], strides = [1, 1]} : vector<64x128xf32> to vector<64x64xf32>
    %mul3A_2597 = vector.broadcast %slice3A_2586 : vector<64x1xf32> to vector<64x64xf32>
    %mul3A_2598 = arith.mulf %mul3A_2597, %slice3A_2596 : vector<64x64xf32>
    %reduce_sum3A_2599 = arith.constant dense<0.000000e+00> : vector<64xf32>
    %reduce_sum3A_2600 = vector.multi_reduction <add>, %mul3A_2598, %reduce_sum3A_2599 [0] : vector<64x64xf32> to vector<64xf32>
    %broadcast_in_dim3A_2601 = vector.shape_cast %reduce_sum3A_2600 : vector<64xf32> to vector<1x64xf32>
    %add3A_2602 = arith.addf %broadcast_in_dim3A_2595, %broadcast_in_dim3A_2601 : vector<1x64xf32>
    %swap3A_2603 = arith.constant 13 : index
    %swap3A_2604 = arith.constant 0 : index
    %swap3A_2605 = vector.load %arg11[%swap3A_2603, %swap3A_2604] : memref<64x64xf32, #tpu.memory_space<vmem>>, vector<1x64xf32>
    tpu.vector_store %arg11[%swap3A_2603, %swap3A_2604], %add3A_2602 {strides = array<i32>} : memref<64x64xf32, #tpu.memory_space<vmem>>, vector<1x64xf32>,
    %slice3A_2606 = vector.extract_strided_slice %div3A_2313 {offsets = [0, 14], sizes = [64, 1], strides = [1, 1]} : vector<128x64xf32> to vector<64x1xf32>
    %slice3A_2607 = vector.extract_strided_slice %div3A_2313 {offsets = [64, 14], sizes = [64, 1], strides = [1, 1]} : vector<128x64xf32> to vector<64x1xf32>
    %get3A_2608 = arith.constant 896 : index
    %get3A_2609 = arith.constant 0 : index
    %get3A_2610 = vector.load %arg5[%get3A_2608, %get3A_2609] : memref<4096x128xf32, #tpu.memory_space<vmem>>, vector<64x128xf32>
    %slice3A_2611 = vector.extract_strided_slice %get3A_2610 {offsets = [0, 0], sizes = [64, 64], strides = [1, 1]} : vector<64x128xf32> to vector<64x64xf32>
    %mul3A_2612 = vector.broadcast %slice3A_2606 : vector<64x1xf32> to vector<64x64xf32>
    %mul3A_2613 = arith.mulf %mul3A_2612, %slice3A_2611 : vector<64x64xf32>
    %reduce_sum3A_2614 = arith.constant dense<0.000000e+00> : vector<64xf32>
    %reduce_sum3A_2615 = vector.multi_reduction <add>, %mul3A_2613, %reduce_sum3A_2614 [0] : vector<64x64xf32> to vector<64xf32>
    %broadcast_in_dim3A_2616 = vector.shape_cast %reduce_sum3A_2615 : vector<64xf32> to vector<1x64xf32>
    %slice3A_2617 = vector.extract_strided_slice %get3A_2610 {offsets = [0, 64], sizes = [64, 64], strides = [1, 1]} : vector<64x128xf32> to vector<64x64xf32>
    %mul3A_2618 = vector.broadcast %slice3A_2607 : vector<64x1xf32> to vector<64x64xf32>
    %mul3A_2619 = arith.mulf %mul3A_2618, %slice3A_2617 : vector<64x64xf32>
    %reduce_sum3A_2620 = arith.constant dense<0.000000e+00> : vector<64xf32>
    %reduce_sum3A_2621 = vector.multi_reduction <add>, %mul3A_2619, %reduce_sum3A_2620 [0] : vector<64x64xf32> to vector<64xf32>
    %broadcast_in_dim3A_2622 = vector.shape_cast %reduce_sum3A_2621 : vector<64xf32> to vector<1x64xf32>
    %add3A_2623 = arith.addf %broadcast_in_dim3A_2616, %broadcast_in_dim3A_2622 : vector<1x64xf32>
    %swap3A_2624 = arith.constant 14 : index
    %swap3A_2625 = arith.constant 0 : index
    %swap3A_2626 = vector.load %arg11[%swap3A_2624, %swap3A_2625] : memref<64x64xf32, #tpu.memory_space<vmem>>, vector<1x64xf32>
    tpu.vector_store %arg11[%swap3A_2624, %swap3A_2625], %add3A_2623 {strides = array<i32>} : memref<64x64xf32, #tpu.memory_space<vmem>>, vector<1x64xf32>,
    %slice3A_2627 = vector.extract_strided_slice %div3A_2313 {offsets = [0, 15], sizes = [64, 1], strides = [1, 1]} : vector<128x64xf32> to vector<64x1xf32>
    %slice3A_2628 = vector.extract_strided_slice %div3A_2313 {offsets = [64, 15], sizes = [64, 1], strides = [1, 1]} : vector<128x64xf32> to vector<64x1xf32>
    %get3A_2629 = arith.constant 960 : index
    %get3A_2630 = arith.constant 0 : index
    %get3A_2631 = vector.load %arg5[%get3A_2629, %get3A_2630] : memref<4096x128xf32, #tpu.memory_space<vmem>>, vector<64x128xf32>
    %slice3A_2632 = vector.extract_strided_slice %get3A_2631 {offsets = [0, 0], sizes = [64, 64], strides = [1, 1]} : vector<64x128xf32> to vector<64x64xf32>
    %mul3A_2633 = vector.broadcast %slice3A_2627 : vector<64x1xf32> to vector<64x64xf32>
    %mul3A_2634 = arith.mulf %mul3A_2633, %slice3A_2632 : vector<64x64xf32>
    %reduce_sum3A_2635 = arith.constant dense<0.000000e+00> : vector<64xf32>
    %reduce_sum3A_2636 = vector.multi_reduction <add>, %mul3A_2634, %reduce_sum3A_2635 [0] : vector<64x64xf32> to vector<64xf32>
    %broadcast_in_dim3A_2637 = vector.shape_cast %reduce_sum3A_2636 : vector<64xf32> to vector<1x64xf32>
    %slice3A_2638 = vector.extract_strided_slice %get3A_2631 {offsets = [0, 64], sizes = [64, 64], strides = [1, 1]} : vector<64x128xf32> to vector<64x64xf32>
    %mul3A_2639 = vector.broadcast %slice3A_2628 : vector<64x1xf32> to vector<64x64xf32>
    %mul3A_2640 = arith.mulf %mul3A_2639, %slice3A_2638 : vector<64x64xf32>
    %reduce_sum3A_2641 = arith.constant dense<0.000000e+00> : vector<64xf32>
    %reduce_sum3A_2642 = vector.multi_reduction <add>, %mul3A_2640, %reduce_sum3A_2641 [0] : vector<64x64xf32> to vector<64xf32>
    %broadcast_in_dim3A_2643 = vector.shape_cast %reduce_sum3A_2642 : vector<64xf32> to vector<1x64xf32>
    %add3A_2644 = arith.addf %broadcast_in_dim3A_2637, %broadcast_in_dim3A_2643 : vector<1x64xf32>
    %swap3A_2645 = arith.constant 15 : index
    %swap3A_2646 = arith.constant 0 : index
    %swap3A_2647 = vector.load %arg11[%swap3A_2645, %swap3A_2646] : memref<64x64xf32, #tpu.memory_space<vmem>>, vector<1x64xf32>
    tpu.vector_store %arg11[%swap3A_2645, %swap3A_2646], %add3A_2644 {strides = array<i32>} : memref<64x64xf32, #tpu.memory_space<vmem>>, vector<1x64xf32>,
    %slice3A_2648 = vector.extract_strided_slice %div3A_2313 {offsets = [0, 16], sizes = [64, 1], strides = [1, 1]} : vector<128x64xf32> to vector<64x1xf32>
    %slice3A_2649 = vector.extract_strided_slice %div3A_2313 {offsets = [64, 16], sizes = [64, 1], strides = [1, 1]} : vector<128x64xf32> to vector<64x1xf32>
    %get3A_2650 = arith.constant 1024 : index
    %get3A_2651 = arith.constant 0 : index
    %get3A_2652 = vector.load %arg5[%get3A_2650, %get3A_2651] : memref<4096x128xf32, #tpu.memory_space<vmem>>, vector<64x128xf32>
    %slice3A_2653 = vector.extract_strided_slice %get3A_2652 {offsets = [0, 0], sizes = [64, 64], strides = [1, 1]} : vector<64x128xf32> to vector<64x64xf32>
    %mul3A_2654 = vector.broadcast %slice3A_2648 : vector<64x1xf32> to vector<64x64xf32>
    %mul3A_2655 = arith.mulf %mul3A_2654, %slice3A_2653 : vector<64x64xf32>
    %reduce_sum3A_2656 = arith.constant dense<0.000000e+00> : vector<64xf32>
    %reduce_sum3A_2657 = vector.multi_reduction <add>, %mul3A_2655, %reduce_sum3A_2656 [0] : vector<64x64xf32> to vector<64xf32>
    %broadcast_in_dim3A_2658 = vector.shape_cast %reduce_sum3A_2657 : vector<64xf32> to vector<1x64xf32>
    %slice3A_2659 = vector.extract_strided_slice %get3A_2652 {offsets = [0, 64], sizes = [64, 64], strides = [1, 1]} : vector<64x128xf32> to vector<64x64xf32>
    %mul3A_2660 = vector.broadcast %slice3A_2649 : vector<64x1xf32> to vector<64x64xf32>
    %mul3A_2661 = arith.mulf %mul3A_2660, %slice3A_2659 : vector<64x64xf32>
    %reduce_sum3A_2662 = arith.constant dense<0.000000e+00> : vector<64xf32>
    %reduce_sum3A_2663 = vector.multi_reduction <add>, %mul3A_2661, %reduce_sum3A_2662 [0] : vector<64x64xf32> to vector<64xf32>
    %broadcast_in_dim3A_2664 = vector.shape_cast %reduce_sum3A_2663 : vector<64xf32> to vector<1x64xf32>
    %add3A_2665 = arith.addf %broadcast_in_dim3A_2658, %broadcast_in_dim3A_2664 : vector<1x64xf32>
    %swap3A_2666 = arith.constant 16 : index
    %swap3A_2667 = arith.constant 0 : index
    %swap3A_2668 = vector.load %arg11[%swap3A_2666, %swap3A_2667] : memref<64x64xf32, #tpu.memory_space<vmem>>, vector<1x64xf32>
    tpu.vector_store %arg11[%swap3A_2666, %swap3A_2667], %add3A_2665 {strides = array<i32>} : memref<64x64xf32, #tpu.memory_space<vmem>>, vector<1x64xf32>,
    %slice3A_2669 = vector.extract_strided_slice %div3A_2313 {offsets = [0, 17], sizes = [64, 1], strides = [1, 1]} : vector<128x64xf32> to vector<64x1xf32>
    %slice3A_2670 = vector.extract_strided_slice %div3A_2313 {offsets = [64, 17], sizes = [64, 1], strides = [1, 1]} : vector<128x64xf32> to vector<64x1xf32>
    %get3A_2671 = arith.constant 1088 : index
    %get3A_2672 = arith.constant 0 : index
    %get3A_2673 = vector.load %arg5[%get3A_2671, %get3A_2672] : memref<4096x128xf32, #tpu.memory_space<vmem>>, vector<64x128xf32>
    %slice3A_2674 = vector.extract_strided_slice %get3A_2673 {offsets = [0, 0], sizes = [64, 64], strides = [1, 1]} : vector<64x128xf32> to vector<64x64xf32>
    %mul3A_2675 = vector.broadcast %slice3A_2669 : vector<64x1xf32> to vector<64x64xf32>
    %mul3A_2676 = arith.mulf %mul3A_2675, %slice3A_2674 : vector<64x64xf32>
    %reduce_sum3A_2677 = arith.constant dense<0.000000e+00> : vector<64xf32>
    %reduce_sum3A_2678 = vector.multi_reduction <add>, %mul3A_2676, %reduce_sum3A_2677 [0] : vector<64x64xf32> to vector<64xf32>
    %broadcast_in_dim3A_2679 = vector.shape_cast %reduce_sum3A_2678 : vector<64xf32> to vector<1x64xf32>
    %slice3A_2680 = vector.extract_strided_slice %get3A_2673 {offsets = [0, 64], sizes = [64, 64], strides = [1, 1]} : vector<64x128xf32> to vector<64x64xf32>
    %mul3A_2681 = vector.broadcast %slice3A_2670 : vector<64x1xf32> to vector<64x64xf32>
    %mul3A_2682 = arith.mulf %mul3A_2681, %slice3A_2680 : vector<64x64xf32>
    %reduce_sum3A_2683 = arith.constant dense<0.000000e+00> : vector<64xf32>
    %reduce_sum3A_2684 = vector.multi_reduction <add>, %mul3A_2682, %reduce_sum3A_2683 [0] : vector<64x64xf32> to vector<64xf32>
    %broadcast_in_dim3A_2685 = vector.shape_cast %reduce_sum3A_2684 : vector<64xf32> to vector<1x64xf32>
    %add3A_2686 = arith.addf %broadcast_in_dim3A_2679, %broadcast_in_dim3A_2685 : vector<1x64xf32>
    %swap3A_2687 = arith.constant 17 : index
    %swap3A_2688 = arith.constant 0 : index
    %swap3A_2689 = vector.load %arg11[%swap3A_2687, %swap3A_2688] : memref<64x64xf32, #tpu.memory_space<vmem>>, vector<1x64xf32>
    tpu.vector_store %arg11[%swap3A_2687, %swap3A_2688], %add3A_2686 {strides = array<i32>} : memref<64x64xf32, #tpu.memory_space<vmem>>, vector<1x64xf32>,
    %slice3A_2690 = vector.extract_strided_slice %div3A_2313 {offsets = [0, 18], sizes = [64, 1], strides = [1, 1]} : vector<128x64xf32> to vector<64x1xf32>
    %slice3A_2691 = vector.extract_strided_slice %div3A_2313 {offsets = [64, 18], sizes = [64, 1], strides = [1, 1]} : vector<128x64xf32> to vector<64x1xf32>
    %get3A_2692 = arith.constant 1152 : index
    %get3A_2693 = arith.constant 0 : index
    %get3A_2694 = vector.load %arg5[%get3A_2692, %get3A_2693] : memref<4096x128xf32, #tpu.memory_space<vmem>>, vector<64x128xf32>
    %slice3A_2695 = vector.extract_strided_slice %get3A_2694 {offsets = [0, 0], sizes = [64, 64], strides = [1, 1]} : vector<64x128xf32> to vector<64x64xf32>
    %mul3A_2696 = vector.broadcast %slice3A_2690 : vector<64x1xf32> to vector<64x64xf32>
    %mul3A_2697 = arith.mulf %mul3A_2696, %slice3A_2695 : vector<64x64xf32>
    %reduce_sum3A_2698 = arith.constant dense<0.000000e+00> : vector<64xf32>
    %reduce_sum3A_2699 = vector.multi_reduction <add>, %mul3A_2697, %reduce_sum3A_2698 [0] : vector<64x64xf32> to vector<64xf32>
    %broadcast_in_dim3A_2700 = vector.shape_cast %reduce_sum3A_2699 : vector<64xf32> to vector<1x64xf32>
    %slice3A_2701 = vector.extract_strided_slice %get3A_2694 {offsets = [0, 64], sizes = [64, 64], strides = [1, 1]} : vector<64x128xf32> to vector<64x64xf32>
    %mul3A_2702 = vector.broadcast %slice3A_2691 : vector<64x1xf32> to vector<64x64xf32>
    %mul3A_2703 = arith.mulf %mul3A_2702, %slice3A_2701 : vector<64x64xf32>
    %reduce_sum3A_2704 = arith.constant dense<0.000000e+00> : vector<64xf32>
    %reduce_sum3A_2705 = vector.multi_reduction <add>, %mul3A_2703, %reduce_sum3A_2704 [0] : vector<64x64xf32> to vector<64xf32>
    %broadcast_in_dim3A_2706 = vector.shape_cast %reduce_sum3A_2705 : vector<64xf32> to vector<1x64xf32>
    %add3A_2707 = arith.addf %broadcast_in_dim3A_2700, %broadcast_in_dim3A_2706 : vector<1x64xf32>
    %swap3A_2708 = arith.constant 18 : index
    %swap3A_2709 = arith.constant 0 : index
    %swap3A_2710 = vector.load %arg11[%swap3A_2708, %swap3A_2709] : memref<64x64xf32, #tpu.memory_space<vmem>>, vector<1x64xf32>
    tpu.vector_store %arg11[%swap3A_2708, %swap3A_2709], %add3A_2707 {strides = array<i32>} : memref<64x64xf32, #tpu.memory_space<vmem>>, vector<1x64xf32>,
    %slice3A_2711 = vector.extract_strided_slice %div3A_2313 {offsets = [0, 19], sizes = [64, 1], strides = [1, 1]} : vector<128x64xf32> to vector<64x1xf32>
    %slice3A_2712 = vector.extract_strided_slice %div3A_2313 {offsets = [64, 19], sizes = [64, 1], strides = [1, 1]} : vector<128x64xf32> to vector<64x1xf32>
    %get3A_2713 = arith.constant 1216 : index
    %get3A_2714 = arith.constant 0 : index
    %get3A_2715 = vector.load %arg5[%get3A_2713, %get3A_2714] : memref<4096x128xf32, #tpu.memory_space<vmem>>, vector<64x128xf32>
    %slice3A_2716 = vector.extract_strided_slice %get3A_2715 {offsets = [0, 0], sizes = [64, 64], strides = [1, 1]} : vector<64x128xf32> to vector<64x64xf32>
    %mul3A_2717 = vector.broadcast %slice3A_2711 : vector<64x1xf32> to vector<64x64xf32>
    %mul3A_2718 = arith.mulf %mul3A_2717, %slice3A_2716 : vector<64x64xf32>
    %reduce_sum3A_2719 = arith.constant dense<0.000000e+00> : vector<64xf32>
    %reduce_sum3A_2720 = vector.multi_reduction <add>, %mul3A_2718, %reduce_sum3A_2719 [0] : vector<64x64xf32> to vector<64xf32>
    %broadcast_in_dim3A_2721 = vector.shape_cast %reduce_sum3A_2720 : vector<64xf32> to vector<1x64xf32>
    %slice3A_2722 = vector.extract_strided_slice %get3A_2715 {offsets = [0, 64], sizes = [64, 64], strides = [1, 1]} : vector<64x128xf32> to vector<64x64xf32>
    %mul3A_2723 = vector.broadcast %slice3A_2712 : vector<64x1xf32> to vector<64x64xf32>
    %mul3A_2724 = arith.mulf %mul3A_2723, %slice3A_2722 : vector<64x64xf32>
    %reduce_sum3A_2725 = arith.constant dense<0.000000e+00> : vector<64xf32>
    %reduce_sum3A_2726 = vector.multi_reduction <add>, %mul3A_2724, %reduce_sum3A_2725 [0] : vector<64x64xf32> to vector<64xf32>
    %broadcast_in_dim3A_2727 = vector.shape_cast %reduce_sum3A_2726 : vector<64xf32> to vector<1x64xf32>
    %add3A_2728 = arith.addf %broadcast_in_dim3A_2721, %broadcast_in_dim3A_2727 : vector<1x64xf32>
    %swap3A_2729 = arith.constant 19 : index
    %swap3A_2730 = arith.constant 0 : index
    %swap3A_2731 = vector.load %arg11[%swap3A_2729, %swap3A_2730] : memref<64x64xf32, #tpu.memory_space<vmem>>, vector<1x64xf32>
    tpu.vector_store %arg11[%swap3A_2729, %swap3A_2730], %add3A_2728 {strides = array<i32>} : memref<64x64xf32, #tpu.memory_space<vmem>>, vector<1x64xf32>,
    %slice3A_2732 = vector.extract_strided_slice %div3A_2313 {offsets = [0, 20], sizes = [64, 1], strides = [1, 1]} : vector<128x64xf32> to vector<64x1xf32>
    %slice3A_2733 = vector.extract_strided_slice %div3A_2313 {offsets = [64, 20], sizes = [64, 1], strides = [1, 1]} : vector<128x64xf32> to vector<64x1xf32>
    %get3A_2734 = arith.constant 1280 : index
    %get3A_2735 = arith.constant 0 : index
    %get3A_2736 = vector.load %arg5[%get3A_2734, %get3A_2735] : memref<4096x128xf32, #tpu.memory_space<vmem>>, vector<64x128xf32>
    %slice3A_2737 = vector.extract_strided_slice %get3A_2736 {offsets = [0, 0], sizes = [64, 64], strides = [1, 1]} : vector<64x128xf32> to vector<64x64xf32>
    %mul3A_2738 = vector.broadcast %slice3A_2732 : vector<64x1xf32> to vector<64x64xf32>
    %mul3A_2739 = arith.mulf %mul3A_2738, %slice3A_2737 : vector<64x64xf32>
    %reduce_sum3A_2740 = arith.constant dense<0.000000e+00> : vector<64xf32>
    %reduce_sum3A_2741 = vector.multi_reduction <add>, %mul3A_2739, %reduce_sum3A_2740 [0] : vector<64x64xf32> to vector<64xf32>
    %broadcast_in_dim3A_2742 = vector.shape_cast %reduce_sum3A_2741 : vector<64xf32> to vector<1x64xf32>
    %slice3A_2743 = vector.extract_strided_slice %get3A_2736 {offsets = [0, 64], sizes = [64, 64], strides = [1, 1]} : vector<64x128xf32> to vector<64x64xf32>
    %mul3A_2744 = vector.broadcast %slice3A_2733 : vector<64x1xf32> to vector<64x64xf32>
    %mul3A_2745 = arith.mulf %mul3A_2744, %slice3A_2743 : vector<64x64xf32>
    %reduce_sum3A_2746 = arith.constant dense<0.000000e+00> : vector<64xf32>
    %reduce_sum3A_2747 = vector.multi_reduction <add>, %mul3A_2745, %reduce_sum3A_2746 [0] : vector<64x64xf32> to vector<64xf32>
    %broadcast_in_dim3A_2748 = vector.shape_cast %reduce_sum3A_2747 : vector<64xf32> to vector<1x64xf32>
    %add3A_2749 = arith.addf %broadcast_in_dim3A_2742, %broadcast_in_dim3A_2748 : vector<1x64xf32>
    %swap3A_2750 = arith.constant 20 : index
    %swap3A_2751 = arith.constant 0 : index
    %swap3A_2752 = vector.load %arg11[%swap3A_2750, %swap3A_2751] : memref<64x64xf32, #tpu.memory_space<vmem>>, vector<1x64xf32>
    tpu.vector_store %arg11[%swap3A_2750, %swap3A_2751], %add3A_2749 {strides = array<i32>} : memref<64x64xf32, #tpu.memory_space<vmem>>, vector<1x64xf32>,
    %slice3A_2753 = vector.extract_strided_slice %div3A_2313 {offsets = [0, 21], sizes = [64, 1], strides = [1, 1]} : vector<128x64xf32> to vector<64x1xf32>
    %slice3A_2754 = vector.extract_strided_slice %div3A_2313 {offsets = [64, 21], sizes = [64, 1], strides = [1, 1]} : vector<128x64xf32> to vector<64x1xf32>
    %get3A_2755 = arith.constant 1344 : index
    %get3A_2756 = arith.constant 0 : index
    %get3A_2757 = vector.load %arg5[%get3A_2755, %get3A_2756] : memref<4096x128xf32, #tpu.memory_space<vmem>>, vector<64x128xf32>
    %slice3A_2758 = vector.extract_strided_slice %get3A_2757 {offsets = [0, 0], sizes = [64, 64], strides = [1, 1]} : vector<64x128xf32> to vector<64x64xf32>
    %mul3A_2759 = vector.broadcast %slice3A_2753 : vector<64x1xf32> to vector<64x64xf32>
    %mul3A_2760 = arith.mulf %mul3A_2759, %slice3A_2758 : vector<64x64xf32>
    %reduce_sum3A_2761 = arith.constant dense<0.000000e+00> : vector<64xf32>
    %reduce_sum3A_2762 = vector.multi_reduction <add>, %mul3A_2760, %reduce_sum3A_2761 [0] : vector<64x64xf32> to vector<64xf32>
    %broadcast_in_dim3A_2763 = vector.shape_cast %reduce_sum3A_2762 : vector<64xf32> to vector<1x64xf32>
    %slice3A_2764 = vector.extract_strided_slice %get3A_2757 {offsets = [0, 64], sizes = [64, 64], strides = [1, 1]} : vector<64x128xf32> to vector<64x64xf32>
    %mul3A_2765 = vector.broadcast %slice3A_2754 : vector<64x1xf32> to vector<64x64xf32>
    %mul3A_2766 = arith.mulf %mul3A_2765, %slice3A_2764 : vector<64x64xf32>
    %reduce_sum3A_2767 = arith.constant dense<0.000000e+00> : vector<64xf32>
    %reduce_sum3A_2768 = vector.multi_reduction <add>, %mul3A_2766, %reduce_sum3A_2767 [0] : vector<64x64xf32> to vector<64xf32>
    %broadcast_in_dim3A_2769 = vector.shape_cast %reduce_sum3A_2768 : vector<64xf32> to vector<1x64xf32>
    %add3A_2770 = arith.addf %broadcast_in_dim3A_2763, %broadcast_in_dim3A_2769 : vector<1x64xf32>
    %swap3A_2771 = arith.constant 21 : index
    %swap3A_2772 = arith.constant 0 : index
    %swap3A_2773 = vector.load %arg11[%swap3A_2771, %swap3A_2772] : memref<64x64xf32, #tpu.memory_space<vmem>>, vector<1x64xf32>
    tpu.vector_store %arg11[%swap3A_2771, %swap3A_2772], %add3A_2770 {strides = array<i32>} : memref<64x64xf32, #tpu.memory_space<vmem>>, vector<1x64xf32>,
    %slice3A_2774 = vector.extract_strided_slice %div3A_2313 {offsets = [0, 22], sizes = [64, 1], strides = [1, 1]} : vector<128x64xf32> to vector<64x1xf32>
    %slice3A_2775 = vector.extract_strided_slice %div3A_2313 {offsets = [64, 22], sizes = [64, 1], strides = [1, 1]} : vector<128x64xf32> to vector<64x1xf32>
    %get3A_2776 = arith.constant 1408 : index
    %get3A_2777 = arith.constant 0 : index
    %get3A_2778 = vector.load %arg5[%get3A_2776, %get3A_2777] : memref<4096x128xf32, #tpu.memory_space<vmem>>, vector<64x128xf32>
    %slice3A_2779 = vector.extract_strided_slice %get3A_2778 {offsets = [0, 0], sizes = [64, 64], strides = [1, 1]} : vector<64x128xf32> to vector<64x64xf32>
    %mul3A_2780 = vector.broadcast %slice3A_2774 : vector<64x1xf32> to vector<64x64xf32>
    %mul3A_2781 = arith.mulf %mul3A_2780, %slice3A_2779 : vector<64x64xf32>
    %reduce_sum3A_2782 = arith.constant dense<0.000000e+00> : vector<64xf32>
    %reduce_sum3A_2783 = vector.multi_reduction <add>, %mul3A_2781, %reduce_sum3A_2782 [0] : vector<64x64xf32> to vector<64xf32>
    %broadcast_in_dim3A_2784 = vector.shape_cast %reduce_sum3A_2783 : vector<64xf32> to vector<1x64xf32>
    %slice3A_2785 = vector.extract_strided_slice %get3A_2778 {offsets = [0, 64], sizes = [64, 64], strides = [1, 1]} : vector<64x128xf32> to vector<64x64xf32>
    %mul3A_2786 = vector.broadcast %slice3A_2775 : vector<64x1xf32> to vector<64x64xf32>
    %mul3A_2787 = arith.mulf %mul3A_2786, %slice3A_2785 : vector<64x64xf32>
    %reduce_sum3A_2788 = arith.constant dense<0.000000e+00> : vector<64xf32>
    %reduce_sum3A_2789 = vector.multi_reduction <add>, %mul3A_2787, %reduce_sum3A_2788 [0] : vector<64x64xf32> to vector<64xf32>
    %broadcast_in_dim3A_2790 = vector.shape_cast %reduce_sum3A_2789 : vector<64xf32> to vector<1x64xf32>
    %add3A_2791 = arith.addf %broadcast_in_dim3A_2784, %broadcast_in_dim3A_2790 : vector<1x64xf32>
    %swap3A_2792 = arith.constant 22 : index
    %swap3A_2793 = arith.constant 0 : index
    %swap3A_2794 = vector.load %arg11[%swap3A_2792, %swap3A_2793] : memref<64x64xf32, #tpu.memory_space<vmem>>, vector<1x64xf32>
    tpu.vector_store %arg11[%swap3A_2792, %swap3A_2793], %add3A_2791 {strides = array<i32>} : memref<64x64xf32, #tpu.memory_space<vmem>>, vector<1x64xf32>,
    %slice3A_2795 = vector.extract_strided_slice %div3A_2313 {offsets = [0, 23], sizes = [64, 1], strides = [1, 1]} : vector<128x64xf32> to vector<64x1xf32>
    %slice3A_2796 = vector.extract_strided_slice %div3A_2313 {offsets = [64, 23], sizes = [64, 1], strides = [1, 1]} : vector<128x64xf32> to vector<64x1xf32>
    %get3A_2797 = arith.constant 1472 : index
    %get3A_2798 = arith.constant 0 : index
    %get3A_2799 = vector.load %arg5[%get3A_2797, %get3A_2798] : memref<4096x128xf32, #tpu.memory_space<vmem>>, vector<64x128xf32>
    %slice3A_2800 = vector.extract_strided_slice %get3A_2799 {offsets = [0, 0], sizes = [64, 64], strides = [1, 1]} : vector<64x128xf32> to vector<64x64xf32>
    %mul3A_2801 = vector.broadcast %slice3A_2795 : vector<64x1xf32> to vector<64x64xf32>
    %mul3A_2802 = arith.mulf %mul3A_2801, %slice3A_2800 : vector<64x64xf32>
    %reduce_sum3A_2803 = arith.constant dense<0.000000e+00> : vector<64xf32>
    %reduce_sum3A_2804 = vector.multi_reduction <add>, %mul3A_2802, %reduce_sum3A_2803 [0] : vector<64x64xf32> to vector<64xf32>
    %broadcast_in_dim3A_2805 = vector.shape_cast %reduce_sum3A_2804 : vector<64xf32> to vector<1x64xf32>
    %slice3A_2806 = vector.extract_strided_slice %get3A_2799 {offsets = [0, 64], sizes = [64, 64], strides = [1, 1]} : vector<64x128xf32> to vector<64x64xf32>
    %mul3A_2807 = vector.broadcast %slice3A_2796 : vector<64x1xf32> to vector<64x64xf32>
    %mul3A_2808 = arith.mulf %mul3A_2807, %slice3A_2806 : vector<64x64xf32>
    %reduce_sum3A_2809 = arith.constant dense<0.000000e+00> : vector<64xf32>
    %reduce_sum3A_2810 = vector.multi_reduction <add>, %mul3A_2808, %reduce_sum3A_2809 [0] : vector<64x64xf32> to vector<64xf32>
    %broadcast_in_dim3A_2811 = vector.shape_cast %reduce_sum3A_2810 : vector<64xf32> to vector<1x64xf32>
    %add3A_2812 = arith.addf %broadcast_in_dim3A_2805, %broadcast_in_dim3A_2811 : vector<1x64xf32>
    %swap3A_2813 = arith.constant 23 : index
    %swap3A_2814 = arith.constant 0 : index
    %swap3A_2815 = vector.load %arg11[%swap3A_2813, %swap3A_2814] : memref<64x64xf32, #tpu.memory_space<vmem>>, vector<1x64xf32>
    tpu.vector_store %arg11[%swap3A_2813, %swap3A_2814], %add3A_2812 {strides = array<i32>} : memref<64x64xf32, #tpu.memory_space<vmem>>, vector<1x64xf32>,
    %slice3A_2816 = vector.extract_strided_slice %div3A_2313 {offsets = [0, 24], sizes = [64, 1], strides = [1, 1]} : vector<128x64xf32> to vector<64x1xf32>
    %slice3A_2817 = vector.extract_strided_slice %div3A_2313 {offsets = [64, 24], sizes = [64, 1], strides = [1, 1]} : vector<128x64xf32> to vector<64x1xf32>
    %get3A_2818 = arith.constant 1536 : index
    %get3A_2819 = arith.constant 0 : index
    %get3A_2820 = vector.load %arg5[%get3A_2818, %get3A_2819] : memref<4096x128xf32, #tpu.memory_space<vmem>>, vector<64x128xf32>
    %slice3A_2821 = vector.extract_strided_slice %get3A_2820 {offsets = [0, 0], sizes = [64, 64], strides = [1, 1]} : vector<64x128xf32> to vector<64x64xf32>
    %mul3A_2822 = vector.broadcast %slice3A_2816 : vector<64x1xf32> to vector<64x64xf32>
    %mul3A_2823 = arith.mulf %mul3A_2822, %slice3A_2821 : vector<64x64xf32>
    %reduce_sum3A_2824 = arith.constant dense<0.000000e+00> : vector<64xf32>
    %reduce_sum3A_2825 = vector.multi_reduction <add>, %mul3A_2823, %reduce_sum3A_2824 [0] : vector<64x64xf32> to vector<64xf32>
    %broadcast_in_dim3A_2826 = vector.shape_cast %reduce_sum3A_2825 : vector<64xf32> to vector<1x64xf32>
    %slice3A_2827 = vector.extract_strided_slice %get3A_2820 {offsets = [0, 64], sizes = [64, 64], strides = [1, 1]} : vector<64x128xf32> to vector<64x64xf32>
    %mul3A_2828 = vector.broadcast %slice3A_2817 : vector<64x1xf32> to vector<64x64xf32>
    %mul3A_2829 = arith.mulf %mul3A_2828, %slice3A_2827 : vector<64x64xf32>
    %reduce_sum3A_2830 = arith.constant dense<0.000000e+00> : vector<64xf32>
    %reduce_sum3A_2831 = vector.multi_reduction <add>, %mul3A_2829, %reduce_sum3A_2830 [0] : vector<64x64xf32> to vector<64xf32>
    %broadcast_in_dim3A_2832 = vector.shape_cast %reduce_sum3A_2831 : vector<64xf32> to vector<1x64xf32>
    %add3A_2833 = arith.addf %broadcast_in_dim3A_2826, %broadcast_in_dim3A_2832 : vector<1x64xf32>
    %swap3A_2834 = arith.constant 24 : index
    %swap3A_2835 = arith.constant 0 : index
    %swap3A_2836 = vector.load %arg11[%swap3A_2834, %swap3A_2835] : memref<64x64xf32, #tpu.memory_space<vmem>>, vector<1x64xf32>
    tpu.vector_store %arg11[%swap3A_2834, %swap3A_2835], %add3A_2833 {strides = array<i32>} : memref<64x64xf32, #tpu.memory_space<vmem>>, vector<1x64xf32>,
    %slice3A_2837 = vector.extract_strided_slice %div3A_2313 {offsets = [0, 25], sizes = [64, 1], strides = [1, 1]} : vector<128x64xf32> to vector<64x1xf32>
    %slice3A_2838 = vector.extract_strided_slice %div3A_2313 {offsets = [64, 25], sizes = [64, 1], strides = [1, 1]} : vector<128x64xf32> to vector<64x1xf32>
    %get3A_2839 = arith.constant 1600 : index
    %get3A_2840 = arith.constant 0 : index
    %get3A_2841 = vector.load %arg5[%get3A_2839, %get3A_2840] : memref<4096x128xf32, #tpu.memory_space<vmem>>, vector<64x128xf32>
    %slice3A_2842 = vector.extract_strided_slice %get3A_2841 {offsets = [0, 0], sizes = [64, 64], strides = [1, 1]} : vector<64x128xf32> to vector<64x64xf32>
    %mul3A_2843 = vector.broadcast %slice3A_2837 : vector<64x1xf32> to vector<64x64xf32>
    %mul3A_2844 = arith.mulf %mul3A_2843, %slice3A_2842 : vector<64x64xf32>
    %reduce_sum3A_2845 = arith.constant dense<0.000000e+00> : vector<64xf32>
    %reduce_sum3A_2846 = vector.multi_reduction <add>, %mul3A_2844, %reduce_sum3A_2845 [0] : vector<64x64xf32> to vector<64xf32>
    %broadcast_in_dim3A_2847 = vector.shape_cast %reduce_sum3A_2846 : vector<64xf32> to vector<1x64xf32>
    %slice3A_2848 = vector.extract_strided_slice %get3A_2841 {offsets = [0, 64], sizes = [64, 64], strides = [1, 1]} : vector<64x128xf32> to vector<64x64xf32>
    %mul3A_2849 = vector.broadcast %slice3A_2838 : vector<64x1xf32> to vector<64x64xf32>
    %mul3A_2850 = arith.mulf %mul3A_2849, %slice3A_2848 : vector<64x64xf32>
    %reduce_sum3A_2851 = arith.constant dense<0.000000e+00> : vector<64xf32>
    %reduce_sum3A_2852 = vector.multi_reduction <add>, %mul3A_2850, %reduce_sum3A_2851 [0] : vector<64x64xf32> to vector<64xf32>
    %broadcast_in_dim3A_2853 = vector.shape_cast %reduce_sum3A_2852 : vector<64xf32> to vector<1x64xf32>
    %add3A_2854 = arith.addf %broadcast_in_dim3A_2847, %broadcast_in_dim3A_2853 : vector<1x64xf32>
    %swap3A_2855 = arith.constant 25 : index
    %swap3A_2856 = arith.constant 0 : index
    %swap3A_2857 = vector.load %arg11[%swap3A_2855, %swap3A_2856] : memref<64x64xf32, #tpu.memory_space<vmem>>, vector<1x64xf32>
    tpu.vector_store %arg11[%swap3A_2855, %swap3A_2856], %add3A_2854 {strides = array<i32>} : memref<64x64xf32, #tpu.memory_space<vmem>>, vector<1x64xf32>,
    %slice3A_2858 = vector.extract_strided_slice %div3A_2313 {offsets = [0, 26], sizes = [64, 1], strides = [1, 1]} : vector<128x64xf32> to vector<64x1xf32>
    %slice3A_2859 = vector.extract_strided_slice %div3A_2313 {offsets = [64, 26], sizes = [64, 1], strides = [1, 1]} : vector<128x64xf32> to vector<64x1xf32>
    %get3A_2860 = arith.constant 1664 : index
    %get3A_2861 = arith.constant 0 : index
    %get3A_2862 = vector.load %arg5[%get3A_2860, %get3A_2861] : memref<4096x128xf32, #tpu.memory_space<vmem>>, vector<64x128xf32>
    %slice3A_2863 = vector.extract_strided_slice %get3A_2862 {offsets = [0, 0], sizes = [64, 64], strides = [1, 1]} : vector<64x128xf32> to vector<64x64xf32>
    %mul3A_2864 = vector.broadcast %slice3A_2858 : vector<64x1xf32> to vector<64x64xf32>
    %mul3A_2865 = arith.mulf %mul3A_2864, %slice3A_2863 : vector<64x64xf32>
    %reduce_sum3A_2866 = arith.constant dense<0.000000e+00> : vector<64xf32>
    %reduce_sum3A_2867 = vector.multi_reduction <add>, %mul3A_2865, %reduce_sum3A_2866 [0] : vector<64x64xf32> to vector<64xf32>
    %broadcast_in_dim3A_2868 = vector.shape_cast %reduce_sum3A_2867 : vector<64xf32> to vector<1x64xf32>
    %slice3A_2869 = vector.extract_strided_slice %get3A_2862 {offsets = [0, 64], sizes = [64, 64], strides = [1, 1]} : vector<64x128xf32> to vector<64x64xf32>
    %mul3A_2870 = vector.broadcast %slice3A_2859 : vector<64x1xf32> to vector<64x64xf32>
    %mul3A_2871 = arith.mulf %mul3A_2870, %slice3A_2869 : vector<64x64xf32>
    %reduce_sum3A_2872 = arith.constant dense<0.000000e+00> : vector<64xf32>
    %reduce_sum3A_2873 = vector.multi_reduction <add>, %mul3A_2871, %reduce_sum3A_2872 [0] : vector<64x64xf32> to vector<64xf32>
    %broadcast_in_dim3A_2874 = vector.shape_cast %reduce_sum3A_2873 : vector<64xf32> to vector<1x64xf32>
    %add3A_2875 = arith.addf %broadcast_in_dim3A_2868, %broadcast_in_dim3A_2874 : vector<1x64xf32>
    %swap3A_2876 = arith.constant 26 : index
    %swap3A_2877 = arith.constant 0 : index
    %swap3A_2878 = vector.load %arg11[%swap3A_2876, %swap3A_2877] : memref<64x64xf32, #tpu.memory_space<vmem>>, vector<1x64xf32>
    tpu.vector_store %arg11[%swap3A_2876, %swap3A_2877], %add3A_2875 {strides = array<i32>} : memref<64x64xf32, #tpu.memory_space<vmem>>, vector<1x64xf32>,
    %slice3A_2879 = vector.extract_strided_slice %div3A_2313 {offsets = [0, 27], sizes = [64, 1], strides = [1, 1]} : vector<128x64xf32> to vector<64x1xf32>
    %slice3A_2880 = vector.extract_strided_slice %div3A_2313 {offsets = [64, 27], sizes = [64, 1], strides = [1, 1]} : vector<128x64xf32> to vector<64x1xf32>
    %get3A_2881 = arith.constant 1728 : index
    %get3A_2882 = arith.constant 0 : index
    %get3A_2883 = vector.load %arg5[%get3A_2881, %get3A_2882] : memref<4096x128xf32, #tpu.memory_space<vmem>>, vector<64x128xf32>
    %slice3A_2884 = vector.extract_strided_slice %get3A_2883 {offsets = [0, 0], sizes = [64, 64], strides = [1, 1]} : vector<64x128xf32> to vector<64x64xf32>
    %mul3A_2885 = vector.broadcast %slice3A_2879 : vector<64x1xf32> to vector<64x64xf32>
    %mul3A_2886 = arith.mulf %mul3A_2885, %slice3A_2884 : vector<64x64xf32>
    %reduce_sum3A_2887 = arith.constant dense<0.000000e+00> : vector<64xf32>
    %reduce_sum3A_2888 = vector.multi_reduction <add>, %mul3A_2886, %reduce_sum3A_2887 [0] : vector<64x64xf32> to vector<64xf32>
    %broadcast_in_dim3A_2889 = vector.shape_cast %reduce_sum3A_2888 : vector<64xf32> to vector<1x64xf32>
    %slice3A_2890 = vector.extract_strided_slice %get3A_2883 {offsets = [0, 64], sizes = [64, 64], strides = [1, 1]} : vector<64x128xf32> to vector<64x64xf32>
    %mul3A_2891 = vector.broadcast %slice3A_2880 : vector<64x1xf32> to vector<64x64xf32>
    %mul3A_2892 = arith.mulf %mul3A_2891, %slice3A_2890 : vector<64x64xf32>
    %reduce_sum3A_2893 = arith.constant dense<0.000000e+00> : vector<64xf32>
    %reduce_sum3A_2894 = vector.multi_reduction <add>, %mul3A_2892, %reduce_sum3A_2893 [0] : vector<64x64xf32> to vector<64xf32>
    %broadcast_in_dim3A_2895 = vector.shape_cast %reduce_sum3A_2894 : vector<64xf32> to vector<1x64xf32>
    %add3A_2896 = arith.addf %broadcast_in_dim3A_2889, %broadcast_in_dim3A_2895 : vector<1x64xf32>
    %swap3A_2897 = arith.constant 27 : index
    %swap3A_2898 = arith.constant 0 : index
    %swap3A_2899 = vector.load %arg11[%swap3A_2897, %swap3A_2898] : memref<64x64xf32, #tpu.memory_space<vmem>>, vector<1x64xf32>
    tpu.vector_store %arg11[%swap3A_2897, %swap3A_2898], %add3A_2896 {strides = array<i32>} : memref<64x64xf32, #tpu.memory_space<vmem>>, vector<1x64xf32>,
    %slice3A_2900 = vector.extract_strided_slice %div3A_2313 {offsets = [0, 28], sizes = [64, 1], strides = [1, 1]} : vector<128x64xf32> to vector<64x1xf32>
    %slice3A_2901 = vector.extract_strided_slice %div3A_2313 {offsets = [64, 28], sizes = [64, 1], strides = [1, 1]} : vector<128x64xf32> to vector<64x1xf32>
    %get3A_2902 = arith.constant 1792 : index
    %get3A_2903 = arith.constant 0 : index
    %get3A_2904 = vector.load %arg5[%get3A_2902, %get3A_2903] : memref<4096x128xf32, #tpu.memory_space<vmem>>, vector<64x128xf32>
    %slice3A_2905 = vector.extract_strided_slice %get3A_2904 {offsets = [0, 0], sizes = [64, 64], strides = [1, 1]} : vector<64x128xf32> to vector<64x64xf32>
    %mul3A_2906 = vector.broadcast %slice3A_2900 : vector<64x1xf32> to vector<64x64xf32>
    %mul3A_2907 = arith.mulf %mul3A_2906, %slice3A_2905 : vector<64x64xf32>
    %reduce_sum3A_2908 = arith.constant dense<0.000000e+00> : vector<64xf32>
    %reduce_sum3A_2909 = vector.multi_reduction <add>, %mul3A_2907, %reduce_sum3A_2908 [0] : vector<64x64xf32> to vector<64xf32>
    %broadcast_in_dim3A_2910 = vector.shape_cast %reduce_sum3A_2909 : vector<64xf32> to vector<1x64xf32>
    %slice3A_2911 = vector.extract_strided_slice %get3A_2904 {offsets = [0, 64], sizes = [64, 64], strides = [1, 1]} : vector<64x128xf32> to vector<64x64xf32>
    %mul3A_2912 = vector.broadcast %slice3A_2901 : vector<64x1xf32> to vector<64x64xf32>
    %mul3A_2913 = arith.mulf %mul3A_2912, %slice3A_2911 : vector<64x64xf32>
    %reduce_sum3A_2914 = arith.constant dense<0.000000e+00> : vector<64xf32>
    %reduce_sum3A_2915 = vector.multi_reduction <add>, %mul3A_2913, %reduce_sum3A_2914 [0] : vector<64x64xf32> to vector<64xf32>
    %broadcast_in_dim3A_2916 = vector.shape_cast %reduce_sum3A_2915 : vector<64xf32> to vector<1x64xf32>
    %add3A_2917 = arith.addf %broadcast_in_dim3A_2910, %broadcast_in_dim3A_2916 : vector<1x64xf32>
    %swap3A_2918 = arith.constant 28 : index
    %swap3A_2919 = arith.constant 0 : index
    %swap3A_2920 = vector.load %arg11[%swap3A_2918, %swap3A_2919] : memref<64x64xf32, #tpu.memory_space<vmem>>, vector<1x64xf32>
    tpu.vector_store %arg11[%swap3A_2918, %swap3A_2919], %add3A_2917 {strides = array<i32>} : memref<64x64xf32, #tpu.memory_space<vmem>>, vector<1x64xf32>,
    %slice3A_2921 = vector.extract_strided_slice %div3A_2313 {offsets = [0, 29], sizes = [64, 1], strides = [1, 1]} : vector<128x64xf32> to vector<64x1xf32>
    %slice3A_2922 = vector.extract_strided_slice %div3A_2313 {offsets = [64, 29], sizes = [64, 1], strides = [1, 1]} : vector<128x64xf32> to vector<64x1xf32>
    %get3A_2923 = arith.constant 1856 : index
    %get3A_2924 = arith.constant 0 : index
    %get3A_2925 = vector.load %arg5[%get3A_2923, %get3A_2924] : memref<4096x128xf32, #tpu.memory_space<vmem>>, vector<64x128xf32>
    %slice3A_2926 = vector.extract_strided_slice %get3A_2925 {offsets = [0, 0], sizes = [64, 64], strides = [1, 1]} : vector<64x128xf32> to vector<64x64xf32>
    %mul3A_2927 = vector.broadcast %slice3A_2921 : vector<64x1xf32> to vector<64x64xf32>
    %mul3A_2928 = arith.mulf %mul3A_2927, %slice3A_2926 : vector<64x64xf32>
    %reduce_sum3A_2929 = arith.constant dense<0.000000e+00> : vector<64xf32>
    %reduce_sum3A_2930 = vector.multi_reduction <add>, %mul3A_2928, %reduce_sum3A_2929 [0] : vector<64x64xf32> to vector<64xf32>
    %broadcast_in_dim3A_2931 = vector.shape_cast %reduce_sum3A_2930 : vector<64xf32> to vector<1x64xf32>
    %slice3A_2932 = vector.extract_strided_slice %get3A_2925 {offsets = [0, 64], sizes = [64, 64], strides = [1, 1]} : vector<64x128xf32> to vector<64x64xf32>
    %mul3A_2933 = vector.broadcast %slice3A_2922 : vector<64x1xf32> to vector<64x64xf32>
    %mul3A_2934 = arith.mulf %mul3A_2933, %slice3A_2932 : vector<64x64xf32>
    %reduce_sum3A_2935 = arith.constant dense<0.000000e+00> : vector<64xf32>
    %reduce_sum3A_2936 = vector.multi_reduction <add>, %mul3A_2934, %reduce_sum3A_2935 [0] : vector<64x64xf32> to vector<64xf32>
    %broadcast_in_dim3A_2937 = vector.shape_cast %reduce_sum3A_2936 : vector<64xf32> to vector<1x64xf32>
    %add3A_2938 = arith.addf %broadcast_in_dim3A_2931, %broadcast_in_dim3A_2937 : vector<1x64xf32>
    %swap3A_2939 = arith.constant 29 : index
    %swap3A_2940 = arith.constant 0 : index
    %swap3A_2941 = vector.load %arg11[%swap3A_2939, %swap3A_2940] : memref<64x64xf32, #tpu.memory_space<vmem>>, vector<1x64xf32>
    tpu.vector_store %arg11[%swap3A_2939, %swap3A_2940], %add3A_2938 {strides = array<i32>} : memref<64x64xf32, #tpu.memory_space<vmem>>, vector<1x64xf32>,
    %slice3A_2942 = vector.extract_strided_slice %div3A_2313 {offsets = [0, 30], sizes = [64, 1], strides = [1, 1]} : vector<128x64xf32> to vector<64x1xf32>
    %slice3A_2943 = vector.extract_strided_slice %div3A_2313 {offsets = [64, 30], sizes = [64, 1], strides = [1, 1]} : vector<128x64xf32> to vector<64x1xf32>
    %get3A_2944 = arith.constant 1920 : index
    %get3A_2945 = arith.constant 0 : index
    %get3A_2946 = vector.load %arg5[%get3A_2944, %get3A_2945] : memref<4096x128xf32, #tpu.memory_space<vmem>>, vector<64x128xf32>
    %slice3A_2947 = vector.extract_strided_slice %get3A_2946 {offsets = [0, 0], sizes = [64, 64], strides = [1, 1]} : vector<64x128xf32> to vector<64x64xf32>
    %mul3A_2948 = vector.broadcast %slice3A_2942 : vector<64x1xf32> to vector<64x64xf32>
    %mul3A_2949 = arith.mulf %mul3A_2948, %slice3A_2947 : vector<64x64xf32>
    %reduce_sum3A_2950 = arith.constant dense<0.000000e+00> : vector<64xf32>
    %reduce_sum3A_2951 = vector.multi_reduction <add>, %mul3A_2949, %reduce_sum3A_2950 [0] : vector<64x64xf32> to vector<64xf32>
    %broadcast_in_dim3A_2952 = vector.shape_cast %reduce_sum3A_2951 : vector<64xf32> to vector<1x64xf32>
    %slice3A_2953 = vector.extract_strided_slice %get3A_2946 {offsets = [0, 64], sizes = [64, 64], strides = [1, 1]} : vector<64x128xf32> to vector<64x64xf32>
    %mul3A_2954 = vector.broadcast %slice3A_2943 : vector<64x1xf32> to vector<64x64xf32>
    %mul3A_2955 = arith.mulf %mul3A_2954, %slice3A_2953 : vector<64x64xf32>
    %reduce_sum3A_2956 = arith.constant dense<0.000000e+00> : vector<64xf32>
    %reduce_sum3A_2957 = vector.multi_reduction <add>, %mul3A_2955, %reduce_sum3A_2956 [0] : vector<64x64xf32> to vector<64xf32>
    %broadcast_in_dim3A_2958 = vector.shape_cast %reduce_sum3A_2957 : vector<64xf32> to vector<1x64xf32>
    %add3A_2959 = arith.addf %broadcast_in_dim3A_2952, %broadcast_in_dim3A_2958 : vector<1x64xf32>
    %swap3A_2960 = arith.constant 30 : index
    %swap3A_2961 = arith.constant 0 : index
    %swap3A_2962 = vector.load %arg11[%swap3A_2960, %swap3A_2961] : memref<64x64xf32, #tpu.memory_space<vmem>>, vector<1x64xf32>
    tpu.vector_store %arg11[%swap3A_2960, %swap3A_2961], %add3A_2959 {strides = array<i32>} : memref<64x64xf32, #tpu.memory_space<vmem>>, vector<1x64xf32>,
    %slice3A_2963 = vector.extract_strided_slice %div3A_2313 {offsets = [0, 31], sizes = [64, 1], strides = [1, 1]} : vector<128x64xf32> to vector<64x1xf32>
    %slice3A_2964 = vector.extract_strided_slice %div3A_2313 {offsets = [64, 31], sizes = [64, 1], strides = [1, 1]} : vector<128x64xf32> to vector<64x1xf32>
    %get3A_2965 = arith.constant 1984 : index
    %get3A_2966 = arith.constant 0 : index
    %get3A_2967 = vector.load %arg5[%get3A_2965, %get3A_2966] : memref<4096x128xf32, #tpu.memory_space<vmem>>, vector<64x128xf32>
    %slice3A_2968 = vector.extract_strided_slice %get3A_2967 {offsets = [0, 0], sizes = [64, 64], strides = [1, 1]} : vector<64x128xf32> to vector<64x64xf32>
    %mul3A_2969 = vector.broadcast %slice3A_2963 : vector<64x1xf32> to vector<64x64xf32>
    %mul3A_2970 = arith.mulf %mul3A_2969, %slice3A_2968 : vector<64x64xf32>
    %reduce_sum3A_2971 = arith.constant dense<0.000000e+00> : vector<64xf32>
    %reduce_sum3A_2972 = vector.multi_reduction <add>, %mul3A_2970, %reduce_sum3A_2971 [0] : vector<64x64xf32> to vector<64xf32>
    %broadcast_in_dim3A_2973 = vector.shape_cast %reduce_sum3A_2972 : vector<64xf32> to vector<1x64xf32>
    %slice3A_2974 = vector.extract_strided_slice %get3A_2967 {offsets = [0, 64], sizes = [64, 64], strides = [1, 1]} : vector<64x128xf32> to vector<64x64xf32>
    %mul3A_2975 = vector.broadcast %slice3A_2964 : vector<64x1xf32> to vector<64x64xf32>
    %mul3A_2976 = arith.mulf %mul3A_2975, %slice3A_2974 : vector<64x64xf32>
    %reduce_sum3A_2977 = arith.constant dense<0.000000e+00> : vector<64xf32>
    %reduce_sum3A_2978 = vector.multi_reduction <add>, %mul3A_2976, %reduce_sum3A_2977 [0] : vector<64x64xf32> to vector<64xf32>
    %broadcast_in_dim3A_2979 = vector.shape_cast %reduce_sum3A_2978 : vector<64xf32> to vector<1x64xf32>
    %add3A_2980 = arith.addf %broadcast_in_dim3A_2973, %broadcast_in_dim3A_2979 : vector<1x64xf32>
    %swap3A_2981 = arith.constant 31 : index
    %swap3A_2982 = arith.constant 0 : index
    %swap3A_2983 = vector.load %arg11[%swap3A_2981, %swap3A_2982] : memref<64x64xf32, #tpu.memory_space<vmem>>, vector<1x64xf32>
    tpu.vector_store %arg11[%swap3A_2981, %swap3A_2982], %add3A_2980 {strides = array<i32>} : memref<64x64xf32, #tpu.memory_space<vmem>>, vector<1x64xf32>,
    %slice3A_2984 = vector.extract_strided_slice %div3A_2313 {offsets = [0, 32], sizes = [64, 1], strides = [1, 1]} : vector<128x64xf32> to vector<64x1xf32>
    %slice3A_2985 = vector.extract_strided_slice %div3A_2313 {offsets = [64, 32], sizes = [64, 1], strides = [1, 1]} : vector<128x64xf32> to vector<64x1xf32>
    %get3A_2986 = arith.constant 2048 : index
    %get3A_2987 = arith.constant 0 : index
    %get3A_2988 = vector.load %arg5[%get3A_2986, %get3A_2987] : memref<4096x128xf32, #tpu.memory_space<vmem>>, vector<64x128xf32>
    %slice3A_2989 = vector.extract_strided_slice %get3A_2988 {offsets = [0, 0], sizes = [64, 64], strides = [1, 1]} : vector<64x128xf32> to vector<64x64xf32>
    %mul3A_2990 = vector.broadcast %slice3A_2984 : vector<64x1xf32> to vector<64x64xf32>
    %mul3A_2991 = arith.mulf %mul3A_2990, %slice3A_2989 : vector<64x64xf32>
    %reduce_sum3A_2992 = arith.constant dense<0.000000e+00> : vector<64xf32>
    %reduce_sum3A_2993 = vector.multi_reduction <add>, %mul3A_2991, %reduce_sum3A_2992 [0] : vector<64x64xf32> to vector<64xf32>
    %broadcast_in_dim3A_2994 = vector.shape_cast %reduce_sum3A_2993 : vector<64xf32> to vector<1x64xf32>
    %slice3A_2995 = vector.extract_strided_slice %get3A_2988 {offsets = [0, 64], sizes = [64, 64], strides = [1, 1]} : vector<64x128xf32> to vector<64x64xf32>
    %mul3A_2996 = vector.broadcast %slice3A_2985 : vector<64x1xf32> to vector<64x64xf32>
    %mul3A_2997 = arith.mulf %mul3A_2996, %slice3A_2995 : vector<64x64xf32>
    %reduce_sum3A_2998 = arith.constant dense<0.000000e+00> : vector<64xf32>
    %reduce_sum3A_2999 = vector.multi_reduction <add>, %mul3A_2997, %reduce_sum3A_2998 [0] : vector<64x64xf32> to vector<64xf32>
    %broadcast_in_dim3A_3000 = vector.shape_cast %reduce_sum3A_2999 : vector<64xf32> to vector<1x64xf32>
    %add3A_3001 = arith.addf %broadcast_in_dim3A_2994, %broadcast_in_dim3A_3000 : vector<1x64xf32>
    %swap3A_3002 = arith.constant 32 : index
    %swap3A_3003 = arith.constant 0 : index
    %swap3A_3004 = vector.load %arg11[%swap3A_3002, %swap3A_3003] : memref<64x64xf32, #tpu.memory_space<vmem>>, vector<1x64xf32>
    tpu.vector_store %arg11[%swap3A_3002, %swap3A_3003], %add3A_3001 {strides = array<i32>} : memref<64x64xf32, #tpu.memory_space<vmem>>, vector<1x64xf32>,
    %slice3A_3005 = vector.extract_strided_slice %div3A_2313 {offsets = [0, 33], sizes = [64, 1], strides = [1, 1]} : vector<128x64xf32> to vector<64x1xf32>
    %slice3A_3006 = vector.extract_strided_slice %div3A_2313 {offsets = [64, 33], sizes = [64, 1], strides = [1, 1]} : vector<128x64xf32> to vector<64x1xf32>
    %get3A_3007 = arith.constant 2112 : index
    %get3A_3008 = arith.constant 0 : index
    %get3A_3009 = vector.load %arg5[%get3A_3007, %get3A_3008] : memref<4096x128xf32, #tpu.memory_space<vmem>>, vector<64x128xf32>
    %slice3A_3010 = vector.extract_strided_slice %get3A_3009 {offsets = [0, 0], sizes = [64, 64], strides = [1, 1]} : vector<64x128xf32> to vector<64x64xf32>
    %mul3A_3011 = vector.broadcast %slice3A_3005 : vector<64x1xf32> to vector<64x64xf32>
    %mul3A_3012 = arith.mulf %mul3A_3011, %slice3A_3010 : vector<64x64xf32>
    %reduce_sum3A_3013 = arith.constant dense<0.000000e+00> : vector<64xf32>
    %reduce_sum3A_3014 = vector.multi_reduction <add>, %mul3A_3012, %reduce_sum3A_3013 [0] : vector<64x64xf32> to vector<64xf32>
    %broadcast_in_dim3A_3015 = vector.shape_cast %reduce_sum3A_3014 : vector<64xf32> to vector<1x64xf32>
    %slice3A_3016 = vector.extract_strided_slice %get3A_3009 {offsets = [0, 64], sizes = [64, 64], strides = [1, 1]} : vector<64x128xf32> to vector<64x64xf32>
    %mul3A_3017 = vector.broadcast %slice3A_3006 : vector<64x1xf32> to vector<64x64xf32>
    %mul3A_3018 = arith.mulf %mul3A_3017, %slice3A_3016 : vector<64x64xf32>
    %reduce_sum3A_3019 = arith.constant dense<0.000000e+00> : vector<64xf32>
    %reduce_sum3A_3020 = vector.multi_reduction <add>, %mul3A_3018, %reduce_sum3A_3019 [0] : vector<64x64xf32> to vector<64xf32>
    %broadcast_in_dim3A_3021 = vector.shape_cast %reduce_sum3A_3020 : vector<64xf32> to vector<1x64xf32>
    %add3A_3022 = arith.addf %broadcast_in_dim3A_3015, %broadcast_in_dim3A_3021 : vector<1x64xf32>
    %swap3A_3023 = arith.constant 33 : index
    %swap3A_3024 = arith.constant 0 : index
    %swap3A_3025 = vector.load %arg11[%swap3A_3023, %swap3A_3024] : memref<64x64xf32, #tpu.memory_space<vmem>>, vector<1x64xf32>
    tpu.vector_store %arg11[%swap3A_3023, %swap3A_3024], %add3A_3022 {strides = array<i32>} : memref<64x64xf32, #tpu.memory_space<vmem>>, vector<1x64xf32>,
    %slice3A_3026 = vector.extract_strided_slice %div3A_2313 {offsets = [0, 34], sizes = [64, 1], strides = [1, 1]} : vector<128x64xf32> to vector<64x1xf32>
    %slice3A_3027 = vector.extract_strided_slice %div3A_2313 {offsets = [64, 34], sizes = [64, 1], strides = [1, 1]} : vector<128x64xf32> to vector<64x1xf32>
    %get3A_3028 = arith.constant 2176 : index
    %get3A_3029 = arith.constant 0 : index
    %get3A_3030 = vector.load %arg5[%get3A_3028, %get3A_3029] : memref<4096x128xf32, #tpu.memory_space<vmem>>, vector<64x128xf32>
    %slice3A_3031 = vector.extract_strided_slice %get3A_3030 {offsets = [0, 0], sizes = [64, 64], strides = [1, 1]} : vector<64x128xf32> to vector<64x64xf32>
    %mul3A_3032 = vector.broadcast %slice3A_3026 : vector<64x1xf32> to vector<64x64xf32>
    %mul3A_3033 = arith.mulf %mul3A_3032, %slice3A_3031 : vector<64x64xf32>
    %reduce_sum3A_3034 = arith.constant dense<0.000000e+00> : vector<64xf32>
    %reduce_sum3A_3035 = vector.multi_reduction <add>, %mul3A_3033, %reduce_sum3A_3034 [0] : vector<64x64xf32> to vector<64xf32>
    %broadcast_in_dim3A_3036 = vector.shape_cast %reduce_sum3A_3035 : vector<64xf32> to vector<1x64xf32>
    %slice3A_3037 = vector.extract_strided_slice %get3A_3030 {offsets = [0, 64], sizes = [64, 64], strides = [1, 1]} : vector<64x128xf32> to vector<64x64xf32>
    %mul3A_3038 = vector.broadcast %slice3A_3027 : vector<64x1xf32> to vector<64x64xf32>
    %mul3A_3039 = arith.mulf %mul3A_3038, %slice3A_3037 : vector<64x64xf32>
    %reduce_sum3A_3040 = arith.constant dense<0.000000e+00> : vector<64xf32>
    %reduce_sum3A_3041 = vector.multi_reduction <add>, %mul3A_3039, %reduce_sum3A_3040 [0] : vector<64x64xf32> to vector<64xf32>
    %broadcast_in_dim3A_3042 = vector.shape_cast %reduce_sum3A_3041 : vector<64xf32> to vector<1x64xf32>
    %add3A_3043 = arith.addf %broadcast_in_dim3A_3036, %broadcast_in_dim3A_3042 : vector<1x64xf32>
    %swap3A_3044 = arith.constant 34 : index
    %swap3A_3045 = arith.constant 0 : index
    %swap3A_3046 = vector.load %arg11[%swap3A_3044, %swap3A_3045] : memref<64x64xf32, #tpu.memory_space<vmem>>, vector<1x64xf32>
    tpu.vector_store %arg11[%swap3A_3044, %swap3A_3045], %add3A_3043 {strides = array<i32>} : memref<64x64xf32, #tpu.memory_space<vmem>>, vector<1x64xf32>,
    %slice3A_3047 = vector.extract_strided_slice %div3A_2313 {offsets = [0, 35], sizes = [64, 1], strides = [1, 1]} : vector<128x64xf32> to vector<64x1xf32>
    %slice3A_3048 = vector.extract_strided_slice %div3A_2313 {offsets = [64, 35], sizes = [64, 1], strides = [1, 1]} : vector<128x64xf32> to vector<64x1xf32>
    %get3A_3049 = arith.constant 2240 : index
    %get3A_3050 = arith.constant 0 : index
    %get3A_3051 = vector.load %arg5[%get3A_3049, %get3A_3050] : memref<4096x128xf32, #tpu.memory_space<vmem>>, vector<64x128xf32>
    %slice3A_3052 = vector.extract_strided_slice %get3A_3051 {offsets = [0, 0], sizes = [64, 64], strides = [1, 1]} : vector<64x128xf32> to vector<64x64xf32>
    %mul3A_3053 = vector.broadcast %slice3A_3047 : vector<64x1xf32> to vector<64x64xf32>
    %mul3A_3054 = arith.mulf %mul3A_3053, %slice3A_3052 : vector<64x64xf32>
    %reduce_sum3A_3055 = arith.constant dense<0.000000e+00> : vector<64xf32>
    %reduce_sum3A_3056 = vector.multi_reduction <add>, %mul3A_3054, %reduce_sum3A_3055 [0] : vector<64x64xf32> to vector<64xf32>
    %broadcast_in_dim3A_3057 = vector.shape_cast %reduce_sum3A_3056 : vector<64xf32> to vector<1x64xf32>
    %slice3A_3058 = vector.extract_strided_slice %get3A_3051 {offsets = [0, 64], sizes = [64, 64], strides = [1, 1]} : vector<64x128xf32> to vector<64x64xf32>
    %mul3A_3059 = vector.broadcast %slice3A_3048 : vector<64x1xf32> to vector<64x64xf32>
    %mul3A_3060 = arith.mulf %mul3A_3059, %slice3A_3058 : vector<64x64xf32>
    %reduce_sum3A_3061 = arith.constant dense<0.000000e+00> : vector<64xf32>
    %reduce_sum3A_3062 = vector.multi_reduction <add>, %mul3A_3060, %reduce_sum3A_3061 [0] : vector<64x64xf32> to vector<64xf32>
    %broadcast_in_dim3A_3063 = vector.shape_cast %reduce_sum3A_3062 : vector<64xf32> to vector<1x64xf32>
    %add3A_3064 = arith.addf %broadcast_in_dim3A_3057, %broadcast_in_dim3A_3063 : vector<1x64xf32>
    %swap3A_3065 = arith.constant 35 : index
    %swap3A_3066 = arith.constant 0 : index
    %swap3A_3067 = vector.load %arg11[%swap3A_3065, %swap3A_3066] : memref<64x64xf32, #tpu.memory_space<vmem>>, vector<1x64xf32>
    tpu.vector_store %arg11[%swap3A_3065, %swap3A_3066], %add3A_3064 {strides = array<i32>} : memref<64x64xf32, #tpu.memory_space<vmem>>, vector<1x64xf32>,
    %slice3A_3068 = vector.extract_strided_slice %div3A_2313 {offsets = [0, 36], sizes = [64, 1], strides = [1, 1]} : vector<128x64xf32> to vector<64x1xf32>
    %slice3A_3069 = vector.extract_strided_slice %div3A_2313 {offsets = [64, 36], sizes = [64, 1], strides = [1, 1]} : vector<128x64xf32> to vector<64x1xf32>
    %get3A_3070 = arith.constant 2304 : index
    %get3A_3071 = arith.constant 0 : index
    %get3A_3072 = vector.load %arg5[%get3A_3070, %get3A_3071] : memref<4096x128xf32, #tpu.memory_space<vmem>>, vector<64x128xf32>
    %slice3A_3073 = vector.extract_strided_slice %get3A_3072 {offsets = [0, 0], sizes = [64, 64], strides = [1, 1]} : vector<64x128xf32> to vector<64x64xf32>
    %mul3A_3074 = vector.broadcast %slice3A_3068 : vector<64x1xf32> to vector<64x64xf32>
    %mul3A_3075 = arith.mulf %mul3A_3074, %slice3A_3073 : vector<64x64xf32>
    %reduce_sum3A_3076 = arith.constant dense<0.000000e+00> : vector<64xf32>
    %reduce_sum3A_3077 = vector.multi_reduction <add>, %mul3A_3075, %reduce_sum3A_3076 [0] : vector<64x64xf32> to vector<64xf32>
    %broadcast_in_dim3A_3078 = vector.shape_cast %reduce_sum3A_3077 : vector<64xf32> to vector<1x64xf32>
    %slice3A_3079 = vector.extract_strided_slice %get3A_3072 {offsets = [0, 64], sizes = [64, 64], strides = [1, 1]} : vector<64x128xf32> to vector<64x64xf32>
    %mul3A_3080 = vector.broadcast %slice3A_3069 : vector<64x1xf32> to vector<64x64xf32>
    %mul3A_3081 = arith.mulf %mul3A_3080, %slice3A_3079 : vector<64x64xf32>
    %reduce_sum3A_3082 = arith.constant dense<0.000000e+00> : vector<64xf32>
    %reduce_sum3A_3083 = vector.multi_reduction <add>, %mul3A_3081, %reduce_sum3A_3082 [0] : vector<64x64xf32> to vector<64xf32>
    %broadcast_in_dim3A_3084 = vector.shape_cast %reduce_sum3A_3083 : vector<64xf32> to vector<1x64xf32>
    %add3A_3085 = arith.addf %broadcast_in_dim3A_3078, %broadcast_in_dim3A_3084 : vector<1x64xf32>
    %swap3A_3086 = arith.constant 36 : index
    %swap3A_3087 = arith.constant 0 : index
    %swap3A_3088 = vector.load %arg11[%swap3A_3086, %swap3A_3087] : memref<64x64xf32, #tpu.memory_space<vmem>>, vector<1x64xf32>
    tpu.vector_store %arg11[%swap3A_3086, %swap3A_3087], %add3A_3085 {strides = array<i32>} : memref<64x64xf32, #tpu.memory_space<vmem>>, vector<1x64xf32>,
    %slice3A_3089 = vector.extract_strided_slice %div3A_2313 {offsets = [0, 37], sizes = [64, 1], strides = [1, 1]} : vector<128x64xf32> to vector<64x1xf32>
    %slice3A_3090 = vector.extract_strided_slice %div3A_2313 {offsets = [64, 37], sizes = [64, 1], strides = [1, 1]} : vector<128x64xf32> to vector<64x1xf32>
    %get3A_3091 = arith.constant 2368 : index
    %get3A_3092 = arith.constant 0 : index
    %get3A_3093 = vector.load %arg5[%get3A_3091, %get3A_3092] : memref<4096x128xf32, #tpu.memory_space<vmem>>, vector<64x128xf32>
    %slice3A_3094 = vector.extract_strided_slice %get3A_3093 {offsets = [0, 0], sizes = [64, 64], strides = [1, 1]} : vector<64x128xf32> to vector<64x64xf32>
    %mul3A_3095 = vector.broadcast %slice3A_3089 : vector<64x1xf32> to vector<64x64xf32>
    %mul3A_3096 = arith.mulf %mul3A_3095, %slice3A_3094 : vector<64x64xf32>
    %reduce_sum3A_3097 = arith.constant dense<0.000000e+00> : vector<64xf32>
    %reduce_sum3A_3098 = vector.multi_reduction <add>, %mul3A_3096, %reduce_sum3A_3097 [0] : vector<64x64xf32> to vector<64xf32>
    %broadcast_in_dim3A_3099 = vector.shape_cast %reduce_sum3A_3098 : vector<64xf32> to vector<1x64xf32>
    %slice3A_3100 = vector.extract_strided_slice %get3A_3093 {offsets = [0, 64], sizes = [64, 64], strides = [1, 1]} : vector<64x128xf32> to vector<64x64xf32>
    %mul3A_3101 = vector.broadcast %slice3A_3090 : vector<64x1xf32> to vector<64x64xf32>
    %mul3A_3102 = arith.mulf %mul3A_3101, %slice3A_3100 : vector<64x64xf32>
    %reduce_sum3A_3103 = arith.constant dense<0.000000e+00> : vector<64xf32>
    %reduce_sum3A_3104 = vector.multi_reduction <add>, %mul3A_3102, %reduce_sum3A_3103 [0] : vector<64x64xf32> to vector<64xf32>
    %broadcast_in_dim3A_3105 = vector.shape_cast %reduce_sum3A_3104 : vector<64xf32> to vector<1x64xf32>
    %add3A_3106 = arith.addf %broadcast_in_dim3A_3099, %broadcast_in_dim3A_3105 : vector<1x64xf32>
    %swap3A_3107 = arith.constant 37 : index
    %swap3A_3108 = arith.constant 0 : index
    %swap3A_3109 = vector.load %arg11[%swap3A_3107, %swap3A_3108] : memref<64x64xf32, #tpu.memory_space<vmem>>, vector<1x64xf32>
    tpu.vector_store %arg11[%swap3A_3107, %swap3A_3108], %add3A_3106 {strides = array<i32>} : memref<64x64xf32, #tpu.memory_space<vmem>>, vector<1x64xf32>,
    %slice3A_3110 = vector.extract_strided_slice %div3A_2313 {offsets = [0, 38], sizes = [64, 1], strides = [1, 1]} : vector<128x64xf32> to vector<64x1xf32>
    %slice3A_3111 = vector.extract_strided_slice %div3A_2313 {offsets = [64, 38], sizes = [64, 1], strides = [1, 1]} : vector<128x64xf32> to vector<64x1xf32>
    %get3A_3112 = arith.constant 2432 : index
    %get3A_3113 = arith.constant 0 : index
    %get3A_3114 = vector.load %arg5[%get3A_3112, %get3A_3113] : memref<4096x128xf32, #tpu.memory_space<vmem>>, vector<64x128xf32>
    %slice3A_3115 = vector.extract_strided_slice %get3A_3114 {offsets = [0, 0], sizes = [64, 64], strides = [1, 1]} : vector<64x128xf32> to vector<64x64xf32>
    %mul3A_3116 = vector.broadcast %slice3A_3110 : vector<64x1xf32> to vector<64x64xf32>
    %mul3A_3117 = arith.mulf %mul3A_3116, %slice3A_3115 : vector<64x64xf32>
    %reduce_sum3A_3118 = arith.constant dense<0.000000e+00> : vector<64xf32>
    %reduce_sum3A_3119 = vector.multi_reduction <add>, %mul3A_3117, %reduce_sum3A_3118 [0] : vector<64x64xf32> to vector<64xf32>
    %broadcast_in_dim3A_3120 = vector.shape_cast %reduce_sum3A_3119 : vector<64xf32> to vector<1x64xf32>
    %slice3A_3121 = vector.extract_strided_slice %get3A_3114 {offsets = [0, 64], sizes = [64, 64], strides = [1, 1]} : vector<64x128xf32> to vector<64x64xf32>
    %mul3A_3122 = vector.broadcast %slice3A_3111 : vector<64x1xf32> to vector<64x64xf32>
    %mul3A_3123 = arith.mulf %mul3A_3122, %slice3A_3121 : vector<64x64xf32>
    %reduce_sum3A_3124 = arith.constant dense<0.000000e+00> : vector<64xf32>
    %reduce_sum3A_3125 = vector.multi_reduction <add>, %mul3A_3123, %reduce_sum3A_3124 [0] : vector<64x64xf32> to vector<64xf32>
    %broadcast_in_dim3A_3126 = vector.shape_cast %reduce_sum3A_3125 : vector<64xf32> to vector<1x64xf32>
    %add3A_3127 = arith.addf %broadcast_in_dim3A_3120, %broadcast_in_dim3A_3126 : vector<1x64xf32>
    %swap3A_3128 = arith.constant 38 : index
    %swap3A_3129 = arith.constant 0 : index
    %swap3A_3130 = vector.load %arg11[%swap3A_3128, %swap3A_3129] : memref<64x64xf32, #tpu.memory_space<vmem>>, vector<1x64xf32>
    tpu.vector_store %arg11[%swap3A_3128, %swap3A_3129], %add3A_3127 {strides = array<i32>} : memref<64x64xf32, #tpu.memory_space<vmem>>, vector<1x64xf32>,
    %slice3A_3131 = vector.extract_strided_slice %div3A_2313 {offsets = [0, 39], sizes = [64, 1], strides = [1, 1]} : vector<128x64xf32> to vector<64x1xf32>
    %slice3A_3132 = vector.extract_strided_slice %div3A_2313 {offsets = [64, 39], sizes = [64, 1], strides = [1, 1]} : vector<128x64xf32> to vector<64x1xf32>
    %get3A_3133 = arith.constant 2496 : index
    %get3A_3134 = arith.constant 0 : index
    %get3A_3135 = vector.load %arg5[%get3A_3133, %get3A_3134] : memref<4096x128xf32, #tpu.memory_space<vmem>>, vector<64x128xf32>
    %slice3A_3136 = vector.extract_strided_slice %get3A_3135 {offsets = [0, 0], sizes = [64, 64], strides = [1, 1]} : vector<64x128xf32> to vector<64x64xf32>
    %mul3A_3137 = vector.broadcast %slice3A_3131 : vector<64x1xf32> to vector<64x64xf32>
    %mul3A_3138 = arith.mulf %mul3A_3137, %slice3A_3136 : vector<64x64xf32>
    %reduce_sum3A_3139 = arith.constant dense<0.000000e+00> : vector<64xf32>
    %reduce_sum3A_3140 = vector.multi_reduction <add>, %mul3A_3138, %reduce_sum3A_3139 [0] : vector<64x64xf32> to vector<64xf32>
    %broadcast_in_dim3A_3141 = vector.shape_cast %reduce_sum3A_3140 : vector<64xf32> to vector<1x64xf32>
    %slice3A_3142 = vector.extract_strided_slice %get3A_3135 {offsets = [0, 64], sizes = [64, 64], strides = [1, 1]} : vector<64x128xf32> to vector<64x64xf32>
    %mul3A_3143 = vector.broadcast %slice3A_3132 : vector<64x1xf32> to vector<64x64xf32>
    %mul3A_3144 = arith.mulf %mul3A_3143, %slice3A_3142 : vector<64x64xf32>
    %reduce_sum3A_3145 = arith.constant dense<0.000000e+00> : vector<64xf32>
    %reduce_sum3A_3146 = vector.multi_reduction <add>, %mul3A_3144, %reduce_sum3A_3145 [0] : vector<64x64xf32> to vector<64xf32>
    %broadcast_in_dim3A_3147 = vector.shape_cast %reduce_sum3A_3146 : vector<64xf32> to vector<1x64xf32>
    %add3A_3148 = arith.addf %broadcast_in_dim3A_3141, %broadcast_in_dim3A_3147 : vector<1x64xf32>
    %swap3A_3149 = arith.constant 39 : index
    %swap3A_3150 = arith.constant 0 : index
    %swap3A_3151 = vector.load %arg11[%swap3A_3149, %swap3A_3150] : memref<64x64xf32, #tpu.memory_space<vmem>>, vector<1x64xf32>
    tpu.vector_store %arg11[%swap3A_3149, %swap3A_3150], %add3A_3148 {strides = array<i32>} : memref<64x64xf32, #tpu.memory_space<vmem>>, vector<1x64xf32>,
    %slice3A_3152 = vector.extract_strided_slice %div3A_2313 {offsets = [0, 40], sizes = [64, 1], strides = [1, 1]} : vector<128x64xf32> to vector<64x1xf32>
    %slice3A_3153 = vector.extract_strided_slice %div3A_2313 {offsets = [64, 40], sizes = [64, 1], strides = [1, 1]} : vector<128x64xf32> to vector<64x1xf32>
    %get3A_3154 = arith.constant 2560 : index
    %get3A_3155 = arith.constant 0 : index
    %get3A_3156 = vector.load %arg5[%get3A_3154, %get3A_3155] : memref<4096x128xf32, #tpu.memory_space<vmem>>, vector<64x128xf32>
    %slice3A_3157 = vector.extract_strided_slice %get3A_3156 {offsets = [0, 0], sizes = [64, 64], strides = [1, 1]} : vector<64x128xf32> to vector<64x64xf32>
    %mul3A_3158 = vector.broadcast %slice3A_3152 : vector<64x1xf32> to vector<64x64xf32>
    %mul3A_3159 = arith.mulf %mul3A_3158, %slice3A_3157 : vector<64x64xf32>
    %reduce_sum3A_3160 = arith.constant dense<0.000000e+00> : vector<64xf32>
    %reduce_sum3A_3161 = vector.multi_reduction <add>, %mul3A_3159, %reduce_sum3A_3160 [0] : vector<64x64xf32> to vector<64xf32>
    %broadcast_in_dim3A_3162 = vector.shape_cast %reduce_sum3A_3161 : vector<64xf32> to vector<1x64xf32>
    %slice3A_3163 = vector.extract_strided_slice %get3A_3156 {offsets = [0, 64], sizes = [64, 64], strides = [1, 1]} : vector<64x128xf32> to vector<64x64xf32>
    %mul3A_3164 = vector.broadcast %slice3A_3153 : vector<64x1xf32> to vector<64x64xf32>
    %mul3A_3165 = arith.mulf %mul3A_3164, %slice3A_3163 : vector<64x64xf32>
    %reduce_sum3A_3166 = arith.constant dense<0.000000e+00> : vector<64xf32>
    %reduce_sum3A_3167 = vector.multi_reduction <add>, %mul3A_3165, %reduce_sum3A_3166 [0] : vector<64x64xf32> to vector<64xf32>
    %broadcast_in_dim3A_3168 = vector.shape_cast %reduce_sum3A_3167 : vector<64xf32> to vector<1x64xf32>
    %add3A_3169 = arith.addf %broadcast_in_dim3A_3162, %broadcast_in_dim3A_3168 : vector<1x64xf32>
    %swap3A_3170 = arith.constant 40 : index
    %swap3A_3171 = arith.constant 0 : index
    %swap3A_3172 = vector.load %arg11[%swap3A_3170, %swap3A_3171] : memref<64x64xf32, #tpu.memory_space<vmem>>, vector<1x64xf32>
    tpu.vector_store %arg11[%swap3A_3170, %swap3A_3171], %add3A_3169 {strides = array<i32>} : memref<64x64xf32, #tpu.memory_space<vmem>>, vector<1x64xf32>,
    %slice3A_3173 = vector.extract_strided_slice %div3A_2313 {offsets = [0, 41], sizes = [64, 1], strides = [1, 1]} : vector<128x64xf32> to vector<64x1xf32>
    %slice3A_3174 = vector.extract_strided_slice %div3A_2313 {offsets = [64, 41], sizes = [64, 1], strides = [1, 1]} : vector<128x64xf32> to vector<64x1xf32>
    %get3A_3175 = arith.constant 2624 : index
    %get3A_3176 = arith.constant 0 : index
    %get3A_3177 = vector.load %arg5[%get3A_3175, %get3A_3176] : memref<4096x128xf32, #tpu.memory_space<vmem>>, vector<64x128xf32>
    %slice3A_3178 = vector.extract_strided_slice %get3A_3177 {offsets = [0, 0], sizes = [64, 64], strides = [1, 1]} : vector<64x128xf32> to vector<64x64xf32>
    %mul3A_3179 = vector.broadcast %slice3A_3173 : vector<64x1xf32> to vector<64x64xf32>
    %mul3A_3180 = arith.mulf %mul3A_3179, %slice3A_3178 : vector<64x64xf32>
    %reduce_sum3A_3181 = arith.constant dense<0.000000e+00> : vector<64xf32>
    %reduce_sum3A_3182 = vector.multi_reduction <add>, %mul3A_3180, %reduce_sum3A_3181 [0] : vector<64x64xf32> to vector<64xf32>
    %broadcast_in_dim3A_3183 = vector.shape_cast %reduce_sum3A_3182 : vector<64xf32> to vector<1x64xf32>
    %slice3A_3184 = vector.extract_strided_slice %get3A_3177 {offsets = [0, 64], sizes = [64, 64], strides = [1, 1]} : vector<64x128xf32> to vector<64x64xf32>
    %mul3A_3185 = vector.broadcast %slice3A_3174 : vector<64x1xf32> to vector<64x64xf32>
    %mul3A_3186 = arith.mulf %mul3A_3185, %slice3A_3184 : vector<64x64xf32>
    %reduce_sum3A_3187 = arith.constant dense<0.000000e+00> : vector<64xf32>
    %reduce_sum3A_3188 = vector.multi_reduction <add>, %mul3A_3186, %reduce_sum3A_3187 [0] : vector<64x64xf32> to vector<64xf32>
    %broadcast_in_dim3A_3189 = vector.shape_cast %reduce_sum3A_3188 : vector<64xf32> to vector<1x64xf32>
    %add3A_3190 = arith.addf %broadcast_in_dim3A_3183, %broadcast_in_dim3A_3189 : vector<1x64xf32>
    %swap3A_3191 = arith.constant 41 : index
    %swap3A_3192 = arith.constant 0 : index
    %swap3A_3193 = vector.load %arg11[%swap3A_3191, %swap3A_3192] : memref<64x64xf32, #tpu.memory_space<vmem>>, vector<1x64xf32>
    tpu.vector_store %arg11[%swap3A_3191, %swap3A_3192], %add3A_3190 {strides = array<i32>} : memref<64x64xf32, #tpu.memory_space<vmem>>, vector<1x64xf32>,
    %slice3A_3194 = vector.extract_strided_slice %div3A_2313 {offsets = [0, 42], sizes = [64, 1], strides = [1, 1]} : vector<128x64xf32> to vector<64x1xf32>
    %slice3A_3195 = vector.extract_strided_slice %div3A_2313 {offsets = [64, 42], sizes = [64, 1], strides = [1, 1]} : vector<128x64xf32> to vector<64x1xf32>
    %get3A_3196 = arith.constant 2688 : index
    %get3A_3197 = arith.constant 0 : index
    %get3A_3198 = vector.load %arg5[%get3A_3196, %get3A_3197] : memref<4096x128xf32, #tpu.memory_space<vmem>>, vector<64x128xf32>
    %slice3A_3199 = vector.extract_strided_slice %get3A_3198 {offsets = [0, 0], sizes = [64, 64], strides = [1, 1]} : vector<64x128xf32> to vector<64x64xf32>
    %mul3A_3200 = vector.broadcast %slice3A_3194 : vector<64x1xf32> to vector<64x64xf32>
    %mul3A_3201 = arith.mulf %mul3A_3200, %slice3A_3199 : vector<64x64xf32>
    %reduce_sum3A_3202 = arith.constant dense<0.000000e+00> : vector<64xf32>
    %reduce_sum3A_3203 = vector.multi_reduction <add>, %mul3A_3201, %reduce_sum3A_3202 [0] : vector<64x64xf32> to vector<64xf32>
    %broadcast_in_dim3A_3204 = vector.shape_cast %reduce_sum3A_3203 : vector<64xf32> to vector<1x64xf32>
    %slice3A_3205 = vector.extract_strided_slice %get3A_3198 {offsets = [0, 64], sizes = [64, 64], strides = [1, 1]} : vector<64x128xf32> to vector<64x64xf32>
    %mul3A_3206 = vector.broadcast %slice3A_3195 : vector<64x1xf32> to vector<64x64xf32>
    %mul3A_3207 = arith.mulf %mul3A_3206, %slice3A_3205 : vector<64x64xf32>
    %reduce_sum3A_3208 = arith.constant dense<0.000000e+00> : vector<64xf32>
    %reduce_sum3A_3209 = vector.multi_reduction <add>, %mul3A_3207, %reduce_sum3A_3208 [0] : vector<64x64xf32> to vector<64xf32>
    %broadcast_in_dim3A_3210 = vector.shape_cast %reduce_sum3A_3209 : vector<64xf32> to vector<1x64xf32>
    %add3A_3211 = arith.addf %broadcast_in_dim3A_3204, %broadcast_in_dim3A_3210 : vector<1x64xf32>
    %swap3A_3212 = arith.constant 42 : index
    %swap3A_3213 = arith.constant 0 : index
    %swap3A_3214 = vector.load %arg11[%swap3A_3212, %swap3A_3213] : memref<64x64xf32, #tpu.memory_space<vmem>>, vector<1x64xf32>
    tpu.vector_store %arg11[%swap3A_3212, %swap3A_3213], %add3A_3211 {strides = array<i32>} : memref<64x64xf32, #tpu.memory_space<vmem>>, vector<1x64xf32>,
    %slice3A_3215 = vector.extract_strided_slice %div3A_2313 {offsets = [0, 43], sizes = [64, 1], strides = [1, 1]} : vector<128x64xf32> to vector<64x1xf32>
    %slice3A_3216 = vector.extract_strided_slice %div3A_2313 {offsets = [64, 43], sizes = [64, 1], strides = [1, 1]} : vector<128x64xf32> to vector<64x1xf32>
    %get3A_3217 = arith.constant 2752 : index
    %get3A_3218 = arith.constant 0 : index
    %get3A_3219 = vector.load %arg5[%get3A_3217, %get3A_3218] : memref<4096x128xf32, #tpu.memory_space<vmem>>, vector<64x128xf32>
    %slice3A_3220 = vector.extract_strided_slice %get3A_3219 {offsets = [0, 0], sizes = [64, 64], strides = [1, 1]} : vector<64x128xf32> to vector<64x64xf32>
    %mul3A_3221 = vector.broadcast %slice3A_3215 : vector<64x1xf32> to vector<64x64xf32>
    %mul3A_3222 = arith.mulf %mul3A_3221, %slice3A_3220 : vector<64x64xf32>
    %reduce_sum3A_3223 = arith.constant dense<0.000000e+00> : vector<64xf32>
    %reduce_sum3A_3224 = vector.multi_reduction <add>, %mul3A_3222, %reduce_sum3A_3223 [0] : vector<64x64xf32> to vector<64xf32>
    %broadcast_in_dim3A_3225 = vector.shape_cast %reduce_sum3A_3224 : vector<64xf32> to vector<1x64xf32>
    %slice3A_3226 = vector.extract_strided_slice %get3A_3219 {offsets = [0, 64], sizes = [64, 64], strides = [1, 1]} : vector<64x128xf32> to vector<64x64xf32>
    %mul3A_3227 = vector.broadcast %slice3A_3216 : vector<64x1xf32> to vector<64x64xf32>
    %mul3A_3228 = arith.mulf %mul3A_3227, %slice3A_3226 : vector<64x64xf32>
    %reduce_sum3A_3229 = arith.constant dense<0.000000e+00> : vector<64xf32>
    %reduce_sum3A_3230 = vector.multi_reduction <add>, %mul3A_3228, %reduce_sum3A_3229 [0] : vector<64x64xf32> to vector<64xf32>
    %broadcast_in_dim3A_3231 = vector.shape_cast %reduce_sum3A_3230 : vector<64xf32> to vector<1x64xf32>
    %add3A_3232 = arith.addf %broadcast_in_dim3A_3225, %broadcast_in_dim3A_3231 : vector<1x64xf32>
    %swap3A_3233 = arith.constant 43 : index
    %swap3A_3234 = arith.constant 0 : index
    %swap3A_3235 = vector.load %arg11[%swap3A_3233, %swap3A_3234] : memref<64x64xf32, #tpu.memory_space<vmem>>, vector<1x64xf32>
    tpu.vector_store %arg11[%swap3A_3233, %swap3A_3234], %add3A_3232 {strides = array<i32>} : memref<64x64xf32, #tpu.memory_space<vmem>>, vector<1x64xf32>,
    %slice3A_3236 = vector.extract_strided_slice %div3A_2313 {offsets = [0, 44], sizes = [64, 1], strides = [1, 1]} : vector<128x64xf32> to vector<64x1xf32>
    %slice3A_3237 = vector.extract_strided_slice %div3A_2313 {offsets = [64, 44], sizes = [64, 1], strides = [1, 1]} : vector<128x64xf32> to vector<64x1xf32>
    %get3A_3238 = arith.constant 2816 : index
    %get3A_3239 = arith.constant 0 : index
    %get3A_3240 = vector.load %arg5[%get3A_3238, %get3A_3239] : memref<4096x128xf32, #tpu.memory_space<vmem>>, vector<64x128xf32>
    %slice3A_3241 = vector.extract_strided_slice %get3A_3240 {offsets = [0, 0], sizes = [64, 64], strides = [1, 1]} : vector<64x128xf32> to vector<64x64xf32>
    %mul3A_3242 = vector.broadcast %slice3A_3236 : vector<64x1xf32> to vector<64x64xf32>
    %mul3A_3243 = arith.mulf %mul3A_3242, %slice3A_3241 : vector<64x64xf32>
    %reduce_sum3A_3244 = arith.constant dense<0.000000e+00> : vector<64xf32>
    %reduce_sum3A_3245 = vector.multi_reduction <add>, %mul3A_3243, %reduce_sum3A_3244 [0] : vector<64x64xf32> to vector<64xf32>
    %broadcast_in_dim3A_3246 = vector.shape_cast %reduce_sum3A_3245 : vector<64xf32> to vector<1x64xf32>
    %slice3A_3247 = vector.extract_strided_slice %get3A_3240 {offsets = [0, 64], sizes = [64, 64], strides = [1, 1]} : vector<64x128xf32> to vector<64x64xf32>
    %mul3A_3248 = vector.broadcast %slice3A_3237 : vector<64x1xf32> to vector<64x64xf32>
    %mul3A_3249 = arith.mulf %mul3A_3248, %slice3A_3247 : vector<64x64xf32>
    %reduce_sum3A_3250 = arith.constant dense<0.000000e+00> : vector<64xf32>
    %reduce_sum3A_3251 = vector.multi_reduction <add>, %mul3A_3249, %reduce_sum3A_3250 [0] : vector<64x64xf32> to vector<64xf32>
    %broadcast_in_dim3A_3252 = vector.shape_cast %reduce_sum3A_3251 : vector<64xf32> to vector<1x64xf32>
    %add3A_3253 = arith.addf %broadcast_in_dim3A_3246, %broadcast_in_dim3A_3252 : vector<1x64xf32>
    %swap3A_3254 = arith.constant 44 : index
    %swap3A_3255 = arith.constant 0 : index
    %swap3A_3256 = vector.load %arg11[%swap3A_3254, %swap3A_3255] : memref<64x64xf32, #tpu.memory_space<vmem>>, vector<1x64xf32>
    tpu.vector_store %arg11[%swap3A_3254, %swap3A_3255], %add3A_3253 {strides = array<i32>} : memref<64x64xf32, #tpu.memory_space<vmem>>, vector<1x64xf32>,
    %slice3A_3257 = vector.extract_strided_slice %div3A_2313 {offsets = [0, 45], sizes = [64, 1], strides = [1, 1]} : vector<128x64xf32> to vector<64x1xf32>
    %slice3A_3258 = vector.extract_strided_slice %div3A_2313 {offsets = [64, 45], sizes = [64, 1], strides = [1, 1]} : vector<128x64xf32> to vector<64x1xf32>
    %get3A_3259 = arith.constant 2880 : index
    %get3A_3260 = arith.constant 0 : index
    %get3A_3261 = vector.load %arg5[%get3A_3259, %get3A_3260] : memref<4096x128xf32, #tpu.memory_space<vmem>>, vector<64x128xf32>
    %slice3A_3262 = vector.extract_strided_slice %get3A_3261 {offsets = [0, 0], sizes = [64, 64], strides = [1, 1]} : vector<64x128xf32> to vector<64x64xf32>
    %mul3A_3263 = vector.broadcast %slice3A_3257 : vector<64x1xf32> to vector<64x64xf32>
    %mul3A_3264 = arith.mulf %mul3A_3263, %slice3A_3262 : vector<64x64xf32>
    %reduce_sum3A_3265 = arith.constant dense<0.000000e+00> : vector<64xf32>
    %reduce_sum3A_3266 = vector.multi_reduction <add>, %mul3A_3264, %reduce_sum3A_3265 [0] : vector<64x64xf32> to vector<64xf32>
    %broadcast_in_dim3A_3267 = vector.shape_cast %reduce_sum3A_3266 : vector<64xf32> to vector<1x64xf32>
    %slice3A_3268 = vector.extract_strided_slice %get3A_3261 {offsets = [0, 64], sizes = [64, 64], strides = [1, 1]} : vector<64x128xf32> to vector<64x64xf32>
    %mul3A_3269 = vector.broadcast %slice3A_3258 : vector<64x1xf32> to vector<64x64xf32>
    %mul3A_3270 = arith.mulf %mul3A_3269, %slice3A_3268 : vector<64x64xf32>
    %reduce_sum3A_3271 = arith.constant dense<0.000000e+00> : vector<64xf32>
    %reduce_sum3A_3272 = vector.multi_reduction <add>, %mul3A_3270, %reduce_sum3A_3271 [0] : vector<64x64xf32> to vector<64xf32>
    %broadcast_in_dim3A_3273 = vector.shape_cast %reduce_sum3A_3272 : vector<64xf32> to vector<1x64xf32>
    %add3A_3274 = arith.addf %broadcast_in_dim3A_3267, %broadcast_in_dim3A_3273 : vector<1x64xf32>
    %swap3A_3275 = arith.constant 45 : index
    %swap3A_3276 = arith.constant 0 : index
    %swap3A_3277 = vector.load %arg11[%swap3A_3275, %swap3A_3276] : memref<64x64xf32, #tpu.memory_space<vmem>>, vector<1x64xf32>
    tpu.vector_store %arg11[%swap3A_3275, %swap3A_3276], %add3A_3274 {strides = array<i32>} : memref<64x64xf32, #tpu.memory_space<vmem>>, vector<1x64xf32>,
    %slice3A_3278 = vector.extract_strided_slice %div3A_2313 {offsets = [0, 46], sizes = [64, 1], strides = [1, 1]} : vector<128x64xf32> to vector<64x1xf32>
    %slice3A_3279 = vector.extract_strided_slice %div3A_2313 {offsets = [64, 46], sizes = [64, 1], strides = [1, 1]} : vector<128x64xf32> to vector<64x1xf32>
    %get3A_3280 = arith.constant 2944 : index
    %get3A_3281 = arith.constant 0 : index
    %get3A_3282 = vector.load %arg5[%get3A_3280, %get3A_3281] : memref<4096x128xf32, #tpu.memory_space<vmem>>, vector<64x128xf32>
    %slice3A_3283 = vector.extract_strided_slice %get3A_3282 {offsets = [0, 0], sizes = [64, 64], strides = [1, 1]} : vector<64x128xf32> to vector<64x64xf32>
    %mul3A_3284 = vector.broadcast %slice3A_3278 : vector<64x1xf32> to vector<64x64xf32>
    %mul3A_3285 = arith.mulf %mul3A_3284, %slice3A_3283 : vector<64x64xf32>
    %reduce_sum3A_3286 = arith.constant dense<0.000000e+00> : vector<64xf32>
    %reduce_sum3A_3287 = vector.multi_reduction <add>, %mul3A_3285, %reduce_sum3A_3286 [0] : vector<64x64xf32> to vector<64xf32>
    %broadcast_in_dim3A_3288 = vector.shape_cast %reduce_sum3A_3287 : vector<64xf32> to vector<1x64xf32>
    %slice3A_3289 = vector.extract_strided_slice %get3A_3282 {offsets = [0, 64], sizes = [64, 64], strides = [1, 1]} : vector<64x128xf32> to vector<64x64xf32>
    %mul3A_3290 = vector.broadcast %slice3A_3279 : vector<64x1xf32> to vector<64x64xf32>
    %mul3A_3291 = arith.mulf %mul3A_3290, %slice3A_3289 : vector<64x64xf32>
    %reduce_sum3A_3292 = arith.constant dense<0.000000e+00> : vector<64xf32>
    %reduce_sum3A_3293 = vector.multi_reduction <add>, %mul3A_3291, %reduce_sum3A_3292 [0] : vector<64x64xf32> to vector<64xf32>
    %broadcast_in_dim3A_3294 = vector.shape_cast %reduce_sum3A_3293 : vector<64xf32> to vector<1x64xf32>
    %add3A_3295 = arith.addf %broadcast_in_dim3A_3288, %broadcast_in_dim3A_3294 : vector<1x64xf32>
    %swap3A_3296 = arith.constant 46 : index
    %swap3A_3297 = arith.constant 0 : index
    %swap3A_3298 = vector.load %arg11[%swap3A_3296, %swap3A_3297] : memref<64x64xf32, #tpu.memory_space<vmem>>, vector<1x64xf32>
    tpu.vector_store %arg11[%swap3A_3296, %swap3A_3297], %add3A_3295 {strides = array<i32>} : memref<64x64xf32, #tpu.memory_space<vmem>>, vector<1x64xf32>,
    %slice3A_3299 = vector.extract_strided_slice %div3A_2313 {offsets = [0, 47], sizes = [64, 1], strides = [1, 1]} : vector<128x64xf32> to vector<64x1xf32>
    %slice3A_3300 = vector.extract_strided_slice %div3A_2313 {offsets = [64, 47], sizes = [64, 1], strides = [1, 1]} : vector<128x64xf32> to vector<64x1xf32>
    %get3A_3301 = arith.constant 3008 : index
    %get3A_3302 = arith.constant 0 : index
    %get3A_3303 = vector.load %arg5[%get3A_3301, %get3A_3302] : memref<4096x128xf32, #tpu.memory_space<vmem>>, vector<64x128xf32>
    %slice3A_3304 = vector.extract_strided_slice %get3A_3303 {offsets = [0, 0], sizes = [64, 64], strides = [1, 1]} : vector<64x128xf32> to vector<64x64xf32>
    %mul3A_3305 = vector.broadcast %slice3A_3299 : vector<64x1xf32> to vector<64x64xf32>
    %mul3A_3306 = arith.mulf %mul3A_3305, %slice3A_3304 : vector<64x64xf32>
    %reduce_sum3A_3307 = arith.constant dense<0.000000e+00> : vector<64xf32>
    %reduce_sum3A_3308 = vector.multi_reduction <add>, %mul3A_3306, %reduce_sum3A_3307 [0] : vector<64x64xf32> to vector<64xf32>
    %broadcast_in_dim3A_3309 = vector.shape_cast %reduce_sum3A_3308 : vector<64xf32> to vector<1x64xf32>
    %slice3A_3310 = vector.extract_strided_slice %get3A_3303 {offsets = [0, 64], sizes = [64, 64], strides = [1, 1]} : vector<64x128xf32> to vector<64x64xf32>
    %mul3A_3311 = vector.broadcast %slice3A_3300 : vector<64x1xf32> to vector<64x64xf32>
    %mul3A_3312 = arith.mulf %mul3A_3311, %slice3A_3310 : vector<64x64xf32>
    %reduce_sum3A_3313 = arith.constant dense<0.000000e+00> : vector<64xf32>
    %reduce_sum3A_3314 = vector.multi_reduction <add>, %mul3A_3312, %reduce_sum3A_3313 [0] : vector<64x64xf32> to vector<64xf32>
    %broadcast_in_dim3A_3315 = vector.shape_cast %reduce_sum3A_3314 : vector<64xf32> to vector<1x64xf32>
    %add3A_3316 = arith.addf %broadcast_in_dim3A_3309, %broadcast_in_dim3A_3315 : vector<1x64xf32>
    %swap3A_3317 = arith.constant 47 : index
    %swap3A_3318 = arith.constant 0 : index
    %swap3A_3319 = vector.load %arg11[%swap3A_3317, %swap3A_3318] : memref<64x64xf32, #tpu.memory_space<vmem>>, vector<1x64xf32>
    tpu.vector_store %arg11[%swap3A_3317, %swap3A_3318], %add3A_3316 {strides = array<i32>} : memref<64x64xf32, #tpu.memory_space<vmem>>, vector<1x64xf32>,
    %slice3A_3320 = vector.extract_strided_slice %div3A_2313 {offsets = [0, 48], sizes = [64, 1], strides = [1, 1]} : vector<128x64xf32> to vector<64x1xf32>
    %slice3A_3321 = vector.extract_strided_slice %div3A_2313 {offsets = [64, 48], sizes = [64, 1], strides = [1, 1]} : vector<128x64xf32> to vector<64x1xf32>
    %get3A_3322 = arith.constant 3072 : index
    %get3A_3323 = arith.constant 0 : index
    %get3A_3324 = vector.load %arg5[%get3A_3322, %get3A_3323] : memref<4096x128xf32, #tpu.memory_space<vmem>>, vector<64x128xf32>
    %slice3A_3325 = vector.extract_strided_slice %get3A_3324 {offsets = [0, 0], sizes = [64, 64], strides = [1, 1]} : vector<64x128xf32> to vector<64x64xf32>
    %mul3A_3326 = vector.broadcast %slice3A_3320 : vector<64x1xf32> to vector<64x64xf32>
    %mul3A_3327 = arith.mulf %mul3A_3326, %slice3A_3325 : vector<64x64xf32>
    %reduce_sum3A_3328 = arith.constant dense<0.000000e+00> : vector<64xf32>
    %reduce_sum3A_3329 = vector.multi_reduction <add>, %mul3A_3327, %reduce_sum3A_3328 [0] : vector<64x64xf32> to vector<64xf32>
    %broadcast_in_dim3A_3330 = vector.shape_cast %reduce_sum3A_3329 : vector<64xf32> to vector<1x64xf32>
    %slice3A_3331 = vector.extract_strided_slice %get3A_3324 {offsets = [0, 64], sizes = [64, 64], strides = [1, 1]} : vector<64x128xf32> to vector<64x64xf32>
    %mul3A_3332 = vector.broadcast %slice3A_3321 : vector<64x1xf32> to vector<64x64xf32>
    %mul3A_3333 = arith.mulf %mul3A_3332, %slice3A_3331 : vector<64x64xf32>
    %reduce_sum3A_3334 = arith.constant dense<0.000000e+00> : vector<64xf32>
    %reduce_sum3A_3335 = vector.multi_reduction <add>, %mul3A_3333, %reduce_sum3A_3334 [0] : vector<64x64xf32> to vector<64xf32>
    %broadcast_in_dim3A_3336 = vector.shape_cast %reduce_sum3A_3335 : vector<64xf32> to vector<1x64xf32>
    %add3A_3337 = arith.addf %broadcast_in_dim3A_3330, %broadcast_in_dim3A_3336 : vector<1x64xf32>
    %swap3A_3338 = arith.constant 48 : index
    %swap3A_3339 = arith.constant 0 : index
    %swap3A_3340 = vector.load %arg11[%swap3A_3338, %swap3A_3339] : memref<64x64xf32, #tpu.memory_space<vmem>>, vector<1x64xf32>
    tpu.vector_store %arg11[%swap3A_3338, %swap3A_3339], %add3A_3337 {strides = array<i32>} : memref<64x64xf32, #tpu.memory_space<vmem>>, vector<1x64xf32>,
    %slice3A_3341 = vector.extract_strided_slice %div3A_2313 {offsets = [0, 49], sizes = [64, 1], strides = [1, 1]} : vector<128x64xf32> to vector<64x1xf32>
    %slice3A_3342 = vector.extract_strided_slice %div3A_2313 {offsets = [64, 49], sizes = [64, 1], strides = [1, 1]} : vector<128x64xf32> to vector<64x1xf32>
    %get3A_3343 = arith.constant 3136 : index
    %get3A_3344 = arith.constant 0 : index
    %get3A_3345 = vector.load %arg5[%get3A_3343, %get3A_3344] : memref<4096x128xf32, #tpu.memory_space<vmem>>, vector<64x128xf32>
    %slice3A_3346 = vector.extract_strided_slice %get3A_3345 {offsets = [0, 0], sizes = [64, 64], strides = [1, 1]} : vector<64x128xf32> to vector<64x64xf32>
    %mul3A_3347 = vector.broadcast %slice3A_3341 : vector<64x1xf32> to vector<64x64xf32>
    %mul3A_3348 = arith.mulf %mul3A_3347, %slice3A_3346 : vector<64x64xf32>
    %reduce_sum3A_3349 = arith.constant dense<0.000000e+00> : vector<64xf32>
    %reduce_sum3A_3350 = vector.multi_reduction <add>, %mul3A_3348, %reduce_sum3A_3349 [0] : vector<64x64xf32> to vector<64xf32>
    %broadcast_in_dim3A_3351 = vector.shape_cast %reduce_sum3A_3350 : vector<64xf32> to vector<1x64xf32>
    %slice3A_3352 = vector.extract_strided_slice %get3A_3345 {offsets = [0, 64], sizes = [64, 64], strides = [1, 1]} : vector<64x128xf32> to vector<64x64xf32>
    %mul3A_3353 = vector.broadcast %slice3A_3342 : vector<64x1xf32> to vector<64x64xf32>
    %mul3A_3354 = arith.mulf %mul3A_3353, %slice3A_3352 : vector<64x64xf32>
    %reduce_sum3A_3355 = arith.constant dense<0.000000e+00> : vector<64xf32>
    %reduce_sum3A_3356 = vector.multi_reduction <add>, %mul3A_3354, %reduce_sum3A_3355 [0] : vector<64x64xf32> to vector<64xf32>
    %broadcast_in_dim3A_3357 = vector.shape_cast %reduce_sum3A_3356 : vector<64xf32> to vector<1x64xf32>
    %add3A_3358 = arith.addf %broadcast_in_dim3A_3351, %broadcast_in_dim3A_3357 : vector<1x64xf32>
    %swap3A_3359 = arith.constant 49 : index
    %swap3A_3360 = arith.constant 0 : index
    %swap3A_3361 = vector.load %arg11[%swap3A_3359, %swap3A_3360] : memref<64x64xf32, #tpu.memory_space<vmem>>, vector<1x64xf32>
    tpu.vector_store %arg11[%swap3A_3359, %swap3A_3360], %add3A_3358 {strides = array<i32>} : memref<64x64xf32, #tpu.memory_space<vmem>>, vector<1x64xf32>,
    %slice3A_3362 = vector.extract_strided_slice %div3A_2313 {offsets = [0, 50], sizes = [64, 1], strides = [1, 1]} : vector<128x64xf32> to vector<64x1xf32>
    %slice3A_3363 = vector.extract_strided_slice %div3A_2313 {offsets = [64, 50], sizes = [64, 1], strides = [1, 1]} : vector<128x64xf32> to vector<64x1xf32>
    %get3A_3364 = arith.constant 3200 : index
    %get3A_3365 = arith.constant 0 : index
    %get3A_3366 = vector.load %arg5[%get3A_3364, %get3A_3365] : memref<4096x128xf32, #tpu.memory_space<vmem>>, vector<64x128xf32>
    %slice3A_3367 = vector.extract_strided_slice %get3A_3366 {offsets = [0, 0], sizes = [64, 64], strides = [1, 1]} : vector<64x128xf32> to vector<64x64xf32>
    %mul3A_3368 = vector.broadcast %slice3A_3362 : vector<64x1xf32> to vector<64x64xf32>
    %mul3A_3369 = arith.mulf %mul3A_3368, %slice3A_3367 : vector<64x64xf32>
    %reduce_sum3A_3370 = arith.constant dense<0.000000e+00> : vector<64xf32>
    %reduce_sum3A_3371 = vector.multi_reduction <add>, %mul3A_3369, %reduce_sum3A_3370 [0] : vector<64x64xf32> to vector<64xf32>
    %broadcast_in_dim3A_3372 = vector.shape_cast %reduce_sum3A_3371 : vector<64xf32> to vector<1x64xf32>
    %slice3A_3373 = vector.extract_strided_slice %get3A_3366 {offsets = [0, 64], sizes = [64, 64], strides = [1, 1]} : vector<64x128xf32> to vector<64x64xf32>
    %mul3A_3374 = vector.broadcast %slice3A_3363 : vector<64x1xf32> to vector<64x64xf32>
    %mul3A_3375 = arith.mulf %mul3A_3374, %slice3A_3373 : vector<64x64xf32>
    %reduce_sum3A_3376 = arith.constant dense<0.000000e+00> : vector<64xf32>
    %reduce_sum3A_3377 = vector.multi_reduction <add>, %mul3A_3375, %reduce_sum3A_3376 [0] : vector<64x64xf32> to vector<64xf32>
    %broadcast_in_dim3A_3378 = vector.shape_cast %reduce_sum3A_3377 : vector<64xf32> to vector<1x64xf32>
    %add3A_3379 = arith.addf %broadcast_in_dim3A_3372, %broadcast_in_dim3A_3378 : vector<1x64xf32>
    %swap3A_3380 = arith.constant 50 : index
    %swap3A_3381 = arith.constant 0 : index
    %swap3A_3382 = vector.load %arg11[%swap3A_3380, %swap3A_3381] : memref<64x64xf32, #tpu.memory_space<vmem>>, vector<1x64xf32>
    tpu.vector_store %arg11[%swap3A_3380, %swap3A_3381], %add3A_3379 {strides = array<i32>} : memref<64x64xf32, #tpu.memory_space<vmem>>, vector<1x64xf32>,
    %slice3A_3383 = vector.extract_strided_slice %div3A_2313 {offsets = [0, 51], sizes = [64, 1], strides = [1, 1]} : vector<128x64xf32> to vector<64x1xf32>
    %slice3A_3384 = vector.extract_strided_slice %div3A_2313 {offsets = [64, 51], sizes = [64, 1], strides = [1, 1]} : vector<128x64xf32> to vector<64x1xf32>
    %get3A_3385 = arith.constant 3264 : index
    %get3A_3386 = arith.constant 0 : index
    %get3A_3387 = vector.load %arg5[%get3A_3385, %get3A_3386] : memref<4096x128xf32, #tpu.memory_space<vmem>>, vector<64x128xf32>
    %slice3A_3388 = vector.extract_strided_slice %get3A_3387 {offsets = [0, 0], sizes = [64, 64], strides = [1, 1]} : vector<64x128xf32> to vector<64x64xf32>
    %mul3A_3389 = vector.broadcast %slice3A_3383 : vector<64x1xf32> to vector<64x64xf32>
    %mul3A_3390 = arith.mulf %mul3A_3389, %slice3A_3388 : vector<64x64xf32>
    %reduce_sum3A_3391 = arith.constant dense<0.000000e+00> : vector<64xf32>
    %reduce_sum3A_3392 = vector.multi_reduction <add>, %mul3A_3390, %reduce_sum3A_3391 [0] : vector<64x64xf32> to vector<64xf32>
    %broadcast_in_dim3A_3393 = vector.shape_cast %reduce_sum3A_3392 : vector<64xf32> to vector<1x64xf32>
    %slice3A_3394 = vector.extract_strided_slice %get3A_3387 {offsets = [0, 64], sizes = [64, 64], strides = [1, 1]} : vector<64x128xf32> to vector<64x64xf32>
    %mul3A_3395 = vector.broadcast %slice3A_3384 : vector<64x1xf32> to vector<64x64xf32>
    %mul3A_3396 = arith.mulf %mul3A_3395, %slice3A_3394 : vector<64x64xf32>
    %reduce_sum3A_3397 = arith.constant dense<0.000000e+00> : vector<64xf32>
    %reduce_sum3A_3398 = vector.multi_reduction <add>, %mul3A_3396, %reduce_sum3A_3397 [0] : vector<64x64xf32> to vector<64xf32>
    %broadcast_in_dim3A_3399 = vector.shape_cast %reduce_sum3A_3398 : vector<64xf32> to vector<1x64xf32>
    %add3A_3400 = arith.addf %broadcast_in_dim3A_3393, %broadcast_in_dim3A_3399 : vector<1x64xf32>
    %swap3A_3401 = arith.constant 51 : index
    %swap3A_3402 = arith.constant 0 : index
    %swap3A_3403 = vector.load %arg11[%swap3A_3401, %swap3A_3402] : memref<64x64xf32, #tpu.memory_space<vmem>>, vector<1x64xf32>
    tpu.vector_store %arg11[%swap3A_3401, %swap3A_3402], %add3A_3400 {strides = array<i32>} : memref<64x64xf32, #tpu.memory_space<vmem>>, vector<1x64xf32>,
    %slice3A_3404 = vector.extract_strided_slice %div3A_2313 {offsets = [0, 52], sizes = [64, 1], strides = [1, 1]} : vector<128x64xf32> to vector<64x1xf32>
    %slice3A_3405 = vector.extract_strided_slice %div3A_2313 {offsets = [64, 52], sizes = [64, 1], strides = [1, 1]} : vector<128x64xf32> to vector<64x1xf32>
    %get3A_3406 = arith.constant 3328 : index
    %get3A_3407 = arith.constant 0 : index
    %get3A_3408 = vector.load %arg5[%get3A_3406, %get3A_3407] : memref<4096x128xf32, #tpu.memory_space<vmem>>, vector<64x128xf32>
    %slice3A_3409 = vector.extract_strided_slice %get3A_3408 {offsets = [0, 0], sizes = [64, 64], strides = [1, 1]} : vector<64x128xf32> to vector<64x64xf32>
    %mul3A_3410 = vector.broadcast %slice3A_3404 : vector<64x1xf32> to vector<64x64xf32>
    %mul3A_3411 = arith.mulf %mul3A_3410, %slice3A_3409 : vector<64x64xf32>
    %reduce_sum3A_3412 = arith.constant dense<0.000000e+00> : vector<64xf32>
    %reduce_sum3A_3413 = vector.multi_reduction <add>, %mul3A_3411, %reduce_sum3A_3412 [0] : vector<64x64xf32> to vector<64xf32>
    %broadcast_in_dim3A_3414 = vector.shape_cast %reduce_sum3A_3413 : vector<64xf32> to vector<1x64xf32>
    %slice3A_3415 = vector.extract_strided_slice %get3A_3408 {offsets = [0, 64], sizes = [64, 64], strides = [1, 1]} : vector<64x128xf32> to vector<64x64xf32>
    %mul3A_3416 = vector.broadcast %slice3A_3405 : vector<64x1xf32> to vector<64x64xf32>
    %mul3A_3417 = arith.mulf %mul3A_3416, %slice3A_3415 : vector<64x64xf32>
    %reduce_sum3A_3418 = arith.constant dense<0.000000e+00> : vector<64xf32>
    %reduce_sum3A_3419 = vector.multi_reduction <add>, %mul3A_3417, %reduce_sum3A_3418 [0] : vector<64x64xf32> to vector<64xf32>
    %broadcast_in_dim3A_3420 = vector.shape_cast %reduce_sum3A_3419 : vector<64xf32> to vector<1x64xf32>
    %add3A_3421 = arith.addf %broadcast_in_dim3A_3414, %broadcast_in_dim3A_3420 : vector<1x64xf32>
    %swap3A_3422 = arith.constant 52 : index
    %swap3A_3423 = arith.constant 0 : index
    %swap3A_3424 = vector.load %arg11[%swap3A_3422, %swap3A_3423] : memref<64x64xf32, #tpu.memory_space<vmem>>, vector<1x64xf32>
    tpu.vector_store %arg11[%swap3A_3422, %swap3A_3423], %add3A_3421 {strides = array<i32>} : memref<64x64xf32, #tpu.memory_space<vmem>>, vector<1x64xf32>,
    %slice3A_3425 = vector.extract_strided_slice %div3A_2313 {offsets = [0, 53], sizes = [64, 1], strides = [1, 1]} : vector<128x64xf32> to vector<64x1xf32>
    %slice3A_3426 = vector.extract_strided_slice %div3A_2313 {offsets = [64, 53], sizes = [64, 1], strides = [1, 1]} : vector<128x64xf32> to vector<64x1xf32>
    %get3A_3427 = arith.constant 3392 : index
    %get3A_3428 = arith.constant 0 : index
    %get3A_3429 = vector.load %arg5[%get3A_3427, %get3A_3428] : memref<4096x128xf32, #tpu.memory_space<vmem>>, vector<64x128xf32>
    %slice3A_3430 = vector.extract_strided_slice %get3A_3429 {offsets = [0, 0], sizes = [64, 64], strides = [1, 1]} : vector<64x128xf32> to vector<64x64xf32>
    %mul3A_3431 = vector.broadcast %slice3A_3425 : vector<64x1xf32> to vector<64x64xf32>
    %mul3A_3432 = arith.mulf %mul3A_3431, %slice3A_3430 : vector<64x64xf32>
    %reduce_sum3A_3433 = arith.constant dense<0.000000e+00> : vector<64xf32>
    %reduce_sum3A_3434 = vector.multi_reduction <add>, %mul3A_3432, %reduce_sum3A_3433 [0] : vector<64x64xf32> to vector<64xf32>
    %broadcast_in_dim3A_3435 = vector.shape_cast %reduce_sum3A_3434 : vector<64xf32> to vector<1x64xf32>
    %slice3A_3436 = vector.extract_strided_slice %get3A_3429 {offsets = [0, 64], sizes = [64, 64], strides = [1, 1]} : vector<64x128xf32> to vector<64x64xf32>
    %mul3A_3437 = vector.broadcast %slice3A_3426 : vector<64x1xf32> to vector<64x64xf32>
    %mul3A_3438 = arith.mulf %mul3A_3437, %slice3A_3436 : vector<64x64xf32>
    %reduce_sum3A_3439 = arith.constant dense<0.000000e+00> : vector<64xf32>
    %reduce_sum3A_3440 = vector.multi_reduction <add>, %mul3A_3438, %reduce_sum3A_3439 [0] : vector<64x64xf32> to vector<64xf32>
    %broadcast_in_dim3A_3441 = vector.shape_cast %reduce_sum3A_3440 : vector<64xf32> to vector<1x64xf32>
    %add3A_3442 = arith.addf %broadcast_in_dim3A_3435, %broadcast_in_dim3A_3441 : vector<1x64xf32>
    %swap3A_3443 = arith.constant 53 : index
    %swap3A_3444 = arith.constant 0 : index
    %swap3A_3445 = vector.load %arg11[%swap3A_3443, %swap3A_3444] : memref<64x64xf32, #tpu.memory_space<vmem>>, vector<1x64xf32>
    tpu.vector_store %arg11[%swap3A_3443, %swap3A_3444], %add3A_3442 {strides = array<i32>} : memref<64x64xf32, #tpu.memory_space<vmem>>, vector<1x64xf32>,
    %slice3A_3446 = vector.extract_strided_slice %div3A_2313 {offsets = [0, 54], sizes = [64, 1], strides = [1, 1]} : vector<128x64xf32> to vector<64x1xf32>
    %slice3A_3447 = vector.extract_strided_slice %div3A_2313 {offsets = [64, 54], sizes = [64, 1], strides = [1, 1]} : vector<128x64xf32> to vector<64x1xf32>
    %get3A_3448 = arith.constant 3456 : index
    %get3A_3449 = arith.constant 0 : index
    %get3A_3450 = vector.load %arg5[%get3A_3448, %get3A_3449] : memref<4096x128xf32, #tpu.memory_space<vmem>>, vector<64x128xf32>
    %slice3A_3451 = vector.extract_strided_slice %get3A_3450 {offsets = [0, 0], sizes = [64, 64], strides = [1, 1]} : vector<64x128xf32> to vector<64x64xf32>
    %mul3A_3452 = vector.broadcast %slice3A_3446 : vector<64x1xf32> to vector<64x64xf32>
    %mul3A_3453 = arith.mulf %mul3A_3452, %slice3A_3451 : vector<64x64xf32>
    %reduce_sum3A_3454 = arith.constant dense<0.000000e+00> : vector<64xf32>
    %reduce_sum3A_3455 = vector.multi_reduction <add>, %mul3A_3453, %reduce_sum3A_3454 [0] : vector<64x64xf32> to vector<64xf32>
    %broadcast_in_dim3A_3456 = vector.shape_cast %reduce_sum3A_3455 : vector<64xf32> to vector<1x64xf32>
    %slice3A_3457 = vector.extract_strided_slice %get3A_3450 {offsets = [0, 64], sizes = [64, 64], strides = [1, 1]} : vector<64x128xf32> to vector<64x64xf32>
    %mul3A_3458 = vector.broadcast %slice3A_3447 : vector<64x1xf32> to vector<64x64xf32>
    %mul3A_3459 = arith.mulf %mul3A_3458, %slice3A_3457 : vector<64x64xf32>
    %reduce_sum3A_3460 = arith.constant dense<0.000000e+00> : vector<64xf32>
    %reduce_sum3A_3461 = vector.multi_reduction <add>, %mul3A_3459, %reduce_sum3A_3460 [0] : vector<64x64xf32> to vector<64xf32>
    %broadcast_in_dim3A_3462 = vector.shape_cast %reduce_sum3A_3461 : vector<64xf32> to vector<1x64xf32>
    %add3A_3463 = arith.addf %broadcast_in_dim3A_3456, %broadcast_in_dim3A_3462 : vector<1x64xf32>
    %swap3A_3464 = arith.constant 54 : index
    %swap3A_3465 = arith.constant 0 : index
    %swap3A_3466 = vector.load %arg11[%swap3A_3464, %swap3A_3465] : memref<64x64xf32, #tpu.memory_space<vmem>>, vector<1x64xf32>
    tpu.vector_store %arg11[%swap3A_3464, %swap3A_3465], %add3A_3463 {strides = array<i32>} : memref<64x64xf32, #tpu.memory_space<vmem>>, vector<1x64xf32>,
    %slice3A_3467 = vector.extract_strided_slice %div3A_2313 {offsets = [0, 55], sizes = [64, 1], strides = [1, 1]} : vector<128x64xf32> to vector<64x1xf32>
    %slice3A_3468 = vector.extract_strided_slice %div3A_2313 {offsets = [64, 55], sizes = [64, 1], strides = [1, 1]} : vector<128x64xf32> to vector<64x1xf32>
    %get3A_3469 = arith.constant 3520 : index
    %get3A_3470 = arith.constant 0 : index
    %get3A_3471 = vector.load %arg5[%get3A_3469, %get3A_3470] : memref<4096x128xf32, #tpu.memory_space<vmem>>, vector<64x128xf32>
    %slice3A_3472 = vector.extract_strided_slice %get3A_3471 {offsets = [0, 0], sizes = [64, 64], strides = [1, 1]} : vector<64x128xf32> to vector<64x64xf32>
    %mul3A_3473 = vector.broadcast %slice3A_3467 : vector<64x1xf32> to vector<64x64xf32>
    %mul3A_3474 = arith.mulf %mul3A_3473, %slice3A_3472 : vector<64x64xf32>
    %reduce_sum3A_3475 = arith.constant dense<0.000000e+00> : vector<64xf32>
    %reduce_sum3A_3476 = vector.multi_reduction <add>, %mul3A_3474, %reduce_sum3A_3475 [0] : vector<64x64xf32> to vector<64xf32>
    %broadcast_in_dim3A_3477 = vector.shape_cast %reduce_sum3A_3476 : vector<64xf32> to vector<1x64xf32>
    %slice3A_3478 = vector.extract_strided_slice %get3A_3471 {offsets = [0, 64], sizes = [64, 64], strides = [1, 1]} : vector<64x128xf32> to vector<64x64xf32>
    %mul3A_3479 = vector.broadcast %slice3A_3468 : vector<64x1xf32> to vector<64x64xf32>
    %mul3A_3480 = arith.mulf %mul3A_3479, %slice3A_3478 : vector<64x64xf32>
    %reduce_sum3A_3481 = arith.constant dense<0.000000e+00> : vector<64xf32>
    %reduce_sum3A_3482 = vector.multi_reduction <add>, %mul3A_3480, %reduce_sum3A_3481 [0] : vector<64x64xf32> to vector<64xf32>
    %broadcast_in_dim3A_3483 = vector.shape_cast %reduce_sum3A_3482 : vector<64xf32> to vector<1x64xf32>
    %add3A_3484 = arith.addf %broadcast_in_dim3A_3477, %broadcast_in_dim3A_3483 : vector<1x64xf32>
    %swap3A_3485 = arith.constant 55 : index
    %swap3A_3486 = arith.constant 0 : index
    %swap3A_3487 = vector.load %arg11[%swap3A_3485, %swap3A_3486] : memref<64x64xf32, #tpu.memory_space<vmem>>, vector<1x64xf32>
    tpu.vector_store %arg11[%swap3A_3485, %swap3A_3486], %add3A_3484 {strides = array<i32>} : memref<64x64xf32, #tpu.memory_space<vmem>>, vector<1x64xf32>,
    %slice3A_3488 = vector.extract_strided_slice %div3A_2313 {offsets = [0, 56], sizes = [64, 1], strides = [1, 1]} : vector<128x64xf32> to vector<64x1xf32>
    %slice3A_3489 = vector.extract_strided_slice %div3A_2313 {offsets = [64, 56], sizes = [64, 1], strides = [1, 1]} : vector<128x64xf32> to vector<64x1xf32>
    %get3A_3490 = arith.constant 3584 : index
    %get3A_3491 = arith.constant 0 : index
    %get3A_3492 = vector.load %arg5[%get3A_3490, %get3A_3491] : memref<4096x128xf32, #tpu.memory_space<vmem>>, vector<64x128xf32>
    %slice3A_3493 = vector.extract_strided_slice %get3A_3492 {offsets = [0, 0], sizes = [64, 64], strides = [1, 1]} : vector<64x128xf32> to vector<64x64xf32>
    %mul3A_3494 = vector.broadcast %slice3A_3488 : vector<64x1xf32> to vector<64x64xf32>
    %mul3A_3495 = arith.mulf %mul3A_3494, %slice3A_3493 : vector<64x64xf32>
    %reduce_sum3A_3496 = arith.constant dense<0.000000e+00> : vector<64xf32>
    %reduce_sum3A_3497 = vector.multi_reduction <add>, %mul3A_3495, %reduce_sum3A_3496 [0] : vector<64x64xf32> to vector<64xf32>
    %broadcast_in_dim3A_3498 = vector.shape_cast %reduce_sum3A_3497 : vector<64xf32> to vector<1x64xf32>
    %slice3A_3499 = vector.extract_strided_slice %get3A_3492 {offsets = [0, 64], sizes = [64, 64], strides = [1, 1]} : vector<64x128xf32> to vector<64x64xf32>
    %mul3A_3500 = vector.broadcast %slice3A_3489 : vector<64x1xf32> to vector<64x64xf32>
    %mul3A_3501 = arith.mulf %mul3A_3500, %slice3A_3499 : vector<64x64xf32>
    %reduce_sum3A_3502 = arith.constant dense<0.000000e+00> : vector<64xf32>
    %reduce_sum3A_3503 = vector.multi_reduction <add>, %mul3A_3501, %reduce_sum3A_3502 [0] : vector<64x64xf32> to vector<64xf32>
    %broadcast_in_dim3A_3504 = vector.shape_cast %reduce_sum3A_3503 : vector<64xf32> to vector<1x64xf32>
    %add3A_3505 = arith.addf %broadcast_in_dim3A_3498, %broadcast_in_dim3A_3504 : vector<1x64xf32>
    %swap3A_3506 = arith.constant 56 : index
    %swap3A_3507 = arith.constant 0 : index
    %swap3A_3508 = vector.load %arg11[%swap3A_3506, %swap3A_3507] : memref<64x64xf32, #tpu.memory_space<vmem>>, vector<1x64xf32>
    tpu.vector_store %arg11[%swap3A_3506, %swap3A_3507], %add3A_3505 {strides = array<i32>} : memref<64x64xf32, #tpu.memory_space<vmem>>, vector<1x64xf32>,
    %slice3A_3509 = vector.extract_strided_slice %div3A_2313 {offsets = [0, 57], sizes = [64, 1], strides = [1, 1]} : vector<128x64xf32> to vector<64x1xf32>
    %slice3A_3510 = vector.extract_strided_slice %div3A_2313 {offsets = [64, 57], sizes = [64, 1], strides = [1, 1]} : vector<128x64xf32> to vector<64x1xf32>
    %get3A_3511 = arith.constant 3648 : index
    %get3A_3512 = arith.constant 0 : index
    %get3A_3513 = vector.load %arg5[%get3A_3511, %get3A_3512] : memref<4096x128xf32, #tpu.memory_space<vmem>>, vector<64x128xf32>
    %slice3A_3514 = vector.extract_strided_slice %get3A_3513 {offsets = [0, 0], sizes = [64, 64], strides = [1, 1]} : vector<64x128xf32> to vector<64x64xf32>
    %mul3A_3515 = vector.broadcast %slice3A_3509 : vector<64x1xf32> to vector<64x64xf32>
    %mul3A_3516 = arith.mulf %mul3A_3515, %slice3A_3514 : vector<64x64xf32>
    %reduce_sum3A_3517 = arith.constant dense<0.000000e+00> : vector<64xf32>
    %reduce_sum3A_3518 = vector.multi_reduction <add>, %mul3A_3516, %reduce_sum3A_3517 [0] : vector<64x64xf32> to vector<64xf32>
    %broadcast_in_dim3A_3519 = vector.shape_cast %reduce_sum3A_3518 : vector<64xf32> to vector<1x64xf32>
    %slice3A_3520 = vector.extract_strided_slice %get3A_3513 {offsets = [0, 64], sizes = [64, 64], strides = [1, 1]} : vector<64x128xf32> to vector<64x64xf32>
    %mul3A_3521 = vector.broadcast %slice3A_3510 : vector<64x1xf32> to vector<64x64xf32>
    %mul3A_3522 = arith.mulf %mul3A_3521, %slice3A_3520 : vector<64x64xf32>
    %reduce_sum3A_3523 = arith.constant dense<0.000000e+00> : vector<64xf32>
    %reduce_sum3A_3524 = vector.multi_reduction <add>, %mul3A_3522, %reduce_sum3A_3523 [0] : vector<64x64xf32> to vector<64xf32>
    %broadcast_in_dim3A_3525 = vector.shape_cast %reduce_sum3A_3524 : vector<64xf32> to vector<1x64xf32>
    %add3A_3526 = arith.addf %broadcast_in_dim3A_3519, %broadcast_in_dim3A_3525 : vector<1x64xf32>
    %swap3A_3527 = arith.constant 57 : index
    %swap3A_3528 = arith.constant 0 : index
    %swap3A_3529 = vector.load %arg11[%swap3A_3527, %swap3A_3528] : memref<64x64xf32, #tpu.memory_space<vmem>>, vector<1x64xf32>
    tpu.vector_store %arg11[%swap3A_3527, %swap3A_3528], %add3A_3526 {strides = array<i32>} : memref<64x64xf32, #tpu.memory_space<vmem>>, vector<1x64xf32>,
    %slice3A_3530 = vector.extract_strided_slice %div3A_2313 {offsets = [0, 58], sizes = [64, 1], strides = [1, 1]} : vector<128x64xf32> to vector<64x1xf32>
    %slice3A_3531 = vector.extract_strided_slice %div3A_2313 {offsets = [64, 58], sizes = [64, 1], strides = [1, 1]} : vector<128x64xf32> to vector<64x1xf32>
    %get3A_3532 = arith.constant 3712 : index
    %get3A_3533 = arith.constant 0 : index
    %get3A_3534 = vector.load %arg5[%get3A_3532, %get3A_3533] : memref<4096x128xf32, #tpu.memory_space<vmem>>, vector<64x128xf32>
    %slice3A_3535 = vector.extract_strided_slice %get3A_3534 {offsets = [0, 0], sizes = [64, 64], strides = [1, 1]} : vector<64x128xf32> to vector<64x64xf32>
    %mul3A_3536 = vector.broadcast %slice3A_3530 : vector<64x1xf32> to vector<64x64xf32>
    %mul3A_3537 = arith.mulf %mul3A_3536, %slice3A_3535 : vector<64x64xf32>
    %reduce_sum3A_3538 = arith.constant dense<0.000000e+00> : vector<64xf32>
    %reduce_sum3A_3539 = vector.multi_reduction <add>, %mul3A_3537, %reduce_sum3A_3538 [0] : vector<64x64xf32> to vector<64xf32>
    %broadcast_in_dim3A_3540 = vector.shape_cast %reduce_sum3A_3539 : vector<64xf32> to vector<1x64xf32>
    %slice3A_3541 = vector.extract_strided_slice %get3A_3534 {offsets = [0, 64], sizes = [64, 64], strides = [1, 1]} : vector<64x128xf32> to vector<64x64xf32>
    %mul3A_3542 = vector.broadcast %slice3A_3531 : vector<64x1xf32> to vector<64x64xf32>
    %mul3A_3543 = arith.mulf %mul3A_3542, %slice3A_3541 : vector<64x64xf32>
    %reduce_sum3A_3544 = arith.constant dense<0.000000e+00> : vector<64xf32>
    %reduce_sum3A_3545 = vector.multi_reduction <add>, %mul3A_3543, %reduce_sum3A_3544 [0] : vector<64x64xf32> to vector<64xf32>
    %broadcast_in_dim3A_3546 = vector.shape_cast %reduce_sum3A_3545 : vector<64xf32> to vector<1x64xf32>
    %add3A_3547 = arith.addf %broadcast_in_dim3A_3540, %broadcast_in_dim3A_3546 : vector<1x64xf32>
    %swap3A_3548 = arith.constant 58 : index
    %swap3A_3549 = arith.constant 0 : index
    %swap3A_3550 = vector.load %arg11[%swap3A_3548, %swap3A_3549] : memref<64x64xf32, #tpu.memory_space<vmem>>, vector<1x64xf32>
    tpu.vector_store %arg11[%swap3A_3548, %swap3A_3549], %add3A_3547 {strides = array<i32>} : memref<64x64xf32, #tpu.memory_space<vmem>>, vector<1x64xf32>,
    %slice3A_3551 = vector.extract_strided_slice %div3A_2313 {offsets = [0, 59], sizes = [64, 1], strides = [1, 1]} : vector<128x64xf32> to vector<64x1xf32>
    %slice3A_3552 = vector.extract_strided_slice %div3A_2313 {offsets = [64, 59], sizes = [64, 1], strides = [1, 1]} : vector<128x64xf32> to vector<64x1xf32>
    %get3A_3553 = arith.constant 3776 : index
    %get3A_3554 = arith.constant 0 : index
    %get3A_3555 = vector.load %arg5[%get3A_3553, %get3A_3554] : memref<4096x128xf32, #tpu.memory_space<vmem>>, vector<64x128xf32>
    %slice3A_3556 = vector.extract_strided_slice %get3A_3555 {offsets = [0, 0], sizes = [64, 64], strides = [1, 1]} : vector<64x128xf32> to vector<64x64xf32>
    %mul3A_3557 = vector.broadcast %slice3A_3551 : vector<64x1xf32> to vector<64x64xf32>
    %mul3A_3558 = arith.mulf %mul3A_3557, %slice3A_3556 : vector<64x64xf32>
    %reduce_sum3A_3559 = arith.constant dense<0.000000e+00> : vector<64xf32>
    %reduce_sum3A_3560 = vector.multi_reduction <add>, %mul3A_3558, %reduce_sum3A_3559 [0] : vector<64x64xf32> to vector<64xf32>
    %broadcast_in_dim3A_3561 = vector.shape_cast %reduce_sum3A_3560 : vector<64xf32> to vector<1x64xf32>
    %slice3A_3562 = vector.extract_strided_slice %get3A_3555 {offsets = [0, 64], sizes = [64, 64], strides = [1, 1]} : vector<64x128xf32> to vector<64x64xf32>
    %mul3A_3563 = vector.broadcast %slice3A_3552 : vector<64x1xf32> to vector<64x64xf32>
    %mul3A_3564 = arith.mulf %mul3A_3563, %slice3A_3562 : vector<64x64xf32>
    %reduce_sum3A_3565 = arith.constant dense<0.000000e+00> : vector<64xf32>
    %reduce_sum3A_3566 = vector.multi_reduction <add>, %mul3A_3564, %reduce_sum3A_3565 [0] : vector<64x64xf32> to vector<64xf32>
    %broadcast_in_dim3A_3567 = vector.shape_cast %reduce_sum3A_3566 : vector<64xf32> to vector<1x64xf32>
    %add3A_3568 = arith.addf %broadcast_in_dim3A_3561, %broadcast_in_dim3A_3567 : vector<1x64xf32>
    %swap3A_3569 = arith.constant 59 : index
    %swap3A_3570 = arith.constant 0 : index
    %swap3A_3571 = vector.load %arg11[%swap3A_3569, %swap3A_3570] : memref<64x64xf32, #tpu.memory_space<vmem>>, vector<1x64xf32>
    tpu.vector_store %arg11[%swap3A_3569, %swap3A_3570], %add3A_3568 {strides = array<i32>} : memref<64x64xf32, #tpu.memory_space<vmem>>, vector<1x64xf32>,
    %slice3A_3572 = vector.extract_strided_slice %div3A_2313 {offsets = [0, 60], sizes = [64, 1], strides = [1, 1]} : vector<128x64xf32> to vector<64x1xf32>
    %slice3A_3573 = vector.extract_strided_slice %div3A_2313 {offsets = [64, 60], sizes = [64, 1], strides = [1, 1]} : vector<128x64xf32> to vector<64x1xf32>
    %get3A_3574 = arith.constant 3840 : index
    %get3A_3575 = arith.constant 0 : index
    %get3A_3576 = vector.load %arg5[%get3A_3574, %get3A_3575] : memref<4096x128xf32, #tpu.memory_space<vmem>>, vector<64x128xf32>
    %slice3A_3577 = vector.extract_strided_slice %get3A_3576 {offsets = [0, 0], sizes = [64, 64], strides = [1, 1]} : vector<64x128xf32> to vector<64x64xf32>
    %mul3A_3578 = vector.broadcast %slice3A_3572 : vector<64x1xf32> to vector<64x64xf32>
    %mul3A_3579 = arith.mulf %mul3A_3578, %slice3A_3577 : vector<64x64xf32>
    %reduce_sum3A_3580 = arith.constant dense<0.000000e+00> : vector<64xf32>
    %reduce_sum3A_3581 = vector.multi_reduction <add>, %mul3A_3579, %reduce_sum3A_3580 [0] : vector<64x64xf32> to vector<64xf32>
    %broadcast_in_dim3A_3582 = vector.shape_cast %reduce_sum3A_3581 : vector<64xf32> to vector<1x64xf32>
    %slice3A_3583 = vector.extract_strided_slice %get3A_3576 {offsets = [0, 64], sizes = [64, 64], strides = [1, 1]} : vector<64x128xf32> to vector<64x64xf32>
    %mul3A_3584 = vector.broadcast %slice3A_3573 : vector<64x1xf32> to vector<64x64xf32>
    %mul3A_3585 = arith.mulf %mul3A_3584, %slice3A_3583 : vector<64x64xf32>
    %reduce_sum3A_3586 = arith.constant dense<0.000000e+00> : vector<64xf32>
    %reduce_sum3A_3587 = vector.multi_reduction <add>, %mul3A_3585, %reduce_sum3A_3586 [0] : vector<64x64xf32> to vector<64xf32>
    %broadcast_in_dim3A_3588 = vector.shape_cast %reduce_sum3A_3587 : vector<64xf32> to vector<1x64xf32>
    %add3A_3589 = arith.addf %broadcast_in_dim3A_3582, %broadcast_in_dim3A_3588 : vector<1x64xf32>
    %swap3A_3590 = arith.constant 60 : index
    %swap3A_3591 = arith.constant 0 : index
    %swap3A_3592 = vector.load %arg11[%swap3A_3590, %swap3A_3591] : memref<64x64xf32, #tpu.memory_space<vmem>>, vector<1x64xf32>
    tpu.vector_store %arg11[%swap3A_3590, %swap3A_3591], %add3A_3589 {strides = array<i32>} : memref<64x64xf32, #tpu.memory_space<vmem>>, vector<1x64xf32>,
    %slice3A_3593 = vector.extract_strided_slice %div3A_2313 {offsets = [0, 61], sizes = [64, 1], strides = [1, 1]} : vector<128x64xf32> to vector<64x1xf32>
    %slice3A_3594 = vector.extract_strided_slice %div3A_2313 {offsets = [64, 61], sizes = [64, 1], strides = [1, 1]} : vector<128x64xf32> to vector<64x1xf32>
    %get3A_3595 = arith.constant 3904 : index
    %get3A_3596 = arith.constant 0 : index
    %get3A_3597 = vector.load %arg5[%get3A_3595, %get3A_3596] : memref<4096x128xf32, #tpu.memory_space<vmem>>, vector<64x128xf32>
    %slice3A_3598 = vector.extract_strided_slice %get3A_3597 {offsets = [0, 0], sizes = [64, 64], strides = [1, 1]} : vector<64x128xf32> to vector<64x64xf32>
    %mul3A_3599 = vector.broadcast %slice3A_3593 : vector<64x1xf32> to vector<64x64xf32>
    %mul3A_3600 = arith.mulf %mul3A_3599, %slice3A_3598 : vector<64x64xf32>
    %reduce_sum3A_3601 = arith.constant dense<0.000000e+00> : vector<64xf32>
    %reduce_sum3A_3602 = vector.multi_reduction <add>, %mul3A_3600, %reduce_sum3A_3601 [0] : vector<64x64xf32> to vector<64xf32>
    %broadcast_in_dim3A_3603 = vector.shape_cast %reduce_sum3A_3602 : vector<64xf32> to vector<1x64xf32>
    %slice3A_3604 = vector.extract_strided_slice %get3A_3597 {offsets = [0, 64], sizes = [64, 64], strides = [1, 1]} : vector<64x128xf32> to vector<64x64xf32>
    %mul3A_3605 = vector.broadcast %slice3A_3594 : vector<64x1xf32> to vector<64x64xf32>
    %mul3A_3606 = arith.mulf %mul3A_3605, %slice3A_3604 : vector<64x64xf32>
    %reduce_sum3A_3607 = arith.constant dense<0.000000e+00> : vector<64xf32>
    %reduce_sum3A_3608 = vector.multi_reduction <add>, %mul3A_3606, %reduce_sum3A_3607 [0] : vector<64x64xf32> to vector<64xf32>
    %broadcast_in_dim3A_3609 = vector.shape_cast %reduce_sum3A_3608 : vector<64xf32> to vector<1x64xf32>
    %add3A_3610 = arith.addf %broadcast_in_dim3A_3603, %broadcast_in_dim3A_3609 : vector<1x64xf32>
    %swap3A_3611 = arith.constant 61 : index
    %swap3A_3612 = arith.constant 0 : index
    %swap3A_3613 = vector.load %arg11[%swap3A_3611, %swap3A_3612] : memref<64x64xf32, #tpu.memory_space<vmem>>, vector<1x64xf32>
    tpu.vector_store %arg11[%swap3A_3611, %swap3A_3612], %add3A_3610 {strides = array<i32>} : memref<64x64xf32, #tpu.memory_space<vmem>>, vector<1x64xf32>,
    %slice3A_3614 = vector.extract_strided_slice %div3A_2313 {offsets = [0, 62], sizes = [64, 1], strides = [1, 1]} : vector<128x64xf32> to vector<64x1xf32>
    %slice3A_3615 = vector.extract_strided_slice %div3A_2313 {offsets = [64, 62], sizes = [64, 1], strides = [1, 1]} : vector<128x64xf32> to vector<64x1xf32>
    %get3A_3616 = arith.constant 3968 : index
    %get3A_3617 = arith.constant 0 : index
    %get3A_3618 = vector.load %arg5[%get3A_3616, %get3A_3617] : memref<4096x128xf32, #tpu.memory_space<vmem>>, vector<64x128xf32>
    %slice3A_3619 = vector.extract_strided_slice %get3A_3618 {offsets = [0, 0], sizes = [64, 64], strides = [1, 1]} : vector<64x128xf32> to vector<64x64xf32>
    %mul3A_3620 = vector.broadcast %slice3A_3614 : vector<64x1xf32> to vector<64x64xf32>
    %mul3A_3621 = arith.mulf %mul3A_3620, %slice3A_3619 : vector<64x64xf32>
    %reduce_sum3A_3622 = arith.constant dense<0.000000e+00> : vector<64xf32>
    %reduce_sum3A_3623 = vector.multi_reduction <add>, %mul3A_3621, %reduce_sum3A_3622 [0] : vector<64x64xf32> to vector<64xf32>
    %broadcast_in_dim3A_3624 = vector.shape_cast %reduce_sum3A_3623 : vector<64xf32> to vector<1x64xf32>
    %slice3A_3625 = vector.extract_strided_slice %get3A_3618 {offsets = [0, 64], sizes = [64, 64], strides = [1, 1]} : vector<64x128xf32> to vector<64x64xf32>
    %mul3A_3626 = vector.broadcast %slice3A_3615 : vector<64x1xf32> to vector<64x64xf32>
    %mul3A_3627 = arith.mulf %mul3A_3626, %slice3A_3625 : vector<64x64xf32>
    %reduce_sum3A_3628 = arith.constant dense<0.000000e+00> : vector<64xf32>
    %reduce_sum3A_3629 = vector.multi_reduction <add>, %mul3A_3627, %reduce_sum3A_3628 [0] : vector<64x64xf32> to vector<64xf32>
    %broadcast_in_dim3A_3630 = vector.shape_cast %reduce_sum3A_3629 : vector<64xf32> to vector<1x64xf32>
    %add3A_3631 = arith.addf %broadcast_in_dim3A_3624, %broadcast_in_dim3A_3630 : vector<1x64xf32>
    %swap3A_3632 = arith.constant 62 : index
    %swap3A_3633 = arith.constant 0 : index
    %swap3A_3634 = vector.load %arg11[%swap3A_3632, %swap3A_3633] : memref<64x64xf32, #tpu.memory_space<vmem>>, vector<1x64xf32>
    tpu.vector_store %arg11[%swap3A_3632, %swap3A_3633], %add3A_3631 {strides = array<i32>} : memref<64x64xf32, #tpu.memory_space<vmem>>, vector<1x64xf32>,
    %slice3A_3635 = vector.extract_strided_slice %div3A_2313 {offsets = [0, 63], sizes = [64, 1], strides = [1, 1]} : vector<128x64xf32> to vector<64x1xf32>
    %slice3A_3636 = vector.extract_strided_slice %div3A_2313 {offsets = [64, 63], sizes = [64, 1], strides = [1, 1]} : vector<128x64xf32> to vector<64x1xf32>
    %get3A_3637 = arith.constant 4032 : index
    %get3A_3638 = arith.constant 0 : index
    %get3A_3639 = vector.load %arg5[%get3A_3637, %get3A_3638] : memref<4096x128xf32, #tpu.memory_space<vmem>>, vector<64x128xf32>
    %slice3A_3640 = vector.extract_strided_slice %get3A_3639 {offsets = [0, 0], sizes = [64, 64], strides = [1, 1]} : vector<64x128xf32> to vector<64x64xf32>
    %mul3A_3641 = vector.broadcast %slice3A_3635 : vector<64x1xf32> to vector<64x64xf32>
    %mul3A_3642 = arith.mulf %mul3A_3641, %slice3A_3640 : vector<64x64xf32>
    %reduce_sum3A_3643 = arith.constant dense<0.000000e+00> : vector<64xf32>
    %reduce_sum3A_3644 = vector.multi_reduction <add>, %mul3A_3642, %reduce_sum3A_3643 [0] : vector<64x64xf32> to vector<64xf32>
    %broadcast_in_dim3A_3645 = vector.shape_cast %reduce_sum3A_3644 : vector<64xf32> to vector<1x64xf32>
    %slice3A_3646 = vector.extract_strided_slice %get3A_3639 {offsets = [0, 64], sizes = [64, 64], strides = [1, 1]} : vector<64x128xf32> to vector<64x64xf32>
    %mul3A_3647 = vector.broadcast %slice3A_3636 : vector<64x1xf32> to vector<64x64xf32>
    %mul3A_3648 = arith.mulf %mul3A_3647, %slice3A_3646 : vector<64x64xf32>
    %reduce_sum3A_3649 = arith.constant dense<0.000000e+00> : vector<64xf32>
    %reduce_sum3A_3650 = vector.multi_reduction <add>, %mul3A_3648, %reduce_sum3A_3649 [0] : vector<64x64xf32> to vector<64xf32>
    %broadcast_in_dim3A_3651 = vector.shape_cast %reduce_sum3A_3650 : vector<64xf32> to vector<1x64xf32>
    %add3A_3652 = arith.addf %broadcast_in_dim3A_3645, %broadcast_in_dim3A_3651 : vector<1x64xf32>
    %swap3A_3653 = arith.constant 63 : index
    %swap3A_3654 = arith.constant 0 : index
    %swap3A_3655 = vector.load %arg11[%swap3A_3653, %swap3A_3654] : memref<64x64xf32, #tpu.memory_space<vmem>>, vector<1x64xf32>
    tpu.vector_store %arg11[%swap3A_3653, %swap3A_3654], %add3A_3652 {strides = array<i32>} : memref<64x64xf32, #tpu.memory_space<vmem>>, vector<1x64xf32>,
    %get3A_3656 = arith.constant 0 : index
    %get3A_3657 = arith.constant 0 : index
    %get3A_3658 = vector.load %arg11[%get3A_3656, %get3A_3657] : memref<64x64xf32, #tpu.memory_space<vmem>>, vector<64x64xf32>
    %get3A_3659 = arith.constant 0 : index
    %get3A_3660 = arith.constant 0 : index
    %get3A_3661 = vector.load %arg9[%get3A_3659, %get3A_3660] : memref<128x64xf32, #tpu.memory_space<vmem>>, vector<64x64xf32>
    %dot_general3A_3662 = arith.constant dense<0.000000e+00> : vector<64x64xf32>
    %dot_general3A_3663 = tpu.matmul %get3A_3658, %get3A_3661, %dot_general3A_3662 {dimension_numbers = #tpu.dot_dimension_numbers<[1], [0], [0], [1], [0, 0, 1, 1], [], []>, transpose_lhs_hint = false} : vector<64x64xf32>, vector<64x64xf32>, vector<64x64xf32> -> vector<64x64xf32>
    %get3A_3664 = arith.constant 0 : index
    %get3A_3665 = arith.constant 0 : index
    %get3A_3666 = vector.load %arg1[%get3A_3664, %get3A_3665] : memref<64x64xf32, #tpu.memory_space<vmem>>, vector<64x64xf32>
    %get3A_3667 = arith.constant 64 : index
    %get3A_3668 = arith.constant 0 : index
    %get3A_3669 = vector.load %arg9[%get3A_3667, %get3A_3668] : memref<128x64xf32, #tpu.memory_space<vmem>>, vector<64x64xf32>
    %dot_general3A_3670 = arith.constant dense<0.000000e+00> : vector<64x64xf32>
    %dot_general3A_3671 = tpu.matmul %get3A_3666, %get3A_3669, %dot_general3A_3670 {dimension_numbers = #tpu.dot_dimension_numbers<[1], [0], [0], [1], [0, 0, 1, 1], [], []>, transpose_lhs_hint = false} : vector<64x64xf32>, vector<64x64xf32>, vector<64x64xf32> -> vector<64x64xf32>
    %add3A_3672 = arith.addf %dot_general3A_3663, %dot_general3A_3671 : vector<64x64xf32>
    %get3A_3673 = arith.constant 0 : index
    %get3A_3674 = arith.constant 0 : index
    %get3A_3675 = vector.load %arg10[%get3A_3673, %get3A_3674] : memref<1x64xf32, #tpu.memory_space<vmem>>, vector<1x64xf32>
    %add3A_3676 = vector.broadcast %get3A_3675 : vector<1x64xf32> to vector<64x64xf32>
    %add3A_3677 = arith.addf %add3A_3672, %add3A_3676 : vector<64x64xf32>
    %max3A_3678 = arith.constant 0.000000e+00 : f32
    %max3A_3679 = vector.broadcast %max3A_3678 : f32 to vector<64x64xf32>
    %max3A_3680 = arith.maximumf %add3A_3677, %max3A_3679 : vector<64x64xf32>
    %swap3A_3681 = arith.constant 0 : index
    %swap3A_3682 = arith.constant 0 : index
    %swap3A_3683 = vector.load %arg11[%swap3A_3681, %swap3A_3682] : memref<64x64xf32, #tpu.memory_space<vmem>>, vector<64x64xf32>
    tpu.vector_store %arg11[%swap3A_3681, %swap3A_3682], %max3A_3680 {strides = array<i32>} : memref<64x64xf32, #tpu.memory_space<vmem>>, vector<64x64xf32>,
    return
  }
  func.func @transform_0(%arg0: i32) -> (i32, i32) {
    %c0_i32 = arith.constant 0 : i32
    %c0_i32_0 = arith.constant 0 : i32
    return %arg0, %c0_i32 : i32, i32
  }
  func.func @transform_1(%arg0: i32) -> (i32, i32) {
    %c0_i32 = arith.constant 0 : i32
    %c0_i32_0 = arith.constant 0 : i32
    return %arg0, %c0_i32 : i32, i32
  }
  func.func @transform_2(%arg0: i32) -> (i32, i32, i32) {
    %c0_i32 = arith.constant 0 : i32
    %c0_i32_0 = arith.constant 0 : i32
    %c0_i32_1 = arith.constant 0 : i32
    return %arg0, %c0_i32, %c0_i32_0 : i32, i32, i32
  }
  func.func @transform_3(%arg0: i32) -> (i32, i32, i32) {
    %c0_i32 = arith.constant 0 : i32
    %c0_i32_0 = arith.constant 0 : i32
    %c0_i32_1 = arith.constant 0 : i32
    return %arg0, %c0_i32, %c0_i32_0 : i32, i32, i32
  }
  func.func @transform_4(%arg0: i32) -> (i32, i32) {
    %c0_i32 = arith.constant 0 : i32
    %c0_i32_0 = arith.constant 0 : i32
    return %arg0, %c0_i32 : i32, i32
  }
  func.func @transform_5(%arg0: i32) -> (i32, i32) {
    %c0_i32 = arith.constant 0 : i32
    %c0_i32_0 = arith.constant 0 : i32
    %c0_i32_1 = arith.constant 0 : i32
    return %c0_i32, %c0_i32_0 : i32, i32
  }
  func.func @transform_6(%arg0: i32) -> (i32, i32) {
    %c0_i32 = arith.constant 0 : i32
    %c0_i32_0 = arith.constant 0 : i32
    %c0_i32_1 = arith.constant 0 : i32
    return %c0_i32, %c0_i32_0 : i32, i32
  }
  func.func @transform_7(%arg0: i32) -> (i32, i32) {
    %c0_i32 = arith.constant 0 : i32
    %c0_i32_0 = arith.constant 0 : i32
    %c0_i32_1 = arith.constant 0 : i32
    return %c0_i32, %c0_i32_0 : i32, i32
  }
  func.func @transform_8(%arg0: i32) -> (i32, i32) {
    %c0_i32 = arith.constant 0 : i32
    %c0_i32_0 = arith.constant 0 : i32
    %c0_i32_1 = arith.constant 0 : i32
    return %c0_i32, %c0_i32_0 : i32, i32
  }
  func.func @transform_9(%arg0: i32) -> (i32, i32) {
    %c0_i32 = arith.constant 0 : i32
    %c0_i32_0 = arith.constant 0 : i32
    %c0_i32_1 = arith.constant 0 : i32
    return %c0_i32, %c0_i32_0 : i32, i32
  }
  func.func @transform_10(%arg0: i32) -> (i32, i32) {
    %c0_i32 = arith.constant 0 : i32
    %c0_i32_0 = arith.constant 0 : i32
    return %arg0, %c0_i32 : i32, i32
  }
}

module attributes {stable_mosaic.version = 14 : i64} {
  func.func @_bn_body(%arg0: memref<572x64xf32, #tpu.memory_space<vmem>>, %arg1: memref<1x64xf32, #tpu.memory_space<vmem>>, %arg2: memref<1x64xf32, #tpu.memory_space<vmem>>, %arg3: memref<572x64xf32, #tpu.memory_space<vmem>>) attributes {dimension_semantics = [], scalar_prefetch = 0 : i64, scratch_operands = 0 : i64, tpu.core_type = #tpu.core_type<tc>} {
    %get3A = arith.constant 0 : index
    %get3A_0 = arith.constant 0 : index
    %get3A_1 = vector.load %arg0[%get3A, %get3A_0] : memref<572x64xf32, #tpu.memory_space<vmem>>, vector<572x64xf32>
    %reduce_sum3A = arith.constant dense<0.000000e+00> : vector<64xf32>
    %reduce_sum3A_2 = vector.multi_reduction <add>, %get3A_1, %reduce_sum3A [0] : vector<572x64xf32> to vector<64xf32>
    %broadcast_in_dim3A = vector.shape_cast %reduce_sum3A_2 : vector<64xf32> to vector<1x64xf32>
    %div3A = arith.constant 5.720000e+02 : f32
    %div3A_3 = vector.broadcast %div3A : f32 to vector<1x64xf32>
    %div3A_4 = arith.divf %broadcast_in_dim3A, %div3A_3 : vector<1x64xf32>
    %sub3A = vector.broadcast %div3A_4 : vector<1x64xf32> to vector<572x64xf32>
    %sub3A_5 = arith.subf %get3A_1, %sub3A : vector<572x64xf32>
    %integer_pow3A = arith.mulf %sub3A_5, %sub3A_5 : vector<572x64xf32>
    %reduce_sum3A_6 = arith.constant dense<0.000000e+00> : vector<64xf32>
    %reduce_sum3A_7 = vector.multi_reduction <add>, %integer_pow3A, %reduce_sum3A_6 [0] : vector<572x64xf32> to vector<64xf32>
    %broadcast_in_dim3A_8 = vector.shape_cast %reduce_sum3A_7 : vector<64xf32> to vector<1x64xf32>
    %div3A_9 = arith.constant 5.720000e+02 : f32
    %div3A_10 = vector.broadcast %div3A_9 : f32 to vector<1x64xf32>
    %div3A_11 = arith.divf %broadcast_in_dim3A_8, %div3A_10 : vector<1x64xf32>
    %sub3A_12 = vector.broadcast %div3A_4 : vector<1x64xf32> to vector<572x64xf32>
    %sub3A_13 = arith.subf %get3A_1, %sub3A_12 : vector<572x64xf32>
    %add3A = arith.constant 9.99999974E-6 : f32
    %add3A_14 = vector.broadcast %add3A : f32 to vector<1x64xf32>
    %add3A_15 = arith.addf %div3A_11, %add3A_14 : vector<1x64xf32>
    %rsqrt3A = math.rsqrt %add3A_15 : vector<1x64xf32>
    %mul3A = vector.broadcast %rsqrt3A : vector<1x64xf32> to vector<572x64xf32>
    %mul3A_16 = arith.mulf %sub3A_13, %mul3A : vector<572x64xf32>
    %get3A_17 = arith.constant 0 : index
    %get3A_18 = arith.constant 0 : index
    %get3A_19 = vector.load %arg1[%get3A_17, %get3A_18] : memref<1x64xf32, #tpu.memory_space<vmem>>, vector<1x64xf32>
    %mul3A_20 = vector.broadcast %get3A_19 : vector<1x64xf32> to vector<572x64xf32>
    %mul3A_21 = arith.mulf %mul3A_16, %mul3A_20 : vector<572x64xf32>
    %get3A_22 = arith.constant 0 : index
    %get3A_23 = arith.constant 0 : index
    %get3A_24 = vector.load %arg2[%get3A_22, %get3A_23] : memref<1x64xf32, #tpu.memory_space<vmem>>, vector<1x64xf32>
    %add3A_25 = vector.broadcast %get3A_24 : vector<1x64xf32> to vector<572x64xf32>
    %add3A_26 = arith.addf %mul3A_21, %add3A_25 : vector<572x64xf32>
    %swap3A = arith.constant 0 : index
    %swap3A_27 = arith.constant 0 : index
    %swap3A_28 = vector.load %arg3[%swap3A, %swap3A_27] : memref<572x64xf32, #tpu.memory_space<vmem>>, vector<572x64xf32>
    tpu.vector_store %arg3[%swap3A, %swap3A_27], %add3A_26 {strides = array<i32>} : memref<572x64xf32, #tpu.memory_space<vmem>>, vector<572x64xf32>,
    return
  }
}

</mosaic_0001>

<sc_bundles>
// kernel: kernel.5.cloned.1.call-start
scs
__scs_entry_jumppad:
0x0: {  	(pc) =	sbr.rel $0x88, $3  }
0x1: {  	(tag) =	ssettag $0x0;
	lr =	simm.s32 $0x1  }
0x2: {  	[smem:$0x3F8F] =	sst lr;
	_ =	strace $0xD0000000  }
0x3: {  	_ = 	snop  }
0x4: {  	_ = 	snop  }
0x5: {  	_ = 	snop  }
0x6: {  	_ = 	snop  }
0x7: {  	_ = 	snop  }
__scs_overlays_trampoline_lowered:
0x8: {  	[smem:$0x3F9E] =	sst s0  }
0x9: {  	[smem:$0x3F9F] =	sst s1  }
0xa: {  	[smem:$0x3FA0] =	sst s2  }
0xb: {  	[smem:$0x3FA1] =	sst s3  }
0xc: {  	[smem:$0x3FA2] =	sst s4  }
0xd: {  	[smem:$0x3FA3] =	sst s5  }
0xe: {  	[smem:$0x3FA4] =	sst s6  }
0xf: {  	[smem:$0x3FA5] =	sst s7  }
0x10: {  	[smem:$0x3FA6] =	sst s8  }
0x11: {  	[smem:$0x3FA7] =	sst s9;
	s0 =	simm.s32 @!p0 $0x0  }
0x12: {  	s1 =	sld [smem:$0x3F8D];
	s0 =	simm.s32 @p0 $0x1  }
0x13: {  	[smem:$0x3FA8] =	sst s0;
	s0 =	simm.s32 @!p1 $0x0  }
0x14: {  	s2 =	sld [smem:$0x3F8C];
	s0 =	simm.s32 @p1 $0x1  }
0x15: {  	[smem:$0x3FA9] =	sst s0;
	s0 =	simm.s32 @!p2 $0x0  }
0x16: {  	s3 =	sld [smem:$0x3FDB];
	s0 =	simm.s32 @p2 $0x1  }
0x17: {  	s4 =	simm.s32 $0x1BF5;
	[smem:$0x3FAB] =	sst s0  }
0x18: {  	s0 =	sld [smem:$0x3F8E];
	_ =	swait.ge [sflag:s4], $0x0  }
0x19: {  	s7 =	sld [smem:$0x3F8F]  }
0x1a: {  	s8 =	sadd.s32 $0xFFFFE003, lr  }
0x1b: {  	s9 =	sadd.s32 $0xFFFFFEF7, lr;
	s5 =	simm.s32 $0xFFFFFFFF;
	p2 =	slt.u32 s8, $0xFFFFF086  }
0x1c: {  	p1 =	slt.u32 s9, $0xF7A;
	s5 =	simm.s32 @!p2 $0x0  }
0x1d: {  	s5 =	simm.s32 @p1 $0x1;
	p0 =	seq.s32 s7, s2  }
0x1e: {  	s7 =	smul.u32 @!p0 $0xF7A, s2;
	p2 =	seq.s32 @!p0 s5, $0x0  }
0x1f: {  	s9 =	smul.u32 $0xF7A, s1;
	s8 =	simm.s32 @!p0 $0x1BF5;
	p2 =	por !p2, p0  }
0x20: {  	[sflag:s8] =	ssyncset.s32 @!p0 $0xFFFFF086;
	s6 =	sadd.s32 @!p0 s3, s7;
	s7 =	simm.s32 @!p0 $0x108  }
0x21: {  	s3 =	sadd.s32 s3, s9;
	s6 =	sadd.s32 @!p0 $0x88, s6;
	s7 =	simm.s32 @p2 $0x1082  }
0x22: {  	[simem:s7], [sflag:s8] =	dma.local @!p0 [hbm:s6], $0xF7A  }
0x23: {  	s9 =	sor.u32 $0xD0000000, s2;
	s6 =	simm.s32 $0x108;
	_ =	swait.ge @!p0 [sflag:s8], $0x0  }
0x24: {  	s3 =	sadd.s32 $0x88, s3;
	s6 =	simm.s32 @!p1 $0x1082;
	[sflag:s4] =	ssyncset.s32 $0xFFFFF086  }
0x25: {  	[simem:s6], [sflag:s4] =	dma.local [hbm:s3], $0xF7A  }
0x26: {  	[smem:$0x3F8F] =	sst s1;
	(tag) =	ssettag s2;
	_ =	strace s9  }
0x27: {  	s1 =	sld [smem:$0x3F9F]  }
0x28: {  	s2 =	sld [smem:$0x3FA0]  }
0x29: {  	s4 =	sld [smem:$0x3FA2]  }
0x2a: {  	p0 =	seq.s32 s5, $0x0;
	s5 =	sld [smem:$0x3FA3]  }
0x2b: {  	s6 =	sld [smem:$0x3FA4]  }
0x2c: {  	s7 =	sld [smem:$0x3FA5]  }
0x2d: {  	s3 =	simm.s32 $0x108;
	s8 =	sld [smem:$0x3FA6]  }
0x2e: {  	s3 =	simm.s32 @!p0 $0x1082;
	s9 =	sld [smem:$0x3FA7]  }
0x2f: {  	lr =	sadd.s32 s0, s3;
	s0 =	sld [smem:$0x3F9E]  }
0x30: {  	s3 =	sld [smem:$0x3FA1]  }
0x31: {  	[smem:$0x3FAA] =	sst s10  }
0x32: {  	s10 =	sld [smem:$0x3FA8];
	_ =	sdelay $0x3  }
0x33: {  	p0 =	seq.s32 s10, $0x1;
	s10 =	sld [smem:$0x3FAA];
	_ =	sdelay $0x3  }
0x34: {  	[smem:$0x3FAA] =	sst s10  }
0x35: {  	s10 =	sld [smem:$0x3FA9];
	_ =	sdelay $0x3  }
0x36: {  	p1 =	seq.s32 s10, $0x1;
	s10 =	sld [smem:$0x3FAA];
	_ =	sdelay $0x3  }
0x37: {  	[smem:$0x3FAA] =	sst s10  }
0x38: {  	s10 =	sld [smem:$0x3FAB]  }
0x39: {  	_ = 	snop;
	(pc) =	sbr.ind lr, $3  }
0x3a: {  	_ = 	snop  }
0x3b: {  	_ = 	snop  }
0x3c: {  	p2 =	seq.s32 s10, $0x1;
	s10 =	sld [smem:$0x3FAA]  }
0x3d: {  	_ =	shalt  }
0x3e: {  	_ =	shalt  }
0x3f: {  	_ =	shalt  }
0x40: {  	_ =	shalt  }
0x41: {  	_ =	shalt  }
0x42: {  	_ =	shalt  }
0x43: {  	_ =	shalt  }
0x44: {  	_ =	shalt  }
0x45: {  	_ =	shalt  }
0x46: {  	_ =	shalt  }
0x47: {  	_ =	shalt  }
0x48: {  	_ =	shalt  }
0x49: {  	_ =	shalt  }
0x4a: {  	_ =	shalt  }
0x4b: {  	_ =	shalt  }
0x4c: {  	_ =	shalt  }
0x4d: {  	_ =	shalt  }
0x4e: {  	_ =	shalt  }
0x4f: {  	_ =	shalt  }
0x50: {  	_ =	shalt  }
0x51: {  	_ =	shalt  }
0x52: {  	_ =	shalt  }
0x53: {  	_ =	shalt  }
0x54: {  	_ =	shalt  }
0x55: {  	_ =	shalt  }
0x56: {  	_ =	shalt  }
0x57: {  	_ =	shalt  }
0x58: {  	_ =	shalt  }
0x59: {  	_ =	shalt  }
0x5a: {  	_ =	shalt  }
0x5b: {  	_ =	shalt  }
0x5c: {  	_ =	shalt  }
0x5d: {  	_ =	shalt  }
0x5e: {  	_ =	shalt  }
0x5f: {  	_ =	shalt  }
0x60: {  	_ =	shalt  }
0x61: {  	_ =	shalt  }
0x62: {  	_ =	shalt  }
0x63: {  	_ =	shalt  }
0x64: {  	_ =	shalt  }
0x65: {  	_ =	shalt  }
0x66: {  	_ =	shalt  }
0x67: {  	_ =	shalt  }
0x68: {  	_ =	shalt  }
0x69: {  	_ =	shalt  }
0x6a: {  	_ =	shalt  }
0x6b: {  	_ =	shalt  }
0x6c: {  	_ =	shalt  }
0x6d: {  	_ =	shalt  }
0x6e: {  	_ =	shalt  }
0x6f: {  	_ =	shalt  }
0x70: {  	_ =	shalt  }
0x71: {  	_ =	shalt  }
0x72: {  	_ =	shalt  }
0x73: {  	_ =	shalt  }
0x74: {  	_ =	shalt  }
0x75: {  	_ =	shalt  }
0x76: {  	_ =	shalt  }
0x77: {  	_ =	shalt  }
0x78: {  	_ =	shalt  }
0x79: {  	_ =	shalt  }
0x7a: {  	_ =	shalt  }
0x7b: {  	_ =	shalt  }
0x7c: {  	_ =	shalt  }
0x7d: {  	_ =	shalt  }
0x7e: {  	_ =	shalt  }
0x7f: {  	_ =	shalt  }
0x80: {  	_ =	shalt  }
0x81: {  	_ =	shalt  }
0x82: {  	_ =	shalt  }
0x83: {  	_ =	shalt  }
0x84: {  	_ =	shalt  }
0x85: {  	_ =	shalt  }
0x86: {  	_ =	shalt  }
0x87: {  	_ =	shalt  }
.Lfunc_end0:
.L_simem_size_0:
called_computation_lowered:
.L_overlay_start_0:
0x88: {  	s2 =	sld [smem:$0x3FD9]  }
0x89: {  	s3 =	sld [smem:$0x3FFE];
	_ =	sdelay $0x1  }
0x8a: {  	s1 =	srdreg.scid  }
0x8b: {  	s0 =	sand.u32 $0x1, s1  }
0x8c: {  	s16 =	sshll.u32 s0, $0xA;
	s2 =	sadd.s32 s3, s2  }
0x8d: {  	s2 =	sadd.s32 s2, s16  }
0x8e: {  	[smem:$0x3FB6] =	sst s2  }
0x8f: {  	_ = 	snop  }
0x90: {  	(tm) =	ssettm $0x1  }
0x91: {  	s17 =	sld [smem:$0x3FFB];
	_ =	sdelay $0x3  }
0x92: {  	_ =	strace s17  }
0x93: {  	s2 =	sld [smem:$0x3FFC];
	_ =	sdelay $0x3  }
0x94: {  	_ =	strace s2  }
0x95: {  	s2 =	sld [smem:$0x3FFD];
	_ =	sdelay $0x3  }
0x96: {  	_ =	strace s2  }
0x97: {  	_ =	strace $0x8FFFFFFF  }
0x98: {  	s18 =	sld [smem:$0x3FDB];
	_ =	sdelay $0x1  }
0x99: {  	s19 =	simm.s32 $_scs_section_size  }
0x9a: {  	s4 =	simm.s32 $_size__tile_overlayer_lowered;
	s5 =	simm.s32 $_tile_overlayer_lowered  }
0x9b: {  	s22 =	simm.s32 $0x1BFF;
	s21 =	sshll.u32 s5, $0x1;
	s2 =	sadd.s32 s19, s18  }
0x9c: {  	s6 =	simm.s32 $0x0;
	s20 =	sshll.u32 s4, $0x1;
	s4 =	sadd.s32 s21, s2  }
0x9d: {  	[timem:s6], [sflag:s22] =	dma.local [hbm:s4], s20  }
0x9e: {  	_ =	swait.ge [sflag:s22], s20  }
0x9f: {  	s3 =	ssub.s32 $0x0, s20;
	[sflag:s22] =	ssyncset.done $0x0  }
0xa0: {  	[sflag:s22] =	ssyncadd.s32 s3;
	_ =	sdelay $0x1  }
0xa1: {  	s23 =	simm.s32 $0x1B8B  }
0xa2: {  	_ =	swait.ge [sflag:s23], $0x1  }
0xa3: {  	[sflag:s23] =	ssyncset.done $0x0  }
0xa4: {  	s25 =	simm.s32 $0x1B8E;
	s24 =	sld [smem:$0x3FFE];
	[sflag:s23] =	ssyncadd.s32 $0xFFFFFFFF  }
0xa5: {  	s26 =	simm.s32 $execute0_lowered;
	[smem:$0x3FD2] =	sst s25  }
0xa6: {  	s4 =	sshll.u32 s26, $0x1;
	_ =	strace $0x80000046;
	[dreg:$0x1] =	wrdreg $0xFFFFFFFF  }
0xa7: {  	s28 =	simm.s32 $_size_execute0_lowered;
	s2 =	sadd.s32 s2, s4;
	[dreg:$0x0] =	wrdreg $0x0  }
0xa8: {  	s4 =	sshll.u32 s28, $0x1;
	[dreg:$0x2] =	wrdreg s2  }
0xa9: {  	[dreg:$0x3] =	wrdreg s4  }
0xaa: {  	[dreg:$0x4] =	wrdreg $0xC0  }
0xab: {  	_ =	task [dreg:s6], $0x5FFFF  }
0xac: {  	[dreg:$0x1] =	wrdreg $0xFFFFFFFF  }
0xad: {  	[dreg:$0x0] =	wrdreg $0x60  }
0xae: {  	[dreg:$0x2] =	wrdreg s24  }
0xaf: {  	[dreg:$0x3] =	wrdreg $0x9  }
0xb0: {  	_ =	task.clear_ibuf [dreg:s6], $0x4FFFF;
	_ =	strace $0x90000046  }
0xb1: {  	s29 =	simm.s32 $0x9;
	_ =	strace $0x80000048  }
0xb2: {  	_ =	swait.ge [sflag:s29], $0x1  }
0xb3: {  	[sflag:s29] =	ssyncadd.s32 $0xFFFFFFFF  }
0xb4: {  	_ =	strace $0x90000048  }
0xb5: {  	_ =	sfence  }
0xb6: {  	s30 =	sld [smem:$0x0];
	_ =	sdelay $0x2  }
0xb7: {  	s31 =	sshll.u32 s1, $0xD;
	s1 =	sshrl.u32 s1, $0x2  }
0xb8: {  	s3 =	sand.u32 $0x4000, s31;
	s1 =	sadd.s32 s1, s30  }
0xb9: {  	s0 =	sor.u32 s3, s0;
	s1 =	sshll.u32 s1, $0x11  }
0xba: {  	s0 =	sor.u32 s1, s0  }
0xbb: {  	s0 =	sadd.s32 $0x8F2B, s0  }
0xbc: {  	[sflag:s0] =	ssyncadd.remote.s32 $0x1  }
0xbd: {  	_ =	sfence.sel $0xFFFF  }
0xbe: {  	[dreg:$0x0] =	wrdreg $0xFFFFFFFF;
	(pc) =	sbr.abs _section_cstart, $3  }
0xbf: {  	[dreg:$0x1] =	wrdreg $0xFFFFFFFF  }
0xc0: {  	_ =	task.clear_ibuf [dreg:s6], $0x2FFFF;
	_ =	strace $0x9FFFFFFF  }
0xc1: {  	(tm) =	ssettm $0x7FFFFFFF  }
tec
execute0_lowered:
.L_overlay_start_1:
0x0: {  	(tag) =	ssettag $0x1  }
0x1: {  	s0 =	srdreg.scid;
	s10 =	stileid.u32  }
0x2: {  	s1 =	rddreg [dreg:$0x0];
	s3 =	simm.s32 $0x0;
	s11 =	simm.s32 $0x40  }
0x3: {  	s12 =	simm.s32 $0x900;
	s13 =	simm.s32 $0x1900;
	s14 =	simm.s32 $0x80  }
0x4: {  	s15 =	simm.s32 $0x2900;
	s28 =	simm.s32 $0x6;
	s29 =	simm.s32 $0x7  }
0x5: {  	s30 =	simm.s32 $0x8;
	s31 =	simm.s32 $0x0;
	s6 =	smul.u32 $0x48000, s10  }
0x6: {  	s0 =	sand.u32 $0x1, s0;
	s2 =	sshll.u32 s10, $0x1;
	s18 =	smul.u32 $0x9000, s10  }
0x7: {  	[smem:$0x7FF] =	sst s3;
	s3 =	sadd.s32 $0x189800, s1;
	s8 =	smul.u32 $0x24000, s0  }
0x8: {  	s2 =	sor.u32 s0, s2;
	s5 =	ssub.s32 $0x2, s0;
	s0 =	smul.u32 $0x4800, s0  }
0x9: {  	s10 =	simm.s32 $0x9;
	s17 =	smul.u32 $0x120, s2;
	s7 =	sshrl.u32 s5, $0x1  }
0xa: {  	_ =	strace $0x80000047;
	s2 =	smul.u32 $0x24000, s2;
	s9 =	ssub.s32 s5, s7  }
0xb: {  	s19 =	sadd.s32 s8, s6;
	s4 =	sadd.s32 s17, s1;
	s1 =	sadd.s32 $0x5200, s1  }
0xc: {  	s2 =	sshrl.u32 s2, $0x3;
	s6 =	sor.u32 $0x2000, s19;
	s22 =	sshrl.u32 s19, $0x3  }
0xd: {  	s23 =	sadd.s32 $0x6000, s19;
	s7 =	sadd.s32 $0x4000, s19;
	s9 =	smax.u32 s9, $0x1  }
0xe: {  	s17 =	simm.s32 $0x3900;
	s19 =	simm.s32 $0x5900;
	s4 =	sadd.s32 $0x2E00, s4  }
0xf: {  	s5 =	sadd.s32 s18, s1;
	s2 =	sadd.s32 s1, s2;
	s6 =	sshrl.u32 s6, $0x3  }
0x10: {  	s8 =	sshrl.u32 s23, $0x3;
	s25 =	sshrl.u32 s7, $0x3;
	s18 =	simm.s32 $0x4900  }
0x11: {  	s23 =	simm.s32 $0x2;
	[dreg:$0x7] =	wrdreg s4;
	s0 =	sadd.s32 s0, s5  }
0x12: {  	s5 =	sadd.s32 $0x4000, s2;
	s20 =	sadd.s32 s6, s1;
	s6 =	sadd.s32 $0x4008, s2  }
0x13: {  	s24 =	sadd.s32 s8, s1;
	s7 =	sadd.s32 $0x4400, s2;
	s26 =	sadd.s32 s25, s1  }
0x14: {  	s8 =	sadd.s32 $0x4408, s2;
	s25 =	simm.s32 $0x4;
	[dreg:$0x5] =	wrdreg s24  }
0x15: {  	s0 =	sadd.s32 $0x400, s0;
	s21 =	sadd.s32 $0x8, s20;
	[dreg:$0x6] =	wrdreg s26  }
0x16: {  	s20 =	simm.s32 $0x6900;
	s24 =	simm.s32 $0x3;
	[dreg:$0x2] =	wrdreg s0  }
0x17: {  	s26 =	simm.s32 $0x5;
	[dreg:$0x3] =	wrdreg s21;
	s0 =	sadd.s32 s22, s1  }
0x18: {  	s21 =	simm.s32 $0x7900;
	s22 =	simm.s32 $0x1;
	[dreg:$0x4] =	wrdreg s0  }
.LBB2_1:
0x19: {  	s0 =	simm.s32 $0x0;
	s1 =	rddreg [dreg:$0x7]  }
0x1a: {  	[tilespmem:s0], [sflag:$0x9] =	stream.linear.gather [hbm4b:s1+s0], $0x900, $0x38;
	[tilespmem:$0x8900] =	vst v63  }
0x1b: {  	_ =	swait.ge [sflag:s10], $0x900  }
0x1c: {  	[sflag:s10] =	ssyncset.done $0x0  }
0x1d: {  	[sflag:s10] =	ssyncadd.s32 $0xFFFFF700  }
0x1e: {  	[tilespmem:s12], [sflag:$0x1] =	stream.indirect.gather [hbm4b:s3+s11], $0x40, s0, s11, $0xb8;
	[tilespmem:$0x8900] =	vst v63  }
0x1f: {  	_ = 	snop  }
0x20: {  	[tilespmem:s13], [sflag:$0x2] =	stream.indirect.gather [hbm4b:s3+s11], $0x40, s11, s11, $0xb8;
	[tilespmem:$0x8900] =	vst v63  }
0x21: {  	_ = 	snop  }
0x22: {  	[tilespmem:s15], [sflag:$0x3] =	stream.indirect.gather [hbm4b:s3+s11], $0x40, s14, s11, $0xb8;
	[tilespmem:$0x8900] =	vst v63  }
0x23: {  	s4 =	simm.s32 $0xC0  }
0x24: {  	[tilespmem:s17], [sflag:$0x4] =	stream.indirect.gather [hbm4b:s3+s11], $0x40, s4, s11, $0xb8;
	[tilespmem:$0x8900] =	vst v63  }
0x25: {  	s16 =	simm.s32 $0x100  }
0x26: {  	[tilespmem:s18], [sflag:$0x5] =	stream.indirect.gather [hbm4b:s3+s11], $0x40, s16, s11, $0xb8;
	[tilespmem:$0x8900] =	vst v63  }
0x27: {  	s1 =	simm.s32 $0x140  }
0x28: {  	[tilespmem:s19], [sflag:$0x6] =	stream.indirect.gather [hbm4b:s3+s11], $0x40, s1, s11, $0xb8;
	[tilespmem:$0x8900] =	vst v63  }
0x29: {  	s2 =	simm.s32 $0x180  }
0x2a: {  	[tilespmem:s20], [sflag:$0x7] =	stream.indirect.gather [hbm4b:s3+s11], $0x40, s2, s11, $0xb8;
	[tilespmem:$0x8900] =	vst v63  }
0x2b: {  	s4 =	simm.s32 $0x1C0  }
0x2c: {  	[tilespmem:s21], [sflag:$0x8] =	stream.indirect.gather [hbm4b:s3+s11], $0x40, s4, s11, $0xb8;
	[tilespmem:$0x8900] =	vst v63  }
0x2d: {  	_ =	swait.ge [sflag:s22], $0x1000  }
0x2e: {  	s16 =	rddreg [dreg:$0x4];
	[sflag:s22] =	ssyncset.done $0x0  }
0x2f: {  	[sflag:s22] =	ssyncadd.s32 $0xFFFFF000;
	s0 =	sadd.s32 $0x0, s16  }
0x30: {  	[hbm4b:s0+s11] =	stream.strided.scatter [tilespmem:s12], [sflag:$0x9], $0x1000, s14, s11, $0x38;
	[tilespmem:$0x8900] =	vst v63  }
0x31: {  	_ =	swait.ge [sflag:s10], $0x1000  }
0x32: {  	[sflag:s10] =	ssyncset.done $0x0  }
0x33: {  	[sflag:s10] =	ssyncadd.s32 $0xFFFFF000  }
0x34: {  	_ =	swait.ge [sflag:s23], $0x1000  }
0x35: {  	[sflag:s23] =	ssyncset.done $0x0  }
0x36: {  	s0 =	sadd.s32 $0x8, s0;
	[sflag:s23] =	ssyncadd.s32 $0xFFFFF000  }
0x37: {  	[hbm4b:s0+s11] =	stream.strided.scatter [tilespmem:s13], [sflag:$0x9], $0x1000, s14, s11, $0x38;
	[tilespmem:$0x8900] =	vst v63  }
0x38: {  	_ =	swait.ge [sflag:s10], $0x1000  }
0x39: {  	[sflag:s10] =	ssyncset.done $0x0  }
0x3a: {  	[sflag:s10] =	ssyncadd.s32 $0xFFFFF000  }
0x3b: {  	_ =	swait.ge [sflag:s24], $0x1000  }
0x3c: {  	s1 =	rddreg [dreg:$0x2];
	[sflag:s24] =	ssyncset.done $0x0  }
0x3d: {  	[sflag:s24] =	ssyncadd.s32 $0xFFFFF000;
	s0 =	sadd.s32 $0x0, s1  }
0x3e: {  	[hbm4b:s0+s11] =	stream.strided.scatter [tilespmem:s15], [sflag:$0x9], $0x1000, s14, s11, $0x38;
	[tilespmem:$0x8900] =	vst v63  }
0x3f: {  	_ =	swait.ge [sflag:s10], $0x1000  }
0x40: {  	[sflag:s10] =	ssyncset.done $0x0  }
0x41: {  	[sflag:s10] =	ssyncadd.s32 $0xFFFFF000  }
0x42: {  	_ =	swait.ge [sflag:s25], $0x1000  }
0x43: {  	s2 =	rddreg [dreg:$0x3];
	[sflag:s25] =	ssyncset.done $0x0  }
0x44: {  	[sflag:s25] =	ssyncadd.s32 $0xFFFFF000;
	s0 =	sadd.s32 $0x0, s2  }
0x45: {  	[hbm4b:s0+s11] =	stream.strided.scatter [tilespmem:s17], [sflag:$0x9], $0x1000, s14, s11, $0x38;
	[tilespmem:$0x8900] =	vst v63  }
0x46: {  	_ =	swait.ge [sflag:s10], $0x1000  }
0x47: {  	[sflag:s10] =	ssyncset.done $0x0  }
0x48: {  	s4 =	simm.s32 $0x200;
	[sflag:s10] =	ssyncadd.s32 $0xFFFFF000  }
0x49: {  	[tilespmem:s12], [sflag:$0x1] =	stream.indirect.gather [hbm4b:s3+s11], $0x40, s4, s11, $0xb8;
	[tilespmem:$0x8900] =	vst v63  }
0x4a: {  	s16 =	simm.s32 $0x240  }
0x4b: {  	[tilespmem:s13], [sflag:$0x2] =	stream.indirect.gather [hbm4b:s3+s11], $0x40, s16, s11, $0xb8;
	[tilespmem:$0x8900] =	vst v63  }
0x4c: {  	s1 =	simm.s32 $0x280  }
0x4d: {  	[tilespmem:s15], [sflag:$0x3] =	stream.indirect.gather [hbm4b:s3+s11], $0x40, s1, s11, $0xb8;
	[tilespmem:$0x8900] =	vst v63  }
0x4e: {  	s2 =	simm.s32 $0x2C0  }
0x4f: {  	[tilespmem:s17], [sflag:$0x4] =	stream.indirect.gather [hbm4b:s3+s11], $0x40, s2, s11, $0xb8;
	[tilespmem:$0x8900] =	vst v63  }
0x50: {  	_ =	swait.ge [sflag:s26], $0x1000  }
0x51: {  	s4 =	rddreg [dreg:$0x6];
	[sflag:s26] =	ssyncset.done $0x0  }
0x52: {  	[sflag:s26] =	ssyncadd.s32 $0xFFFFF000;
	s0 =	sadd.s32 $0x0, s4  }
0x53: {  	[hbm4b:s0+s11] =	stream.strided.scatter [tilespmem:s18], [sflag:$0x9], $0x1000, s14, s11, $0x38;
	[tilespmem:$0x8900] =	vst v63  }
0x54: {  	_ =	swait.ge [sflag:s10], $0x1000  }
0x55: {  	[sflag:s10] =	ssyncset.done $0x0  }
0x56: {  	[sflag:s10] =	ssyncadd.s32 $0xFFFFF000  }
0x57: {  	_ =	swait.ge [sflag:s28], $0x1000  }
0x58: {  	[sflag:s28] =	ssyncset.done $0x0  }
0x59: {  	s0 =	sadd.s32 $0x8, s0;
	[sflag:s28] =	ssyncadd.s32 $0xFFFFF000  }
0x5a: {  	[hbm4b:s0+s11] =	stream.strided.scatter [tilespmem:s19], [sflag:$0x9], $0x1000, s14, s11, $0x38;
	[tilespmem:$0x8900] =	vst v63  }
0x5b: {  	_ =	swait.ge [sflag:s10], $0x1000  }
0x5c: {  	[sflag:s10] =	ssyncset.done $0x0  }
0x5d: {  	[sflag:s10] =	ssyncadd.s32 $0xFFFFF000  }
0x5e: {  	_ =	swait.ge [sflag:s29], $0x1000  }
0x5f: {  	s16 =	rddreg [dreg:$0x5];
	[sflag:s29] =	ssyncset.done $0x0  }
0x60: {  	[sflag:s29] =	ssyncadd.s32 $0xFFFFF000;
	s0 =	sadd.s32 $0x0, s16  }
0x61: {  	[hbm4b:s0+s11] =	stream.strided.scatter [tilespmem:s20], [sflag:$0x9], $0x1000, s14, s11, $0x38;
	[tilespmem:$0x8900] =	vst v63  }
0x62: {  	_ =	swait.ge [sflag:s10], $0x1000  }
0x63: {  	[sflag:s10] =	ssyncset.done $0x0  }
0x64: {  	[sflag:s10] =	ssyncadd.s32 $0xFFFFF000  }
0x65: {  	_ =	swait.ge [sflag:s30], $0x1000  }
0x66: {  	[sflag:s30] =	ssyncset.done $0x0  }
0x67: {  	s0 =	sadd.s32 $0x8, s0;
	[sflag:s30] =	ssyncadd.s32 $0xFFFFF000  }
0x68: {  	[hbm4b:s0+s11] =	stream.strided.scatter [tilespmem:s21], [sflag:$0x9], $0x1000, s14, s11, $0x38;
	[tilespmem:$0x8900] =	vst v63  }
0x69: {  	s1 =	simm.s32 $0x1000;
	_ =	swait.ge [sflag:s10], $0x1000  }
0x6a: {  	s16 =	simm.s32 $0x2000;
	s0 =	simm.s32 $0x4C0;
	[sflag:s10] =	ssyncset.done $0x0  }
.LBB2_2:
0x6b: {  	s2 =	sadd.s32 $0xFFFFFE40, s0;
	[sflag:s10] =	ssyncadd.s32 $0xFFFFF000  }
0x6c: {  	[tilespmem:s18], [sflag:$0x5] =	stream.indirect.gather [hbm4b:s3+s11], $0x40, s2, s11, $0xb8;
	[tilespmem:$0x8900] =	vst v63  }
0x6d: {  	s4 =	sadd.s32 $0xFFFFFE80, s0  }
0x6e: {  	[tilespmem:s19], [sflag:$0x6] =	stream.indirect.gather [hbm4b:s3+s11], $0x40, s4, s11, $0xb8;
	[tilespmem:$0x8900] =	vst v63  }
0x6f: {  	s4 =	sadd.s32 $0xFFFFFEC0, s0  }
0x70: {  	[tilespmem:s20], [sflag:$0x7] =	stream.indirect.gather [hbm4b:s3+s11], $0x40, s4, s11, $0xb8;
	[tilespmem:$0x8900] =	vst v63  }
0x71: {  	s4 =	sadd.s32 $0xFFFFFF00, s0  }
0x72: {  	[tilespmem:s21], [sflag:$0x8] =	stream.indirect.gather [hbm4b:s3+s11], $0x40, s4, s11, $0xb8;
	[tilespmem:$0x8900] =	vst v63  }
0x73: {  	_ =	swait.ge [sflag:s22], $0x1000  }
0x74: {  	s4 =	rddreg [dreg:$0x4];
	[sflag:s22] =	ssyncset.done $0x0  }
0x75: {  	[sflag:s22] =	ssyncadd.s32 $0xFFFFF000;
	s4 =	sadd.s32 s1, s4  }
0x76: {  	[hbm4b:s4+s11] =	stream.strided.scatter [tilespmem:s12], [sflag:$0x9], $0x1000, s14, s11, $0x38;
	[tilespmem:$0x8900] =	vst v63  }
0x77: {  	_ =	swait.ge [sflag:s10], $0x1000  }
0x78: {  	[sflag:s10] =	ssyncset.done $0x0  }
0x79: {  	[sflag:s10] =	ssyncadd.s32 $0xFFFFF000  }
0x7a: {  	_ =	swait.ge [sflag:s23], $0x1000  }
0x7b: {  	[sflag:s23] =	ssyncset.done $0x0  }
0x7c: {  	s4 =	sadd.s32 $0x8, s4;
	[sflag:s23] =	ssyncadd.s32 $0xFFFFF000  }
0x7d: {  	[hbm4b:s4+s11] =	stream.strided.scatter [tilespmem:s13], [sflag:$0x9], $0x1000, s14, s11, $0x38;
	[tilespmem:$0x8900] =	vst v63  }
0x7e: {  	_ =	swait.ge [sflag:s10], $0x1000  }
0x7f: {  	[sflag:s10] =	ssyncset.done $0x0  }
0x80: {  	[sflag:s10] =	ssyncadd.s32 $0xFFFFF000  }
0x81: {  	_ =	swait.ge [sflag:s24], $0x1000  }
0x82: {  	s4 =	rddreg [dreg:$0x2];
	[sflag:s24] =	ssyncset.done $0x0  }
0x83: {  	[sflag:s24] =	ssyncadd.s32 $0xFFFFF000;
	s4 =	sadd.s32 s1, s4  }
0x84: {  	[hbm4b:s4+s11] =	stream.strided.scatter [tilespmem:s15], [sflag:$0x9], $0x1000, s14, s11, $0x38;
	[tilespmem:$0x8900] =	vst v63  }
0x85: {  	_ =	swait.ge [sflag:s10], $0x1000  }
0x86: {  	[sflag:s10] =	ssyncset.done $0x0  }
0x87: {  	[sflag:s10] =	ssyncadd.s32 $0xFFFFF000  }
0x88: {  	_ =	swait.ge [sflag:s25], $0x1000  }
0x89: {  	s4 =	rddreg [dreg:$0x3];
	[sflag:s25] =	ssyncset.done $0x0  }
0x8a: {  	[sflag:s25] =	ssyncadd.s32 $0xFFFFF000;
	s4 =	sadd.s32 s1, s4  }
0x8b: {  	[hbm4b:s4+s11] =	stream.strided.scatter [tilespmem:s17], [sflag:$0x9], $0x1000, s14, s11, $0x38;
	[tilespmem:$0x8900] =	vst v63  }
0x8c: {  	_ =	swait.ge [sflag:s10], $0x1000  }
0x8d: {  	[sflag:s10] =	ssyncset.done $0x0  }
0x8e: {  	s4 =	sadd.s32 $0xFFFFFF40, s0;
	[sflag:s10] =	ssyncadd.s32 $0xFFFFF000  }
0x8f: {  	[tilespmem:s12], [sflag:$0x1] =	stream.indirect.gather [hbm4b:s3+s11], $0x40, s4, s11, $0xb8;
	[tilespmem:$0x8900] =	vst v63  }
0x90: {  	s4 =	sadd.s32 $0xFFFFFF80, s0  }
0x91: {  	[tilespmem:s13], [sflag:$0x2] =	stream.indirect.gather [hbm4b:s3+s11], $0x40, s4, s11, $0xb8;
	[tilespmem:$0x8900] =	vst v63  }
0x92: {  	s4 =	sadd.s32 $0xFFFFFFC0, s0  }
0x93: {  	[tilespmem:s15], [sflag:$0x3] =	stream.indirect.gather [hbm4b:s3+s11], $0x40, s4, s11, $0xb8;
	[tilespmem:$0x8900] =	vst v63  }
0x94: {  	_ = 	snop  }
0x95: {  	[tilespmem:s17], [sflag:$0x4] =	stream.indirect.gather [hbm4b:s3+s11], $0x40, s0, s11, $0xb8;
	[tilespmem:$0x8900] =	vst v63  }
0x96: {  	_ =	swait.ge [sflag:s26], $0x1000  }
0x97: {  	s4 =	rddreg [dreg:$0x6];
	[sflag:s26] =	ssyncset.done $0x0  }
0x98: {  	[sflag:s26] =	ssyncadd.s32 $0xFFFFF000;
	s4 =	sadd.s32 s1, s4  }
0x99: {  	[hbm4b:s4+s11] =	stream.strided.scatter [tilespmem:s18], [sflag:$0x9], $0x1000, s14, s11, $0x38;
	[tilespmem:$0x8900] =	vst v63  }
0x9a: {  	_ =	swait.ge [sflag:s10], $0x1000  }
0x9b: {  	[sflag:s10] =	ssyncset.done $0x0  }
0x9c: {  	[sflag:s10] =	ssyncadd.s32 $0xFFFFF000  }
0x9d: {  	_ =	swait.ge [sflag:s28], $0x1000  }
0x9e: {  	[sflag:s28] =	ssyncset.done $0x0  }
0x9f: {  	s4 =	sadd.s32 $0x8, s4;
	[sflag:s28] =	ssyncadd.s32 $0xFFFFF000  }
0xa0: {  	[hbm4b:s4+s11] =	stream.strided.scatter [tilespmem:s19], [sflag:$0x9], $0x1000, s14, s11, $0x38;
	[tilespmem:$0x8900] =	vst v63  }
0xa1: {  	_ =	swait.ge [sflag:s10], $0x1000  }
0xa2: {  	[sflag:s10] =	ssyncset.done $0x0  }
0xa3: {  	[sflag:s10] =	ssyncadd.s32 $0xFFFFF000  }
0xa4: {  	_ =	swait.ge [sflag:s29], $0x1000  }
0xa5: {  	s4 =	rddreg [dreg:$0x5];
	[sflag:s29] =	ssyncset.done $0x0  }
0xa6: {  	[sflag:s29] =	ssyncadd.s32 $0xFFFFF000;
	s4 =	sadd.s32 s1, s4  }
0xa7: {  	[hbm4b:s4+s11] =	stream.strided.scatter [tilespmem:s20], [sflag:$0x9], $0x1000, s14, s11, $0x38;
	[tilespmem:$0x8900] =	vst v63  }
0xa8: {  	_ =	swait.ge [sflag:s10], $0x1000  }
0xa9: {  	[sflag:s10] =	ssyncset.done $0x0  }
0xaa: {  	[sflag:s10] =	ssyncadd.s32 $0xFFFFF000  }
0xab: {  	p0 =	sne.s32 s16, $0x3000;
	_ =	swait.ge [sflag:s30], $0x1000  }
.Ltmp0:
0xac: {  	[sflag:s30] =	ssyncset.done $0x0;
	(pc) =	sbr.rel @p0 .LBB2_2-.Ltmp0, $4  }
0xad: {  	s4 =	sadd.s32 $0x8, s4;
	[sflag:s30] =	ssyncadd.s32 $0xFFFFF000  }
0xae: {  	[hbm4b:s4+s11] =	stream.strided.scatter [tilespmem:s21], [sflag:$0x9], $0x1000, s14, s11, $0x38;
	[tilespmem:$0x8900] =	vst v63  }
0xaf: {  	s2 =	smov.u32 s16;
	s16 =	sadd.s32 $0x1000, s16;
	_ =	swait.ge [sflag:s10], $0x1000  }
0xb0: {  	s0 =	sadd.s32 $0x200, s0;
	s1 =	smov.u32 s2;
	[sflag:s10] =	ssyncset.done $0x0  }
0xb1: {  	s2 =	sadd.s32 $0xFFFFFE40, s0;
	[sflag:s10] =	ssyncadd.s32 $0xFFFFF000  }
0xb2: {  	[tilespmem:s18], [sflag:$0x5] =	stream.indirect.gather [hbm4b:s3+s11], $0x40, s2, s11, $0xb8;
	[tilespmem:$0x8900] =	vst v63  }
0xb3: {  	s16 =	sadd.s32 $0xFFFFFE80, s0  }
0xb4: {  	[tilespmem:s19], [sflag:$0x6] =	stream.indirect.gather [hbm4b:s3+s11], $0x40, s16, s11, $0xb8;
	[tilespmem:$0x8900] =	vst v63  }
0xb5: {  	s4 =	sadd.s32 $0xFFFFFEC0, s0  }
0xb6: {  	[tilespmem:s20], [sflag:$0x7] =	stream.indirect.gather [hbm4b:s3+s11], $0x40, s4, s11, $0xb8;
	[tilespmem:$0x8900] =	vst v63  }
0xb7: {  	s16 =	sadd.s32 $0xFFFFFF00, s0  }
0xb8: {  	[tilespmem:s21], [sflag:$0x8] =	stream.indirect.gather [hbm4b:s3+s11], $0x40, s16, s11, $0xb8;
	[tilespmem:$0x8900] =	vst v63  }
0xb9: {  	_ =	swait.ge [sflag:s22], $0x1000  }
0xba: {  	s4 =	rddreg [dreg:$0x4];
	[sflag:s22] =	ssyncset.done $0x0  }
0xbb: {  	[sflag:s22] =	ssyncadd.s32 $0xFFFFF000;
	s2 =	sadd.s32 s1, s4  }
0xbc: {  	[hbm4b:s2+s11] =	stream.strided.scatter [tilespmem:s12], [sflag:$0x9], $0x1000, s14, s11, $0x38;
	[tilespmem:$0x8900] =	vst v63  }
0xbd: {  	_ =	swait.ge [sflag:s10], $0x1000  }
0xbe: {  	[sflag:s10] =	ssyncset.done $0x0  }
0xbf: {  	[sflag:s10] =	ssyncadd.s32 $0xFFFFF000  }
0xc0: {  	_ =	swait.ge [sflag:s23], $0x1000  }
0xc1: {  	[sflag:s23] =	ssyncset.done $0x0  }
0xc2: {  	s2 =	sadd.s32 $0x8, s2;
	[sflag:s23] =	ssyncadd.s32 $0xFFFFF000  }
0xc3: {  	[hbm4b:s2+s11] =	stream.strided.scatter [tilespmem:s13], [sflag:$0x9], $0x1000, s14, s11, $0x38;
	[tilespmem:$0x8900] =	vst v63  }
0xc4: {  	_ =	swait.ge [sflag:s10], $0x1000  }
0xc5: {  	[sflag:s10] =	ssyncset.done $0x0  }
0xc6: {  	[sflag:s10] =	ssyncadd.s32 $0xFFFFF000  }
0xc7: {  	_ =	swait.ge [sflag:s24], $0x1000  }
0xc8: {  	s16 =	rddreg [dreg:$0x2];
	[sflag:s24] =	ssyncset.done $0x0  }
0xc9: {  	[sflag:s24] =	ssyncadd.s32 $0xFFFFF000;
	s2 =	sadd.s32 s1, s16  }
0xca: {  	[hbm4b:s2+s11] =	stream.strided.scatter [tilespmem:s15], [sflag:$0x9], $0x1000, s14, s11, $0x38;
	[tilespmem:$0x8900] =	vst v63  }
0xcb: {  	_ =	swait.ge [sflag:s10], $0x1000  }
0xcc: {  	[sflag:s10] =	ssyncset.done $0x0  }
0xcd: {  	[sflag:s10] =	ssyncadd.s32 $0xFFFFF000  }
0xce: {  	_ =	swait.ge [sflag:s25], $0x1000  }
0xcf: {  	s4 =	rddreg [dreg:$0x3];
	[sflag:s25] =	ssyncset.done $0x0  }
0xd0: {  	[sflag:s25] =	ssyncadd.s32 $0xFFFFF000;
	s2 =	sadd.s32 s1, s4  }
0xd1: {  	[hbm4b:s2+s11] =	stream.strided.scatter [tilespmem:s17], [sflag:$0x9], $0x1000, s14, s11, $0x38;
	[tilespmem:$0x8900] =	vst v63  }
0xd2: {  	_ =	swait.ge [sflag:s10], $0x1000  }
0xd3: {  	[sflag:s10] =	ssyncset.done $0x0  }
0xd4: {  	s16 =	sadd.s32 $0xFFFFFF40, s0;
	[sflag:s10] =	ssyncadd.s32 $0xFFFFF000  }
0xd5: {  	[tilespmem:s12], [sflag:$0x1] =	stream.indirect.gather [hbm4b:s3+s11], $0x40, s16, s11, $0xb8;
	[tilespmem:$0x8900] =	vst v63  }
0xd6: {  	s4 =	sadd.s32 $0xFFFFFF80, s0  }
0xd7: {  	[tilespmem:s13], [sflag:$0x2] =	stream.indirect.gather [hbm4b:s3+s11], $0x40, s4, s11, $0xb8;
	[tilespmem:$0x8900] =	vst v63  }
0xd8: {  	s16 =	sadd.s32 $0xFFFFFFC0, s0  }
0xd9: {  	[tilespmem:s15], [sflag:$0x3] =	stream.indirect.gather [hbm4b:s3+s11], $0x40, s16, s11, $0xb8;
	[tilespmem:$0x8900] =	vst v63  }
0xda: {  	_ = 	snop  }
0xdb: {  	[tilespmem:s17], [sflag:$0x4] =	stream.indirect.gather [hbm4b:s3+s11], $0x40, s0, s11, $0xb8;
	[tilespmem:$0x8900] =	vst v63  }
0xdc: {  	_ =	swait.ge [sflag:s26], $0x1000  }
0xdd: {  	s4 =	rddreg [dreg:$0x6];
	[sflag:s26] =	ssyncset.done $0x0  }
0xde: {  	[sflag:s26] =	ssyncadd.s32 $0xFFFFF000;
	s0 =	sadd.s32 s1, s4  }
0xdf: {  	[hbm4b:s0+s11] =	stream.strided.scatter [tilespmem:s18], [sflag:$0x9], $0x1000, s14, s11, $0x38;
	[tilespmem:$0x8900] =	vst v63  }
0xe0: {  	_ =	swait.ge [sflag:s10], $0x1000  }
0xe1: {  	[sflag:s10] =	ssyncset.done $0x0  }
0xe2: {  	[sflag:s10] =	ssyncadd.s32 $0xFFFFF000  }
0xe3: {  	_ =	swait.ge [sflag:s28], $0x1000  }
0xe4: {  	[sflag:s28] =	ssyncset.done $0x0  }
0xe5: {  	s0 =	sadd.s32 $0x8, s0;
	[sflag:s28] =	ssyncadd.s32 $0xFFFFF000  }
0xe6: {  	[hbm4b:s0+s11] =	stream.strided.scatter [tilespmem:s19], [sflag:$0x9], $0x1000, s14, s11, $0x38;
	[tilespmem:$0x8900] =	vst v63  }
0xe7: {  	_ =	swait.ge [sflag:s10], $0x1000  }
0xe8: {  	[sflag:s10] =	ssyncset.done $0x0  }
0xe9: {  	[sflag:s10] =	ssyncadd.s32 $0xFFFFF000  }
0xea: {  	_ =	swait.ge [sflag:s29], $0x1000  }
0xeb: {  	s16 =	rddreg [dreg:$0x5];
	[sflag:s29] =	ssyncset.done $0x0  }
0xec: {  	s0 =	sadd.s32 s1, s16;
	[sflag:s29] =	ssyncadd.s32 $0xFFFFF000  }
0xed: {  	[hbm4b:s0+s11] =	stream.strided.scatter [tilespmem:s20], [sflag:$0x9], $0x1000, s14, s11, $0x38;
	[tilespmem:$0x8900] =	vst v63  }
0xee: {  	_ =	swait.ge [sflag:s10], $0x1000  }
0xef: {  	[sflag:s10] =	ssyncset.done $0x0  }
0xf0: {  	[sflag:s10] =	ssyncadd.s32 $0xFFFFF000  }
0xf1: {  	_ =	swait.ge [sflag:s30], $0x1000  }
0xf2: {  	[sflag:s30] =	ssyncset.done $0x0  }
0xf3: {  	s0 =	sadd.s32 $0x8, s0;
	[sflag:s30] =	ssyncadd.s32 $0xFFFFF000  }
0xf4: {  	[hbm4b:s0+s11] =	stream.strided.scatter [tilespmem:s21], [sflag:$0x9], $0x1000, s14, s11, $0x38;
	[tilespmem:$0x8900] =	vst v63  }
0xf5: {  	_ =	swait.ge [sflag:s10], $0x1000  }
0xf6: {  	[sflag:s10] =	ssyncset.done $0x0  }
0xf7: {  	[sflag:s10] =	ssyncadd.s32 $0xFFFFF000  }
0xf8: {  	_ =	swait.ge [sflag:s22], $0x1000  }
0xf9: {  	[sflag:s22] =	ssyncset.done $0x0  }
0xfa: {  	[sflag:s22] =	ssyncadd.s32 $0xFFFFF000  }
0xfb: {  	[hbm4b:s5+s11] =	stream.strided.scatter [tilespmem:s12], [sflag:$0x9], $0x1000, s14, s11, $0x38;
	[tilespmem:$0x8900] =	vst v63  }
0xfc: {  	_ =	swait.ge [sflag:s10], $0x1000  }
0xfd: {  	[sflag:s10] =	ssyncset.done $0x0  }
0xfe: {  	[sflag:s10] =	ssyncadd.s32 $0xFFFFF000  }
0xff: {  	_ =	swait.ge [sflag:s23], $0x1000  }
0x100: {  	[sflag:s23] =	ssyncset.done $0x0  }
0x101: {  	[sflag:s23] =	ssyncadd.s32 $0xFFFFF000  }
0x102: {  	[hbm4b:s6+s11] =	stream.strided.scatter [tilespmem:s13], [sflag:$0x9], $0x1000, s14, s11, $0x38;
	[tilespmem:$0x8900] =	vst v63  }
0x103: {  	_ =	swait.ge [sflag:s10], $0x1000  }
0x104: {  	[sflag:s10] =	ssyncset.done $0x0  }
0x105: {  	[sflag:s10] =	ssyncadd.s32 $0xFFFFF000  }
0x106: {  	_ =	swait.ge [sflag:s24], $0x1000  }
0x107: {  	[sflag:s24] =	ssyncset.done $0x0  }
0x108: {  	[sflag:s24] =	ssyncadd.s32 $0xFFFFF000  }
0x109: {  	[hbm4b:s7+s11] =	stream.strided.scatter [tilespmem:s15], [sflag:$0x9], $0x1000, s14, s11, $0x38;
	[tilespmem:$0x8900] =	vst v63  }
0x10a: {  	_ =	swait.ge [sflag:s10], $0x1000  }
0x10b: {  	[sflag:s10] =	ssyncset.done $0x0  }
0x10c: {  	[sflag:s10] =	ssyncadd.s32 $0xFFFFF000  }
0x10d: {  	s31 =	sadd.s32 $0x1, s31;
	_ =	swait.ge [sflag:s25], $0x1000  }
0x10e: {  	p0 =	sne.s32 s31, s9;
	[sflag:s25] =	ssyncset.done $0x0  }
.Ltmp1:
0x10f: {  	[sflag:s25] =	ssyncadd.s32 $0xFFFFF000;
	(pc) =	sbr.rel @p0 .LBB2_1-.Ltmp1, $4  }
0x110: {  	[hbm4b:s8+s11] =	stream.strided.scatter [tilespmem:s17], [sflag:$0x9], $0x1000, s14, s11, $0x38;
	[tilespmem:$0x8900] =	vst v63  }
0x111: {  	_ =	swait.ge [sflag:s10], $0x1000  }
0x112: {  	[sflag:s10] =	ssyncset.done $0x0  }
0x113: {  	[sflag:s10] =	ssyncadd.s32 $0xFFFFF000  }
0x114: {  	_ =	sfence.sel $0x180000  }
0x115: {  	[bflag:$0x0] =	sbarrier.arrive $0xFFFF  }
0x116: {  	_ =	strace $0x90000047  }
0x117: {  	s0 =	stileid.u32;
	[bflag:$0x2] =	sbarrier.arrive $0xFFFF  }
0x118: {  	p0 =	sne.s32 s0, $0x0;
	s0 =	rddreg [dreg:$0x1]  }
0x119: {  	s0 =	sadd.s32 @!p0 $0x100000, s0  }
0x11a: {  	[sflag:s0] =	ssyncadd.tile.s32 @!p0 $0x1;
	_ =	shalt  }
.Lfunc_end2:
_tile_overlayer_lowered:
.L_overlay_start_2:
0x11b: {  	(tag) =	ssettag $0x2  }
0x11c: {  	s0 =	rddreg [dreg:$0x0];
	s2 =	stileid.u32  }
0x11d: {  	s1 =	rddreg [dreg:$0x1];
	p0 =	sne.s32 s2, $0x0  }
0x11e: {  	s3 =	rddreg [dreg:$0x2];
	[bflag:$0x3] =	sbarrier.arrive $0xFFFF;
	s2 =	simm.s32 @!p0 $0x1C09  }
0x11f: {  	[timem:s3], [sflag:s2] =	dma.local @!p0 [hbm:s0], s1  }
0x120: {  	s0 =	simm.s32 @!p0 $0x9  }
0x121: {  	_ =	swait.ge @!p0 [sflag:s0], s1  }
0x122: {  	s1 =	ssub.s32 @!p0 $0x0, s1;
	[sflag:s0] =	ssyncset.done @!p0 $0x0  }
0x123: {  	[sflag:s0] =	ssyncadd.s32 @!p0 s1  }
0x124: {  	[bflag:$0x3] =	sbarrier.arrive $0xFFFF  }
0x125: {  	_ =	shalt  }

</sc_bundles>
